<compile_context>
chip_gen: v7x
topology: tpu7x:2x2x1
jax: 0.10.2.dev20260603
libtpu: 0.0.44.dev20260713+nightly
codegen_flags: <defaults>
</compile_context>

<pallas_src>
import functools

import jax
import jax.numpy as jnp
from jax import lax
from jax.experimental import pallas as pl
from jax.experimental.pallas import tpu as pltpu
from jax.experimental.pallas import tpu_sc as plsc

FEATURE_SIZE = 1000000
EMBED_DIM = 64
BATCH = 4096
FIELDS = 26

NUM_CORES = 2
NUM_SUBCORES = 16
NUM_WORKERS = NUM_CORES * NUM_SUBCORES

TOTAL = BATCH * FIELDS
PER_WORKER = TOTAL // NUM_WORKERS
CHUNK = 128
N_CHUNKS = PER_WORKER // CHUNK
OUT_ROWS = CHUNK // 2

NBUF = 2
OBUF = 2


def _mesh():
    return plsc.VectorSubcoreMesh(
        core_axis_name="c", subcore_axis_name="s",
        num_cores=NUM_CORES, num_subcores=NUM_SUBCORES)


def _body(pidx_hbm, table2_hbm, out2_hbm,
          pidx_v, pair_v, out_v, *sems):
    gsems = sems[:NBUF]
    osems = sems[NBUF:]
    wid = lax.axis_index("s") * NUM_CORES + lax.axis_index("c")
    base = wid * PER_WORKER
    obase = wid * (PER_WORKER // 2)
    pltpu.sync_copy(pidx_hbm.at[pl.ds(base, PER_WORKER)], pidx_v)

    def select_chunk(d, pb, ob):
        pair = pair_v.at[pb]
        outb = out_v.at[ob]

        def grp_body(g, carry):
            for p in range(8):
                q = 8 * g + p
                for j in range(4):
                    outb[q, pl.ds(16 * j, 16)] = pair[2 * q, pl.ds(16 * j, 16)]
                    outb[q, pl.ds(64 + 16 * j, 16)] = pair[2 * q + 1, pl.ds(16 * j, 16)]
            return carry

        lax.fori_loop(0, CHUNK // 16, grp_body, 0)

    def gather_desc(c, b):
        return pltpu.make_async_copy(
            table2_hbm.at[pidx_v.at[pl.ds(c * CHUNK, CHUNK)]],
            pair_v.at[b], gsems[b])

    def out_desc(c, ob):
        return pltpu.make_async_copy(
            out_v.at[ob],
            out2_hbm.at[pl.ds(obase + c * OUT_ROWS, OUT_ROWS)],
            osems[ob])

    gather_desc(0, 0).start()
    gather_desc(1, 1).start()

    def step(s, carry):
        for k in range(2):
            c = 2 * s + k
            gather_desc(c, k).wait()

            @pl.when(s >= 1)
            def _():
                out_desc(c - OBUF, k).wait()

            select_chunk(c, k, k)
            out_desc(c, k).start()

            @pl.when(s < N_CHUNKS // 2 - 1)
            def _():
                gather_desc(c + 2, k).start()
        return carry

    lax.fori_loop(0, N_CHUNKS // 2, step, 0)
    out_desc(N_CHUNKS - 2, 0).wait()
    out_desc(N_CHUNKS - 1, 1).wait()


@jax.jit
def _embed(pidx, table2):
    call = pl.kernel(
        _body,
        out_type=jax.ShapeDtypeStruct((TOTAL // 2, 128), jnp.float32),
        mesh=_mesh(),
        scratch_types=[
            pltpu.VMEM((PER_WORKER,), jnp.int32),
            pltpu.VMEM((NBUF, CHUNK, 128), jnp.float32),
            pltpu.VMEM((OBUF, OUT_ROWS, 128), jnp.float32),
        ] + [pltpu.SemaphoreType.DMA] * (NBUF + OBUF),
    )
    return call(pidx, table2)


def kernel(inputs, table):
    flat_idx = inputs.reshape(-1).astype(jnp.int32)
    table2 = jnp.concatenate(
        [table, jnp.zeros((FEATURE_SIZE, 128 - EMBED_DIM), jnp.float32)], axis=1)
    out2 = _embed(flat_idx, table2)
    return out2.reshape(BATCH, FIELDS, EMBED_DIM)

# --- scband reference (transcript-rebuilt; emitter-appended) ---
"""Pipeline reference for scband-feature-embedding-88785563943269 (READ-ONLY COPY).

The authoritative reference and input builder live on the scoring server;
editing this copy changes nothing except your own understanding.
"""

import jax, jax.numpy as jnp
import numpy as np

FEATURE_SIZE = 1000000
EMBED_DIM = 64
BATCH = 4096
FIELDS = 26

def setup_inputs(seed: int = 0) -> dict:
    key = jax.random.key(seed)
    k1, k2 = jax.random.split(key)
    inputs = jax.random.randint(k1, (BATCH, FIELDS), 0, FEATURE_SIZE, dtype=jnp.int64 if jax.config.jax_enable_x64 else jnp.int32)
    # glorot_uniform init for embedding table
    limit = np.sqrt(6.0 / (FEATURE_SIZE + EMBED_DIM))
    table = jax.random.uniform(k2, (FEATURE_SIZE, EMBED_DIM), minval=-limit, maxval=limit, dtype=jnp.float32)
    return {"inputs": inputs, "table": table}

def reference(inputs, table):
    # FeatureEmbedding.call: embedding lookup
    embeddings = jnp.take(table, inputs, axis=0)  # [B, F, D]
    return embeddings

if __name__ == "__main__":
    import jax
    _d = setup_inputs()
    print(jax.jit(kernel)(*tuple(_d.values())))

</pallas_src>

<mosaic_0001>
#map = affine_map<(d0, d1) -> (0)>
#map1 = affine_map<(d0, d1) -> (0, 0)>
module attributes {stable_mosaic.version = 14 : i64} {
  func.func @_body(%arg0: i32, %arg1: i32, %arg2: memref<106496xi32, #tpu.memory_space<hbm>>, %arg3: memref<1000000x128xf32, #tpu.memory_space<hbm>>, %arg4: memref<53248x128xf32, #tpu.memory_space<hbm>>, %arg5: memref<3328xi32, #tpu.memory_space<vmem>>, %arg6: memref<2x128x128xf32, #tpu.memory_space<vmem>>, %arg7: memref<2x64x128xf32, #tpu.memory_space<vmem>>, %arg8: memref<!tpu.dma_semaphore, #tpu.memory_space<semaphore_mem>>, %arg9: memref<!tpu.dma_semaphore, #tpu.memory_space<semaphore_mem>>, %arg10: memref<!tpu.dma_semaphore, #tpu.memory_space<semaphore_mem>>, %arg11: memref<!tpu.dma_semaphore, #tpu.memory_space<semaphore_mem>>) attributes {dimension_semantics = [#tpu.dimension_semantics<core_parallel>, #tpu.dimension_semantics<subcore_parallel>], iteration_bounds = array<i64: 2, 16>, scalar_prefetch = 0 : i64, scratch_operands = 7 : i64, tpu.core_type = #tpu.core_type<sc_vector_subcore>, window_params = [{transform_indices = #map}, {transform_indices = #map1}, {transform_indices = #map1}]} {
    %mul3A = arith.constant 2 : i32
    %mul3A_0 = arith.muli %arg1, %mul3A : i32
    %add3A = arith.addi %mul3A_0, %arg0 : i32
    %mul3A_1 = arith.constant 3328 : i32
    %mul3A_2 = arith.muli %add3A, %mul3A_1 : i32
    %mul3A_3 = arith.constant 1664 : i32
    %mul3A_4 = arith.muli %add3A, %mul3A_3 : i32
    "tpu.region"() ({
      %run_scoped3A = tpu.sem_alloc : memref<!tpu.dma_semaphore, #tpu.memory_space<semaphore_mem>>
      %dma_start3A_58 = tpu.memref_slice %arg2[%mul3A_2] : memref<106496xi32, #tpu.memory_space<hbm>> -> memref<3328xi32, #tpu.memory_space<hbm>>
      %dma_start3A_59 = tpu.memref_slice %arg2[%mul3A_2] : memref<106496xi32, #tpu.memory_space<hbm>> -> memref<3328xi32, #tpu.memory_space<hbm>>
      tpu.enqueue_dma source(%dma_start3A_59 : memref<3328xi32, #tpu.memory_space<hbm>>) target(%arg5 : memref<3328xi32, #tpu.memory_space<vmem>>) target_semaphore(%run_scoped3A : memref<!tpu.dma_semaphore, #tpu.memory_space<semaphore_mem>>)
      %dma_wait3A_60 = tpu.memref_slice %arg2[%mul3A_2] : memref<106496xi32, #tpu.memory_space<hbm>> -> memref<3328xi32, #tpu.memory_space<hbm>>
      %dma_wait3A_61 = tpu.memref_slice %arg2[%mul3A_2] : memref<106496xi32, #tpu.memory_space<hbm>> -> memref<3328xi32, #tpu.memory_space<hbm>>
      tpu.wait_dma2 semaphore(%run_scoped3A : memref<!tpu.dma_semaphore, #tpu.memory_space<semaphore_mem>>) src(%dma_wait3A_61 : memref<3328xi32, #tpu.memory_space<hbm>>) dst(%arg5 : memref<3328xi32, #tpu.memory_space<vmem>>)
      tpu.yield
    }) : () -> ()
    %dma_start3A = arith.constant 0 : i32
    %dma_start3A_5 = arith.constant 0 : i32
    %dma_start3A_6 = arith.constant 0 : i32
    %dma_start3A_7 = tpu.memref_slice %arg6[%dma_start3A, %dma_start3A_5, %dma_start3A_6] : memref<2x128x128xf32, #tpu.memory_space<vmem>> -> memref<1x128x128xf32, #tpu.memory_space<vmem>>
    %dma_start3A_8 = tpu.memref_squeeze %dma_start3A_7 : memref<1x128x128xf32, #tpu.memory_space<vmem>> -> memref<128x128xf32, #tpu.memory_space<vmem>>
    %dma_start3A_9 = arith.constant 0 : i32
    %dma_start3A_10 = tpu.memref_slice %arg5[%dma_start3A_9] : memref<3328xi32, #tpu.memory_space<vmem>> -> memref<128xi32, #tpu.memory_space<vmem>>
    %dma_start3A_11 = arith.constant 0 : i32
    %dma_start3A_12 = arith.constant 0 : i32
    %dma_start3A_13 = tpu.memref_slice %arg3[%dma_start3A_11, %dma_start3A_12] : memref<1000000x128xf32, #tpu.memory_space<hbm>> -> memref<1000000x128xf32, #tpu.memory_space<hbm>>
    tpu.enqueue_indirect_dma source(%dma_start3A_13 : memref<1000000x128xf32, #tpu.memory_space<hbm>>) target(%dma_start3A_8 : memref<128x128xf32, #tpu.memory_space<vmem>>) offsets(%dma_start3A_10 : memref<128xi32, #tpu.memory_space<vmem>>) semaphore(%arg8 : memref<!tpu.dma_semaphore, #tpu.memory_space<semaphore_mem>>)
    %dma_start3A_14 = arith.constant 1 : i32
    %dma_start3A_15 = arith.constant 0 : i32
    %dma_start3A_16 = arith.constant 0 : i32
    %dma_start3A_17 = tpu.memref_slice %arg6[%dma_start3A_14, %dma_start3A_15, %dma_start3A_16] : memref<2x128x128xf32, #tpu.memory_space<vmem>> -> memref<1x128x128xf32, #tpu.memory_space<vmem>>
    %dma_start3A_18 = tpu.memref_squeeze %dma_start3A_17 : memref<1x128x128xf32, #tpu.memory_space<vmem>> -> memref<128x128xf32, #tpu.memory_space<vmem>>
    %dma_start3A_19 = arith.constant 128 : i32
    %dma_start3A_20 = tpu.memref_slice %arg5[%dma_start3A_19] : memref<3328xi32, #tpu.memory_space<vmem>> -> memref<128xi32, #tpu.memory_space<vmem>>
    %dma_start3A_21 = arith.constant 0 : i32
    %dma_start3A_22 = arith.constant 0 : i32
    %dma_start3A_23 = tpu.memref_slice %arg3[%dma_start3A_21, %dma_start3A_22] : memref<1000000x128xf32, #tpu.memory_space<hbm>> -> memref<1000000x128xf32, #tpu.memory_space<hbm>>
    tpu.enqueue_indirect_dma source(%dma_start3A_23 : memref<1000000x128xf32, #tpu.memory_space<hbm>>) target(%dma_start3A_18 : memref<128x128xf32, #tpu.memory_space<vmem>>) offsets(%dma_start3A_20 : memref<128xi32, #tpu.memory_space<vmem>>) semaphore(%arg9 : memref<!tpu.dma_semaphore, #tpu.memory_space<semaphore_mem>>)
    %scan3A = arith.constant 0 : i32
    %scan3A_24 = arith.constant 0 : i32
    %scan3A_25 = arith.constant 13 : i32
    %scan3A_26 = arith.addi %scan3A_24, %scan3A_25 : i32
    %scan3A_27 = arith.constant 1 : i32
    scf.for %scan3A_58 = %scan3A_24 to %scan3A_26 step %scan3A_27  : i32 {
      %mul3A_59 = arith.constant 2 : i32
      %mul3A_60 = arith.muli %mul3A_59, %scan3A_58 : i32
      %add3A_61 = arith.constant 0 : i32
      %add3A_62 = arith.addi %mul3A_60, %add3A_61 : i32
      %mul3A_63 = arith.constant 128 : i32
      %mul3A_64 = arith.muli %add3A_62, %mul3A_63 : i32
      %dma_wait3A_65 = arith.constant 0 : i32
      %dma_wait3A_66 = arith.constant 0 : i32
      %dma_wait3A_67 = arith.constant 0 : i32
      %dma_wait3A_68 = tpu.memref_slice %arg6[%dma_wait3A_65, %dma_wait3A_66, %dma_wait3A_67] : memref<2x128x128xf32, #tpu.memory_space<vmem>> -> memref<1x128x128xf32, #tpu.memory_space<vmem>>
      %dma_wait3A_69 = tpu.memref_squeeze %dma_wait3A_68 : memref<1x128x128xf32, #tpu.memory_space<vmem>> -> memref<128x128xf32, #tpu.memory_space<vmem>>
      %dma_wait3A_70 = tpu.memref_slice %arg5[%mul3A_64] : memref<3328xi32, #tpu.memory_space<vmem>> -> memref<128xi32, #tpu.memory_space<vmem>>
      %dma_wait3A_71 = arith.constant 0 : i32
      %dma_wait3A_72 = arith.constant 0 : i32
      %dma_wait3A_73 = tpu.memref_slice %arg3[%dma_wait3A_71, %dma_wait3A_72] : memref<1000000x128xf32, #tpu.memory_space<hbm>> -> memref<1000000x128xf32, #tpu.memory_space<hbm>>
      tpu.wait_indirect_dma semaphore(%arg8 : memref<!tpu.dma_semaphore, #tpu.memory_space<semaphore_mem>>) src(%dma_wait3A_73 : memref<1000000x128xf32, #tpu.memory_space<hbm>>) dst(%dma_wait3A_69 : memref<128x128xf32, #tpu.memory_space<vmem>>)
      %ge3A = arith.constant 1 : i32
      %ge3A_74 = arith.cmpi sge, %scan3A_58, %ge3A : i32
      %convert_element_type3A = arith.extui %ge3A_74 : i1 to i32
      %cond3A = arith.constant 0 : i32
      %cond3A_75 = arith.cmpi ne, %convert_element_type3A, %cond3A : i32
      scf.if %cond3A_75 {
        %sub3A = arith.constant 2 : i32
        %sub3A_153 = arith.subi %add3A_62, %sub3A : i32
        %mul3A_154 = arith.constant 64 : i32
        %mul3A_155 = arith.muli %sub3A_153, %mul3A_154 : i32
        %add3A_156 = arith.addi %mul3A_4, %mul3A_155 : i32
        %dma_wait3A_157 = arith.constant 0 : i32
        %dma_wait3A_158 = arith.constant 0 : i32
        %dma_wait3A_159 = arith.constant 0 : i32
        %dma_wait3A_160 = tpu.memref_slice %arg7[%dma_wait3A_157, %dma_wait3A_158, %dma_wait3A_159] : memref<2x64x128xf32, #tpu.memory_space<vmem>> -> memref<1x64x128xf32, #tpu.memory_space<vmem>>
        %dma_wait3A_161 = tpu.memref_squeeze %dma_wait3A_160 : memref<1x64x128xf32, #tpu.memory_space<vmem>> -> memref<64x128xf32, #tpu.memory_space<vmem>>
        %dma_wait3A_162 = arith.constant 0 : i32
        %dma_wait3A_163 = tpu.memref_slice %arg4[%add3A_156, %dma_wait3A_162] : memref<53248x128xf32, #tpu.memory_space<hbm>> -> memref<64x128xf32, #tpu.memory_space<hbm>>
        %dma_wait3A_164 = arith.constant 0 : i32
        %dma_wait3A_165 = tpu.memref_slice %arg4[%add3A_156, %dma_wait3A_164] : memref<53248x128xf32, #tpu.memory_space<hbm>> -> memref<64x128xf32, #tpu.memory_space<hbm>>
        %dma_wait3A_166 = arith.constant 0 : i32
        %dma_wait3A_167 = arith.constant 0 : i32
        %dma_wait3A_168 = tpu.memref_slice %arg7[%dma_wait3A_157, %dma_wait3A_166, %dma_wait3A_167] : memref<2x64x128xf32, #tpu.memory_space<vmem>> -> memref<1x64x128xf32, #tpu.memory_space<vmem>>
        %dma_wait3A_169 = tpu.memref_squeeze %dma_wait3A_168 : memref<1x64x128xf32, #tpu.memory_space<vmem>> -> memref<64x128xf32, #tpu.memory_space<vmem>>
        tpu.wait_dma2 semaphore(%arg10 : memref<!tpu.dma_semaphore, #tpu.memory_space<semaphore_mem>>) src(%dma_wait3A_169 : memref<64x128xf32, #tpu.memory_space<vmem>>) dst(%dma_wait3A_165 : memref<64x128xf32, #tpu.memory_space<hbm>>)
      } else {
      }
      %scan3A_76 = arith.constant 0 : i32
      %scan3A_77 = arith.constant 0 : i32
      %scan3A_78 = arith.constant 0 : i32
      %scan3A_79 = arith.constant 0 : i32
      %scan3A_80 = arith.constant 8 : i32
      %scan3A_81 = arith.addi %scan3A_79, %scan3A_80 : i32
      %scan3A_82 = arith.constant 1 : i32
      scf.for %scan3A_153 = %scan3A_79 to %scan3A_81 step %scan3A_82  : i32 {
        %mul3A_154 = arith.constant 8 : i32
        %mul3A_155 = arith.muli %mul3A_154, %scan3A_153 : i32
        %add3A_156 = arith.constant 0 : i32
        %add3A_157 = arith.addi %mul3A_155, %add3A_156 : i32
        %mul3A_158 = arith.constant 2 : i32
        %mul3A_159 = arith.muli %mul3A_158, %add3A_157 : i32
        %get3A = arith.constant 0 : i32
        %get3A_160 = arith.constant 0 : i32
        %get3A_161 = tpu.memref_slice %arg6[%scan3A_77, %get3A, %get3A_160] : memref<2x128x128xf32, #tpu.memory_space<vmem>> -> memref<1x128x128xf32, #tpu.memory_space<vmem>>
        %get3A_162 = tpu.memref_squeeze %get3A_161 : memref<1x128x128xf32, #tpu.memory_space<vmem>> -> memref<128x128xf32, #tpu.memory_space<vmem>>
        %get3A_163 = arith.index_cast %mul3A_159 : i32 to index
        %get3A_164 = arith.constant 0 : index
        %get3A_165 = tpu.vector_load %get3A_162[%get3A_163, %get3A_164] {strides = array<i32>} : memref<128x128xf32, #tpu.memory_space<vmem>>, vector<1x16xf32>,
        %get3A_166 = vector.shape_cast %get3A_165 : vector<1x16xf32> to vector<16xf32>
        %swap3A = arith.constant 0 : i32
        %swap3A_167 = arith.constant 0 : i32
        %swap3A_168 = tpu.memref_slice %arg7[%scan3A_78, %swap3A, %swap3A_167] : memref<2x64x128xf32, #tpu.memory_space<vmem>> -> memref<1x64x128xf32, #tpu.memory_space<vmem>>
        %swap3A_169 = tpu.memref_squeeze %swap3A_168 : memref<1x64x128xf32, #tpu.memory_space<vmem>> -> memref<64x128xf32, #tpu.memory_space<vmem>>
        %swap3A_170 = arith.index_cast %add3A_157 : i32 to index
        %swap3A_171 = arith.constant 0 : index
        %swap3A_172 = tpu.vector_load %swap3A_169[%swap3A_170, %swap3A_171] {strides = array<i32>} : memref<64x128xf32, #tpu.memory_space<vmem>>, vector<1x16xf32>,
        %swap3A_173 = vector.shape_cast %swap3A_172 : vector<1x16xf32> to vector<16xf32>
        %swap3A_174 = vector.shape_cast %get3A_166 : vector<16xf32> to vector<1x16xf32>
        tpu.vector_store %swap3A_169[%swap3A_170, %swap3A_171], %swap3A_174 {strides = array<i32>} : memref<64x128xf32, #tpu.memory_space<vmem>>, vector<1x16xf32>,
        %mul3A_175 = arith.constant 2 : i32
        %mul3A_176 = arith.muli %mul3A_175, %add3A_157 : i32
        %add3A_177 = arith.constant 1 : i32
        %add3A_178 = arith.addi %mul3A_176, %add3A_177 : i32
        %get3A_179 = arith.constant 0 : i32
        %get3A_180 = arith.constant 0 : i32
        %get3A_181 = tpu.memref_slice %arg6[%scan3A_77, %get3A_179, %get3A_180] : memref<2x128x128xf32, #tpu.memory_space<vmem>> -> memref<1x128x128xf32, #tpu.memory_space<vmem>>
        %get3A_182 = tpu.memref_squeeze %get3A_181 : memref<1x128x128xf32, #tpu.memory_space<vmem>> -> memref<128x128xf32, #tpu.memory_space<vmem>>
        %get3A_183 = arith.index_cast %add3A_178 : i32 to index
        %get3A_184 = arith.constant 0 : index
        %get3A_185 = tpu.vector_load %get3A_182[%get3A_183, %get3A_184] {strides = array<i32>} : memref<128x128xf32, #tpu.memory_space<vmem>>, vector<1x16xf32>,
        %get3A_186 = vector.shape_cast %get3A_185 : vector<1x16xf32> to vector<16xf32>
        %swap3A_187 = arith.constant 0 : i32
        %swap3A_188 = arith.constant 0 : i32
        %swap3A_189 = tpu.memref_slice %arg7[%scan3A_78, %swap3A_187, %swap3A_188] : memref<2x64x128xf32, #tpu.memory_space<vmem>> -> memref<1x64x128xf32, #tpu.memory_space<vmem>>
        %swap3A_190 = tpu.memref_squeeze %swap3A_189 : memref<1x64x128xf32, #tpu.memory_space<vmem>> -> memref<64x128xf32, #tpu.memory_space<vmem>>
        %swap3A_191 = arith.index_cast %add3A_157 : i32 to index
        %swap3A_192 = arith.constant 64 : index
        %swap3A_193 = tpu.vector_load %swap3A_190[%swap3A_191, %swap3A_192] {strides = array<i32>} : memref<64x128xf32, #tpu.memory_space<vmem>>, vector<1x16xf32>,
        %swap3A_194 = vector.shape_cast %swap3A_193 : vector<1x16xf32> to vector<16xf32>
        %swap3A_195 = vector.shape_cast %get3A_186 : vector<16xf32> to vector<1x16xf32>
        tpu.vector_store %swap3A_190[%swap3A_191, %swap3A_192], %swap3A_195 {strides = array<i32>} : memref<64x128xf32, #tpu.memory_space<vmem>>, vector<1x16xf32>,
        %mul3A_196 = arith.constant 2 : i32
        %mul3A_197 = arith.muli %mul3A_196, %add3A_157 : i32
        %get3A_198 = arith.constant 0 : i32
        %get3A_199 = arith.constant 0 : i32
        %get3A_200 = tpu.memref_slice %arg6[%scan3A_77, %get3A_198, %get3A_199] : memref<2x128x128xf32, #tpu.memory_space<vmem>> -> memref<1x128x128xf32, #tpu.memory_space<vmem>>
        %get3A_201 = tpu.memref_squeeze %get3A_200 : memref<1x128x128xf32, #tpu.memory_space<vmem>> -> memref<128x128xf32, #tpu.memory_space<vmem>>
        %get3A_202 = arith.index_cast %mul3A_197 : i32 to index
        %get3A_203 = arith.constant 16 : index
        %get3A_204 = tpu.vector_load %get3A_201[%get3A_202, %get3A_203] {strides = array<i32>} : memref<128x128xf32, #tpu.memory_space<vmem>>, vector<1x16xf32>,
        %get3A_205 = vector.shape_cast %get3A_204 : vector<1x16xf32> to vector<16xf32>
        %swap3A_206 = arith.constant 0 : i32
        %swap3A_207 = arith.constant 0 : i32
        %swap3A_208 = tpu.memref_slice %arg7[%scan3A_78, %swap3A_206, %swap3A_207] : memref<2x64x128xf32, #tpu.memory_space<vmem>> -> memref<1x64x128xf32, #tpu.memory_space<vmem>>
        %swap3A_209 = tpu.memref_squeeze %swap3A_208 : memref<1x64x128xf32, #tpu.memory_space<vmem>> -> memref<64x128xf32, #tpu.memory_space<vmem>>
        %swap3A_210 = arith.index_cast %add3A_157 : i32 to index
        %swap3A_211 = arith.constant 16 : index
        %swap3A_212 = tpu.vector_load %swap3A_209[%swap3A_210, %swap3A_211] {strides = array<i32>} : memref<64x128xf32, #tpu.memory_space<vmem>>, vector<1x16xf32>,
        %swap3A_213 = vector.shape_cast %swap3A_212 : vector<1x16xf32> to vector<16xf32>
        %swap3A_214 = vector.shape_cast %get3A_205 : vector<16xf32> to vector<1x16xf32>
        tpu.vector_store %swap3A_209[%swap3A_210, %swap3A_211], %swap3A_214 {strides = array<i32>} : memref<64x128xf32, #tpu.memory_space<vmem>>, vector<1x16xf32>,
        %mul3A_215 = arith.constant 2 : i32
        %mul3A_216 = arith.muli %mul3A_215, %add3A_157 : i32
        %add3A_217 = arith.constant 1 : i32
        %add3A_218 = arith.addi %mul3A_216, %add3A_217 : i32
        %get3A_219 = arith.constant 0 : i32
        %get3A_220 = arith.constant 0 : i32
        %get3A_221 = tpu.memref_slice %arg6[%scan3A_77, %get3A_219, %get3A_220] : memref<2x128x128xf32, #tpu.memory_space<vmem>> -> memref<1x128x128xf32, #tpu.memory_space<vmem>>
        %get3A_222 = tpu.memref_squeeze %get3A_221 : memref<1x128x128xf32, #tpu.memory_space<vmem>> -> memref<128x128xf32, #tpu.memory_space<vmem>>
        %get3A_223 = arith.index_cast %add3A_218 : i32 to index
        %get3A_224 = arith.constant 16 : index
        %get3A_225 = tpu.vector_load %get3A_222[%get3A_223, %get3A_224] {strides = array<i32>} : memref<128x128xf32, #tpu.memory_space<vmem>>, vector<1x16xf32>,
        %get3A_226 = vector.shape_cast %get3A_225 : vector<1x16xf32> to vector<16xf32>
        %swap3A_227 = arith.constant 0 : i32
        %swap3A_228 = arith.constant 0 : i32
        %swap3A_229 = tpu.memref_slice %arg7[%scan3A_78, %swap3A_227, %swap3A_228] : memref<2x64x128xf32, #tpu.memory_space<vmem>> -> memref<1x64x128xf32, #tpu.memory_space<vmem>>
        %swap3A_230 = tpu.memref_squeeze %swap3A_229 : memref<1x64x128xf32, #tpu.memory_space<vmem>> -> memref<64x128xf32, #tpu.memory_space<vmem>>
        %swap3A_231 = arith.index_cast %add3A_157 : i32 to index
        %swap3A_232 = arith.constant 80 : index
        %swap3A_233 = tpu.vector_load %swap3A_230[%swap3A_231, %swap3A_232] {strides = array<i32>} : memref<64x128xf32, #tpu.memory_space<vmem>>, vector<1x16xf32>,
        %swap3A_234 = vector.shape_cast %swap3A_233 : vector<1x16xf32> to vector<16xf32>
        %swap3A_235 = vector.shape_cast %get3A_226 : vector<16xf32> to vector<1x16xf32>
        tpu.vector_store %swap3A_230[%swap3A_231, %swap3A_232], %swap3A_235 {strides = array<i32>} : memref<64x128xf32, #tpu.memory_space<vmem>>, vector<1x16xf32>,
        %mul3A_236 = arith.constant 2 : i32
        %mul3A_237 = arith.muli %mul3A_236, %add3A_157 : i32
        %get3A_238 = arith.constant 0 : i32
        %get3A_239 = arith.constant 0 : i32
        %get3A_240 = tpu.memref_slice %arg6[%scan3A_77, %get3A_238, %get3A_239] : memref<2x128x128xf32, #tpu.memory_space<vmem>> -> memref<1x128x128xf32, #tpu.memory_space<vmem>>
        %get3A_241 = tpu.memref_squeeze %get3A_240 : memref<1x128x128xf32, #tpu.memory_space<vmem>> -> memref<128x128xf32, #tpu.memory_space<vmem>>
        %get3A_242 = arith.index_cast %mul3A_237 : i32 to index
        %get3A_243 = arith.constant 32 : index
        %get3A_244 = tpu.vector_load %get3A_241[%get3A_242, %get3A_243] {strides = array<i32>} : memref<128x128xf32, #tpu.memory_space<vmem>>, vector<1x16xf32>,
        %get3A_245 = vector.shape_cast %get3A_244 : vector<1x16xf32> to vector<16xf32>
        %swap3A_246 = arith.constant 0 : i32
        %swap3A_247 = arith.constant 0 : i32
        %swap3A_248 = tpu.memref_slice %arg7[%scan3A_78, %swap3A_246, %swap3A_247] : memref<2x64x128xf32, #tpu.memory_space<vmem>> -> memref<1x64x128xf32, #tpu.memory_space<vmem>>
        %swap3A_249 = tpu.memref_squeeze %swap3A_248 : memref<1x64x128xf32, #tpu.memory_space<vmem>> -> memref<64x128xf32, #tpu.memory_space<vmem>>
        %swap3A_250 = arith.index_cast %add3A_157 : i32 to index
        %swap3A_251 = arith.constant 32 : index
        %swap3A_252 = tpu.vector_load %swap3A_249[%swap3A_250, %swap3A_251] {strides = array<i32>} : memref<64x128xf32, #tpu.memory_space<vmem>>, vector<1x16xf32>,
        %swap3A_253 = vector.shape_cast %swap3A_252 : vector<1x16xf32> to vector<16xf32>
        %swap3A_254 = vector.shape_cast %get3A_245 : vector<16xf32> to vector<1x16xf32>
        tpu.vector_store %swap3A_249[%swap3A_250, %swap3A_251], %swap3A_254 {strides = array<i32>} : memref<64x128xf32, #tpu.memory_space<vmem>>, vector<1x16xf32>,
        %mul3A_255 = arith.constant 2 : i32
        %mul3A_256 = arith.muli %mul3A_255, %add3A_157 : i32
        %add3A_257 = arith.constant 1 : i32
        %add3A_258 = arith.addi %mul3A_256, %add3A_257 : i32
        %get3A_259 = arith.constant 0 : i32
        %get3A_260 = arith.constant 0 : i32
        %get3A_261 = tpu.memref_slice %arg6[%scan3A_77, %get3A_259, %get3A_260] : memref<2x128x128xf32, #tpu.memory_space<vmem>> -> memref<1x128x128xf32, #tpu.memory_space<vmem>>
        %get3A_262 = tpu.memref_squeeze %get3A_261 : memref<1x128x128xf32, #tpu.memory_space<vmem>> -> memref<128x128xf32, #tpu.memory_space<vmem>>
        %get3A_263 = arith.index_cast %add3A_258 : i32 to index
        %get3A_264 = arith.constant 32 : index
        %get3A_265 = tpu.vector_load %get3A_262[%get3A_263, %get3A_264] {strides = array<i32>} : memref<128x128xf32, #tpu.memory_space<vmem>>, vector<1x16xf32>,
        %get3A_266 = vector.shape_cast %get3A_265 : vector<1x16xf32> to vector<16xf32>
        %swap3A_267 = arith.constant 0 : i32
        %swap3A_268 = arith.constant 0 : i32
        %swap3A_269 = tpu.memref_slice %arg7[%scan3A_78, %swap3A_267, %swap3A_268] : memref<2x64x128xf32, #tpu.memory_space<vmem>> -> memref<1x64x128xf32, #tpu.memory_space<vmem>>
        %swap3A_270 = tpu.memref_squeeze %swap3A_269 : memref<1x64x128xf32, #tpu.memory_space<vmem>> -> memref<64x128xf32, #tpu.memory_space<vmem>>
        %swap3A_271 = arith.index_cast %add3A_157 : i32 to index
        %swap3A_272 = arith.constant 96 : index
        %swap3A_273 = tpu.vector_load %swap3A_270[%swap3A_271, %swap3A_272] {strides = array<i32>} : memref<64x128xf32, #tpu.memory_space<vmem>>, vector<1x16xf32>,
        %swap3A_274 = vector.shape_cast %swap3A_273 : vector<1x16xf32> to vector<16xf32>
        %swap3A_275 = vector.shape_cast %get3A_266 : vector<16xf32> to vector<1x16xf32>
        tpu.vector_store %swap3A_270[%swap3A_271, %swap3A_272], %swap3A_275 {strides = array<i32>} : memref<64x128xf32, #tpu.memory_space<vmem>>, vector<1x16xf32>,
        %mul3A_276 = arith.constant 2 : i32
        %mul3A_277 = arith.muli %mul3A_276, %add3A_157 : i32
        %get3A_278 = arith.constant 0 : i32
        %get3A_279 = arith.constant 0 : i32
        %get3A_280 = tpu.memref_slice %arg6[%scan3A_77, %get3A_278, %get3A_279] : memref<2x128x128xf32, #tpu.memory_space<vmem>> -> memref<1x128x128xf32, #tpu.memory_space<vmem>>
        %get3A_281 = tpu.memref_squeeze %get3A_280 : memref<1x128x128xf32, #tpu.memory_space<vmem>> -> memref<128x128xf32, #tpu.memory_space<vmem>>
        %get3A_282 = arith.index_cast %mul3A_277 : i32 to index
        %get3A_283 = arith.constant 48 : index
        %get3A_284 = tpu.vector_load %get3A_281[%get3A_282, %get3A_283] {strides = array<i32>} : memref<128x128xf32, #tpu.memory_space<vmem>>, vector<1x16xf32>,
        %get3A_285 = vector.shape_cast %get3A_284 : vector<1x16xf32> to vector<16xf32>
        %swap3A_286 = arith.constant 0 : i32
        %swap3A_287 = arith.constant 0 : i32
        %swap3A_288 = tpu.memref_slice %arg7[%scan3A_78, %swap3A_286, %swap3A_287] : memref<2x64x128xf32, #tpu.memory_space<vmem>> -> memref<1x64x128xf32, #tpu.memory_space<vmem>>
        %swap3A_289 = tpu.memref_squeeze %swap3A_288 : memref<1x64x128xf32, #tpu.memory_space<vmem>> -> memref<64x128xf32, #tpu.memory_space<vmem>>
        %swap3A_290 = arith.index_cast %add3A_157 : i32 to index
        %swap3A_291 = arith.constant 48 : index
        %swap3A_292 = tpu.vector_load %swap3A_289[%swap3A_290, %swap3A_291] {strides = array<i32>} : memref<64x128xf32, #tpu.memory_space<vmem>>, vector<1x16xf32>,
        %swap3A_293 = vector.shape_cast %swap3A_292 : vector<1x16xf32> to vector<16xf32>
        %swap3A_294 = vector.shape_cast %get3A_285 : vector<16xf32> to vector<1x16xf32>
        tpu.vector_store %swap3A_289[%swap3A_290, %swap3A_291], %swap3A_294 {strides = array<i32>} : memref<64x128xf32, #tpu.memory_space<vmem>>, vector<1x16xf32>,
        %mul3A_295 = arith.constant 2 : i32
        %mul3A_296 = arith.muli %mul3A_295, %add3A_157 : i32
        %add3A_297 = arith.constant 1 : i32
        %add3A_298 = arith.addi %mul3A_296, %add3A_297 : i32
        %get3A_299 = arith.constant 0 : i32
        %get3A_300 = arith.constant 0 : i32
        %get3A_301 = tpu.memref_slice %arg6[%scan3A_77, %get3A_299, %get3A_300] : memref<2x128x128xf32, #tpu.memory_space<vmem>> -> memref<1x128x128xf32, #tpu.memory_space<vmem>>
        %get3A_302 = tpu.memref_squeeze %get3A_301 : memref<1x128x128xf32, #tpu.memory_space<vmem>> -> memref<128x128xf32, #tpu.memory_space<vmem>>
        %get3A_303 = arith.index_cast %add3A_298 : i32 to index
        %get3A_304 = arith.constant 48 : index
        %get3A_305 = tpu.vector_load %get3A_302[%get3A_303, %get3A_304] {strides = array<i32>} : memref<128x128xf32, #tpu.memory_space<vmem>>, vector<1x16xf32>,
        %get3A_306 = vector.shape_cast %get3A_305 : vector<1x16xf32> to vector<16xf32>
        %swap3A_307 = arith.constant 0 : i32
        %swap3A_308 = arith.constant 0 : i32
        %swap3A_309 = tpu.memref_slice %arg7[%scan3A_78, %swap3A_307, %swap3A_308] : memref<2x64x128xf32, #tpu.memory_space<vmem>> -> memref<1x64x128xf32, #tpu.memory_space<vmem>>
        %swap3A_310 = tpu.memref_squeeze %swap3A_309 : memref<1x64x128xf32, #tpu.memory_space<vmem>> -> memref<64x128xf32, #tpu.memory_space<vmem>>
        %swap3A_311 = arith.index_cast %add3A_157 : i32 to index
        %swap3A_312 = arith.constant 112 : index
        %swap3A_313 = tpu.vector_load %swap3A_310[%swap3A_311, %swap3A_312] {strides = array<i32>} : memref<64x128xf32, #tpu.memory_space<vmem>>, vector<1x16xf32>,
        %swap3A_314 = vector.shape_cast %swap3A_313 : vector<1x16xf32> to vector<16xf32>
        %swap3A_315 = vector.shape_cast %get3A_306 : vector<16xf32> to vector<1x16xf32>
        tpu.vector_store %swap3A_310[%swap3A_311, %swap3A_312], %swap3A_315 {strides = array<i32>} : memref<64x128xf32, #tpu.memory_space<vmem>>, vector<1x16xf32>,
        %mul3A_316 = arith.constant 8 : i32
        %mul3A_317 = arith.muli %mul3A_316, %scan3A_153 : i32
        %add3A_318 = arith.constant 1 : i32
        %add3A_319 = arith.addi %mul3A_317, %add3A_318 : i32
        %mul3A_320 = arith.constant 2 : i32
        %mul3A_321 = arith.muli %mul3A_320, %add3A_319 : i32
        %get3A_322 = arith.constant 0 : i32
        %get3A_323 = arith.constant 0 : i32
        %get3A_324 = tpu.memref_slice %arg6[%scan3A_77, %get3A_322, %get3A_323] : memref<2x128x128xf32, #tpu.memory_space<vmem>> -> memref<1x128x128xf32, #tpu.memory_space<vmem>>
        %get3A_325 = tpu.memref_squeeze %get3A_324 : memref<1x128x128xf32, #tpu.memory_space<vmem>> -> memref<128x128xf32, #tpu.memory_space<vmem>>
        %get3A_326 = arith.index_cast %mul3A_321 : i32 to index
        %get3A_327 = arith.constant 0 : index
        %get3A_328 = tpu.vector_load %get3A_325[%get3A_326, %get3A_327] {strides = array<i32>} : memref<128x128xf32, #tpu.memory_space<vmem>>, vector<1x16xf32>,
        %get3A_329 = vector.shape_cast %get3A_328 : vector<1x16xf32> to vector<16xf32>
        %swap3A_330 = arith.constant 0 : i32
        %swap3A_331 = arith.constant 0 : i32
        %swap3A_332 = tpu.memref_slice %arg7[%scan3A_78, %swap3A_330, %swap3A_331] : memref<2x64x128xf32, #tpu.memory_space<vmem>> -> memref<1x64x128xf32, #tpu.memory_space<vmem>>
        %swap3A_333 = tpu.memref_squeeze %swap3A_332 : memref<1x64x128xf32, #tpu.memory_space<vmem>> -> memref<64x128xf32, #tpu.memory_space<vmem>>
        %swap3A_334 = arith.index_cast %add3A_319 : i32 to index
        %swap3A_335 = arith.constant 0 : index
        %swap3A_336 = tpu.vector_load %swap3A_333[%swap3A_334, %swap3A_335] {strides = array<i32>} : memref<64x128xf32, #tpu.memory_space<vmem>>, vector<1x16xf32>,
        %swap3A_337 = vector.shape_cast %swap3A_336 : vector<1x16xf32> to vector<16xf32>
        %swap3A_338 = vector.shape_cast %get3A_329 : vector<16xf32> to vector<1x16xf32>
        tpu.vector_store %swap3A_333[%swap3A_334, %swap3A_335], %swap3A_338 {strides = array<i32>} : memref<64x128xf32, #tpu.memory_space<vmem>>, vector<1x16xf32>,
        %mul3A_339 = arith.constant 2 : i32
        %mul3A_340 = arith.muli %mul3A_339, %add3A_319 : i32
        %add3A_341 = arith.constant 1 : i32
        %add3A_342 = arith.addi %mul3A_340, %add3A_341 : i32
        %get3A_343 = arith.constant 0 : i32
        %get3A_344 = arith.constant 0 : i32
        %get3A_345 = tpu.memref_slice %arg6[%scan3A_77, %get3A_343, %get3A_344] : memref<2x128x128xf32, #tpu.memory_space<vmem>> -> memref<1x128x128xf32, #tpu.memory_space<vmem>>
        %get3A_346 = tpu.memref_squeeze %get3A_345 : memref<1x128x128xf32, #tpu.memory_space<vmem>> -> memref<128x128xf32, #tpu.memory_space<vmem>>
        %get3A_347 = arith.index_cast %add3A_342 : i32 to index
        %get3A_348 = arith.constant 0 : index
        %get3A_349 = tpu.vector_load %get3A_346[%get3A_347, %get3A_348] {strides = array<i32>} : memref<128x128xf32, #tpu.memory_space<vmem>>, vector<1x16xf32>,
        %get3A_350 = vector.shape_cast %get3A_349 : vector<1x16xf32> to vector<16xf32>
        %swap3A_351 = arith.constant 0 : i32
        %swap3A_352 = arith.constant 0 : i32
        %swap3A_353 = tpu.memref_slice %arg7[%scan3A_78, %swap3A_351, %swap3A_352] : memref<2x64x128xf32, #tpu.memory_space<vmem>> -> memref<1x64x128xf32, #tpu.memory_space<vmem>>
        %swap3A_354 = tpu.memref_squeeze %swap3A_353 : memref<1x64x128xf32, #tpu.memory_space<vmem>> -> memref<64x128xf32, #tpu.memory_space<vmem>>
        %swap3A_355 = arith.index_cast %add3A_319 : i32 to index
        %swap3A_356 = arith.constant 64 : index
        %swap3A_357 = tpu.vector_load %swap3A_354[%swap3A_355, %swap3A_356] {strides = array<i32>} : memref<64x128xf32, #tpu.memory_space<vmem>>, vector<1x16xf32>,
        %swap3A_358 = vector.shape_cast %swap3A_357 : vector<1x16xf32> to vector<16xf32>
        %swap3A_359 = vector.shape_cast %get3A_350 : vector<16xf32> to vector<1x16xf32>
        tpu.vector_store %swap3A_354[%swap3A_355, %swap3A_356], %swap3A_359 {strides = array<i32>} : memref<64x128xf32, #tpu.memory_space<vmem>>, vector<1x16xf32>,
        %mul3A_360 = arith.constant 2 : i32
        %mul3A_361 = arith.muli %mul3A_360, %add3A_319 : i32
        %get3A_362 = arith.constant 0 : i32
        %get3A_363 = arith.constant 0 : i32
        %get3A_364 = tpu.memref_slice %arg6[%scan3A_77, %get3A_362, %get3A_363] : memref<2x128x128xf32, #tpu.memory_space<vmem>> -> memref<1x128x128xf32, #tpu.memory_space<vmem>>
        %get3A_365 = tpu.memref_squeeze %get3A_364 : memref<1x128x128xf32, #tpu.memory_space<vmem>> -> memref<128x128xf32, #tpu.memory_space<vmem>>
        %get3A_366 = arith.index_cast %mul3A_361 : i32 to index
        %get3A_367 = arith.constant 16 : index
        %get3A_368 = tpu.vector_load %get3A_365[%get3A_366, %get3A_367] {strides = array<i32>} : memref<128x128xf32, #tpu.memory_space<vmem>>, vector<1x16xf32>,
        %get3A_369 = vector.shape_cast %get3A_368 : vector<1x16xf32> to vector<16xf32>
        %swap3A_370 = arith.constant 0 : i32
        %swap3A_371 = arith.constant 0 : i32
        %swap3A_372 = tpu.memref_slice %arg7[%scan3A_78, %swap3A_370, %swap3A_371] : memref<2x64x128xf32, #tpu.memory_space<vmem>> -> memref<1x64x128xf32, #tpu.memory_space<vmem>>
        %swap3A_373 = tpu.memref_squeeze %swap3A_372 : memref<1x64x128xf32, #tpu.memory_space<vmem>> -> memref<64x128xf32, #tpu.memory_space<vmem>>
        %swap3A_374 = arith.index_cast %add3A_319 : i32 to index
        %swap3A_375 = arith.constant 16 : index
        %swap3A_376 = tpu.vector_load %swap3A_373[%swap3A_374, %swap3A_375] {strides = array<i32>} : memref<64x128xf32, #tpu.memory_space<vmem>>, vector<1x16xf32>,
        %swap3A_377 = vector.shape_cast %swap3A_376 : vector<1x16xf32> to vector<16xf32>
        %swap3A_378 = vector.shape_cast %get3A_369 : vector<16xf32> to vector<1x16xf32>
        tpu.vector_store %swap3A_373[%swap3A_374, %swap3A_375], %swap3A_378 {strides = array<i32>} : memref<64x128xf32, #tpu.memory_space<vmem>>, vector<1x16xf32>,
        %mul3A_379 = arith.constant 2 : i32
        %mul3A_380 = arith.muli %mul3A_379, %add3A_319 : i32
        %add3A_381 = arith.constant 1 : i32
        %add3A_382 = arith.addi %mul3A_380, %add3A_381 : i32
        %get3A_383 = arith.constant 0 : i32
        %get3A_384 = arith.constant 0 : i32
        %get3A_385 = tpu.memref_slice %arg6[%scan3A_77, %get3A_383, %get3A_384] : memref<2x128x128xf32, #tpu.memory_space<vmem>> -> memref<1x128x128xf32, #tpu.memory_space<vmem>>
        %get3A_386 = tpu.memref_squeeze %get3A_385 : memref<1x128x128xf32, #tpu.memory_space<vmem>> -> memref<128x128xf32, #tpu.memory_space<vmem>>
        %get3A_387 = arith.index_cast %add3A_382 : i32 to index
        %get3A_388 = arith.constant 16 : index
        %get3A_389 = tpu.vector_load %get3A_386[%get3A_387, %get3A_388] {strides = array<i32>} : memref<128x128xf32, #tpu.memory_space<vmem>>, vector<1x16xf32>,
        %get3A_390 = vector.shape_cast %get3A_389 : vector<1x16xf32> to vector<16xf32>
        %swap3A_391 = arith.constant 0 : i32
        %swap3A_392 = arith.constant 0 : i32
        %swap3A_393 = tpu.memref_slice %arg7[%scan3A_78, %swap3A_391, %swap3A_392] : memref<2x64x128xf32, #tpu.memory_space<vmem>> -> memref<1x64x128xf32, #tpu.memory_space<vmem>>
        %swap3A_394 = tpu.memref_squeeze %swap3A_393 : memref<1x64x128xf32, #tpu.memory_space<vmem>> -> memref<64x128xf32, #tpu.memory_space<vmem>>
        %swap3A_395 = arith.index_cast %add3A_319 : i32 to index
        %swap3A_396 = arith.constant 80 : index
        %swap3A_397 = tpu.vector_load %swap3A_394[%swap3A_395, %swap3A_396] {strides = array<i32>} : memref<64x128xf32, #tpu.memory_space<vmem>>, vector<1x16xf32>,
        %swap3A_398 = vector.shape_cast %swap3A_397 : vector<1x16xf32> to vector<16xf32>
        %swap3A_399 = vector.shape_cast %get3A_390 : vector<16xf32> to vector<1x16xf32>
        tpu.vector_store %swap3A_394[%swap3A_395, %swap3A_396], %swap3A_399 {strides = array<i32>} : memref<64x128xf32, #tpu.memory_space<vmem>>, vector<1x16xf32>,
        %mul3A_400 = arith.constant 2 : i32
        %mul3A_401 = arith.muli %mul3A_400, %add3A_319 : i32
        %get3A_402 = arith.constant 0 : i32
        %get3A_403 = arith.constant 0 : i32
        %get3A_404 = tpu.memref_slice %arg6[%scan3A_77, %get3A_402, %get3A_403] : memref<2x128x128xf32, #tpu.memory_space<vmem>> -> memref<1x128x128xf32, #tpu.memory_space<vmem>>
        %get3A_405 = tpu.memref_squeeze %get3A_404 : memref<1x128x128xf32, #tpu.memory_space<vmem>> -> memref<128x128xf32, #tpu.memory_space<vmem>>
        %get3A_406 = arith.index_cast %mul3A_401 : i32 to index
        %get3A_407 = arith.constant 32 : index
        %get3A_408 = tpu.vector_load %get3A_405[%get3A_406, %get3A_407] {strides = array<i32>} : memref<128x128xf32, #tpu.memory_space<vmem>>, vector<1x16xf32>,
        %get3A_409 = vector.shape_cast %get3A_408 : vector<1x16xf32> to vector<16xf32>
        %swap3A_410 = arith.constant 0 : i32
        %swap3A_411 = arith.constant 0 : i32
        %swap3A_412 = tpu.memref_slice %arg7[%scan3A_78, %swap3A_410, %swap3A_411] : memref<2x64x128xf32, #tpu.memory_space<vmem>> -> memref<1x64x128xf32, #tpu.memory_space<vmem>>
        %swap3A_413 = tpu.memref_squeeze %swap3A_412 : memref<1x64x128xf32, #tpu.memory_space<vmem>> -> memref<64x128xf32, #tpu.memory_space<vmem>>
        %swap3A_414 = arith.index_cast %add3A_319 : i32 to index
        %swap3A_415 = arith.constant 32 : index
        %swap3A_416 = tpu.vector_load %swap3A_413[%swap3A_414, %swap3A_415] {strides = array<i32>} : memref<64x128xf32, #tpu.memory_space<vmem>>, vector<1x16xf32>,
        %swap3A_417 = vector.shape_cast %swap3A_416 : vector<1x16xf32> to vector<16xf32>
        %swap3A_418 = vector.shape_cast %get3A_409 : vector<16xf32> to vector<1x16xf32>
        tpu.vector_store %swap3A_413[%swap3A_414, %swap3A_415], %swap3A_418 {strides = array<i32>} : memref<64x128xf32, #tpu.memory_space<vmem>>, vector<1x16xf32>,
        %mul3A_419 = arith.constant 2 : i32
        %mul3A_420 = arith.muli %mul3A_419, %add3A_319 : i32
        %add3A_421 = arith.constant 1 : i32
        %add3A_422 = arith.addi %mul3A_420, %add3A_421 : i32
        %get3A_423 = arith.constant 0 : i32
        %get3A_424 = arith.constant 0 : i32
        %get3A_425 = tpu.memref_slice %arg6[%scan3A_77, %get3A_423, %get3A_424] : memref<2x128x128xf32, #tpu.memory_space<vmem>> -> memref<1x128x128xf32, #tpu.memory_space<vmem>>
        %get3A_426 = tpu.memref_squeeze %get3A_425 : memref<1x128x128xf32, #tpu.memory_space<vmem>> -> memref<128x128xf32, #tpu.memory_space<vmem>>
        %get3A_427 = arith.index_cast %add3A_422 : i32 to index
        %get3A_428 = arith.constant 32 : index
        %get3A_429 = tpu.vector_load %get3A_426[%get3A_427, %get3A_428] {strides = array<i32>} : memref<128x128xf32, #tpu.memory_space<vmem>>, vector<1x16xf32>,
        %get3A_430 = vector.shape_cast %get3A_429 : vector<1x16xf32> to vector<16xf32>
        %swap3A_431 = arith.constant 0 : i32
        %swap3A_432 = arith.constant 0 : i32
        %swap3A_433 = tpu.memref_slice %arg7[%scan3A_78, %swap3A_431, %swap3A_432] : memref<2x64x128xf32, #tpu.memory_space<vmem>> -> memref<1x64x128xf32, #tpu.memory_space<vmem>>
        %swap3A_434 = tpu.memref_squeeze %swap3A_433 : memref<1x64x128xf32, #tpu.memory_space<vmem>> -> memref<64x128xf32, #tpu.memory_space<vmem>>
        %swap3A_435 = arith.index_cast %add3A_319 : i32 to index
        %swap3A_436 = arith.constant 96 : index
        %swap3A_437 = tpu.vector_load %swap3A_434[%swap3A_435, %swap3A_436] {strides = array<i32>} : memref<64x128xf32, #tpu.memory_space<vmem>>, vector<1x16xf32>,
        %swap3A_438 = vector.shape_cast %swap3A_437 : vector<1x16xf32> to vector<16xf32>
        %swap3A_439 = vector.shape_cast %get3A_430 : vector<16xf32> to vector<1x16xf32>
        tpu.vector_store %swap3A_434[%swap3A_435, %swap3A_436], %swap3A_439 {strides = array<i32>} : memref<64x128xf32, #tpu.memory_space<vmem>>, vector<1x16xf32>,
        %mul3A_440 = arith.constant 2 : i32
        %mul3A_441 = arith.muli %mul3A_440, %add3A_319 : i32
        %get3A_442 = arith.constant 0 : i32
        %get3A_443 = arith.constant 0 : i32
        %get3A_444 = tpu.memref_slice %arg6[%scan3A_77, %get3A_442, %get3A_443] : memref<2x128x128xf32, #tpu.memory_space<vmem>> -> memref<1x128x128xf32, #tpu.memory_space<vmem>>
        %get3A_445 = tpu.memref_squeeze %get3A_444 : memref<1x128x128xf32, #tpu.memory_space<vmem>> -> memref<128x128xf32, #tpu.memory_space<vmem>>
        %get3A_446 = arith.index_cast %mul3A_441 : i32 to index
        %get3A_447 = arith.constant 48 : index
        %get3A_448 = tpu.vector_load %get3A_445[%get3A_446, %get3A_447] {strides = array<i32>} : memref<128x128xf32, #tpu.memory_space<vmem>>, vector<1x16xf32>,
        %get3A_449 = vector.shape_cast %get3A_448 : vector<1x16xf32> to vector<16xf32>
        %swap3A_450 = arith.constant 0 : i32
        %swap3A_451 = arith.constant 0 : i32
        %swap3A_452 = tpu.memref_slice %arg7[%scan3A_78, %swap3A_450, %swap3A_451] : memref<2x64x128xf32, #tpu.memory_space<vmem>> -> memref<1x64x128xf32, #tpu.memory_space<vmem>>
        %swap3A_453 = tpu.memref_squeeze %swap3A_452 : memref<1x64x128xf32, #tpu.memory_space<vmem>> -> memref<64x128xf32, #tpu.memory_space<vmem>>
        %swap3A_454 = arith.index_cast %add3A_319 : i32 to index
        %swap3A_455 = arith.constant 48 : index
        %swap3A_456 = tpu.vector_load %swap3A_453[%swap3A_454, %swap3A_455] {strides = array<i32>} : memref<64x128xf32, #tpu.memory_space<vmem>>, vector<1x16xf32>,
        %swap3A_457 = vector.shape_cast %swap3A_456 : vector<1x16xf32> to vector<16xf32>
        %swap3A_458 = vector.shape_cast %get3A_449 : vector<16xf32> to vector<1x16xf32>
        tpu.vector_store %swap3A_453[%swap3A_454, %swap3A_455], %swap3A_458 {strides = array<i32>} : memref<64x128xf32, #tpu.memory_space<vmem>>, vector<1x16xf32>,
        %mul3A_459 = arith.constant 2 : i32
        %mul3A_460 = arith.muli %mul3A_459, %add3A_319 : i32
        %add3A_461 = arith.constant 1 : i32
        %add3A_462 = arith.addi %mul3A_460, %add3A_461 : i32
        %get3A_463 = arith.constant 0 : i32
        %get3A_464 = arith.constant 0 : i32
        %get3A_465 = tpu.memref_slice %arg6[%scan3A_77, %get3A_463, %get3A_464] : memref<2x128x128xf32, #tpu.memory_space<vmem>> -> memref<1x128x128xf32, #tpu.memory_space<vmem>>
        %get3A_466 = tpu.memref_squeeze %get3A_465 : memref<1x128x128xf32, #tpu.memory_space<vmem>> -> memref<128x128xf32, #tpu.memory_space<vmem>>
        %get3A_467 = arith.index_cast %add3A_462 : i32 to index
        %get3A_468 = arith.constant 48 : index
        %get3A_469 = tpu.vector_load %get3A_466[%get3A_467, %get3A_468] {strides = array<i32>} : memref<128x128xf32, #tpu.memory_space<vmem>>, vector<1x16xf32>,
        %get3A_470 = vector.shape_cast %get3A_469 : vector<1x16xf32> to vector<16xf32>
        %swap3A_471 = arith.constant 0 : i32
        %swap3A_472 = arith.constant 0 : i32
        %swap3A_473 = tpu.memref_slice %arg7[%scan3A_78, %swap3A_471, %swap3A_472] : memref<2x64x128xf32, #tpu.memory_space<vmem>> -> memref<1x64x128xf32, #tpu.memory_space<vmem>>
        %swap3A_474 = tpu.memref_squeeze %swap3A_473 : memref<1x64x128xf32, #tpu.memory_space<vmem>> -> memref<64x128xf32, #tpu.memory_space<vmem>>
        %swap3A_475 = arith.index_cast %add3A_319 : i32 to index
        %swap3A_476 = arith.constant 112 : index
        %swap3A_477 = tpu.vector_load %swap3A_474[%swap3A_475, %swap3A_476] {strides = array<i32>} : memref<64x128xf32, #tpu.memory_space<vmem>>, vector<1x16xf32>,
        %swap3A_478 = vector.shape_cast %swap3A_477 : vector<1x16xf32> to vector<16xf32>
        %swap3A_479 = vector.shape_cast %get3A_470 : vector<16xf32> to vector<1x16xf32>
        tpu.vector_store %swap3A_474[%swap3A_475, %swap3A_476], %swap3A_479 {strides = array<i32>} : memref<64x128xf32, #tpu.memory_space<vmem>>, vector<1x16xf32>,
        %mul3A_480 = arith.constant 8 : i32
        %mul3A_481 = arith.muli %mul3A_480, %scan3A_153 : i32
        %add3A_482 = arith.constant 2 : i32
        %add3A_483 = arith.addi %mul3A_481, %add3A_482 : i32
        %mul3A_484 = arith.constant 2 : i32
        %mul3A_485 = arith.muli %mul3A_484, %add3A_483 : i32
        %get3A_486 = arith.constant 0 : i32
        %get3A_487 = arith.constant 0 : i32
        %get3A_488 = tpu.memref_slice %arg6[%scan3A_77, %get3A_486, %get3A_487] : memref<2x128x128xf32, #tpu.memory_space<vmem>> -> memref<1x128x128xf32, #tpu.memory_space<vmem>>
        %get3A_489 = tpu.memref_squeeze %get3A_488 : memref<1x128x128xf32, #tpu.memory_space<vmem>> -> memref<128x128xf32, #tpu.memory_space<vmem>>
        %get3A_490 = arith.index_cast %mul3A_485 : i32 to index
        %get3A_491 = arith.constant 0 : index
        %get3A_492 = tpu.vector_load %get3A_489[%get3A_490, %get3A_491] {strides = array<i32>} : memref<128x128xf32, #tpu.memory_space<vmem>>, vector<1x16xf32>,
        %get3A_493 = vector.shape_cast %get3A_492 : vector<1x16xf32> to vector<16xf32>
        %swap3A_494 = arith.constant 0 : i32
        %swap3A_495 = arith.constant 0 : i32
        %swap3A_496 = tpu.memref_slice %arg7[%scan3A_78, %swap3A_494, %swap3A_495] : memref<2x64x128xf32, #tpu.memory_space<vmem>> -> memref<1x64x128xf32, #tpu.memory_space<vmem>>
        %swap3A_497 = tpu.memref_squeeze %swap3A_496 : memref<1x64x128xf32, #tpu.memory_space<vmem>> -> memref<64x128xf32, #tpu.memory_space<vmem>>
        %swap3A_498 = arith.index_cast %add3A_483 : i32 to index
        %swap3A_499 = arith.constant 0 : index
        %swap3A_500 = tpu.vector_load %swap3A_497[%swap3A_498, %swap3A_499] {strides = array<i32>} : memref<64x128xf32, #tpu.memory_space<vmem>>, vector<1x16xf32>,
        %swap3A_501 = vector.shape_cast %swap3A_500 : vector<1x16xf32> to vector<16xf32>
        %swap3A_502 = vector.shape_cast %get3A_493 : vector<16xf32> to vector<1x16xf32>
        tpu.vector_store %swap3A_497[%swap3A_498, %swap3A_499], %swap3A_502 {strides = array<i32>} : memref<64x128xf32, #tpu.memory_space<vmem>>, vector<1x16xf32>,
        %mul3A_503 = arith.constant 2 : i32
        %mul3A_504 = arith.muli %mul3A_503, %add3A_483 : i32
        %add3A_505 = arith.constant 1 : i32
        %add3A_506 = arith.addi %mul3A_504, %add3A_505 : i32
        %get3A_507 = arith.constant 0 : i32
        %get3A_508 = arith.constant 0 : i32
        %get3A_509 = tpu.memref_slice %arg6[%scan3A_77, %get3A_507, %get3A_508] : memref<2x128x128xf32, #tpu.memory_space<vmem>> -> memref<1x128x128xf32, #tpu.memory_space<vmem>>
        %get3A_510 = tpu.memref_squeeze %get3A_509 : memref<1x128x128xf32, #tpu.memory_space<vmem>> -> memref<128x128xf32, #tpu.memory_space<vmem>>
        %get3A_511 = arith.index_cast %add3A_506 : i32 to index
        %get3A_512 = arith.constant 0 : index
        %get3A_513 = tpu.vector_load %get3A_510[%get3A_511, %get3A_512] {strides = array<i32>} : memref<128x128xf32, #tpu.memory_space<vmem>>, vector<1x16xf32>,
        %get3A_514 = vector.shape_cast %get3A_513 : vector<1x16xf32> to vector<16xf32>
        %swap3A_515 = arith.constant 0 : i32
        %swap3A_516 = arith.constant 0 : i32
        %swap3A_517 = tpu.memref_slice %arg7[%scan3A_78, %swap3A_515, %swap3A_516] : memref<2x64x128xf32, #tpu.memory_space<vmem>> -> memref<1x64x128xf32, #tpu.memory_space<vmem>>
        %swap3A_518 = tpu.memref_squeeze %swap3A_517 : memref<1x64x128xf32, #tpu.memory_space<vmem>> -> memref<64x128xf32, #tpu.memory_space<vmem>>
        %swap3A_519 = arith.index_cast %add3A_483 : i32 to index
        %swap3A_520 = arith.constant 64 : index
        %swap3A_521 = tpu.vector_load %swap3A_518[%swap3A_519, %swap3A_520] {strides = array<i32>} : memref<64x128xf32, #tpu.memory_space<vmem>>, vector<1x16xf32>,
        %swap3A_522 = vector.shape_cast %swap3A_521 : vector<1x16xf32> to vector<16xf32>
        %swap3A_523 = vector.shape_cast %get3A_514 : vector<16xf32> to vector<1x16xf32>
        tpu.vector_store %swap3A_518[%swap3A_519, %swap3A_520], %swap3A_523 {strides = array<i32>} : memref<64x128xf32, #tpu.memory_space<vmem>>, vector<1x16xf32>,
        %mul3A_524 = arith.constant 2 : i32
        %mul3A_525 = arith.muli %mul3A_524, %add3A_483 : i32
        %get3A_526 = arith.constant 0 : i32
        %get3A_527 = arith.constant 0 : i32
        %get3A_528 = tpu.memref_slice %arg6[%scan3A_77, %get3A_526, %get3A_527] : memref<2x128x128xf32, #tpu.memory_space<vmem>> -> memref<1x128x128xf32, #tpu.memory_space<vmem>>
        %get3A_529 = tpu.memref_squeeze %get3A_528 : memref<1x128x128xf32, #tpu.memory_space<vmem>> -> memref<128x128xf32, #tpu.memory_space<vmem>>
        %get3A_530 = arith.index_cast %mul3A_525 : i32 to index
        %get3A_531 = arith.constant 16 : index
        %get3A_532 = tpu.vector_load %get3A_529[%get3A_530, %get3A_531] {strides = array<i32>} : memref<128x128xf32, #tpu.memory_space<vmem>>, vector<1x16xf32>,
        %get3A_533 = vector.shape_cast %get3A_532 : vector<1x16xf32> to vector<16xf32>
        %swap3A_534 = arith.constant 0 : i32
        %swap3A_535 = arith.constant 0 : i32
        %swap3A_536 = tpu.memref_slice %arg7[%scan3A_78, %swap3A_534, %swap3A_535] : memref<2x64x128xf32, #tpu.memory_space<vmem>> -> memref<1x64x128xf32, #tpu.memory_space<vmem>>
        %swap3A_537 = tpu.memref_squeeze %swap3A_536 : memref<1x64x128xf32, #tpu.memory_space<vmem>> -> memref<64x128xf32, #tpu.memory_space<vmem>>
        %swap3A_538 = arith.index_cast %add3A_483 : i32 to index
        %swap3A_539 = arith.constant 16 : index
        %swap3A_540 = tpu.vector_load %swap3A_537[%swap3A_538, %swap3A_539] {strides = array<i32>} : memref<64x128xf32, #tpu.memory_space<vmem>>, vector<1x16xf32>,
        %swap3A_541 = vector.shape_cast %swap3A_540 : vector<1x16xf32> to vector<16xf32>
        %swap3A_542 = vector.shape_cast %get3A_533 : vector<16xf32> to vector<1x16xf32>
        tpu.vector_store %swap3A_537[%swap3A_538, %swap3A_539], %swap3A_542 {strides = array<i32>} : memref<64x128xf32, #tpu.memory_space<vmem>>, vector<1x16xf32>,
        %mul3A_543 = arith.constant 2 : i32
        %mul3A_544 = arith.muli %mul3A_543, %add3A_483 : i32
        %add3A_545 = arith.constant 1 : i32
        %add3A_546 = arith.addi %mul3A_544, %add3A_545 : i32
        %get3A_547 = arith.constant 0 : i32
        %get3A_548 = arith.constant 0 : i32
        %get3A_549 = tpu.memref_slice %arg6[%scan3A_77, %get3A_547, %get3A_548] : memref<2x128x128xf32, #tpu.memory_space<vmem>> -> memref<1x128x128xf32, #tpu.memory_space<vmem>>
        %get3A_550 = tpu.memref_squeeze %get3A_549 : memref<1x128x128xf32, #tpu.memory_space<vmem>> -> memref<128x128xf32, #tpu.memory_space<vmem>>
        %get3A_551 = arith.index_cast %add3A_546 : i32 to index
        %get3A_552 = arith.constant 16 : index
        %get3A_553 = tpu.vector_load %get3A_550[%get3A_551, %get3A_552] {strides = array<i32>} : memref<128x128xf32, #tpu.memory_space<vmem>>, vector<1x16xf32>,
        %get3A_554 = vector.shape_cast %get3A_553 : vector<1x16xf32> to vector<16xf32>
        %swap3A_555 = arith.constant 0 : i32
        %swap3A_556 = arith.constant 0 : i32
        %swap3A_557 = tpu.memref_slice %arg7[%scan3A_78, %swap3A_555, %swap3A_556] : memref<2x64x128xf32, #tpu.memory_space<vmem>> -> memref<1x64x128xf32, #tpu.memory_space<vmem>>
        %swap3A_558 = tpu.memref_squeeze %swap3A_557 : memref<1x64x128xf32, #tpu.memory_space<vmem>> -> memref<64x128xf32, #tpu.memory_space<vmem>>
        %swap3A_559 = arith.index_cast %add3A_483 : i32 to index
        %swap3A_560 = arith.constant 80 : index
        %swap3A_561 = tpu.vector_load %swap3A_558[%swap3A_559, %swap3A_560] {strides = array<i32>} : memref<64x128xf32, #tpu.memory_space<vmem>>, vector<1x16xf32>,
        %swap3A_562 = vector.shape_cast %swap3A_561 : vector<1x16xf32> to vector<16xf32>
        %swap3A_563 = vector.shape_cast %get3A_554 : vector<16xf32> to vector<1x16xf32>
        tpu.vector_store %swap3A_558[%swap3A_559, %swap3A_560], %swap3A_563 {strides = array<i32>} : memref<64x128xf32, #tpu.memory_space<vmem>>, vector<1x16xf32>,
        %mul3A_564 = arith.constant 2 : i32
        %mul3A_565 = arith.muli %mul3A_564, %add3A_483 : i32
        %get3A_566 = arith.constant 0 : i32
        %get3A_567 = arith.constant 0 : i32
        %get3A_568 = tpu.memref_slice %arg6[%scan3A_77, %get3A_566, %get3A_567] : memref<2x128x128xf32, #tpu.memory_space<vmem>> -> memref<1x128x128xf32, #tpu.memory_space<vmem>>
        %get3A_569 = tpu.memref_squeeze %get3A_568 : memref<1x128x128xf32, #tpu.memory_space<vmem>> -> memref<128x128xf32, #tpu.memory_space<vmem>>
        %get3A_570 = arith.index_cast %mul3A_565 : i32 to index
        %get3A_571 = arith.constant 32 : index
        %get3A_572 = tpu.vector_load %get3A_569[%get3A_570, %get3A_571] {strides = array<i32>} : memref<128x128xf32, #tpu.memory_space<vmem>>, vector<1x16xf32>,
        %get3A_573 = vector.shape_cast %get3A_572 : vector<1x16xf32> to vector<16xf32>
        %swap3A_574 = arith.constant 0 : i32
        %swap3A_575 = arith.constant 0 : i32
        %swap3A_576 = tpu.memref_slice %arg7[%scan3A_78, %swap3A_574, %swap3A_575] : memref<2x64x128xf32, #tpu.memory_space<vmem>> -> memref<1x64x128xf32, #tpu.memory_space<vmem>>
        %swap3A_577 = tpu.memref_squeeze %swap3A_576 : memref<1x64x128xf32, #tpu.memory_space<vmem>> -> memref<64x128xf32, #tpu.memory_space<vmem>>
        %swap3A_578 = arith.index_cast %add3A_483 : i32 to index
        %swap3A_579 = arith.constant 32 : index
        %swap3A_580 = tpu.vector_load %swap3A_577[%swap3A_578, %swap3A_579] {strides = array<i32>} : memref<64x128xf32, #tpu.memory_space<vmem>>, vector<1x16xf32>,
        %swap3A_581 = vector.shape_cast %swap3A_580 : vector<1x16xf32> to vector<16xf32>
        %swap3A_582 = vector.shape_cast %get3A_573 : vector<16xf32> to vector<1x16xf32>
        tpu.vector_store %swap3A_577[%swap3A_578, %swap3A_579], %swap3A_582 {strides = array<i32>} : memref<64x128xf32, #tpu.memory_space<vmem>>, vector<1x16xf32>,
        %mul3A_583 = arith.constant 2 : i32
        %mul3A_584 = arith.muli %mul3A_583, %add3A_483 : i32
        %add3A_585 = arith.constant 1 : i32
        %add3A_586 = arith.addi %mul3A_584, %add3A_585 : i32
        %get3A_587 = arith.constant 0 : i32
        %get3A_588 = arith.constant 0 : i32
        %get3A_589 = tpu.memref_slice %arg6[%scan3A_77, %get3A_587, %get3A_588] : memref<2x128x128xf32, #tpu.memory_space<vmem>> -> memref<1x128x128xf32, #tpu.memory_space<vmem>>
        %get3A_590 = tpu.memref_squeeze %get3A_589 : memref<1x128x128xf32, #tpu.memory_space<vmem>> -> memref<128x128xf32, #tpu.memory_space<vmem>>
        %get3A_591 = arith.index_cast %add3A_586 : i32 to index
        %get3A_592 = arith.constant 32 : index
        %get3A_593 = tpu.vector_load %get3A_590[%get3A_591, %get3A_592] {strides = array<i32>} : memref<128x128xf32, #tpu.memory_space<vmem>>, vector<1x16xf32>,
        %get3A_594 = vector.shape_cast %get3A_593 : vector<1x16xf32> to vector<16xf32>
        %swap3A_595 = arith.constant 0 : i32
        %swap3A_596 = arith.constant 0 : i32
        %swap3A_597 = tpu.memref_slice %arg7[%scan3A_78, %swap3A_595, %swap3A_596] : memref<2x64x128xf32, #tpu.memory_space<vmem>> -> memref<1x64x128xf32, #tpu.memory_space<vmem>>
        %swap3A_598 = tpu.memref_squeeze %swap3A_597 : memref<1x64x128xf32, #tpu.memory_space<vmem>> -> memref<64x128xf32, #tpu.memory_space<vmem>>
        %swap3A_599 = arith.index_cast %add3A_483 : i32 to index
        %swap3A_600 = arith.constant 96 : index
        %swap3A_601 = tpu.vector_load %swap3A_598[%swap3A_599, %swap3A_600] {strides = array<i32>} : memref<64x128xf32, #tpu.memory_space<vmem>>, vector<1x16xf32>,
        %swap3A_602 = vector.shape_cast %swap3A_601 : vector<1x16xf32> to vector<16xf32>
        %swap3A_603 = vector.shape_cast %get3A_594 : vector<16xf32> to vector<1x16xf32>
        tpu.vector_store %swap3A_598[%swap3A_599, %swap3A_600], %swap3A_603 {strides = array<i32>} : memref<64x128xf32, #tpu.memory_space<vmem>>, vector<1x16xf32>,
        %mul3A_604 = arith.constant 2 : i32
        %mul3A_605 = arith.muli %mul3A_604, %add3A_483 : i32
        %get3A_606 = arith.constant 0 : i32
        %get3A_607 = arith.constant 0 : i32
        %get3A_608 = tpu.memref_slice %arg6[%scan3A_77, %get3A_606, %get3A_607] : memref<2x128x128xf32, #tpu.memory_space<vmem>> -> memref<1x128x128xf32, #tpu.memory_space<vmem>>
        %get3A_609 = tpu.memref_squeeze %get3A_608 : memref<1x128x128xf32, #tpu.memory_space<vmem>> -> memref<128x128xf32, #tpu.memory_space<vmem>>
        %get3A_610 = arith.index_cast %mul3A_605 : i32 to index
        %get3A_611 = arith.constant 48 : index
        %get3A_612 = tpu.vector_load %get3A_609[%get3A_610, %get3A_611] {strides = array<i32>} : memref<128x128xf32, #tpu.memory_space<vmem>>, vector<1x16xf32>,
        %get3A_613 = vector.shape_cast %get3A_612 : vector<1x16xf32> to vector<16xf32>
        %swap3A_614 = arith.constant 0 : i32
        %swap3A_615 = arith.constant 0 : i32
        %swap3A_616 = tpu.memref_slice %arg7[%scan3A_78, %swap3A_614, %swap3A_615] : memref<2x64x128xf32, #tpu.memory_space<vmem>> -> memref<1x64x128xf32, #tpu.memory_space<vmem>>
        %swap3A_617 = tpu.memref_squeeze %swap3A_616 : memref<1x64x128xf32, #tpu.memory_space<vmem>> -> memref<64x128xf32, #tpu.memory_space<vmem>>
        %swap3A_618 = arith.index_cast %add3A_483 : i32 to index
        %swap3A_619 = arith.constant 48 : index
        %swap3A_620 = tpu.vector_load %swap3A_617[%swap3A_618, %swap3A_619] {strides = array<i32>} : memref<64x128xf32, #tpu.memory_space<vmem>>, vector<1x16xf32>,
        %swap3A_621 = vector.shape_cast %swap3A_620 : vector<1x16xf32> to vector<16xf32>
        %swap3A_622 = vector.shape_cast %get3A_613 : vector<16xf32> to vector<1x16xf32>
        tpu.vector_store %swap3A_617[%swap3A_618, %swap3A_619], %swap3A_622 {strides = array<i32>} : memref<64x128xf32, #tpu.memory_space<vmem>>, vector<1x16xf32>,
        %mul3A_623 = arith.constant 2 : i32
        %mul3A_624 = arith.muli %mul3A_623, %add3A_483 : i32
        %add3A_625 = arith.constant 1 : i32
        %add3A_626 = arith.addi %mul3A_624, %add3A_625 : i32
        %get3A_627 = arith.constant 0 : i32
        %get3A_628 = arith.constant 0 : i32
        %get3A_629 = tpu.memref_slice %arg6[%scan3A_77, %get3A_627, %get3A_628] : memref<2x128x128xf32, #tpu.memory_space<vmem>> -> memref<1x128x128xf32, #tpu.memory_space<vmem>>
        %get3A_630 = tpu.memref_squeeze %get3A_629 : memref<1x128x128xf32, #tpu.memory_space<vmem>> -> memref<128x128xf32, #tpu.memory_space<vmem>>
        %get3A_631 = arith.index_cast %add3A_626 : i32 to index
        %get3A_632 = arith.constant 48 : index
        %get3A_633 = tpu.vector_load %get3A_630[%get3A_631, %get3A_632] {strides = array<i32>} : memref<128x128xf32, #tpu.memory_space<vmem>>, vector<1x16xf32>,
        %get3A_634 = vector.shape_cast %get3A_633 : vector<1x16xf32> to vector<16xf32>
        %swap3A_635 = arith.constant 0 : i32
        %swap3A_636 = arith.constant 0 : i32
        %swap3A_637 = tpu.memref_slice %arg7[%scan3A_78, %swap3A_635, %swap3A_636] : memref<2x64x128xf32, #tpu.memory_space<vmem>> -> memref<1x64x128xf32, #tpu.memory_space<vmem>>
        %swap3A_638 = tpu.memref_squeeze %swap3A_637 : memref<1x64x128xf32, #tpu.memory_space<vmem>> -> memref<64x128xf32, #tpu.memory_space<vmem>>
        %swap3A_639 = arith.index_cast %add3A_483 : i32 to index
        %swap3A_640 = arith.constant 112 : index
        %swap3A_641 = tpu.vector_load %swap3A_638[%swap3A_639, %swap3A_640] {strides = array<i32>} : memref<64x128xf32, #tpu.memory_space<vmem>>, vector<1x16xf32>,
        %swap3A_642 = vector.shape_cast %swap3A_641 : vector<1x16xf32> to vector<16xf32>
        %swap3A_643 = vector.shape_cast %get3A_634 : vector<16xf32> to vector<1x16xf32>
        tpu.vector_store %swap3A_638[%swap3A_639, %swap3A_640], %swap3A_643 {strides = array<i32>} : memref<64x128xf32, #tpu.memory_space<vmem>>, vector<1x16xf32>,
        %mul3A_644 = arith.constant 8 : i32
        %mul3A_645 = arith.muli %mul3A_644, %scan3A_153 : i32
        %add3A_646 = arith.constant 3 : i32
        %add3A_647 = arith.addi %mul3A_645, %add3A_646 : i32
        %mul3A_648 = arith.constant 2 : i32
        %mul3A_649 = arith.muli %mul3A_648, %add3A_647 : i32
        %get3A_650 = arith.constant 0 : i32
        %get3A_651 = arith.constant 0 : i32
        %get3A_652 = tpu.memref_slice %arg6[%scan3A_77, %get3A_650, %get3A_651] : memref<2x128x128xf32, #tpu.memory_space<vmem>> -> memref<1x128x128xf32, #tpu.memory_space<vmem>>
        %get3A_653 = tpu.memref_squeeze %get3A_652 : memref<1x128x128xf32, #tpu.memory_space<vmem>> -> memref<128x128xf32, #tpu.memory_space<vmem>>
        %get3A_654 = arith.index_cast %mul3A_649 : i32 to index
        %get3A_655 = arith.constant 0 : index
        %get3A_656 = tpu.vector_load %get3A_653[%get3A_654, %get3A_655] {strides = array<i32>} : memref<128x128xf32, #tpu.memory_space<vmem>>, vector<1x16xf32>,
        %get3A_657 = vector.shape_cast %get3A_656 : vector<1x16xf32> to vector<16xf32>
        %swap3A_658 = arith.constant 0 : i32
        %swap3A_659 = arith.constant 0 : i32
        %swap3A_660 = tpu.memref_slice %arg7[%scan3A_78, %swap3A_658, %swap3A_659] : memref<2x64x128xf32, #tpu.memory_space<vmem>> -> memref<1x64x128xf32, #tpu.memory_space<vmem>>
        %swap3A_661 = tpu.memref_squeeze %swap3A_660 : memref<1x64x128xf32, #tpu.memory_space<vmem>> -> memref<64x128xf32, #tpu.memory_space<vmem>>
        %swap3A_662 = arith.index_cast %add3A_647 : i32 to index
        %swap3A_663 = arith.constant 0 : index
        %swap3A_664 = tpu.vector_load %swap3A_661[%swap3A_662, %swap3A_663] {strides = array<i32>} : memref<64x128xf32, #tpu.memory_space<vmem>>, vector<1x16xf32>,
        %swap3A_665 = vector.shape_cast %swap3A_664 : vector<1x16xf32> to vector<16xf32>
        %swap3A_666 = vector.shape_cast %get3A_657 : vector<16xf32> to vector<1x16xf32>
        tpu.vector_store %swap3A_661[%swap3A_662, %swap3A_663], %swap3A_666 {strides = array<i32>} : memref<64x128xf32, #tpu.memory_space<vmem>>, vector<1x16xf32>,
        %mul3A_667 = arith.constant 2 : i32
        %mul3A_668 = arith.muli %mul3A_667, %add3A_647 : i32
        %add3A_669 = arith.constant 1 : i32
        %add3A_670 = arith.addi %mul3A_668, %add3A_669 : i32
        %get3A_671 = arith.constant 0 : i32
        %get3A_672 = arith.constant 0 : i32
        %get3A_673 = tpu.memref_slice %arg6[%scan3A_77, %get3A_671, %get3A_672] : memref<2x128x128xf32, #tpu.memory_space<vmem>> -> memref<1x128x128xf32, #tpu.memory_space<vmem>>
        %get3A_674 = tpu.memref_squeeze %get3A_673 : memref<1x128x128xf32, #tpu.memory_space<vmem>> -> memref<128x128xf32, #tpu.memory_space<vmem>>
        %get3A_675 = arith.index_cast %add3A_670 : i32 to index
        %get3A_676 = arith.constant 0 : index
        %get3A_677 = tpu.vector_load %get3A_674[%get3A_675, %get3A_676] {strides = array<i32>} : memref<128x128xf32, #tpu.memory_space<vmem>>, vector<1x16xf32>,
        %get3A_678 = vector.shape_cast %get3A_677 : vector<1x16xf32> to vector<16xf32>
        %swap3A_679 = arith.constant 0 : i32
        %swap3A_680 = arith.constant 0 : i32
        %swap3A_681 = tpu.memref_slice %arg7[%scan3A_78, %swap3A_679, %swap3A_680] : memref<2x64x128xf32, #tpu.memory_space<vmem>> -> memref<1x64x128xf32, #tpu.memory_space<vmem>>
        %swap3A_682 = tpu.memref_squeeze %swap3A_681 : memref<1x64x128xf32, #tpu.memory_space<vmem>> -> memref<64x128xf32, #tpu.memory_space<vmem>>
        %swap3A_683 = arith.index_cast %add3A_647 : i32 to index
        %swap3A_684 = arith.constant 64 : index
        %swap3A_685 = tpu.vector_load %swap3A_682[%swap3A_683, %swap3A_684] {strides = array<i32>} : memref<64x128xf32, #tpu.memory_space<vmem>>, vector<1x16xf32>,
        %swap3A_686 = vector.shape_cast %swap3A_685 : vector<1x16xf32> to vector<16xf32>
        %swap3A_687 = vector.shape_cast %get3A_678 : vector<16xf32> to vector<1x16xf32>
        tpu.vector_store %swap3A_682[%swap3A_683, %swap3A_684], %swap3A_687 {strides = array<i32>} : memref<64x128xf32, #tpu.memory_space<vmem>>, vector<1x16xf32>,
        %mul3A_688 = arith.constant 2 : i32
        %mul3A_689 = arith.muli %mul3A_688, %add3A_647 : i32
        %get3A_690 = arith.constant 0 : i32
        %get3A_691 = arith.constant 0 : i32
        %get3A_692 = tpu.memref_slice %arg6[%scan3A_77, %get3A_690, %get3A_691] : memref<2x128x128xf32, #tpu.memory_space<vmem>> -> memref<1x128x128xf32, #tpu.memory_space<vmem>>
        %get3A_693 = tpu.memref_squeeze %get3A_692 : memref<1x128x128xf32, #tpu.memory_space<vmem>> -> memref<128x128xf32, #tpu.memory_space<vmem>>
        %get3A_694 = arith.index_cast %mul3A_689 : i32 to index
        %get3A_695 = arith.constant 16 : index
        %get3A_696 = tpu.vector_load %get3A_693[%get3A_694, %get3A_695] {strides = array<i32>} : memref<128x128xf32, #tpu.memory_space<vmem>>, vector<1x16xf32>,
        %get3A_697 = vector.shape_cast %get3A_696 : vector<1x16xf32> to vector<16xf32>
        %swap3A_698 = arith.constant 0 : i32
        %swap3A_699 = arith.constant 0 : i32
        %swap3A_700 = tpu.memref_slice %arg7[%scan3A_78, %swap3A_698, %swap3A_699] : memref<2x64x128xf32, #tpu.memory_space<vmem>> -> memref<1x64x128xf32, #tpu.memory_space<vmem>>
        %swap3A_701 = tpu.memref_squeeze %swap3A_700 : memref<1x64x128xf32, #tpu.memory_space<vmem>> -> memref<64x128xf32, #tpu.memory_space<vmem>>
        %swap3A_702 = arith.index_cast %add3A_647 : i32 to index
        %swap3A_703 = arith.constant 16 : index
        %swap3A_704 = tpu.vector_load %swap3A_701[%swap3A_702, %swap3A_703] {strides = array<i32>} : memref<64x128xf32, #tpu.memory_space<vmem>>, vector<1x16xf32>,
        %swap3A_705 = vector.shape_cast %swap3A_704 : vector<1x16xf32> to vector<16xf32>
        %swap3A_706 = vector.shape_cast %get3A_697 : vector<16xf32> to vector<1x16xf32>
        tpu.vector_store %swap3A_701[%swap3A_702, %swap3A_703], %swap3A_706 {strides = array<i32>} : memref<64x128xf32, #tpu.memory_space<vmem>>, vector<1x16xf32>,
        %mul3A_707 = arith.constant 2 : i32
        %mul3A_708 = arith.muli %mul3A_707, %add3A_647 : i32
        %add3A_709 = arith.constant 1 : i32
        %add3A_710 = arith.addi %mul3A_708, %add3A_709 : i32
        %get3A_711 = arith.constant 0 : i32
        %get3A_712 = arith.constant 0 : i32
        %get3A_713 = tpu.memref_slice %arg6[%scan3A_77, %get3A_711, %get3A_712] : memref<2x128x128xf32, #tpu.memory_space<vmem>> -> memref<1x128x128xf32, #tpu.memory_space<vmem>>
        %get3A_714 = tpu.memref_squeeze %get3A_713 : memref<1x128x128xf32, #tpu.memory_space<vmem>> -> memref<128x128xf32, #tpu.memory_space<vmem>>
        %get3A_715 = arith.index_cast %add3A_710 : i32 to index
        %get3A_716 = arith.constant 16 : index
        %get3A_717 = tpu.vector_load %get3A_714[%get3A_715, %get3A_716] {strides = array<i32>} : memref<128x128xf32, #tpu.memory_space<vmem>>, vector<1x16xf32>,
        %get3A_718 = vector.shape_cast %get3A_717 : vector<1x16xf32> to vector<16xf32>
        %swap3A_719 = arith.constant 0 : i32
        %swap3A_720 = arith.constant 0 : i32
        %swap3A_721 = tpu.memref_slice %arg7[%scan3A_78, %swap3A_719, %swap3A_720] : memref<2x64x128xf32, #tpu.memory_space<vmem>> -> memref<1x64x128xf32, #tpu.memory_space<vmem>>
        %swap3A_722 = tpu.memref_squeeze %swap3A_721 : memref<1x64x128xf32, #tpu.memory_space<vmem>> -> memref<64x128xf32, #tpu.memory_space<vmem>>
        %swap3A_723 = arith.index_cast %add3A_647 : i32 to index
        %swap3A_724 = arith.constant 80 : index
        %swap3A_725 = tpu.vector_load %swap3A_722[%swap3A_723, %swap3A_724] {strides = array<i32>} : memref<64x128xf32, #tpu.memory_space<vmem>>, vector<1x16xf32>,
        %swap3A_726 = vector.shape_cast %swap3A_725 : vector<1x16xf32> to vector<16xf32>
        %swap3A_727 = vector.shape_cast %get3A_718 : vector<16xf32> to vector<1x16xf32>
        tpu.vector_store %swap3A_722[%swap3A_723, %swap3A_724], %swap3A_727 {strides = array<i32>} : memref<64x128xf32, #tpu.memory_space<vmem>>, vector<1x16xf32>,
        %mul3A_728 = arith.constant 2 : i32
        %mul3A_729 = arith.muli %mul3A_728, %add3A_647 : i32
        %get3A_730 = arith.constant 0 : i32
        %get3A_731 = arith.constant 0 : i32
        %get3A_732 = tpu.memref_slice %arg6[%scan3A_77, %get3A_730, %get3A_731] : memref<2x128x128xf32, #tpu.memory_space<vmem>> -> memref<1x128x128xf32, #tpu.memory_space<vmem>>
        %get3A_733 = tpu.memref_squeeze %get3A_732 : memref<1x128x128xf32, #tpu.memory_space<vmem>> -> memref<128x128xf32, #tpu.memory_space<vmem>>
        %get3A_734 = arith.index_cast %mul3A_729 : i32 to index
        %get3A_735 = arith.constant 32 : index
        %get3A_736 = tpu.vector_load %get3A_733[%get3A_734, %get3A_735] {strides = array<i32>} : memref<128x128xf32, #tpu.memory_space<vmem>>, vector<1x16xf32>,
        %get3A_737 = vector.shape_cast %get3A_736 : vector<1x16xf32> to vector<16xf32>
        %swap3A_738 = arith.constant 0 : i32
        %swap3A_739 = arith.constant 0 : i32
        %swap3A_740 = tpu.memref_slice %arg7[%scan3A_78, %swap3A_738, %swap3A_739] : memref<2x64x128xf32, #tpu.memory_space<vmem>> -> memref<1x64x128xf32, #tpu.memory_space<vmem>>
        %swap3A_741 = tpu.memref_squeeze %swap3A_740 : memref<1x64x128xf32, #tpu.memory_space<vmem>> -> memref<64x128xf32, #tpu.memory_space<vmem>>
        %swap3A_742 = arith.index_cast %add3A_647 : i32 to index
        %swap3A_743 = arith.constant 32 : index
        %swap3A_744 = tpu.vector_load %swap3A_741[%swap3A_742, %swap3A_743] {strides = array<i32>} : memref<64x128xf32, #tpu.memory_space<vmem>>, vector<1x16xf32>,
        %swap3A_745 = vector.shape_cast %swap3A_744 : vector<1x16xf32> to vector<16xf32>
        %swap3A_746 = vector.shape_cast %get3A_737 : vector<16xf32> to vector<1x16xf32>
        tpu.vector_store %swap3A_741[%swap3A_742, %swap3A_743], %swap3A_746 {strides = array<i32>} : memref<64x128xf32, #tpu.memory_space<vmem>>, vector<1x16xf32>,
        %mul3A_747 = arith.constant 2 : i32
        %mul3A_748 = arith.muli %mul3A_747, %add3A_647 : i32
        %add3A_749 = arith.constant 1 : i32
        %add3A_750 = arith.addi %mul3A_748, %add3A_749 : i32
        %get3A_751 = arith.constant 0 : i32
        %get3A_752 = arith.constant 0 : i32
        %get3A_753 = tpu.memref_slice %arg6[%scan3A_77, %get3A_751, %get3A_752] : memref<2x128x128xf32, #tpu.memory_space<vmem>> -> memref<1x128x128xf32, #tpu.memory_space<vmem>>
        %get3A_754 = tpu.memref_squeeze %get3A_753 : memref<1x128x128xf32, #tpu.memory_space<vmem>> -> memref<128x128xf32, #tpu.memory_space<vmem>>
        %get3A_755 = arith.index_cast %add3A_750 : i32 to index
        %get3A_756 = arith.constant 32 : index
        %get3A_757 = tpu.vector_load %get3A_754[%get3A_755, %get3A_756] {strides = array<i32>} : memref<128x128xf32, #tpu.memory_space<vmem>>, vector<1x16xf32>,
        %get3A_758 = vector.shape_cast %get3A_757 : vector<1x16xf32> to vector<16xf32>
        %swap3A_759 = arith.constant 0 : i32
        %swap3A_760 = arith.constant 0 : i32
        %swap3A_761 = tpu.memref_slice %arg7[%scan3A_78, %swap3A_759, %swap3A_760] : memref<2x64x128xf32, #tpu.memory_space<vmem>> -> memref<1x64x128xf32, #tpu.memory_space<vmem>>
        %swap3A_762 = tpu.memref_squeeze %swap3A_761 : memref<1x64x128xf32, #tpu.memory_space<vmem>> -> memref<64x128xf32, #tpu.memory_space<vmem>>
        %swap3A_763 = arith.index_cast %add3A_647 : i32 to index
        %swap3A_764 = arith.constant 96 : index
        %swap3A_765 = tpu.vector_load %swap3A_762[%swap3A_763, %swap3A_764] {strides = array<i32>} : memref<64x128xf32, #tpu.memory_space<vmem>>, vector<1x16xf32>,
        %swap3A_766 = vector.shape_cast %swap3A_765 : vector<1x16xf32> to vector<16xf32>
        %swap3A_767 = vector.shape_cast %get3A_758 : vector<16xf32> to vector<1x16xf32>
        tpu.vector_store %swap3A_762[%swap3A_763, %swap3A_764], %swap3A_767 {strides = array<i32>} : memref<64x128xf32, #tpu.memory_space<vmem>>, vector<1x16xf32>,
        %mul3A_768 = arith.constant 2 : i32
        %mul3A_769 = arith.muli %mul3A_768, %add3A_647 : i32
        %get3A_770 = arith.constant 0 : i32
        %get3A_771 = arith.constant 0 : i32
        %get3A_772 = tpu.memref_slice %arg6[%scan3A_77, %get3A_770, %get3A_771] : memref<2x128x128xf32, #tpu.memory_space<vmem>> -> memref<1x128x128xf32, #tpu.memory_space<vmem>>
        %get3A_773 = tpu.memref_squeeze %get3A_772 : memref<1x128x128xf32, #tpu.memory_space<vmem>> -> memref<128x128xf32, #tpu.memory_space<vmem>>
        %get3A_774 = arith.index_cast %mul3A_769 : i32 to index
        %get3A_775 = arith.constant 48 : index
        %get3A_776 = tpu.vector_load %get3A_773[%get3A_774, %get3A_775] {strides = array<i32>} : memref<128x128xf32, #tpu.memory_space<vmem>>, vector<1x16xf32>,
        %get3A_777 = vector.shape_cast %get3A_776 : vector<1x16xf32> to vector<16xf32>
        %swap3A_778 = arith.constant 0 : i32
        %swap3A_779 = arith.constant 0 : i32
        %swap3A_780 = tpu.memref_slice %arg7[%scan3A_78, %swap3A_778, %swap3A_779] : memref<2x64x128xf32, #tpu.memory_space<vmem>> -> memref<1x64x128xf32, #tpu.memory_space<vmem>>
        %swap3A_781 = tpu.memref_squeeze %swap3A_780 : memref<1x64x128xf32, #tpu.memory_space<vmem>> -> memref<64x128xf32, #tpu.memory_space<vmem>>
        %swap3A_782 = arith.index_cast %add3A_647 : i32 to index
        %swap3A_783 = arith.constant 48 : index
        %swap3A_784 = tpu.vector_load %swap3A_781[%swap3A_782, %swap3A_783] {strides = array<i32>} : memref<64x128xf32, #tpu.memory_space<vmem>>, vector<1x16xf32>,
        %swap3A_785 = vector.shape_cast %swap3A_784 : vector<1x16xf32> to vector<16xf32>
        %swap3A_786 = vector.shape_cast %get3A_777 : vector<16xf32> to vector<1x16xf32>
        tpu.vector_store %swap3A_781[%swap3A_782, %swap3A_783], %swap3A_786 {strides = array<i32>} : memref<64x128xf32, #tpu.memory_space<vmem>>, vector<1x16xf32>,
        %mul3A_787 = arith.constant 2 : i32
        %mul3A_788 = arith.muli %mul3A_787, %add3A_647 : i32
        %add3A_789 = arith.constant 1 : i32
        %add3A_790 = arith.addi %mul3A_788, %add3A_789 : i32
        %get3A_791 = arith.constant 0 : i32
        %get3A_792 = arith.constant 0 : i32
        %get3A_793 = tpu.memref_slice %arg6[%scan3A_77, %get3A_791, %get3A_792] : memref<2x128x128xf32, #tpu.memory_space<vmem>> -> memref<1x128x128xf32, #tpu.memory_space<vmem>>
        %get3A_794 = tpu.memref_squeeze %get3A_793 : memref<1x128x128xf32, #tpu.memory_space<vmem>> -> memref<128x128xf32, #tpu.memory_space<vmem>>
        %get3A_795 = arith.index_cast %add3A_790 : i32 to index
        %get3A_796 = arith.constant 48 : index
        %get3A_797 = tpu.vector_load %get3A_794[%get3A_795, %get3A_796] {strides = array<i32>} : memref<128x128xf32, #tpu.memory_space<vmem>>, vector<1x16xf32>,
        %get3A_798 = vector.shape_cast %get3A_797 : vector<1x16xf32> to vector<16xf32>
        %swap3A_799 = arith.constant 0 : i32
        %swap3A_800 = arith.constant 0 : i32
        %swap3A_801 = tpu.memref_slice %arg7[%scan3A_78, %swap3A_799, %swap3A_800] : memref<2x64x128xf32, #tpu.memory_space<vmem>> -> memref<1x64x128xf32, #tpu.memory_space<vmem>>
        %swap3A_802 = tpu.memref_squeeze %swap3A_801 : memref<1x64x128xf32, #tpu.memory_space<vmem>> -> memref<64x128xf32, #tpu.memory_space<vmem>>
        %swap3A_803 = arith.index_cast %add3A_647 : i32 to index
        %swap3A_804 = arith.constant 112 : index
        %swap3A_805 = tpu.vector_load %swap3A_802[%swap3A_803, %swap3A_804] {strides = array<i32>} : memref<64x128xf32, #tpu.memory_space<vmem>>, vector<1x16xf32>,
        %swap3A_806 = vector.shape_cast %swap3A_805 : vector<1x16xf32> to vector<16xf32>
        %swap3A_807 = vector.shape_cast %get3A_798 : vector<16xf32> to vector<1x16xf32>
        tpu.vector_store %swap3A_802[%swap3A_803, %swap3A_804], %swap3A_807 {strides = array<i32>} : memref<64x128xf32, #tpu.memory_space<vmem>>, vector<1x16xf32>,
        %mul3A_808 = arith.constant 8 : i32
        %mul3A_809 = arith.muli %mul3A_808, %scan3A_153 : i32
        %add3A_810 = arith.constant 4 : i32
        %add3A_811 = arith.addi %mul3A_809, %add3A_810 : i32
        %mul3A_812 = arith.constant 2 : i32
        %mul3A_813 = arith.muli %mul3A_812, %add3A_811 : i32
        %get3A_814 = arith.constant 0 : i32
        %get3A_815 = arith.constant 0 : i32
        %get3A_816 = tpu.memref_slice %arg6[%scan3A_77, %get3A_814, %get3A_815] : memref<2x128x128xf32, #tpu.memory_space<vmem>> -> memref<1x128x128xf32, #tpu.memory_space<vmem>>
        %get3A_817 = tpu.memref_squeeze %get3A_816 : memref<1x128x128xf32, #tpu.memory_space<vmem>> -> memref<128x128xf32, #tpu.memory_space<vmem>>
        %get3A_818 = arith.index_cast %mul3A_813 : i32 to index
        %get3A_819 = arith.constant 0 : index
        %get3A_820 = tpu.vector_load %get3A_817[%get3A_818, %get3A_819] {strides = array<i32>} : memref<128x128xf32, #tpu.memory_space<vmem>>, vector<1x16xf32>,
        %get3A_821 = vector.shape_cast %get3A_820 : vector<1x16xf32> to vector<16xf32>
        %swap3A_822 = arith.constant 0 : i32
        %swap3A_823 = arith.constant 0 : i32
        %swap3A_824 = tpu.memref_slice %arg7[%scan3A_78, %swap3A_822, %swap3A_823] : memref<2x64x128xf32, #tpu.memory_space<vmem>> -> memref<1x64x128xf32, #tpu.memory_space<vmem>>
        %swap3A_825 = tpu.memref_squeeze %swap3A_824 : memref<1x64x128xf32, #tpu.memory_space<vmem>> -> memref<64x128xf32, #tpu.memory_space<vmem>>
        %swap3A_826 = arith.index_cast %add3A_811 : i32 to index
        %swap3A_827 = arith.constant 0 : index
        %swap3A_828 = tpu.vector_load %swap3A_825[%swap3A_826, %swap3A_827] {strides = array<i32>} : memref<64x128xf32, #tpu.memory_space<vmem>>, vector<1x16xf32>,
        %swap3A_829 = vector.shape_cast %swap3A_828 : vector<1x16xf32> to vector<16xf32>
        %swap3A_830 = vector.shape_cast %get3A_821 : vector<16xf32> to vector<1x16xf32>
        tpu.vector_store %swap3A_825[%swap3A_826, %swap3A_827], %swap3A_830 {strides = array<i32>} : memref<64x128xf32, #tpu.memory_space<vmem>>, vector<1x16xf32>,
        %mul3A_831 = arith.constant 2 : i32
        %mul3A_832 = arith.muli %mul3A_831, %add3A_811 : i32
        %add3A_833 = arith.constant 1 : i32
        %add3A_834 = arith.addi %mul3A_832, %add3A_833 : i32
        %get3A_835 = arith.constant 0 : i32
        %get3A_836 = arith.constant 0 : i32
        %get3A_837 = tpu.memref_slice %arg6[%scan3A_77, %get3A_835, %get3A_836] : memref<2x128x128xf32, #tpu.memory_space<vmem>> -> memref<1x128x128xf32, #tpu.memory_space<vmem>>
        %get3A_838 = tpu.memref_squeeze %get3A_837 : memref<1x128x128xf32, #tpu.memory_space<vmem>> -> memref<128x128xf32, #tpu.memory_space<vmem>>
        %get3A_839 = arith.index_cast %add3A_834 : i32 to index
        %get3A_840 = arith.constant 0 : index
        %get3A_841 = tpu.vector_load %get3A_838[%get3A_839, %get3A_840] {strides = array<i32>} : memref<128x128xf32, #tpu.memory_space<vmem>>, vector<1x16xf32>,
        %get3A_842 = vector.shape_cast %get3A_841 : vector<1x16xf32> to vector<16xf32>
        %swap3A_843 = arith.constant 0 : i32
        %swap3A_844 = arith.constant 0 : i32
        %swap3A_845 = tpu.memref_slice %arg7[%scan3A_78, %swap3A_843, %swap3A_844] : memref<2x64x128xf32, #tpu.memory_space<vmem>> -> memref<1x64x128xf32, #tpu.memory_space<vmem>>
        %swap3A_846 = tpu.memref_squeeze %swap3A_845 : memref<1x64x128xf32, #tpu.memory_space<vmem>> -> memref<64x128xf32, #tpu.memory_space<vmem>>
        %swap3A_847 = arith.index_cast %add3A_811 : i32 to index
        %swap3A_848 = arith.constant 64 : index
        %swap3A_849 = tpu.vector_load %swap3A_846[%swap3A_847, %swap3A_848] {strides = array<i32>} : memref<64x128xf32, #tpu.memory_space<vmem>>, vector<1x16xf32>,
        %swap3A_850 = vector.shape_cast %swap3A_849 : vector<1x16xf32> to vector<16xf32>
        %swap3A_851 = vector.shape_cast %get3A_842 : vector<16xf32> to vector<1x16xf32>
        tpu.vector_store %swap3A_846[%swap3A_847, %swap3A_848], %swap3A_851 {strides = array<i32>} : memref<64x128xf32, #tpu.memory_space<vmem>>, vector<1x16xf32>,
        %mul3A_852 = arith.constant 2 : i32
        %mul3A_853 = arith.muli %mul3A_852, %add3A_811 : i32
        %get3A_854 = arith.constant 0 : i32
        %get3A_855 = arith.constant 0 : i32
        %get3A_856 = tpu.memref_slice %arg6[%scan3A_77, %get3A_854, %get3A_855] : memref<2x128x128xf32, #tpu.memory_space<vmem>> -> memref<1x128x128xf32, #tpu.memory_space<vmem>>
        %get3A_857 = tpu.memref_squeeze %get3A_856 : memref<1x128x128xf32, #tpu.memory_space<vmem>> -> memref<128x128xf32, #tpu.memory_space<vmem>>
        %get3A_858 = arith.index_cast %mul3A_853 : i32 to index
        %get3A_859 = arith.constant 16 : index
        %get3A_860 = tpu.vector_load %get3A_857[%get3A_858, %get3A_859] {strides = array<i32>} : memref<128x128xf32, #tpu.memory_space<vmem>>, vector<1x16xf32>,
        %get3A_861 = vector.shape_cast %get3A_860 : vector<1x16xf32> to vector<16xf32>
        %swap3A_862 = arith.constant 0 : i32
        %swap3A_863 = arith.constant 0 : i32
        %swap3A_864 = tpu.memref_slice %arg7[%scan3A_78, %swap3A_862, %swap3A_863] : memref<2x64x128xf32, #tpu.memory_space<vmem>> -> memref<1x64x128xf32, #tpu.memory_space<vmem>>
        %swap3A_865 = tpu.memref_squeeze %swap3A_864 : memref<1x64x128xf32, #tpu.memory_space<vmem>> -> memref<64x128xf32, #tpu.memory_space<vmem>>
        %swap3A_866 = arith.index_cast %add3A_811 : i32 to index
        %swap3A_867 = arith.constant 16 : index
        %swap3A_868 = tpu.vector_load %swap3A_865[%swap3A_866, %swap3A_867] {strides = array<i32>} : memref<64x128xf32, #tpu.memory_space<vmem>>, vector<1x16xf32>,
        %swap3A_869 = vector.shape_cast %swap3A_868 : vector<1x16xf32> to vector<16xf32>
        %swap3A_870 = vector.shape_cast %get3A_861 : vector<16xf32> to vector<1x16xf32>
        tpu.vector_store %swap3A_865[%swap3A_866, %swap3A_867], %swap3A_870 {strides = array<i32>} : memref<64x128xf32, #tpu.memory_space<vmem>>, vector<1x16xf32>,
        %mul3A_871 = arith.constant 2 : i32
        %mul3A_872 = arith.muli %mul3A_871, %add3A_811 : i32
        %add3A_873 = arith.constant 1 : i32
        %add3A_874 = arith.addi %mul3A_872, %add3A_873 : i32
        %get3A_875 = arith.constant 0 : i32
        %get3A_876 = arith.constant 0 : i32
        %get3A_877 = tpu.memref_slice %arg6[%scan3A_77, %get3A_875, %get3A_876] : memref<2x128x128xf32, #tpu.memory_space<vmem>> -> memref<1x128x128xf32, #tpu.memory_space<vmem>>
        %get3A_878 = tpu.memref_squeeze %get3A_877 : memref<1x128x128xf32, #tpu.memory_space<vmem>> -> memref<128x128xf32, #tpu.memory_space<vmem>>
        %get3A_879 = arith.index_cast %add3A_874 : i32 to index
        %get3A_880 = arith.constant 16 : index
        %get3A_881 = tpu.vector_load %get3A_878[%get3A_879, %get3A_880] {strides = array<i32>} : memref<128x128xf32, #tpu.memory_space<vmem>>, vector<1x16xf32>,
        %get3A_882 = vector.shape_cast %get3A_881 : vector<1x16xf32> to vector<16xf32>
        %swap3A_883 = arith.constant 0 : i32
        %swap3A_884 = arith.constant 0 : i32
        %swap3A_885 = tpu.memref_slice %arg7[%scan3A_78, %swap3A_883, %swap3A_884] : memref<2x64x128xf32, #tpu.memory_space<vmem>> -> memref<1x64x128xf32, #tpu.memory_space<vmem>>
        %swap3A_886 = tpu.memref_squeeze %swap3A_885 : memref<1x64x128xf32, #tpu.memory_space<vmem>> -> memref<64x128xf32, #tpu.memory_space<vmem>>
        %swap3A_887 = arith.index_cast %add3A_811 : i32 to index
        %swap3A_888 = arith.constant 80 : index
        %swap3A_889 = tpu.vector_load %swap3A_886[%swap3A_887, %swap3A_888] {strides = array<i32>} : memref<64x128xf32, #tpu.memory_space<vmem>>, vector<1x16xf32>,
        %swap3A_890 = vector.shape_cast %swap3A_889 : vector<1x16xf32> to vector<16xf32>
        %swap3A_891 = vector.shape_cast %get3A_882 : vector<16xf32> to vector<1x16xf32>
        tpu.vector_store %swap3A_886[%swap3A_887, %swap3A_888], %swap3A_891 {strides = array<i32>} : memref<64x128xf32, #tpu.memory_space<vmem>>, vector<1x16xf32>,
        %mul3A_892 = arith.constant 2 : i32
        %mul3A_893 = arith.muli %mul3A_892, %add3A_811 : i32
        %get3A_894 = arith.constant 0 : i32
        %get3A_895 = arith.constant 0 : i32
        %get3A_896 = tpu.memref_slice %arg6[%scan3A_77, %get3A_894, %get3A_895] : memref<2x128x128xf32, #tpu.memory_space<vmem>> -> memref<1x128x128xf32, #tpu.memory_space<vmem>>
        %get3A_897 = tpu.memref_squeeze %get3A_896 : memref<1x128x128xf32, #tpu.memory_space<vmem>> -> memref<128x128xf32, #tpu.memory_space<vmem>>
        %get3A_898 = arith.index_cast %mul3A_893 : i32 to index
        %get3A_899 = arith.constant 32 : index
        %get3A_900 = tpu.vector_load %get3A_897[%get3A_898, %get3A_899] {strides = array<i32>} : memref<128x128xf32, #tpu.memory_space<vmem>>, vector<1x16xf32>,
        %get3A_901 = vector.shape_cast %get3A_900 : vector<1x16xf32> to vector<16xf32>
        %swap3A_902 = arith.constant 0 : i32
        %swap3A_903 = arith.constant 0 : i32
        %swap3A_904 = tpu.memref_slice %arg7[%scan3A_78, %swap3A_902, %swap3A_903] : memref<2x64x128xf32, #tpu.memory_space<vmem>> -> memref<1x64x128xf32, #tpu.memory_space<vmem>>
        %swap3A_905 = tpu.memref_squeeze %swap3A_904 : memref<1x64x128xf32, #tpu.memory_space<vmem>> -> memref<64x128xf32, #tpu.memory_space<vmem>>
        %swap3A_906 = arith.index_cast %add3A_811 : i32 to index
        %swap3A_907 = arith.constant 32 : index
        %swap3A_908 = tpu.vector_load %swap3A_905[%swap3A_906, %swap3A_907] {strides = array<i32>} : memref<64x128xf32, #tpu.memory_space<vmem>>, vector<1x16xf32>,
        %swap3A_909 = vector.shape_cast %swap3A_908 : vector<1x16xf32> to vector<16xf32>
        %swap3A_910 = vector.shape_cast %get3A_901 : vector<16xf32> to vector<1x16xf32>
        tpu.vector_store %swap3A_905[%swap3A_906, %swap3A_907], %swap3A_910 {strides = array<i32>} : memref<64x128xf32, #tpu.memory_space<vmem>>, vector<1x16xf32>,
        %mul3A_911 = arith.constant 2 : i32
        %mul3A_912 = arith.muli %mul3A_911, %add3A_811 : i32
        %add3A_913 = arith.constant 1 : i32
        %add3A_914 = arith.addi %mul3A_912, %add3A_913 : i32
        %get3A_915 = arith.constant 0 : i32
        %get3A_916 = arith.constant 0 : i32
        %get3A_917 = tpu.memref_slice %arg6[%scan3A_77, %get3A_915, %get3A_916] : memref<2x128x128xf32, #tpu.memory_space<vmem>> -> memref<1x128x128xf32, #tpu.memory_space<vmem>>
        %get3A_918 = tpu.memref_squeeze %get3A_917 : memref<1x128x128xf32, #tpu.memory_space<vmem>> -> memref<128x128xf32, #tpu.memory_space<vmem>>
        %get3A_919 = arith.index_cast %add3A_914 : i32 to index
        %get3A_920 = arith.constant 32 : index
        %get3A_921 = tpu.vector_load %get3A_918[%get3A_919, %get3A_920] {strides = array<i32>} : memref<128x128xf32, #tpu.memory_space<vmem>>, vector<1x16xf32>,
        %get3A_922 = vector.shape_cast %get3A_921 : vector<1x16xf32> to vector<16xf32>
        %swap3A_923 = arith.constant 0 : i32
        %swap3A_924 = arith.constant 0 : i32
        %swap3A_925 = tpu.memref_slice %arg7[%scan3A_78, %swap3A_923, %swap3A_924] : memref<2x64x128xf32, #tpu.memory_space<vmem>> -> memref<1x64x128xf32, #tpu.memory_space<vmem>>
        %swap3A_926 = tpu.memref_squeeze %swap3A_925 : memref<1x64x128xf32, #tpu.memory_space<vmem>> -> memref<64x128xf32, #tpu.memory_space<vmem>>
        %swap3A_927 = arith.index_cast %add3A_811 : i32 to index
        %swap3A_928 = arith.constant 96 : index
        %swap3A_929 = tpu.vector_load %swap3A_926[%swap3A_927, %swap3A_928] {strides = array<i32>} : memref<64x128xf32, #tpu.memory_space<vmem>>, vector<1x16xf32>,
        %swap3A_930 = vector.shape_cast %swap3A_929 : vector<1x16xf32> to vector<16xf32>
        %swap3A_931 = vector.shape_cast %get3A_922 : vector<16xf32> to vector<1x16xf32>
        tpu.vector_store %swap3A_926[%swap3A_927, %swap3A_928], %swap3A_931 {strides = array<i32>} : memref<64x128xf32, #tpu.memory_space<vmem>>, vector<1x16xf32>,
        %mul3A_932 = arith.constant 2 : i32
        %mul3A_933 = arith.muli %mul3A_932, %add3A_811 : i32
        %get3A_934 = arith.constant 0 : i32
        %get3A_935 = arith.constant 0 : i32
        %get3A_936 = tpu.memref_slice %arg6[%scan3A_77, %get3A_934, %get3A_935] : memref<2x128x128xf32, #tpu.memory_space<vmem>> -> memref<1x128x128xf32, #tpu.memory_space<vmem>>
        %get3A_937 = tpu.memref_squeeze %get3A_936 : memref<1x128x128xf32, #tpu.memory_space<vmem>> -> memref<128x128xf32, #tpu.memory_space<vmem>>
        %get3A_938 = arith.index_cast %mul3A_933 : i32 to index
        %get3A_939 = arith.constant 48 : index
        %get3A_940 = tpu.vector_load %get3A_937[%get3A_938, %get3A_939] {strides = array<i32>} : memref<128x128xf32, #tpu.memory_space<vmem>>, vector<1x16xf32>,
        %get3A_941 = vector.shape_cast %get3A_940 : vector<1x16xf32> to vector<16xf32>
        %swap3A_942 = arith.constant 0 : i32
        %swap3A_943 = arith.constant 0 : i32
        %swap3A_944 = tpu.memref_slice %arg7[%scan3A_78, %swap3A_942, %swap3A_943] : memref<2x64x128xf32, #tpu.memory_space<vmem>> -> memref<1x64x128xf32, #tpu.memory_space<vmem>>
        %swap3A_945 = tpu.memref_squeeze %swap3A_944 : memref<1x64x128xf32, #tpu.memory_space<vmem>> -> memref<64x128xf32, #tpu.memory_space<vmem>>
        %swap3A_946 = arith.index_cast %add3A_811 : i32 to index
        %swap3A_947 = arith.constant 48 : index
        %swap3A_948 = tpu.vector_load %swap3A_945[%swap3A_946, %swap3A_947] {strides = array<i32>} : memref<64x128xf32, #tpu.memory_space<vmem>>, vector<1x16xf32>,
        %swap3A_949 = vector.shape_cast %swap3A_948 : vector<1x16xf32> to vector<16xf32>
        %swap3A_950 = vector.shape_cast %get3A_941 : vector<16xf32> to vector<1x16xf32>
        tpu.vector_store %swap3A_945[%swap3A_946, %swap3A_947], %swap3A_950 {strides = array<i32>} : memref<64x128xf32, #tpu.memory_space<vmem>>, vector<1x16xf32>,
        %mul3A_951 = arith.constant 2 : i32
        %mul3A_952 = arith.muli %mul3A_951, %add3A_811 : i32
        %add3A_953 = arith.constant 1 : i32
        %add3A_954 = arith.addi %mul3A_952, %add3A_953 : i32
        %get3A_955 = arith.constant 0 : i32
        %get3A_956 = arith.constant 0 : i32
        %get3A_957 = tpu.memref_slice %arg6[%scan3A_77, %get3A_955, %get3A_956] : memref<2x128x128xf32, #tpu.memory_space<vmem>> -> memref<1x128x128xf32, #tpu.memory_space<vmem>>
        %get3A_958 = tpu.memref_squeeze %get3A_957 : memref<1x128x128xf32, #tpu.memory_space<vmem>> -> memref<128x128xf32, #tpu.memory_space<vmem>>
        %get3A_959 = arith.index_cast %add3A_954 : i32 to index
        %get3A_960 = arith.constant 48 : index
        %get3A_961 = tpu.vector_load %get3A_958[%get3A_959, %get3A_960] {strides = array<i32>} : memref<128x128xf32, #tpu.memory_space<vmem>>, vector<1x16xf32>,
        %get3A_962 = vector.shape_cast %get3A_961 : vector<1x16xf32> to vector<16xf32>
        %swap3A_963 = arith.constant 0 : i32
        %swap3A_964 = arith.constant 0 : i32
        %swap3A_965 = tpu.memref_slice %arg7[%scan3A_78, %swap3A_963, %swap3A_964] : memref<2x64x128xf32, #tpu.memory_space<vmem>> -> memref<1x64x128xf32, #tpu.memory_space<vmem>>
        %swap3A_966 = tpu.memref_squeeze %swap3A_965 : memref<1x64x128xf32, #tpu.memory_space<vmem>> -> memref<64x128xf32, #tpu.memory_space<vmem>>
        %swap3A_967 = arith.index_cast %add3A_811 : i32 to index
        %swap3A_968 = arith.constant 112 : index
        %swap3A_969 = tpu.vector_load %swap3A_966[%swap3A_967, %swap3A_968] {strides = array<i32>} : memref<64x128xf32, #tpu.memory_space<vmem>>, vector<1x16xf32>,
        %swap3A_970 = vector.shape_cast %swap3A_969 : vector<1x16xf32> to vector<16xf32>
        %swap3A_971 = vector.shape_cast %get3A_962 : vector<16xf32> to vector<1x16xf32>
        tpu.vector_store %swap3A_966[%swap3A_967, %swap3A_968], %swap3A_971 {strides = array<i32>} : memref<64x128xf32, #tpu.memory_space<vmem>>, vector<1x16xf32>,
        %mul3A_972 = arith.constant 8 : i32
        %mul3A_973 = arith.muli %mul3A_972, %scan3A_153 : i32
        %add3A_974 = arith.constant 5 : i32
        %add3A_975 = arith.addi %mul3A_973, %add3A_974 : i32
        %mul3A_976 = arith.constant 2 : i32
        %mul3A_977 = arith.muli %mul3A_976, %add3A_975 : i32
        %get3A_978 = arith.constant 0 : i32
        %get3A_979 = arith.constant 0 : i32
        %get3A_980 = tpu.memref_slice %arg6[%scan3A_77, %get3A_978, %get3A_979] : memref<2x128x128xf32, #tpu.memory_space<vmem>> -> memref<1x128x128xf32, #tpu.memory_space<vmem>>
        %get3A_981 = tpu.memref_squeeze %get3A_980 : memref<1x128x128xf32, #tpu.memory_space<vmem>> -> memref<128x128xf32, #tpu.memory_space<vmem>>
        %get3A_982 = arith.index_cast %mul3A_977 : i32 to index
        %get3A_983 = arith.constant 0 : index
        %get3A_984 = tpu.vector_load %get3A_981[%get3A_982, %get3A_983] {strides = array<i32>} : memref<128x128xf32, #tpu.memory_space<vmem>>, vector<1x16xf32>,
        %get3A_985 = vector.shape_cast %get3A_984 : vector<1x16xf32> to vector<16xf32>
        %swap3A_986 = arith.constant 0 : i32
        %swap3A_987 = arith.constant 0 : i32
        %swap3A_988 = tpu.memref_slice %arg7[%scan3A_78, %swap3A_986, %swap3A_987] : memref<2x64x128xf32, #tpu.memory_space<vmem>> -> memref<1x64x128xf32, #tpu.memory_space<vmem>>
        %swap3A_989 = tpu.memref_squeeze %swap3A_988 : memref<1x64x128xf32, #tpu.memory_space<vmem>> -> memref<64x128xf32, #tpu.memory_space<vmem>>
        %swap3A_990 = arith.index_cast %add3A_975 : i32 to index
        %swap3A_991 = arith.constant 0 : index
        %swap3A_992 = tpu.vector_load %swap3A_989[%swap3A_990, %swap3A_991] {strides = array<i32>} : memref<64x128xf32, #tpu.memory_space<vmem>>, vector<1x16xf32>,
        %swap3A_993 = vector.shape_cast %swap3A_992 : vector<1x16xf32> to vector<16xf32>
        %swap3A_994 = vector.shape_cast %get3A_985 : vector<16xf32> to vector<1x16xf32>
        tpu.vector_store %swap3A_989[%swap3A_990, %swap3A_991], %swap3A_994 {strides = array<i32>} : memref<64x128xf32, #tpu.memory_space<vmem>>, vector<1x16xf32>,
        %mul3A_995 = arith.constant 2 : i32
        %mul3A_996 = arith.muli %mul3A_995, %add3A_975 : i32
        %add3A_997 = arith.constant 1 : i32
        %add3A_998 = arith.addi %mul3A_996, %add3A_997 : i32
        %get3A_999 = arith.constant 0 : i32
        %get3A_1000 = arith.constant 0 : i32
        %get3A_1001 = tpu.memref_slice %arg6[%scan3A_77, %get3A_999, %get3A_1000] : memref<2x128x128xf32, #tpu.memory_space<vmem>> -> memref<1x128x128xf32, #tpu.memory_space<vmem>>
        %get3A_1002 = tpu.memref_squeeze %get3A_1001 : memref<1x128x128xf32, #tpu.memory_space<vmem>> -> memref<128x128xf32, #tpu.memory_space<vmem>>
        %get3A_1003 = arith.index_cast %add3A_998 : i32 to index
        %get3A_1004 = arith.constant 0 : index
        %get3A_1005 = tpu.vector_load %get3A_1002[%get3A_1003, %get3A_1004] {strides = array<i32>} : memref<128x128xf32, #tpu.memory_space<vmem>>, vector<1x16xf32>,
        %get3A_1006 = vector.shape_cast %get3A_1005 : vector<1x16xf32> to vector<16xf32>
        %swap3A_1007 = arith.constant 0 : i32
        %swap3A_1008 = arith.constant 0 : i32
        %swap3A_1009 = tpu.memref_slice %arg7[%scan3A_78, %swap3A_1007, %swap3A_1008] : memref<2x64x128xf32, #tpu.memory_space<vmem>> -> memref<1x64x128xf32, #tpu.memory_space<vmem>>
        %swap3A_1010 = tpu.memref_squeeze %swap3A_1009 : memref<1x64x128xf32, #tpu.memory_space<vmem>> -> memref<64x128xf32, #tpu.memory_space<vmem>>
        %swap3A_1011 = arith.index_cast %add3A_975 : i32 to index
        %swap3A_1012 = arith.constant 64 : index
        %swap3A_1013 = tpu.vector_load %swap3A_1010[%swap3A_1011, %swap3A_1012] {strides = array<i32>} : memref<64x128xf32, #tpu.memory_space<vmem>>, vector<1x16xf32>,
        %swap3A_1014 = vector.shape_cast %swap3A_1013 : vector<1x16xf32> to vector<16xf32>
        %swap3A_1015 = vector.shape_cast %get3A_1006 : vector<16xf32> to vector<1x16xf32>
        tpu.vector_store %swap3A_1010[%swap3A_1011, %swap3A_1012], %swap3A_1015 {strides = array<i32>} : memref<64x128xf32, #tpu.memory_space<vmem>>, vector<1x16xf32>,
        %mul3A_1016 = arith.constant 2 : i32
        %mul3A_1017 = arith.muli %mul3A_1016, %add3A_975 : i32
        %get3A_1018 = arith.constant 0 : i32
        %get3A_1019 = arith.constant 0 : i32
        %get3A_1020 = tpu.memref_slice %arg6[%scan3A_77, %get3A_1018, %get3A_1019] : memref<2x128x128xf32, #tpu.memory_space<vmem>> -> memref<1x128x128xf32, #tpu.memory_space<vmem>>
        %get3A_1021 = tpu.memref_squeeze %get3A_1020 : memref<1x128x128xf32, #tpu.memory_space<vmem>> -> memref<128x128xf32, #tpu.memory_space<vmem>>
        %get3A_1022 = arith.index_cast %mul3A_1017 : i32 to index
        %get3A_1023 = arith.constant 16 : index
        %get3A_1024 = tpu.vector_load %get3A_1021[%get3A_1022, %get3A_1023] {strides = array<i32>} : memref<128x128xf32, #tpu.memory_space<vmem>>, vector<1x16xf32>,
        %get3A_1025 = vector.shape_cast %get3A_1024 : vector<1x16xf32> to vector<16xf32>
        %swap3A_1026 = arith.constant 0 : i32
        %swap3A_1027 = arith.constant 0 : i32
        %swap3A_1028 = tpu.memref_slice %arg7[%scan3A_78, %swap3A_1026, %swap3A_1027] : memref<2x64x128xf32, #tpu.memory_space<vmem>> -> memref<1x64x128xf32, #tpu.memory_space<vmem>>
        %swap3A_1029 = tpu.memref_squeeze %swap3A_1028 : memref<1x64x128xf32, #tpu.memory_space<vmem>> -> memref<64x128xf32, #tpu.memory_space<vmem>>
        %swap3A_1030 = arith.index_cast %add3A_975 : i32 to index
        %swap3A_1031 = arith.constant 16 : index
        %swap3A_1032 = tpu.vector_load %swap3A_1029[%swap3A_1030, %swap3A_1031] {strides = array<i32>} : memref<64x128xf32, #tpu.memory_space<vmem>>, vector<1x16xf32>,
        %swap3A_1033 = vector.shape_cast %swap3A_1032 : vector<1x16xf32> to vector<16xf32>
        %swap3A_1034 = vector.shape_cast %get3A_1025 : vector<16xf32> to vector<1x16xf32>
        tpu.vector_store %swap3A_1029[%swap3A_1030, %swap3A_1031], %swap3A_1034 {strides = array<i32>} : memref<64x128xf32, #tpu.memory_space<vmem>>, vector<1x16xf32>,
        %mul3A_1035 = arith.constant 2 : i32
        %mul3A_1036 = arith.muli %mul3A_1035, %add3A_975 : i32
        %add3A_1037 = arith.constant 1 : i32
        %add3A_1038 = arith.addi %mul3A_1036, %add3A_1037 : i32
        %get3A_1039 = arith.constant 0 : i32
        %get3A_1040 = arith.constant 0 : i32
        %get3A_1041 = tpu.memref_slice %arg6[%scan3A_77, %get3A_1039, %get3A_1040] : memref<2x128x128xf32, #tpu.memory_space<vmem>> -> memref<1x128x128xf32, #tpu.memory_space<vmem>>
        %get3A_1042 = tpu.memref_squeeze %get3A_1041 : memref<1x128x128xf32, #tpu.memory_space<vmem>> -> memref<128x128xf32, #tpu.memory_space<vmem>>
        %get3A_1043 = arith.index_cast %add3A_1038 : i32 to index
        %get3A_1044 = arith.constant 16 : index
        %get3A_1045 = tpu.vector_load %get3A_1042[%get3A_1043, %get3A_1044] {strides = array<i32>} : memref<128x128xf32, #tpu.memory_space<vmem>>, vector<1x16xf32>,
        %get3A_1046 = vector.shape_cast %get3A_1045 : vector<1x16xf32> to vector<16xf32>
        %swap3A_1047 = arith.constant 0 : i32
        %swap3A_1048 = arith.constant 0 : i32
        %swap3A_1049 = tpu.memref_slice %arg7[%scan3A_78, %swap3A_1047, %swap3A_1048] : memref<2x64x128xf32, #tpu.memory_space<vmem>> -> memref<1x64x128xf32, #tpu.memory_space<vmem>>
        %swap3A_1050 = tpu.memref_squeeze %swap3A_1049 : memref<1x64x128xf32, #tpu.memory_space<vmem>> -> memref<64x128xf32, #tpu.memory_space<vmem>>
        %swap3A_1051 = arith.index_cast %add3A_975 : i32 to index
        %swap3A_1052 = arith.constant 80 : index
        %swap3A_1053 = tpu.vector_load %swap3A_1050[%swap3A_1051, %swap3A_1052] {strides = array<i32>} : memref<64x128xf32, #tpu.memory_space<vmem>>, vector<1x16xf32>,
        %swap3A_1054 = vector.shape_cast %swap3A_1053 : vector<1x16xf32> to vector<16xf32>
        %swap3A_1055 = vector.shape_cast %get3A_1046 : vector<16xf32> to vector<1x16xf32>
        tpu.vector_store %swap3A_1050[%swap3A_1051, %swap3A_1052], %swap3A_1055 {strides = array<i32>} : memref<64x128xf32, #tpu.memory_space<vmem>>, vector<1x16xf32>,
        %mul3A_1056 = arith.constant 2 : i32
        %mul3A_1057 = arith.muli %mul3A_1056, %add3A_975 : i32
        %get3A_1058 = arith.constant 0 : i32
        %get3A_1059 = arith.constant 0 : i32
        %get3A_1060 = tpu.memref_slice %arg6[%scan3A_77, %get3A_1058, %get3A_1059] : memref<2x128x128xf32, #tpu.memory_space<vmem>> -> memref<1x128x128xf32, #tpu.memory_space<vmem>>
        %get3A_1061 = tpu.memref_squeeze %get3A_1060 : memref<1x128x128xf32, #tpu.memory_space<vmem>> -> memref<128x128xf32, #tpu.memory_space<vmem>>
        %get3A_1062 = arith.index_cast %mul3A_1057 : i32 to index
        %get3A_1063 = arith.constant 32 : index
        %get3A_1064 = tpu.vector_load %get3A_1061[%get3A_1062, %get3A_1063] {strides = array<i32>} : memref<128x128xf32, #tpu.memory_space<vmem>>, vector<1x16xf32>,
        %get3A_1065 = vector.shape_cast %get3A_1064 : vector<1x16xf32> to vector<16xf32>
        %swap3A_1066 = arith.constant 0 : i32
        %swap3A_1067 = arith.constant 0 : i32
        %swap3A_1068 = tpu.memref_slice %arg7[%scan3A_78, %swap3A_1066, %swap3A_1067] : memref<2x64x128xf32, #tpu.memory_space<vmem>> -> memref<1x64x128xf32, #tpu.memory_space<vmem>>
        %swap3A_1069 = tpu.memref_squeeze %swap3A_1068 : memref<1x64x128xf32, #tpu.memory_space<vmem>> -> memref<64x128xf32, #tpu.memory_space<vmem>>
        %swap3A_1070 = arith.index_cast %add3A_975 : i32 to index
        %swap3A_1071 = arith.constant 32 : index
        %swap3A_1072 = tpu.vector_load %swap3A_1069[%swap3A_1070, %swap3A_1071] {strides = array<i32>} : memref<64x128xf32, #tpu.memory_space<vmem>>, vector<1x16xf32>,
        %swap3A_1073 = vector.shape_cast %swap3A_1072 : vector<1x16xf32> to vector<16xf32>
        %swap3A_1074 = vector.shape_cast %get3A_1065 : vector<16xf32> to vector<1x16xf32>
        tpu.vector_store %swap3A_1069[%swap3A_1070, %swap3A_1071], %swap3A_1074 {strides = array<i32>} : memref<64x128xf32, #tpu.memory_space<vmem>>, vector<1x16xf32>,
        %mul3A_1075 = arith.constant 2 : i32
        %mul3A_1076 = arith.muli %mul3A_1075, %add3A_975 : i32
        %add3A_1077 = arith.constant 1 : i32
        %add3A_1078 = arith.addi %mul3A_1076, %add3A_1077 : i32
        %get3A_1079 = arith.constant 0 : i32
        %get3A_1080 = arith.constant 0 : i32
        %get3A_1081 = tpu.memref_slice %arg6[%scan3A_77, %get3A_1079, %get3A_1080] : memref<2x128x128xf32, #tpu.memory_space<vmem>> -> memref<1x128x128xf32, #tpu.memory_space<vmem>>
        %get3A_1082 = tpu.memref_squeeze %get3A_1081 : memref<1x128x128xf32, #tpu.memory_space<vmem>> -> memref<128x128xf32, #tpu.memory_space<vmem>>
        %get3A_1083 = arith.index_cast %add3A_1078 : i32 to index
        %get3A_1084 = arith.constant 32 : index
        %get3A_1085 = tpu.vector_load %get3A_1082[%get3A_1083, %get3A_1084] {strides = array<i32>} : memref<128x128xf32, #tpu.memory_space<vmem>>, vector<1x16xf32>,
        %get3A_1086 = vector.shape_cast %get3A_1085 : vector<1x16xf32> to vector<16xf32>
        %swap3A_1087 = arith.constant 0 : i32
        %swap3A_1088 = arith.constant 0 : i32
        %swap3A_1089 = tpu.memref_slice %arg7[%scan3A_78, %swap3A_1087, %swap3A_1088] : memref<2x64x128xf32, #tpu.memory_space<vmem>> -> memref<1x64x128xf32, #tpu.memory_space<vmem>>
        %swap3A_1090 = tpu.memref_squeeze %swap3A_1089 : memref<1x64x128xf32, #tpu.memory_space<vmem>> -> memref<64x128xf32, #tpu.memory_space<vmem>>
        %swap3A_1091 = arith.index_cast %add3A_975 : i32 to index
        %swap3A_1092 = arith.constant 96 : index
        %swap3A_1093 = tpu.vector_load %swap3A_1090[%swap3A_1091, %swap3A_1092] {strides = array<i32>} : memref<64x128xf32, #tpu.memory_space<vmem>>, vector<1x16xf32>,
        %swap3A_1094 = vector.shape_cast %swap3A_1093 : vector<1x16xf32> to vector<16xf32>
        %swap3A_1095 = vector.shape_cast %get3A_1086 : vector<16xf32> to vector<1x16xf32>
        tpu.vector_store %swap3A_1090[%swap3A_1091, %swap3A_1092], %swap3A_1095 {strides = array<i32>} : memref<64x128xf32, #tpu.memory_space<vmem>>, vector<1x16xf32>,
        %mul3A_1096 = arith.constant 2 : i32
        %mul3A_1097 = arith.muli %mul3A_1096, %add3A_975 : i32
        %get3A_1098 = arith.constant 0 : i32
        %get3A_1099 = arith.constant 0 : i32
        %get3A_1100 = tpu.memref_slice %arg6[%scan3A_77, %get3A_1098, %get3A_1099] : memref<2x128x128xf32, #tpu.memory_space<vmem>> -> memref<1x128x128xf32, #tpu.memory_space<vmem>>
        %get3A_1101 = tpu.memref_squeeze %get3A_1100 : memref<1x128x128xf32, #tpu.memory_space<vmem>> -> memref<128x128xf32, #tpu.memory_space<vmem>>
        %get3A_1102 = arith.index_cast %mul3A_1097 : i32 to index
        %get3A_1103 = arith.constant 48 : index
        %get3A_1104 = tpu.vector_load %get3A_1101[%get3A_1102, %get3A_1103] {strides = array<i32>} : memref<128x128xf32, #tpu.memory_space<vmem>>, vector<1x16xf32>,
        %get3A_1105 = vector.shape_cast %get3A_1104 : vector<1x16xf32> to vector<16xf32>
        %swap3A_1106 = arith.constant 0 : i32
        %swap3A_1107 = arith.constant 0 : i32
        %swap3A_1108 = tpu.memref_slice %arg7[%scan3A_78, %swap3A_1106, %swap3A_1107] : memref<2x64x128xf32, #tpu.memory_space<vmem>> -> memref<1x64x128xf32, #tpu.memory_space<vmem>>
        %swap3A_1109 = tpu.memref_squeeze %swap3A_1108 : memref<1x64x128xf32, #tpu.memory_space<vmem>> -> memref<64x128xf32, #tpu.memory_space<vmem>>
        %swap3A_1110 = arith.index_cast %add3A_975 : i32 to index
        %swap3A_1111 = arith.constant 48 : index
        %swap3A_1112 = tpu.vector_load %swap3A_1109[%swap3A_1110, %swap3A_1111] {strides = array<i32>} : memref<64x128xf32, #tpu.memory_space<vmem>>, vector<1x16xf32>,
        %swap3A_1113 = vector.shape_cast %swap3A_1112 : vector<1x16xf32> to vector<16xf32>
        %swap3A_1114 = vector.shape_cast %get3A_1105 : vector<16xf32> to vector<1x16xf32>
        tpu.vector_store %swap3A_1109[%swap3A_1110, %swap3A_1111], %swap3A_1114 {strides = array<i32>} : memref<64x128xf32, #tpu.memory_space<vmem>>, vector<1x16xf32>,
        %mul3A_1115 = arith.constant 2 : i32
        %mul3A_1116 = arith.muli %mul3A_1115, %add3A_975 : i32
        %add3A_1117 = arith.constant 1 : i32
        %add3A_1118 = arith.addi %mul3A_1116, %add3A_1117 : i32
        %get3A_1119 = arith.constant 0 : i32
        %get3A_1120 = arith.constant 0 : i32
        %get3A_1121 = tpu.memref_slice %arg6[%scan3A_77, %get3A_1119, %get3A_1120] : memref<2x128x128xf32, #tpu.memory_space<vmem>> -> memref<1x128x128xf32, #tpu.memory_space<vmem>>
        %get3A_1122 = tpu.memref_squeeze %get3A_1121 : memref<1x128x128xf32, #tpu.memory_space<vmem>> -> memref<128x128xf32, #tpu.memory_space<vmem>>
        %get3A_1123 = arith.index_cast %add3A_1118 : i32 to index
        %get3A_1124 = arith.constant 48 : index
        %get3A_1125 = tpu.vector_load %get3A_1122[%get3A_1123, %get3A_1124] {strides = array<i32>} : memref<128x128xf32, #tpu.memory_space<vmem>>, vector<1x16xf32>,
        %get3A_1126 = vector.shape_cast %get3A_1125 : vector<1x16xf32> to vector<16xf32>
        %swap3A_1127 = arith.constant 0 : i32
        %swap3A_1128 = arith.constant 0 : i32
        %swap3A_1129 = tpu.memref_slice %arg7[%scan3A_78, %swap3A_1127, %swap3A_1128] : memref<2x64x128xf32, #tpu.memory_space<vmem>> -> memref<1x64x128xf32, #tpu.memory_space<vmem>>
        %swap3A_1130 = tpu.memref_squeeze %swap3A_1129 : memref<1x64x128xf32, #tpu.memory_space<vmem>> -> memref<64x128xf32, #tpu.memory_space<vmem>>
        %swap3A_1131 = arith.index_cast %add3A_975 : i32 to index
        %swap3A_1132 = arith.constant 112 : index
        %swap3A_1133 = tpu.vector_load %swap3A_1130[%swap3A_1131, %swap3A_1132] {strides = array<i32>} : memref<64x128xf32, #tpu.memory_space<vmem>>, vector<1x16xf32>,
        %swap3A_1134 = vector.shape_cast %swap3A_1133 : vector<1x16xf32> to vector<16xf32>
        %swap3A_1135 = vector.shape_cast %get3A_1126 : vector<16xf32> to vector<1x16xf32>
        tpu.vector_store %swap3A_1130[%swap3A_1131, %swap3A_1132], %swap3A_1135 {strides = array<i32>} : memref<64x128xf32, #tpu.memory_space<vmem>>, vector<1x16xf32>,
        %mul3A_1136 = arith.constant 8 : i32
        %mul3A_1137 = arith.muli %mul3A_1136, %scan3A_153 : i32
        %add3A_1138 = arith.constant 6 : i32
        %add3A_1139 = arith.addi %mul3A_1137, %add3A_1138 : i32
        %mul3A_1140 = arith.constant 2 : i32
        %mul3A_1141 = arith.muli %mul3A_1140, %add3A_1139 : i32
        %get3A_1142 = arith.constant 0 : i32
        %get3A_1143 = arith.constant 0 : i32
        %get3A_1144 = tpu.memref_slice %arg6[%scan3A_77, %get3A_1142, %get3A_1143] : memref<2x128x128xf32, #tpu.memory_space<vmem>> -> memref<1x128x128xf32, #tpu.memory_space<vmem>>
        %get3A_1145 = tpu.memref_squeeze %get3A_1144 : memref<1x128x128xf32, #tpu.memory_space<vmem>> -> memref<128x128xf32, #tpu.memory_space<vmem>>
        %get3A_1146 = arith.index_cast %mul3A_1141 : i32 to index
        %get3A_1147 = arith.constant 0 : index
        %get3A_1148 = tpu.vector_load %get3A_1145[%get3A_1146, %get3A_1147] {strides = array<i32>} : memref<128x128xf32, #tpu.memory_space<vmem>>, vector<1x16xf32>,
        %get3A_1149 = vector.shape_cast %get3A_1148 : vector<1x16xf32> to vector<16xf32>
        %swap3A_1150 = arith.constant 0 : i32
        %swap3A_1151 = arith.constant 0 : i32
        %swap3A_1152 = tpu.memref_slice %arg7[%scan3A_78, %swap3A_1150, %swap3A_1151] : memref<2x64x128xf32, #tpu.memory_space<vmem>> -> memref<1x64x128xf32, #tpu.memory_space<vmem>>
        %swap3A_1153 = tpu.memref_squeeze %swap3A_1152 : memref<1x64x128xf32, #tpu.memory_space<vmem>> -> memref<64x128xf32, #tpu.memory_space<vmem>>
        %swap3A_1154 = arith.index_cast %add3A_1139 : i32 to index
        %swap3A_1155 = arith.constant 0 : index
        %swap3A_1156 = tpu.vector_load %swap3A_1153[%swap3A_1154, %swap3A_1155] {strides = array<i32>} : memref<64x128xf32, #tpu.memory_space<vmem>>, vector<1x16xf32>,
        %swap3A_1157 = vector.shape_cast %swap3A_1156 : vector<1x16xf32> to vector<16xf32>
        %swap3A_1158 = vector.shape_cast %get3A_1149 : vector<16xf32> to vector<1x16xf32>
        tpu.vector_store %swap3A_1153[%swap3A_1154, %swap3A_1155], %swap3A_1158 {strides = array<i32>} : memref<64x128xf32, #tpu.memory_space<vmem>>, vector<1x16xf32>,
        %mul3A_1159 = arith.constant 2 : i32
        %mul3A_1160 = arith.muli %mul3A_1159, %add3A_1139 : i32
        %add3A_1161 = arith.constant 1 : i32
        %add3A_1162 = arith.addi %mul3A_1160, %add3A_1161 : i32
        %get3A_1163 = arith.constant 0 : i32
        %get3A_1164 = arith.constant 0 : i32
        %get3A_1165 = tpu.memref_slice %arg6[%scan3A_77, %get3A_1163, %get3A_1164] : memref<2x128x128xf32, #tpu.memory_space<vmem>> -> memref<1x128x128xf32, #tpu.memory_space<vmem>>
        %get3A_1166 = tpu.memref_squeeze %get3A_1165 : memref<1x128x128xf32, #tpu.memory_space<vmem>> -> memref<128x128xf32, #tpu.memory_space<vmem>>
        %get3A_1167 = arith.index_cast %add3A_1162 : i32 to index
        %get3A_1168 = arith.constant 0 : index
        %get3A_1169 = tpu.vector_load %get3A_1166[%get3A_1167, %get3A_1168] {strides = array<i32>} : memref<128x128xf32, #tpu.memory_space<vmem>>, vector<1x16xf32>,
        %get3A_1170 = vector.shape_cast %get3A_1169 : vector<1x16xf32> to vector<16xf32>
        %swap3A_1171 = arith.constant 0 : i32
        %swap3A_1172 = arith.constant 0 : i32
        %swap3A_1173 = tpu.memref_slice %arg7[%scan3A_78, %swap3A_1171, %swap3A_1172] : memref<2x64x128xf32, #tpu.memory_space<vmem>> -> memref<1x64x128xf32, #tpu.memory_space<vmem>>
        %swap3A_1174 = tpu.memref_squeeze %swap3A_1173 : memref<1x64x128xf32, #tpu.memory_space<vmem>> -> memref<64x128xf32, #tpu.memory_space<vmem>>
        %swap3A_1175 = arith.index_cast %add3A_1139 : i32 to index
        %swap3A_1176 = arith.constant 64 : index
        %swap3A_1177 = tpu.vector_load %swap3A_1174[%swap3A_1175, %swap3A_1176] {strides = array<i32>} : memref<64x128xf32, #tpu.memory_space<vmem>>, vector<1x16xf32>,
        %swap3A_1178 = vector.shape_cast %swap3A_1177 : vector<1x16xf32> to vector<16xf32>
        %swap3A_1179 = vector.shape_cast %get3A_1170 : vector<16xf32> to vector<1x16xf32>
        tpu.vector_store %swap3A_1174[%swap3A_1175, %swap3A_1176], %swap3A_1179 {strides = array<i32>} : memref<64x128xf32, #tpu.memory_space<vmem>>, vector<1x16xf32>,
        %mul3A_1180 = arith.constant 2 : i32
        %mul3A_1181 = arith.muli %mul3A_1180, %add3A_1139 : i32
        %get3A_1182 = arith.constant 0 : i32
        %get3A_1183 = arith.constant 0 : i32
        %get3A_1184 = tpu.memref_slice %arg6[%scan3A_77, %get3A_1182, %get3A_1183] : memref<2x128x128xf32, #tpu.memory_space<vmem>> -> memref<1x128x128xf32, #tpu.memory_space<vmem>>
        %get3A_1185 = tpu.memref_squeeze %get3A_1184 : memref<1x128x128xf32, #tpu.memory_space<vmem>> -> memref<128x128xf32, #tpu.memory_space<vmem>>
        %get3A_1186 = arith.index_cast %mul3A_1181 : i32 to index
        %get3A_1187 = arith.constant 16 : index
        %get3A_1188 = tpu.vector_load %get3A_1185[%get3A_1186, %get3A_1187] {strides = array<i32>} : memref<128x128xf32, #tpu.memory_space<vmem>>, vector<1x16xf32>,
        %get3A_1189 = vector.shape_cast %get3A_1188 : vector<1x16xf32> to vector<16xf32>
        %swap3A_1190 = arith.constant 0 : i32
        %swap3A_1191 = arith.constant 0 : i32
        %swap3A_1192 = tpu.memref_slice %arg7[%scan3A_78, %swap3A_1190, %swap3A_1191] : memref<2x64x128xf32, #tpu.memory_space<vmem>> -> memref<1x64x128xf32, #tpu.memory_space<vmem>>
        %swap3A_1193 = tpu.memref_squeeze %swap3A_1192 : memref<1x64x128xf32, #tpu.memory_space<vmem>> -> memref<64x128xf32, #tpu.memory_space<vmem>>
        %swap3A_1194 = arith.index_cast %add3A_1139 : i32 to index
        %swap3A_1195 = arith.constant 16 : index
        %swap3A_1196 = tpu.vector_load %swap3A_1193[%swap3A_1194, %swap3A_1195] {strides = array<i32>} : memref<64x128xf32, #tpu.memory_space<vmem>>, vector<1x16xf32>,
        %swap3A_1197 = vector.shape_cast %swap3A_1196 : vector<1x16xf32> to vector<16xf32>
        %swap3A_1198 = vector.shape_cast %get3A_1189 : vector<16xf32> to vector<1x16xf32>
        tpu.vector_store %swap3A_1193[%swap3A_1194, %swap3A_1195], %swap3A_1198 {strides = array<i32>} : memref<64x128xf32, #tpu.memory_space<vmem>>, vector<1x16xf32>,
        %mul3A_1199 = arith.constant 2 : i32
        %mul3A_1200 = arith.muli %mul3A_1199, %add3A_1139 : i32
        %add3A_1201 = arith.constant 1 : i32
        %add3A_1202 = arith.addi %mul3A_1200, %add3A_1201 : i32
        %get3A_1203 = arith.constant 0 : i32
        %get3A_1204 = arith.constant 0 : i32
        %get3A_1205 = tpu.memref_slice %arg6[%scan3A_77, %get3A_1203, %get3A_1204] : memref<2x128x128xf32, #tpu.memory_space<vmem>> -> memref<1x128x128xf32, #tpu.memory_space<vmem>>
        %get3A_1206 = tpu.memref_squeeze %get3A_1205 : memref<1x128x128xf32, #tpu.memory_space<vmem>> -> memref<128x128xf32, #tpu.memory_space<vmem>>
        %get3A_1207 = arith.index_cast %add3A_1202 : i32 to index
        %get3A_1208 = arith.constant 16 : index
        %get3A_1209 = tpu.vector_load %get3A_1206[%get3A_1207, %get3A_1208] {strides = array<i32>} : memref<128x128xf32, #tpu.memory_space<vmem>>, vector<1x16xf32>,
        %get3A_1210 = vector.shape_cast %get3A_1209 : vector<1x16xf32> to vector<16xf32>
        %swap3A_1211 = arith.constant 0 : i32
        %swap3A_1212 = arith.constant 0 : i32
        %swap3A_1213 = tpu.memref_slice %arg7[%scan3A_78, %swap3A_1211, %swap3A_1212] : memref<2x64x128xf32, #tpu.memory_space<vmem>> -> memref<1x64x128xf32, #tpu.memory_space<vmem>>
        %swap3A_1214 = tpu.memref_squeeze %swap3A_1213 : memref<1x64x128xf32, #tpu.memory_space<vmem>> -> memref<64x128xf32, #tpu.memory_space<vmem>>
        %swap3A_1215 = arith.index_cast %add3A_1139 : i32 to index
        %swap3A_1216 = arith.constant 80 : index
        %swap3A_1217 = tpu.vector_load %swap3A_1214[%swap3A_1215, %swap3A_1216] {strides = array<i32>} : memref<64x128xf32, #tpu.memory_space<vmem>>, vector<1x16xf32>,
        %swap3A_1218 = vector.shape_cast %swap3A_1217 : vector<1x16xf32> to vector<16xf32>
        %swap3A_1219 = vector.shape_cast %get3A_1210 : vector<16xf32> to vector<1x16xf32>
        tpu.vector_store %swap3A_1214[%swap3A_1215, %swap3A_1216], %swap3A_1219 {strides = array<i32>} : memref<64x128xf32, #tpu.memory_space<vmem>>, vector<1x16xf32>,
        %mul3A_1220 = arith.constant 2 : i32
        %mul3A_1221 = arith.muli %mul3A_1220, %add3A_1139 : i32
        %get3A_1222 = arith.constant 0 : i32
        %get3A_1223 = arith.constant 0 : i32
        %get3A_1224 = tpu.memref_slice %arg6[%scan3A_77, %get3A_1222, %get3A_1223] : memref<2x128x128xf32, #tpu.memory_space<vmem>> -> memref<1x128x128xf32, #tpu.memory_space<vmem>>
        %get3A_1225 = tpu.memref_squeeze %get3A_1224 : memref<1x128x128xf32, #tpu.memory_space<vmem>> -> memref<128x128xf32, #tpu.memory_space<vmem>>
        %get3A_1226 = arith.index_cast %mul3A_1221 : i32 to index
        %get3A_1227 = arith.constant 32 : index
        %get3A_1228 = tpu.vector_load %get3A_1225[%get3A_1226, %get3A_1227] {strides = array<i32>} : memref<128x128xf32, #tpu.memory_space<vmem>>, vector<1x16xf32>,
        %get3A_1229 = vector.shape_cast %get3A_1228 : vector<1x16xf32> to vector<16xf32>
        %swap3A_1230 = arith.constant 0 : i32
        %swap3A_1231 = arith.constant 0 : i32
        %swap3A_1232 = tpu.memref_slice %arg7[%scan3A_78, %swap3A_1230, %swap3A_1231] : memref<2x64x128xf32, #tpu.memory_space<vmem>> -> memref<1x64x128xf32, #tpu.memory_space<vmem>>
        %swap3A_1233 = tpu.memref_squeeze %swap3A_1232 : memref<1x64x128xf32, #tpu.memory_space<vmem>> -> memref<64x128xf32, #tpu.memory_space<vmem>>
        %swap3A_1234 = arith.index_cast %add3A_1139 : i32 to index
        %swap3A_1235 = arith.constant 32 : index
        %swap3A_1236 = tpu.vector_load %swap3A_1233[%swap3A_1234, %swap3A_1235] {strides = array<i32>} : memref<64x128xf32, #tpu.memory_space<vmem>>, vector<1x16xf32>,
        %swap3A_1237 = vector.shape_cast %swap3A_1236 : vector<1x16xf32> to vector<16xf32>
        %swap3A_1238 = vector.shape_cast %get3A_1229 : vector<16xf32> to vector<1x16xf32>
        tpu.vector_store %swap3A_1233[%swap3A_1234, %swap3A_1235], %swap3A_1238 {strides = array<i32>} : memref<64x128xf32, #tpu.memory_space<vmem>>, vector<1x16xf32>,
        %mul3A_1239 = arith.constant 2 : i32
        %mul3A_1240 = arith.muli %mul3A_1239, %add3A_1139 : i32
        %add3A_1241 = arith.constant 1 : i32
        %add3A_1242 = arith.addi %mul3A_1240, %add3A_1241 : i32
        %get3A_1243 = arith.constant 0 : i32
        %get3A_1244 = arith.constant 0 : i32
        %get3A_1245 = tpu.memref_slice %arg6[%scan3A_77, %get3A_1243, %get3A_1244] : memref<2x128x128xf32, #tpu.memory_space<vmem>> -> memref<1x128x128xf32, #tpu.memory_space<vmem>>
        %get3A_1246 = tpu.memref_squeeze %get3A_1245 : memref<1x128x128xf32, #tpu.memory_space<vmem>> -> memref<128x128xf32, #tpu.memory_space<vmem>>
        %get3A_1247 = arith.index_cast %add3A_1242 : i32 to index
        %get3A_1248 = arith.constant 32 : index
        %get3A_1249 = tpu.vector_load %get3A_1246[%get3A_1247, %get3A_1248] {strides = array<i32>} : memref<128x128xf32, #tpu.memory_space<vmem>>, vector<1x16xf32>,
        %get3A_1250 = vector.shape_cast %get3A_1249 : vector<1x16xf32> to vector<16xf32>
        %swap3A_1251 = arith.constant 0 : i32
        %swap3A_1252 = arith.constant 0 : i32
        %swap3A_1253 = tpu.memref_slice %arg7[%scan3A_78, %swap3A_1251, %swap3A_1252] : memref<2x64x128xf32, #tpu.memory_space<vmem>> -> memref<1x64x128xf32, #tpu.memory_space<vmem>>
        %swap3A_1254 = tpu.memref_squeeze %swap3A_1253 : memref<1x64x128xf32, #tpu.memory_space<vmem>> -> memref<64x128xf32, #tpu.memory_space<vmem>>
        %swap3A_1255 = arith.index_cast %add3A_1139 : i32 to index
        %swap3A_1256 = arith.constant 96 : index
        %swap3A_1257 = tpu.vector_load %swap3A_1254[%swap3A_1255, %swap3A_1256] {strides = array<i32>} : memref<64x128xf32, #tpu.memory_space<vmem>>, vector<1x16xf32>,
        %swap3A_1258 = vector.shape_cast %swap3A_1257 : vector<1x16xf32> to vector<16xf32>
        %swap3A_1259 = vector.shape_cast %get3A_1250 : vector<16xf32> to vector<1x16xf32>
        tpu.vector_store %swap3A_1254[%swap3A_1255, %swap3A_1256], %swap3A_1259 {strides = array<i32>} : memref<64x128xf32, #tpu.memory_space<vmem>>, vector<1x16xf32>,
        %mul3A_1260 = arith.constant 2 : i32
        %mul3A_1261 = arith.muli %mul3A_1260, %add3A_1139 : i32
        %get3A_1262 = arith.constant 0 : i32
        %get3A_1263 = arith.constant 0 : i32
        %get3A_1264 = tpu.memref_slice %arg6[%scan3A_77, %get3A_1262, %get3A_1263] : memref<2x128x128xf32, #tpu.memory_space<vmem>> -> memref<1x128x128xf32, #tpu.memory_space<vmem>>
        %get3A_1265 = tpu.memref_squeeze %get3A_1264 : memref<1x128x128xf32, #tpu.memory_space<vmem>> -> memref<128x128xf32, #tpu.memory_space<vmem>>
        %get3A_1266 = arith.index_cast %mul3A_1261 : i32 to index
        %get3A_1267 = arith.constant 48 : index
        %get3A_1268 = tpu.vector_load %get3A_1265[%get3A_1266, %get3A_1267] {strides = array<i32>} : memref<128x128xf32, #tpu.memory_space<vmem>>, vector<1x16xf32>,
        %get3A_1269 = vector.shape_cast %get3A_1268 : vector<1x16xf32> to vector<16xf32>
        %swap3A_1270 = arith.constant 0 : i32
        %swap3A_1271 = arith.constant 0 : i32
        %swap3A_1272 = tpu.memref_slice %arg7[%scan3A_78, %swap3A_1270, %swap3A_1271] : memref<2x64x128xf32, #tpu.memory_space<vmem>> -> memref<1x64x128xf32, #tpu.memory_space<vmem>>
        %swap3A_1273 = tpu.memref_squeeze %swap3A_1272 : memref<1x64x128xf32, #tpu.memory_space<vmem>> -> memref<64x128xf32, #tpu.memory_space<vmem>>
        %swap3A_1274 = arith.index_cast %add3A_1139 : i32 to index
        %swap3A_1275 = arith.constant 48 : index
        %swap3A_1276 = tpu.vector_load %swap3A_1273[%swap3A_1274, %swap3A_1275] {strides = array<i32>} : memref<64x128xf32, #tpu.memory_space<vmem>>, vector<1x16xf32>,
        %swap3A_1277 = vector.shape_cast %swap3A_1276 : vector<1x16xf32> to vector<16xf32>
        %swap3A_1278 = vector.shape_cast %get3A_1269 : vector<16xf32> to vector<1x16xf32>
        tpu.vector_store %swap3A_1273[%swap3A_1274, %swap3A_1275], %swap3A_1278 {strides = array<i32>} : memref<64x128xf32, #tpu.memory_space<vmem>>, vector<1x16xf32>,
        %mul3A_1279 = arith.constant 2 : i32
        %mul3A_1280 = arith.muli %mul3A_1279, %add3A_1139 : i32
        %add3A_1281 = arith.constant 1 : i32
        %add3A_1282 = arith.addi %mul3A_1280, %add3A_1281 : i32
        %get3A_1283 = arith.constant 0 : i32
        %get3A_1284 = arith.constant 0 : i32
        %get3A_1285 = tpu.memref_slice %arg6[%scan3A_77, %get3A_1283, %get3A_1284] : memref<2x128x128xf32, #tpu.memory_space<vmem>> -> memref<1x128x128xf32, #tpu.memory_space<vmem>>
        %get3A_1286 = tpu.memref_squeeze %get3A_1285 : memref<1x128x128xf32, #tpu.memory_space<vmem>> -> memref<128x128xf32, #tpu.memory_space<vmem>>
        %get3A_1287 = arith.index_cast %add3A_1282 : i32 to index
        %get3A_1288 = arith.constant 48 : index
        %get3A_1289 = tpu.vector_load %get3A_1286[%get3A_1287, %get3A_1288] {strides = array<i32>} : memref<128x128xf32, #tpu.memory_space<vmem>>, vector<1x16xf32>,
        %get3A_1290 = vector.shape_cast %get3A_1289 : vector<1x16xf32> to vector<16xf32>
        %swap3A_1291 = arith.constant 0 : i32
        %swap3A_1292 = arith.constant 0 : i32
        %swap3A_1293 = tpu.memref_slice %arg7[%scan3A_78, %swap3A_1291, %swap3A_1292] : memref<2x64x128xf32, #tpu.memory_space<vmem>> -> memref<1x64x128xf32, #tpu.memory_space<vmem>>
        %swap3A_1294 = tpu.memref_squeeze %swap3A_1293 : memref<1x64x128xf32, #tpu.memory_space<vmem>> -> memref<64x128xf32, #tpu.memory_space<vmem>>
        %swap3A_1295 = arith.index_cast %add3A_1139 : i32 to index
        %swap3A_1296 = arith.constant 112 : index
        %swap3A_1297 = tpu.vector_load %swap3A_1294[%swap3A_1295, %swap3A_1296] {strides = array<i32>} : memref<64x128xf32, #tpu.memory_space<vmem>>, vector<1x16xf32>,
        %swap3A_1298 = vector.shape_cast %swap3A_1297 : vector<1x16xf32> to vector<16xf32>
        %swap3A_1299 = vector.shape_cast %get3A_1290 : vector<16xf32> to vector<1x16xf32>
        tpu.vector_store %swap3A_1294[%swap3A_1295, %swap3A_1296], %swap3A_1299 {strides = array<i32>} : memref<64x128xf32, #tpu.memory_space<vmem>>, vector<1x16xf32>,
        %mul3A_1300 = arith.constant 8 : i32
        %mul3A_1301 = arith.muli %mul3A_1300, %scan3A_153 : i32
        %add3A_1302 = arith.constant 7 : i32
        %add3A_1303 = arith.addi %mul3A_1301, %add3A_1302 : i32
        %mul3A_1304 = arith.constant 2 : i32
        %mul3A_1305 = arith.muli %mul3A_1304, %add3A_1303 : i32
        %get3A_1306 = arith.constant 0 : i32
        %get3A_1307 = arith.constant 0 : i32
        %get3A_1308 = tpu.memref_slice %arg6[%scan3A_77, %get3A_1306, %get3A_1307] : memref<2x128x128xf32, #tpu.memory_space<vmem>> -> memref<1x128x128xf32, #tpu.memory_space<vmem>>
        %get3A_1309 = tpu.memref_squeeze %get3A_1308 : memref<1x128x128xf32, #tpu.memory_space<vmem>> -> memref<128x128xf32, #tpu.memory_space<vmem>>
        %get3A_1310 = arith.index_cast %mul3A_1305 : i32 to index
        %get3A_1311 = arith.constant 0 : index
        %get3A_1312 = tpu.vector_load %get3A_1309[%get3A_1310, %get3A_1311] {strides = array<i32>} : memref<128x128xf32, #tpu.memory_space<vmem>>, vector<1x16xf32>,
        %get3A_1313 = vector.shape_cast %get3A_1312 : vector<1x16xf32> to vector<16xf32>
        %swap3A_1314 = arith.constant 0 : i32
        %swap3A_1315 = arith.constant 0 : i32
        %swap3A_1316 = tpu.memref_slice %arg7[%scan3A_78, %swap3A_1314, %swap3A_1315] : memref<2x64x128xf32, #tpu.memory_space<vmem>> -> memref<1x64x128xf32, #tpu.memory_space<vmem>>
        %swap3A_1317 = tpu.memref_squeeze %swap3A_1316 : memref<1x64x128xf32, #tpu.memory_space<vmem>> -> memref<64x128xf32, #tpu.memory_space<vmem>>
        %swap3A_1318 = arith.index_cast %add3A_1303 : i32 to index
        %swap3A_1319 = arith.constant 0 : index
        %swap3A_1320 = tpu.vector_load %swap3A_1317[%swap3A_1318, %swap3A_1319] {strides = array<i32>} : memref<64x128xf32, #tpu.memory_space<vmem>>, vector<1x16xf32>,
        %swap3A_1321 = vector.shape_cast %swap3A_1320 : vector<1x16xf32> to vector<16xf32>
        %swap3A_1322 = vector.shape_cast %get3A_1313 : vector<16xf32> to vector<1x16xf32>
        tpu.vector_store %swap3A_1317[%swap3A_1318, %swap3A_1319], %swap3A_1322 {strides = array<i32>} : memref<64x128xf32, #tpu.memory_space<vmem>>, vector<1x16xf32>,
        %mul3A_1323 = arith.constant 2 : i32
        %mul3A_1324 = arith.muli %mul3A_1323, %add3A_1303 : i32
        %add3A_1325 = arith.constant 1 : i32
        %add3A_1326 = arith.addi %mul3A_1324, %add3A_1325 : i32
        %get3A_1327 = arith.constant 0 : i32
        %get3A_1328 = arith.constant 0 : i32
        %get3A_1329 = tpu.memref_slice %arg6[%scan3A_77, %get3A_1327, %get3A_1328] : memref<2x128x128xf32, #tpu.memory_space<vmem>> -> memref<1x128x128xf32, #tpu.memory_space<vmem>>
        %get3A_1330 = tpu.memref_squeeze %get3A_1329 : memref<1x128x128xf32, #tpu.memory_space<vmem>> -> memref<128x128xf32, #tpu.memory_space<vmem>>
        %get3A_1331 = arith.index_cast %add3A_1326 : i32 to index
        %get3A_1332 = arith.constant 0 : index
        %get3A_1333 = tpu.vector_load %get3A_1330[%get3A_1331, %get3A_1332] {strides = array<i32>} : memref<128x128xf32, #tpu.memory_space<vmem>>, vector<1x16xf32>,
        %get3A_1334 = vector.shape_cast %get3A_1333 : vector<1x16xf32> to vector<16xf32>
        %swap3A_1335 = arith.constant 0 : i32
        %swap3A_1336 = arith.constant 0 : i32
        %swap3A_1337 = tpu.memref_slice %arg7[%scan3A_78, %swap3A_1335, %swap3A_1336] : memref<2x64x128xf32, #tpu.memory_space<vmem>> -> memref<1x64x128xf32, #tpu.memory_space<vmem>>
        %swap3A_1338 = tpu.memref_squeeze %swap3A_1337 : memref<1x64x128xf32, #tpu.memory_space<vmem>> -> memref<64x128xf32, #tpu.memory_space<vmem>>
        %swap3A_1339 = arith.index_cast %add3A_1303 : i32 to index
        %swap3A_1340 = arith.constant 64 : index
        %swap3A_1341 = tpu.vector_load %swap3A_1338[%swap3A_1339, %swap3A_1340] {strides = array<i32>} : memref<64x128xf32, #tpu.memory_space<vmem>>, vector<1x16xf32>,
        %swap3A_1342 = vector.shape_cast %swap3A_1341 : vector<1x16xf32> to vector<16xf32>
        %swap3A_1343 = vector.shape_cast %get3A_1334 : vector<16xf32> to vector<1x16xf32>
        tpu.vector_store %swap3A_1338[%swap3A_1339, %swap3A_1340], %swap3A_1343 {strides = array<i32>} : memref<64x128xf32, #tpu.memory_space<vmem>>, vector<1x16xf32>,
        %mul3A_1344 = arith.constant 2 : i32
        %mul3A_1345 = arith.muli %mul3A_1344, %add3A_1303 : i32
        %get3A_1346 = arith.constant 0 : i32
        %get3A_1347 = arith.constant 0 : i32
        %get3A_1348 = tpu.memref_slice %arg6[%scan3A_77, %get3A_1346, %get3A_1347] : memref<2x128x128xf32, #tpu.memory_space<vmem>> -> memref<1x128x128xf32, #tpu.memory_space<vmem>>
        %get3A_1349 = tpu.memref_squeeze %get3A_1348 : memref<1x128x128xf32, #tpu.memory_space<vmem>> -> memref<128x128xf32, #tpu.memory_space<vmem>>
        %get3A_1350 = arith.index_cast %mul3A_1345 : i32 to index
        %get3A_1351 = arith.constant 16 : index
        %get3A_1352 = tpu.vector_load %get3A_1349[%get3A_1350, %get3A_1351] {strides = array<i32>} : memref<128x128xf32, #tpu.memory_space<vmem>>, vector<1x16xf32>,
        %get3A_1353 = vector.shape_cast %get3A_1352 : vector<1x16xf32> to vector<16xf32>
        %swap3A_1354 = arith.constant 0 : i32
        %swap3A_1355 = arith.constant 0 : i32
        %swap3A_1356 = tpu.memref_slice %arg7[%scan3A_78, %swap3A_1354, %swap3A_1355] : memref<2x64x128xf32, #tpu.memory_space<vmem>> -> memref<1x64x128xf32, #tpu.memory_space<vmem>>
        %swap3A_1357 = tpu.memref_squeeze %swap3A_1356 : memref<1x64x128xf32, #tpu.memory_space<vmem>> -> memref<64x128xf32, #tpu.memory_space<vmem>>
        %swap3A_1358 = arith.index_cast %add3A_1303 : i32 to index
        %swap3A_1359 = arith.constant 16 : index
        %swap3A_1360 = tpu.vector_load %swap3A_1357[%swap3A_1358, %swap3A_1359] {strides = array<i32>} : memref<64x128xf32, #tpu.memory_space<vmem>>, vector<1x16xf32>,
        %swap3A_1361 = vector.shape_cast %swap3A_1360 : vector<1x16xf32> to vector<16xf32>
        %swap3A_1362 = vector.shape_cast %get3A_1353 : vector<16xf32> to vector<1x16xf32>
        tpu.vector_store %swap3A_1357[%swap3A_1358, %swap3A_1359], %swap3A_1362 {strides = array<i32>} : memref<64x128xf32, #tpu.memory_space<vmem>>, vector<1x16xf32>,
        %mul3A_1363 = arith.constant 2 : i32
        %mul3A_1364 = arith.muli %mul3A_1363, %add3A_1303 : i32
        %add3A_1365 = arith.constant 1 : i32
        %add3A_1366 = arith.addi %mul3A_1364, %add3A_1365 : i32
        %get3A_1367 = arith.constant 0 : i32
        %get3A_1368 = arith.constant 0 : i32
        %get3A_1369 = tpu.memref_slice %arg6[%scan3A_77, %get3A_1367, %get3A_1368] : memref<2x128x128xf32, #tpu.memory_space<vmem>> -> memref<1x128x128xf32, #tpu.memory_space<vmem>>
        %get3A_1370 = tpu.memref_squeeze %get3A_1369 : memref<1x128x128xf32, #tpu.memory_space<vmem>> -> memref<128x128xf32, #tpu.memory_space<vmem>>
        %get3A_1371 = arith.index_cast %add3A_1366 : i32 to index
        %get3A_1372 = arith.constant 16 : index
        %get3A_1373 = tpu.vector_load %get3A_1370[%get3A_1371, %get3A_1372] {strides = array<i32>} : memref<128x128xf32, #tpu.memory_space<vmem>>, vector<1x16xf32>,
        %get3A_1374 = vector.shape_cast %get3A_1373 : vector<1x16xf32> to vector<16xf32>
        %swap3A_1375 = arith.constant 0 : i32
        %swap3A_1376 = arith.constant 0 : i32
        %swap3A_1377 = tpu.memref_slice %arg7[%scan3A_78, %swap3A_1375, %swap3A_1376] : memref<2x64x128xf32, #tpu.memory_space<vmem>> -> memref<1x64x128xf32, #tpu.memory_space<vmem>>
        %swap3A_1378 = tpu.memref_squeeze %swap3A_1377 : memref<1x64x128xf32, #tpu.memory_space<vmem>> -> memref<64x128xf32, #tpu.memory_space<vmem>>
        %swap3A_1379 = arith.index_cast %add3A_1303 : i32 to index
        %swap3A_1380 = arith.constant 80 : index
        %swap3A_1381 = tpu.vector_load %swap3A_1378[%swap3A_1379, %swap3A_1380] {strides = array<i32>} : memref<64x128xf32, #tpu.memory_space<vmem>>, vector<1x16xf32>,
        %swap3A_1382 = vector.shape_cast %swap3A_1381 : vector<1x16xf32> to vector<16xf32>
        %swap3A_1383 = vector.shape_cast %get3A_1374 : vector<16xf32> to vector<1x16xf32>
        tpu.vector_store %swap3A_1378[%swap3A_1379, %swap3A_1380], %swap3A_1383 {strides = array<i32>} : memref<64x128xf32, #tpu.memory_space<vmem>>, vector<1x16xf32>,
        %mul3A_1384 = arith.constant 2 : i32
        %mul3A_1385 = arith.muli %mul3A_1384, %add3A_1303 : i32
        %get3A_1386 = arith.constant 0 : i32
        %get3A_1387 = arith.constant 0 : i32
        %get3A_1388 = tpu.memref_slice %arg6[%scan3A_77, %get3A_1386, %get3A_1387] : memref<2x128x128xf32, #tpu.memory_space<vmem>> -> memref<1x128x128xf32, #tpu.memory_space<vmem>>
        %get3A_1389 = tpu.memref_squeeze %get3A_1388 : memref<1x128x128xf32, #tpu.memory_space<vmem>> -> memref<128x128xf32, #tpu.memory_space<vmem>>
        %get3A_1390 = arith.index_cast %mul3A_1385 : i32 to index
        %get3A_1391 = arith.constant 32 : index
        %get3A_1392 = tpu.vector_load %get3A_1389[%get3A_1390, %get3A_1391] {strides = array<i32>} : memref<128x128xf32, #tpu.memory_space<vmem>>, vector<1x16xf32>,
        %get3A_1393 = vector.shape_cast %get3A_1392 : vector<1x16xf32> to vector<16xf32>
        %swap3A_1394 = arith.constant 0 : i32
        %swap3A_1395 = arith.constant 0 : i32
        %swap3A_1396 = tpu.memref_slice %arg7[%scan3A_78, %swap3A_1394, %swap3A_1395] : memref<2x64x128xf32, #tpu.memory_space<vmem>> -> memref<1x64x128xf32, #tpu.memory_space<vmem>>
        %swap3A_1397 = tpu.memref_squeeze %swap3A_1396 : memref<1x64x128xf32, #tpu.memory_space<vmem>> -> memref<64x128xf32, #tpu.memory_space<vmem>>
        %swap3A_1398 = arith.index_cast %add3A_1303 : i32 to index
        %swap3A_1399 = arith.constant 32 : index
        %swap3A_1400 = tpu.vector_load %swap3A_1397[%swap3A_1398, %swap3A_1399] {strides = array<i32>} : memref<64x128xf32, #tpu.memory_space<vmem>>, vector<1x16xf32>,
        %swap3A_1401 = vector.shape_cast %swap3A_1400 : vector<1x16xf32> to vector<16xf32>
        %swap3A_1402 = vector.shape_cast %get3A_1393 : vector<16xf32> to vector<1x16xf32>
        tpu.vector_store %swap3A_1397[%swap3A_1398, %swap3A_1399], %swap3A_1402 {strides = array<i32>} : memref<64x128xf32, #tpu.memory_space<vmem>>, vector<1x16xf32>,
        %mul3A_1403 = arith.constant 2 : i32
        %mul3A_1404 = arith.muli %mul3A_1403, %add3A_1303 : i32
        %add3A_1405 = arith.constant 1 : i32
        %add3A_1406 = arith.addi %mul3A_1404, %add3A_1405 : i32
        %get3A_1407 = arith.constant 0 : i32
        %get3A_1408 = arith.constant 0 : i32
        %get3A_1409 = tpu.memref_slice %arg6[%scan3A_77, %get3A_1407, %get3A_1408] : memref<2x128x128xf32, #tpu.memory_space<vmem>> -> memref<1x128x128xf32, #tpu.memory_space<vmem>>
        %get3A_1410 = tpu.memref_squeeze %get3A_1409 : memref<1x128x128xf32, #tpu.memory_space<vmem>> -> memref<128x128xf32, #tpu.memory_space<vmem>>
        %get3A_1411 = arith.index_cast %add3A_1406 : i32 to index
        %get3A_1412 = arith.constant 32 : index
        %get3A_1413 = tpu.vector_load %get3A_1410[%get3A_1411, %get3A_1412] {strides = array<i32>} : memref<128x128xf32, #tpu.memory_space<vmem>>, vector<1x16xf32>,
        %get3A_1414 = vector.shape_cast %get3A_1413 : vector<1x16xf32> to vector<16xf32>
        %swap3A_1415 = arith.constant 0 : i32
        %swap3A_1416 = arith.constant 0 : i32
        %swap3A_1417 = tpu.memref_slice %arg7[%scan3A_78, %swap3A_1415, %swap3A_1416] : memref<2x64x128xf32, #tpu.memory_space<vmem>> -> memref<1x64x128xf32, #tpu.memory_space<vmem>>
        %swap3A_1418 = tpu.memref_squeeze %swap3A_1417 : memref<1x64x128xf32, #tpu.memory_space<vmem>> -> memref<64x128xf32, #tpu.memory_space<vmem>>
        %swap3A_1419 = arith.index_cast %add3A_1303 : i32 to index
        %swap3A_1420 = arith.constant 96 : index
        %swap3A_1421 = tpu.vector_load %swap3A_1418[%swap3A_1419, %swap3A_1420] {strides = array<i32>} : memref<64x128xf32, #tpu.memory_space<vmem>>, vector<1x16xf32>,
        %swap3A_1422 = vector.shape_cast %swap3A_1421 : vector<1x16xf32> to vector<16xf32>
        %swap3A_1423 = vector.shape_cast %get3A_1414 : vector<16xf32> to vector<1x16xf32>
        tpu.vector_store %swap3A_1418[%swap3A_1419, %swap3A_1420], %swap3A_1423 {strides = array<i32>} : memref<64x128xf32, #tpu.memory_space<vmem>>, vector<1x16xf32>,
        %mul3A_1424 = arith.constant 2 : i32
        %mul3A_1425 = arith.muli %mul3A_1424, %add3A_1303 : i32
        %get3A_1426 = arith.constant 0 : i32
        %get3A_1427 = arith.constant 0 : i32
        %get3A_1428 = tpu.memref_slice %arg6[%scan3A_77, %get3A_1426, %get3A_1427] : memref<2x128x128xf32, #tpu.memory_space<vmem>> -> memref<1x128x128xf32, #tpu.memory_space<vmem>>
        %get3A_1429 = tpu.memref_squeeze %get3A_1428 : memref<1x128x128xf32, #tpu.memory_space<vmem>> -> memref<128x128xf32, #tpu.memory_space<vmem>>
        %get3A_1430 = arith.index_cast %mul3A_1425 : i32 to index
        %get3A_1431 = arith.constant 48 : index
        %get3A_1432 = tpu.vector_load %get3A_1429[%get3A_1430, %get3A_1431] {strides = array<i32>} : memref<128x128xf32, #tpu.memory_space<vmem>>, vector<1x16xf32>,
        %get3A_1433 = vector.shape_cast %get3A_1432 : vector<1x16xf32> to vector<16xf32>
        %swap3A_1434 = arith.constant 0 : i32
        %swap3A_1435 = arith.constant 0 : i32
        %swap3A_1436 = tpu.memref_slice %arg7[%scan3A_78, %swap3A_1434, %swap3A_1435] : memref<2x64x128xf32, #tpu.memory_space<vmem>> -> memref<1x64x128xf32, #tpu.memory_space<vmem>>
        %swap3A_1437 = tpu.memref_squeeze %swap3A_1436 : memref<1x64x128xf32, #tpu.memory_space<vmem>> -> memref<64x128xf32, #tpu.memory_space<vmem>>
        %swap3A_1438 = arith.index_cast %add3A_1303 : i32 to index
        %swap3A_1439 = arith.constant 48 : index
        %swap3A_1440 = tpu.vector_load %swap3A_1437[%swap3A_1438, %swap3A_1439] {strides = array<i32>} : memref<64x128xf32, #tpu.memory_space<vmem>>, vector<1x16xf32>,
        %swap3A_1441 = vector.shape_cast %swap3A_1440 : vector<1x16xf32> to vector<16xf32>
        %swap3A_1442 = vector.shape_cast %get3A_1433 : vector<16xf32> to vector<1x16xf32>
        tpu.vector_store %swap3A_1437[%swap3A_1438, %swap3A_1439], %swap3A_1442 {strides = array<i32>} : memref<64x128xf32, #tpu.memory_space<vmem>>, vector<1x16xf32>,
        %mul3A_1443 = arith.constant 2 : i32
        %mul3A_1444 = arith.muli %mul3A_1443, %add3A_1303 : i32
        %add3A_1445 = arith.constant 1 : i32
        %add3A_1446 = arith.addi %mul3A_1444, %add3A_1445 : i32
        %get3A_1447 = arith.constant 0 : i32
        %get3A_1448 = arith.constant 0 : i32
        %get3A_1449 = tpu.memref_slice %arg6[%scan3A_77, %get3A_1447, %get3A_1448] : memref<2x128x128xf32, #tpu.memory_space<vmem>> -> memref<1x128x128xf32, #tpu.memory_space<vmem>>
        %get3A_1450 = tpu.memref_squeeze %get3A_1449 : memref<1x128x128xf32, #tpu.memory_space<vmem>> -> memref<128x128xf32, #tpu.memory_space<vmem>>
        %get3A_1451 = arith.index_cast %add3A_1446 : i32 to index
        %get3A_1452 = arith.constant 48 : index
        %get3A_1453 = tpu.vector_load %get3A_1450[%get3A_1451, %get3A_1452] {strides = array<i32>} : memref<128x128xf32, #tpu.memory_space<vmem>>, vector<1x16xf32>,
        %get3A_1454 = vector.shape_cast %get3A_1453 : vector<1x16xf32> to vector<16xf32>
        %swap3A_1455 = arith.constant 0 : i32
        %swap3A_1456 = arith.constant 0 : i32
        %swap3A_1457 = tpu.memref_slice %arg7[%scan3A_78, %swap3A_1455, %swap3A_1456] : memref<2x64x128xf32, #tpu.memory_space<vmem>> -> memref<1x64x128xf32, #tpu.memory_space<vmem>>
        %swap3A_1458 = tpu.memref_squeeze %swap3A_1457 : memref<1x64x128xf32, #tpu.memory_space<vmem>> -> memref<64x128xf32, #tpu.memory_space<vmem>>
        %swap3A_1459 = arith.index_cast %add3A_1303 : i32 to index
        %swap3A_1460 = arith.constant 112 : index
        %swap3A_1461 = tpu.vector_load %swap3A_1458[%swap3A_1459, %swap3A_1460] {strides = array<i32>} : memref<64x128xf32, #tpu.memory_space<vmem>>, vector<1x16xf32>,
        %swap3A_1462 = vector.shape_cast %swap3A_1461 : vector<1x16xf32> to vector<16xf32>
        %swap3A_1463 = vector.shape_cast %get3A_1454 : vector<16xf32> to vector<1x16xf32>
        tpu.vector_store %swap3A_1458[%swap3A_1459, %swap3A_1460], %swap3A_1463 {strides = array<i32>} : memref<64x128xf32, #tpu.memory_space<vmem>>, vector<1x16xf32>,
      }
      %scan3A_83 = arith.constant 8 : i32
      %mul3A_84 = arith.constant 64 : i32
      %mul3A_85 = arith.muli %add3A_62, %mul3A_84 : i32
      %add3A_86 = arith.addi %mul3A_4, %mul3A_85 : i32
      %dma_start3A_87 = arith.constant 0 : i32
      %dma_start3A_88 = arith.constant 0 : i32
      %dma_start3A_89 = arith.constant 0 : i32
      %dma_start3A_90 = tpu.memref_slice %arg7[%dma_start3A_87, %dma_start3A_88, %dma_start3A_89] : memref<2x64x128xf32, #tpu.memory_space<vmem>> -> memref<1x64x128xf32, #tpu.memory_space<vmem>>
      %dma_start3A_91 = tpu.memref_squeeze %dma_start3A_90 : memref<1x64x128xf32, #tpu.memory_space<vmem>> -> memref<64x128xf32, #tpu.memory_space<vmem>>
      %dma_start3A_92 = arith.constant 0 : i32
      %dma_start3A_93 = tpu.memref_slice %arg4[%add3A_86, %dma_start3A_92] : memref<53248x128xf32, #tpu.memory_space<hbm>> -> memref<64x128xf32, #tpu.memory_space<hbm>>
      %dma_start3A_94 = arith.constant 0 : i32
      %dma_start3A_95 = tpu.memref_slice %arg4[%add3A_86, %dma_start3A_94] : memref<53248x128xf32, #tpu.memory_space<hbm>> -> memref<64x128xf32, #tpu.memory_space<hbm>>
      %dma_start3A_96 = arith.constant 0 : i32
      %dma_start3A_97 = arith.constant 0 : i32
      %dma_start3A_98 = tpu.memref_slice %arg7[%dma_start3A_87, %dma_start3A_96, %dma_start3A_97] : memref<2x64x128xf32, #tpu.memory_space<vmem>> -> memref<1x64x128xf32, #tpu.memory_space<vmem>>
      %dma_start3A_99 = tpu.memref_squeeze %dma_start3A_98 : memref<1x64x128xf32, #tpu.memory_space<vmem>> -> memref<64x128xf32, #tpu.memory_space<vmem>>
      tpu.enqueue_dma source(%dma_start3A_99 : memref<64x128xf32, #tpu.memory_space<vmem>>) target(%dma_start3A_95 : memref<64x128xf32, #tpu.memory_space<hbm>>) target_semaphore(%arg10 : memref<!tpu.dma_semaphore, #tpu.memory_space<semaphore_mem>>)
      %lt3A = arith.constant 12 : i32
      %lt3A_100 = arith.cmpi slt, %scan3A_58, %lt3A : i32
      %convert_element_type3A_101 = arith.extui %lt3A_100 : i1 to i32
      %cond3A_102 = arith.constant 0 : i32
      %cond3A_103 = arith.cmpi ne, %convert_element_type3A_101, %cond3A_102 : i32
      scf.if %cond3A_103 {
        %add3A_153 = arith.constant 2 : i32
        %add3A_154 = arith.addi %add3A_62, %add3A_153 : i32
        %mul3A_155 = arith.constant 128 : i32
        %mul3A_156 = arith.muli %add3A_154, %mul3A_155 : i32
        %dma_start3A_157 = arith.constant 0 : i32
        %dma_start3A_158 = arith.constant 0 : i32
        %dma_start3A_159 = arith.constant 0 : i32
        %dma_start3A_160 = tpu.memref_slice %arg6[%dma_start3A_157, %dma_start3A_158, %dma_start3A_159] : memref<2x128x128xf32, #tpu.memory_space<vmem>> -> memref<1x128x128xf32, #tpu.memory_space<vmem>>
        %dma_start3A_161 = tpu.memref_squeeze %dma_start3A_160 : memref<1x128x128xf32, #tpu.memory_space<vmem>> -> memref<128x128xf32, #tpu.memory_space<vmem>>
        %dma_start3A_162 = tpu.memref_slice %arg5[%mul3A_156] : memref<3328xi32, #tpu.memory_space<vmem>> -> memref<128xi32, #tpu.memory_space<vmem>>
        %dma_start3A_163 = arith.constant 0 : i32
        %dma_start3A_164 = arith.constant 0 : i32
        %dma_start3A_165 = tpu.memref_slice %arg3[%dma_start3A_163, %dma_start3A_164] : memref<1000000x128xf32, #tpu.memory_space<hbm>> -> memref<1000000x128xf32, #tpu.memory_space<hbm>>
        tpu.enqueue_indirect_dma source(%dma_start3A_165 : memref<1000000x128xf32, #tpu.memory_space<hbm>>) target(%dma_start3A_161 : memref<128x128xf32, #tpu.memory_space<vmem>>) offsets(%dma_start3A_162 : memref<128xi32, #tpu.memory_space<vmem>>) semaphore(%arg8 : memref<!tpu.dma_semaphore, #tpu.memory_space<semaphore_mem>>)
      } else {
      }
      %mul3A_104 = arith.constant 2 : i32
      %mul3A_105 = arith.muli %mul3A_104, %scan3A_58 : i32
      %add3A_106 = arith.constant 1 : i32
      %add3A_107 = arith.addi %mul3A_105, %add3A_106 : i32
      %mul3A_108 = arith.constant 128 : i32
      %mul3A_109 = arith.muli %add3A_107, %mul3A_108 : i32
      %dma_wait3A_110 = arith.constant 1 : i32
      %dma_wait3A_111 = arith.constant 0 : i32
      %dma_wait3A_112 = arith.constant 0 : i32
      %dma_wait3A_113 = tpu.memref_slice %arg6[%dma_wait3A_110, %dma_wait3A_111, %dma_wait3A_112] : memref<2x128x128xf32, #tpu.memory_space<vmem>> -> memref<1x128x128xf32, #tpu.memory_space<vmem>>
      %dma_wait3A_114 = tpu.memref_squeeze %dma_wait3A_113 : memref<1x128x128xf32, #tpu.memory_space<vmem>> -> memref<128x128xf32, #tpu.memory_space<vmem>>
      %dma_wait3A_115 = tpu.memref_slice %arg5[%mul3A_109] : memref<3328xi32, #tpu.memory_space<vmem>> -> memref<128xi32, #tpu.memory_space<vmem>>
      %dma_wait3A_116 = arith.constant 0 : i32
      %dma_wait3A_117 = arith.constant 0 : i32
      %dma_wait3A_118 = tpu.memref_slice %arg3[%dma_wait3A_116, %dma_wait3A_117] : memref<1000000x128xf32, #tpu.memory_space<hbm>> -> memref<1000000x128xf32, #tpu.memory_space<hbm>>
      tpu.wait_indirect_dma semaphore(%arg9 : memref<!tpu.dma_semaphore, #tpu.memory_space<semaphore_mem>>) src(%dma_wait3A_118 : memref<1000000x128xf32, #tpu.memory_space<hbm>>) dst(%dma_wait3A_114 : memref<128x128xf32, #tpu.memory_space<vmem>>)
      %ge3A_119 = arith.constant 1 : i32
      %ge3A_120 = arith.cmpi sge, %scan3A_58, %ge3A_119 : i32
      %convert_element_type3A_121 = arith.extui %ge3A_120 : i1 to i32
      %cond3A_122 = arith.constant 0 : i32
      %cond3A_123 = arith.cmpi ne, %convert_element_type3A_121, %cond3A_122 : i32
      scf.if %cond3A_123 {
        %sub3A = arith.constant 2 : i32
        %sub3A_153 = arith.subi %add3A_107, %sub3A : i32
        %mul3A_154 = arith.constant 64 : i32
        %mul3A_155 = arith.muli %sub3A_153, %mul3A_154 : i32
        %add3A_156 = arith.addi %mul3A_4, %mul3A_155 : i32
        %dma_wait3A_157 = arith.constant 1 : i32
        %dma_wait3A_158 = arith.constant 0 : i32
        %dma_wait3A_159 = arith.constant 0 : i32
        %dma_wait3A_160 = tpu.memref_slice %arg7[%dma_wait3A_157, %dma_wait3A_158, %dma_wait3A_159] : memref<2x64x128xf32, #tpu.memory_space<vmem>> -> memref<1x64x128xf32, #tpu.memory_space<vmem>>
        %dma_wait3A_161 = tpu.memref_squeeze %dma_wait3A_160 : memref<1x64x128xf32, #tpu.memory_space<vmem>> -> memref<64x128xf32, #tpu.memory_space<vmem>>
        %dma_wait3A_162 = arith.constant 0 : i32
        %dma_wait3A_163 = tpu.memref_slice %arg4[%add3A_156, %dma_wait3A_162] : memref<53248x128xf32, #tpu.memory_space<hbm>> -> memref<64x128xf32, #tpu.memory_space<hbm>>
        %dma_wait3A_164 = arith.constant 0 : i32
        %dma_wait3A_165 = tpu.memref_slice %arg4[%add3A_156, %dma_wait3A_164] : memref<53248x128xf32, #tpu.memory_space<hbm>> -> memref<64x128xf32, #tpu.memory_space<hbm>>
        %dma_wait3A_166 = arith.constant 0 : i32
        %dma_wait3A_167 = arith.constant 0 : i32
        %dma_wait3A_168 = tpu.memref_slice %arg7[%dma_wait3A_157, %dma_wait3A_166, %dma_wait3A_167] : memref<2x64x128xf32, #tpu.memory_space<vmem>> -> memref<1x64x128xf32, #tpu.memory_space<vmem>>
        %dma_wait3A_169 = tpu.memref_squeeze %dma_wait3A_168 : memref<1x64x128xf32, #tpu.memory_space<vmem>> -> memref<64x128xf32, #tpu.memory_space<vmem>>
        tpu.wait_dma2 semaphore(%arg11 : memref<!tpu.dma_semaphore, #tpu.memory_space<semaphore_mem>>) src(%dma_wait3A_169 : memref<64x128xf32, #tpu.memory_space<vmem>>) dst(%dma_wait3A_165 : memref<64x128xf32, #tpu.memory_space<hbm>>)
      } else {
      }
      %scan3A_124 = arith.constant 0 : i32
      %scan3A_125 = arith.constant 1 : i32
      %scan3A_126 = arith.constant 1 : i32
      %scan3A_127 = arith.constant 0 : i32
      %scan3A_128 = arith.constant 8 : i32
      %scan3A_129 = arith.addi %scan3A_127, %scan3A_128 : i32
      %scan3A_130 = arith.constant 1 : i32
      scf.for %scan3A_153 = %scan3A_127 to %scan3A_129 step %scan3A_130  : i32 {
        %mul3A_154 = arith.constant 8 : i32
        %mul3A_155 = arith.muli %mul3A_154, %scan3A_153 : i32
        %add3A_156 = arith.constant 0 : i32
        %add3A_157 = arith.addi %mul3A_155, %add3A_156 : i32
        %mul3A_158 = arith.constant 2 : i32
        %mul3A_159 = arith.muli %mul3A_158, %add3A_157 : i32
        %get3A = arith.constant 0 : i32
        %get3A_160 = arith.constant 0 : i32
        %get3A_161 = tpu.memref_slice %arg6[%scan3A_125, %get3A, %get3A_160] : memref<2x128x128xf32, #tpu.memory_space<vmem>> -> memref<1x128x128xf32, #tpu.memory_space<vmem>>
        %get3A_162 = tpu.memref_squeeze %get3A_161 : memref<1x128x128xf32, #tpu.memory_space<vmem>> -> memref<128x128xf32, #tpu.memory_space<vmem>>
        %get3A_163 = arith.index_cast %mul3A_159 : i32 to index
        %get3A_164 = arith.constant 0 : index
        %get3A_165 = tpu.vector_load %get3A_162[%get3A_163, %get3A_164] {strides = array<i32>} : memref<128x128xf32, #tpu.memory_space<vmem>>, vector<1x16xf32>,
        %get3A_166 = vector.shape_cast %get3A_165 : vector<1x16xf32> to vector<16xf32>
        %swap3A = arith.constant 0 : i32
        %swap3A_167 = arith.constant 0 : i32
        %swap3A_168 = tpu.memref_slice %arg7[%scan3A_126, %swap3A, %swap3A_167] : memref<2x64x128xf32, #tpu.memory_space<vmem>> -> memref<1x64x128xf32, #tpu.memory_space<vmem>>
        %swap3A_169 = tpu.memref_squeeze %swap3A_168 : memref<1x64x128xf32, #tpu.memory_space<vmem>> -> memref<64x128xf32, #tpu.memory_space<vmem>>
        %swap3A_170 = arith.index_cast %add3A_157 : i32 to index
        %swap3A_171 = arith.constant 0 : index
        %swap3A_172 = tpu.vector_load %swap3A_169[%swap3A_170, %swap3A_171] {strides = array<i32>} : memref<64x128xf32, #tpu.memory_space<vmem>>, vector<1x16xf32>,
        %swap3A_173 = vector.shape_cast %swap3A_172 : vector<1x16xf32> to vector<16xf32>
        %swap3A_174 = vector.shape_cast %get3A_166 : vector<16xf32> to vector<1x16xf32>
        tpu.vector_store %swap3A_169[%swap3A_170, %swap3A_171], %swap3A_174 {strides = array<i32>} : memref<64x128xf32, #tpu.memory_space<vmem>>, vector<1x16xf32>,
        %mul3A_175 = arith.constant 2 : i32
        %mul3A_176 = arith.muli %mul3A_175, %add3A_157 : i32
        %add3A_177 = arith.constant 1 : i32
        %add3A_178 = arith.addi %mul3A_176, %add3A_177 : i32
        %get3A_179 = arith.constant 0 : i32
        %get3A_180 = arith.constant 0 : i32
        %get3A_181 = tpu.memref_slice %arg6[%scan3A_125, %get3A_179, %get3A_180] : memref<2x128x128xf32, #tpu.memory_space<vmem>> -> memref<1x128x128xf32, #tpu.memory_space<vmem>>
        %get3A_182 = tpu.memref_squeeze %get3A_181 : memref<1x128x128xf32, #tpu.memory_space<vmem>> -> memref<128x128xf32, #tpu.memory_space<vmem>>
        %get3A_183 = arith.index_cast %add3A_178 : i32 to index
        %get3A_184 = arith.constant 0 : index
        %get3A_185 = tpu.vector_load %get3A_182[%get3A_183, %get3A_184] {strides = array<i32>} : memref<128x128xf32, #tpu.memory_space<vmem>>, vector<1x16xf32>,
        %get3A_186 = vector.shape_cast %get3A_185 : vector<1x16xf32> to vector<16xf32>
        %swap3A_187 = arith.constant 0 : i32
        %swap3A_188 = arith.constant 0 : i32
        %swap3A_189 = tpu.memref_slice %arg7[%scan3A_126, %swap3A_187, %swap3A_188] : memref<2x64x128xf32, #tpu.memory_space<vmem>> -> memref<1x64x128xf32, #tpu.memory_space<vmem>>
        %swap3A_190 = tpu.memref_squeeze %swap3A_189 : memref<1x64x128xf32, #tpu.memory_space<vmem>> -> memref<64x128xf32, #tpu.memory_space<vmem>>
        %swap3A_191 = arith.index_cast %add3A_157 : i32 to index
        %swap3A_192 = arith.constant 64 : index
        %swap3A_193 = tpu.vector_load %swap3A_190[%swap3A_191, %swap3A_192] {strides = array<i32>} : memref<64x128xf32, #tpu.memory_space<vmem>>, vector<1x16xf32>,
        %swap3A_194 = vector.shape_cast %swap3A_193 : vector<1x16xf32> to vector<16xf32>
        %swap3A_195 = vector.shape_cast %get3A_186 : vector<16xf32> to vector<1x16xf32>
        tpu.vector_store %swap3A_190[%swap3A_191, %swap3A_192], %swap3A_195 {strides = array<i32>} : memref<64x128xf32, #tpu.memory_space<vmem>>, vector<1x16xf32>,
        %mul3A_196 = arith.constant 2 : i32
        %mul3A_197 = arith.muli %mul3A_196, %add3A_157 : i32
        %get3A_198 = arith.constant 0 : i32
        %get3A_199 = arith.constant 0 : i32
        %get3A_200 = tpu.memref_slice %arg6[%scan3A_125, %get3A_198, %get3A_199] : memref<2x128x128xf32, #tpu.memory_space<vmem>> -> memref<1x128x128xf32, #tpu.memory_space<vmem>>
        %get3A_201 = tpu.memref_squeeze %get3A_200 : memref<1x128x128xf32, #tpu.memory_space<vmem>> -> memref<128x128xf32, #tpu.memory_space<vmem>>
        %get3A_202 = arith.index_cast %mul3A_197 : i32 to index
        %get3A_203 = arith.constant 16 : index
        %get3A_204 = tpu.vector_load %get3A_201[%get3A_202, %get3A_203] {strides = array<i32>} : memref<128x128xf32, #tpu.memory_space<vmem>>, vector<1x16xf32>,
        %get3A_205 = vector.shape_cast %get3A_204 : vector<1x16xf32> to vector<16xf32>
        %swap3A_206 = arith.constant 0 : i32
        %swap3A_207 = arith.constant 0 : i32
        %swap3A_208 = tpu.memref_slice %arg7[%scan3A_126, %swap3A_206, %swap3A_207] : memref<2x64x128xf32, #tpu.memory_space<vmem>> -> memref<1x64x128xf32, #tpu.memory_space<vmem>>
        %swap3A_209 = tpu.memref_squeeze %swap3A_208 : memref<1x64x128xf32, #tpu.memory_space<vmem>> -> memref<64x128xf32, #tpu.memory_space<vmem>>
        %swap3A_210 = arith.index_cast %add3A_157 : i32 to index
        %swap3A_211 = arith.constant 16 : index
        %swap3A_212 = tpu.vector_load %swap3A_209[%swap3A_210, %swap3A_211] {strides = array<i32>} : memref<64x128xf32, #tpu.memory_space<vmem>>, vector<1x16xf32>,
        %swap3A_213 = vector.shape_cast %swap3A_212 : vector<1x16xf32> to vector<16xf32>
        %swap3A_214 = vector.shape_cast %get3A_205 : vector<16xf32> to vector<1x16xf32>
        tpu.vector_store %swap3A_209[%swap3A_210, %swap3A_211], %swap3A_214 {strides = array<i32>} : memref<64x128xf32, #tpu.memory_space<vmem>>, vector<1x16xf32>,
        %mul3A_215 = arith.constant 2 : i32
        %mul3A_216 = arith.muli %mul3A_215, %add3A_157 : i32
        %add3A_217 = arith.constant 1 : i32
        %add3A_218 = arith.addi %mul3A_216, %add3A_217 : i32
        %get3A_219 = arith.constant 0 : i32
        %get3A_220 = arith.constant 0 : i32
        %get3A_221 = tpu.memref_slice %arg6[%scan3A_125, %get3A_219, %get3A_220] : memref<2x128x128xf32, #tpu.memory_space<vmem>> -> memref<1x128x128xf32, #tpu.memory_space<vmem>>
        %get3A_222 = tpu.memref_squeeze %get3A_221 : memref<1x128x128xf32, #tpu.memory_space<vmem>> -> memref<128x128xf32, #tpu.memory_space<vmem>>
        %get3A_223 = arith.index_cast %add3A_218 : i32 to index
        %get3A_224 = arith.constant 16 : index
        %get3A_225 = tpu.vector_load %get3A_222[%get3A_223, %get3A_224] {strides = array<i32>} : memref<128x128xf32, #tpu.memory_space<vmem>>, vector<1x16xf32>,
        %get3A_226 = vector.shape_cast %get3A_225 : vector<1x16xf32> to vector<16xf32>
        %swap3A_227 = arith.constant 0 : i32
        %swap3A_228 = arith.constant 0 : i32
        %swap3A_229 = tpu.memref_slice %arg7[%scan3A_126, %swap3A_227, %swap3A_228] : memref<2x64x128xf32, #tpu.memory_space<vmem>> -> memref<1x64x128xf32, #tpu.memory_space<vmem>>
        %swap3A_230 = tpu.memref_squeeze %swap3A_229 : memref<1x64x128xf32, #tpu.memory_space<vmem>> -> memref<64x128xf32, #tpu.memory_space<vmem>>
        %swap3A_231 = arith.index_cast %add3A_157 : i32 to index
        %swap3A_232 = arith.constant 80 : index
        %swap3A_233 = tpu.vector_load %swap3A_230[%swap3A_231, %swap3A_232] {strides = array<i32>} : memref<64x128xf32, #tpu.memory_space<vmem>>, vector<1x16xf32>,
        %swap3A_234 = vector.shape_cast %swap3A_233 : vector<1x16xf32> to vector<16xf32>
        %swap3A_235 = vector.shape_cast %get3A_226 : vector<16xf32> to vector<1x16xf32>
        tpu.vector_store %swap3A_230[%swap3A_231, %swap3A_232], %swap3A_235 {strides = array<i32>} : memref<64x128xf32, #tpu.memory_space<vmem>>, vector<1x16xf32>,
        %mul3A_236 = arith.constant 2 : i32
        %mul3A_237 = arith.muli %mul3A_236, %add3A_157 : i32
        %get3A_238 = arith.constant 0 : i32
        %get3A_239 = arith.constant 0 : i32
        %get3A_240 = tpu.memref_slice %arg6[%scan3A_125, %get3A_238, %get3A_239] : memref<2x128x128xf32, #tpu.memory_space<vmem>> -> memref<1x128x128xf32, #tpu.memory_space<vmem>>
        %get3A_241 = tpu.memref_squeeze %get3A_240 : memref<1x128x128xf32, #tpu.memory_space<vmem>> -> memref<128x128xf32, #tpu.memory_space<vmem>>
        %get3A_242 = arith.index_cast %mul3A_237 : i32 to index
        %get3A_243 = arith.constant 32 : index
        %get3A_244 = tpu.vector_load %get3A_241[%get3A_242, %get3A_243] {strides = array<i32>} : memref<128x128xf32, #tpu.memory_space<vmem>>, vector<1x16xf32>,
        %get3A_245 = vector.shape_cast %get3A_244 : vector<1x16xf32> to vector<16xf32>
        %swap3A_246 = arith.constant 0 : i32
        %swap3A_247 = arith.constant 0 : i32
        %swap3A_248 = tpu.memref_slice %arg7[%scan3A_126, %swap3A_246, %swap3A_247] : memref<2x64x128xf32, #tpu.memory_space<vmem>> -> memref<1x64x128xf32, #tpu.memory_space<vmem>>
        %swap3A_249 = tpu.memref_squeeze %swap3A_248 : memref<1x64x128xf32, #tpu.memory_space<vmem>> -> memref<64x128xf32, #tpu.memory_space<vmem>>
        %swap3A_250 = arith.index_cast %add3A_157 : i32 to index
        %swap3A_251 = arith.constant 32 : index
        %swap3A_252 = tpu.vector_load %swap3A_249[%swap3A_250, %swap3A_251] {strides = array<i32>} : memref<64x128xf32, #tpu.memory_space<vmem>>, vector<1x16xf32>,
        %swap3A_253 = vector.shape_cast %swap3A_252 : vector<1x16xf32> to vector<16xf32>
        %swap3A_254 = vector.shape_cast %get3A_245 : vector<16xf32> to vector<1x16xf32>
        tpu.vector_store %swap3A_249[%swap3A_250, %swap3A_251], %swap3A_254 {strides = array<i32>} : memref<64x128xf32, #tpu.memory_space<vmem>>, vector<1x16xf32>,
        %mul3A_255 = arith.constant 2 : i32
        %mul3A_256 = arith.muli %mul3A_255, %add3A_157 : i32
        %add3A_257 = arith.constant 1 : i32
        %add3A_258 = arith.addi %mul3A_256, %add3A_257 : i32
        %get3A_259 = arith.constant 0 : i32
        %get3A_260 = arith.constant 0 : i32
        %get3A_261 = tpu.memref_slice %arg6[%scan3A_125, %get3A_259, %get3A_260] : memref<2x128x128xf32, #tpu.memory_space<vmem>> -> memref<1x128x128xf32, #tpu.memory_space<vmem>>
        %get3A_262 = tpu.memref_squeeze %get3A_261 : memref<1x128x128xf32, #tpu.memory_space<vmem>> -> memref<128x128xf32, #tpu.memory_space<vmem>>
        %get3A_263 = arith.index_cast %add3A_258 : i32 to index
        %get3A_264 = arith.constant 32 : index
        %get3A_265 = tpu.vector_load %get3A_262[%get3A_263, %get3A_264] {strides = array<i32>} : memref<128x128xf32, #tpu.memory_space<vmem>>, vector<1x16xf32>,
        %get3A_266 = vector.shape_cast %get3A_265 : vector<1x16xf32> to vector<16xf32>
        %swap3A_267 = arith.constant 0 : i32
        %swap3A_268 = arith.constant 0 : i32
        %swap3A_269 = tpu.memref_slice %arg7[%scan3A_126, %swap3A_267, %swap3A_268] : memref<2x64x128xf32, #tpu.memory_space<vmem>> -> memref<1x64x128xf32, #tpu.memory_space<vmem>>
        %swap3A_270 = tpu.memref_squeeze %swap3A_269 : memref<1x64x128xf32, #tpu.memory_space<vmem>> -> memref<64x128xf32, #tpu.memory_space<vmem>>
        %swap3A_271 = arith.index_cast %add3A_157 : i32 to index
        %swap3A_272 = arith.constant 96 : index
        %swap3A_273 = tpu.vector_load %swap3A_270[%swap3A_271, %swap3A_272] {strides = array<i32>} : memref<64x128xf32, #tpu.memory_space<vmem>>, vector<1x16xf32>,
        %swap3A_274 = vector.shape_cast %swap3A_273 : vector<1x16xf32> to vector<16xf32>
        %swap3A_275 = vector.shape_cast %get3A_266 : vector<16xf32> to vector<1x16xf32>
        tpu.vector_store %swap3A_270[%swap3A_271, %swap3A_272], %swap3A_275 {strides = array<i32>} : memref<64x128xf32, #tpu.memory_space<vmem>>, vector<1x16xf32>,
        %mul3A_276 = arith.constant 2 : i32
        %mul3A_277 = arith.muli %mul3A_276, %add3A_157 : i32
        %get3A_278 = arith.constant 0 : i32
        %get3A_279 = arith.constant 0 : i32
        %get3A_280 = tpu.memref_slice %arg6[%scan3A_125, %get3A_278, %get3A_279] : memref<2x128x128xf32, #tpu.memory_space<vmem>> -> memref<1x128x128xf32, #tpu.memory_space<vmem>>
        %get3A_281 = tpu.memref_squeeze %get3A_280 : memref<1x128x128xf32, #tpu.memory_space<vmem>> -> memref<128x128xf32, #tpu.memory_space<vmem>>
        %get3A_282 = arith.index_cast %mul3A_277 : i32 to index
        %get3A_283 = arith.constant 48 : index
        %get3A_284 = tpu.vector_load %get3A_281[%get3A_282, %get3A_283] {strides = array<i32>} : memref<128x128xf32, #tpu.memory_space<vmem>>, vector<1x16xf32>,
        %get3A_285 = vector.shape_cast %get3A_284 : vector<1x16xf32> to vector<16xf32>
        %swap3A_286 = arith.constant 0 : i32
        %swap3A_287 = arith.constant 0 : i32
        %swap3A_288 = tpu.memref_slice %arg7[%scan3A_126, %swap3A_286, %swap3A_287] : memref<2x64x128xf32, #tpu.memory_space<vmem>> -> memref<1x64x128xf32, #tpu.memory_space<vmem>>
        %swap3A_289 = tpu.memref_squeeze %swap3A_288 : memref<1x64x128xf32, #tpu.memory_space<vmem>> -> memref<64x128xf32, #tpu.memory_space<vmem>>
        %swap3A_290 = arith.index_cast %add3A_157 : i32 to index
        %swap3A_291 = arith.constant 48 : index
        %swap3A_292 = tpu.vector_load %swap3A_289[%swap3A_290, %swap3A_291] {strides = array<i32>} : memref<64x128xf32, #tpu.memory_space<vmem>>, vector<1x16xf32>,
        %swap3A_293 = vector.shape_cast %swap3A_292 : vector<1x16xf32> to vector<16xf32>
        %swap3A_294 = vector.shape_cast %get3A_285 : vector<16xf32> to vector<1x16xf32>
        tpu.vector_store %swap3A_289[%swap3A_290, %swap3A_291], %swap3A_294 {strides = array<i32>} : memref<64x128xf32, #tpu.memory_space<vmem>>, vector<1x16xf32>,
        %mul3A_295 = arith.constant 2 : i32
        %mul3A_296 = arith.muli %mul3A_295, %add3A_157 : i32
        %add3A_297 = arith.constant 1 : i32
        %add3A_298 = arith.addi %mul3A_296, %add3A_297 : i32
        %get3A_299 = arith.constant 0 : i32
        %get3A_300 = arith.constant 0 : i32
        %get3A_301 = tpu.memref_slice %arg6[%scan3A_125, %get3A_299, %get3A_300] : memref<2x128x128xf32, #tpu.memory_space<vmem>> -> memref<1x128x128xf32, #tpu.memory_space<vmem>>
        %get3A_302 = tpu.memref_squeeze %get3A_301 : memref<1x128x128xf32, #tpu.memory_space<vmem>> -> memref<128x128xf32, #tpu.memory_space<vmem>>
        %get3A_303 = arith.index_cast %add3A_298 : i32 to index
        %get3A_304 = arith.constant 48 : index
        %get3A_305 = tpu.vector_load %get3A_302[%get3A_303, %get3A_304] {strides = array<i32>} : memref<128x128xf32, #tpu.memory_space<vmem>>, vector<1x16xf32>,
        %get3A_306 = vector.shape_cast %get3A_305 : vector<1x16xf32> to vector<16xf32>
        %swap3A_307 = arith.constant 0 : i32
        %swap3A_308 = arith.constant 0 : i32
        %swap3A_309 = tpu.memref_slice %arg7[%scan3A_126, %swap3A_307, %swap3A_308] : memref<2x64x128xf32, #tpu.memory_space<vmem>> -> memref<1x64x128xf32, #tpu.memory_space<vmem>>
        %swap3A_310 = tpu.memref_squeeze %swap3A_309 : memref<1x64x128xf32, #tpu.memory_space<vmem>> -> memref<64x128xf32, #tpu.memory_space<vmem>>
        %swap3A_311 = arith.index_cast %add3A_157 : i32 to index
        %swap3A_312 = arith.constant 112 : index
        %swap3A_313 = tpu.vector_load %swap3A_310[%swap3A_311, %swap3A_312] {strides = array<i32>} : memref<64x128xf32, #tpu.memory_space<vmem>>, vector<1x16xf32>,
        %swap3A_314 = vector.shape_cast %swap3A_313 : vector<1x16xf32> to vector<16xf32>
        %swap3A_315 = vector.shape_cast %get3A_306 : vector<16xf32> to vector<1x16xf32>
        tpu.vector_store %swap3A_310[%swap3A_311, %swap3A_312], %swap3A_315 {strides = array<i32>} : memref<64x128xf32, #tpu.memory_space<vmem>>, vector<1x16xf32>,
        %mul3A_316 = arith.constant 8 : i32
        %mul3A_317 = arith.muli %mul3A_316, %scan3A_153 : i32
        %add3A_318 = arith.constant 1 : i32
        %add3A_319 = arith.addi %mul3A_317, %add3A_318 : i32
        %mul3A_320 = arith.constant 2 : i32
        %mul3A_321 = arith.muli %mul3A_320, %add3A_319 : i32
        %get3A_322 = arith.constant 0 : i32
        %get3A_323 = arith.constant 0 : i32
        %get3A_324 = tpu.memref_slice %arg6[%scan3A_125, %get3A_322, %get3A_323] : memref<2x128x128xf32, #tpu.memory_space<vmem>> -> memref<1x128x128xf32, #tpu.memory_space<vmem>>
        %get3A_325 = tpu.memref_squeeze %get3A_324 : memref<1x128x128xf32, #tpu.memory_space<vmem>> -> memref<128x128xf32, #tpu.memory_space<vmem>>
        %get3A_326 = arith.index_cast %mul3A_321 : i32 to index
        %get3A_327 = arith.constant 0 : index
        %get3A_328 = tpu.vector_load %get3A_325[%get3A_326, %get3A_327] {strides = array<i32>} : memref<128x128xf32, #tpu.memory_space<vmem>>, vector<1x16xf32>,
        %get3A_329 = vector.shape_cast %get3A_328 : vector<1x16xf32> to vector<16xf32>
        %swap3A_330 = arith.constant 0 : i32
        %swap3A_331 = arith.constant 0 : i32
        %swap3A_332 = tpu.memref_slice %arg7[%scan3A_126, %swap3A_330, %swap3A_331] : memref<2x64x128xf32, #tpu.memory_space<vmem>> -> memref<1x64x128xf32, #tpu.memory_space<vmem>>
        %swap3A_333 = tpu.memref_squeeze %swap3A_332 : memref<1x64x128xf32, #tpu.memory_space<vmem>> -> memref<64x128xf32, #tpu.memory_space<vmem>>
        %swap3A_334 = arith.index_cast %add3A_319 : i32 to index
        %swap3A_335 = arith.constant 0 : index
        %swap3A_336 = tpu.vector_load %swap3A_333[%swap3A_334, %swap3A_335] {strides = array<i32>} : memref<64x128xf32, #tpu.memory_space<vmem>>, vector<1x16xf32>,
        %swap3A_337 = vector.shape_cast %swap3A_336 : vector<1x16xf32> to vector<16xf32>
        %swap3A_338 = vector.shape_cast %get3A_329 : vector<16xf32> to vector<1x16xf32>
        tpu.vector_store %swap3A_333[%swap3A_334, %swap3A_335], %swap3A_338 {strides = array<i32>} : memref<64x128xf32, #tpu.memory_space<vmem>>, vector<1x16xf32>,
        %mul3A_339 = arith.constant 2 : i32
        %mul3A_340 = arith.muli %mul3A_339, %add3A_319 : i32
        %add3A_341 = arith.constant 1 : i32
        %add3A_342 = arith.addi %mul3A_340, %add3A_341 : i32
        %get3A_343 = arith.constant 0 : i32
        %get3A_344 = arith.constant 0 : i32
        %get3A_345 = tpu.memref_slice %arg6[%scan3A_125, %get3A_343, %get3A_344] : memref<2x128x128xf32, #tpu.memory_space<vmem>> -> memref<1x128x128xf32, #tpu.memory_space<vmem>>
        %get3A_346 = tpu.memref_squeeze %get3A_345 : memref<1x128x128xf32, #tpu.memory_space<vmem>> -> memref<128x128xf32, #tpu.memory_space<vmem>>
        %get3A_347 = arith.index_cast %add3A_342 : i32 to index
        %get3A_348 = arith.constant 0 : index
        %get3A_349 = tpu.vector_load %get3A_346[%get3A_347, %get3A_348] {strides = array<i32>} : memref<128x128xf32, #tpu.memory_space<vmem>>, vector<1x16xf32>,
        %get3A_350 = vector.shape_cast %get3A_349 : vector<1x16xf32> to vector<16xf32>
        %swap3A_351 = arith.constant 0 : i32
        %swap3A_352 = arith.constant 0 : i32
        %swap3A_353 = tpu.memref_slice %arg7[%scan3A_126, %swap3A_351, %swap3A_352] : memref<2x64x128xf32, #tpu.memory_space<vmem>> -> memref<1x64x128xf32, #tpu.memory_space<vmem>>
        %swap3A_354 = tpu.memref_squeeze %swap3A_353 : memref<1x64x128xf32, #tpu.memory_space<vmem>> -> memref<64x128xf32, #tpu.memory_space<vmem>>
        %swap3A_355 = arith.index_cast %add3A_319 : i32 to index
        %swap3A_356 = arith.constant 64 : index
        %swap3A_357 = tpu.vector_load %swap3A_354[%swap3A_355, %swap3A_356] {strides = array<i32>} : memref<64x128xf32, #tpu.memory_space<vmem>>, vector<1x16xf32>,
        %swap3A_358 = vector.shape_cast %swap3A_357 : vector<1x16xf32> to vector<16xf32>
        %swap3A_359 = vector.shape_cast %get3A_350 : vector<16xf32> to vector<1x16xf32>
        tpu.vector_store %swap3A_354[%swap3A_355, %swap3A_356], %swap3A_359 {strides = array<i32>} : memref<64x128xf32, #tpu.memory_space<vmem>>, vector<1x16xf32>,
        %mul3A_360 = arith.constant 2 : i32
        %mul3A_361 = arith.muli %mul3A_360, %add3A_319 : i32
        %get3A_362 = arith.constant 0 : i32
        %get3A_363 = arith.constant 0 : i32
        %get3A_364 = tpu.memref_slice %arg6[%scan3A_125, %get3A_362, %get3A_363] : memref<2x128x128xf32, #tpu.memory_space<vmem>> -> memref<1x128x128xf32, #tpu.memory_space<vmem>>
        %get3A_365 = tpu.memref_squeeze %get3A_364 : memref<1x128x128xf32, #tpu.memory_space<vmem>> -> memref<128x128xf32, #tpu.memory_space<vmem>>
        %get3A_366 = arith.index_cast %mul3A_361 : i32 to index
        %get3A_367 = arith.constant 16 : index
        %get3A_368 = tpu.vector_load %get3A_365[%get3A_366, %get3A_367] {strides = array<i32>} : memref<128x128xf32, #tpu.memory_space<vmem>>, vector<1x16xf32>,
        %get3A_369 = vector.shape_cast %get3A_368 : vector<1x16xf32> to vector<16xf32>
        %swap3A_370 = arith.constant 0 : i32
        %swap3A_371 = arith.constant 0 : i32
        %swap3A_372 = tpu.memref_slice %arg7[%scan3A_126, %swap3A_370, %swap3A_371] : memref<2x64x128xf32, #tpu.memory_space<vmem>> -> memref<1x64x128xf32, #tpu.memory_space<vmem>>
        %swap3A_373 = tpu.memref_squeeze %swap3A_372 : memref<1x64x128xf32, #tpu.memory_space<vmem>> -> memref<64x128xf32, #tpu.memory_space<vmem>>
        %swap3A_374 = arith.index_cast %add3A_319 : i32 to index
        %swap3A_375 = arith.constant 16 : index
        %swap3A_376 = tpu.vector_load %swap3A_373[%swap3A_374, %swap3A_375] {strides = array<i32>} : memref<64x128xf32, #tpu.memory_space<vmem>>, vector<1x16xf32>,
        %swap3A_377 = vector.shape_cast %swap3A_376 : vector<1x16xf32> to vector<16xf32>
        %swap3A_378 = vector.shape_cast %get3A_369 : vector<16xf32> to vector<1x16xf32>
        tpu.vector_store %swap3A_373[%swap3A_374, %swap3A_375], %swap3A_378 {strides = array<i32>} : memref<64x128xf32, #tpu.memory_space<vmem>>, vector<1x16xf32>,
        %mul3A_379 = arith.constant 2 : i32
        %mul3A_380 = arith.muli %mul3A_379, %add3A_319 : i32
        %add3A_381 = arith.constant 1 : i32
        %add3A_382 = arith.addi %mul3A_380, %add3A_381 : i32
        %get3A_383 = arith.constant 0 : i32
        %get3A_384 = arith.constant 0 : i32
        %get3A_385 = tpu.memref_slice %arg6[%scan3A_125, %get3A_383, %get3A_384] : memref<2x128x128xf32, #tpu.memory_space<vmem>> -> memref<1x128x128xf32, #tpu.memory_space<vmem>>
        %get3A_386 = tpu.memref_squeeze %get3A_385 : memref<1x128x128xf32, #tpu.memory_space<vmem>> -> memref<128x128xf32, #tpu.memory_space<vmem>>
        %get3A_387 = arith.index_cast %add3A_382 : i32 to index
        %get3A_388 = arith.constant 16 : index
        %get3A_389 = tpu.vector_load %get3A_386[%get3A_387, %get3A_388] {strides = array<i32>} : memref<128x128xf32, #tpu.memory_space<vmem>>, vector<1x16xf32>,
        %get3A_390 = vector.shape_cast %get3A_389 : vector<1x16xf32> to vector<16xf32>
        %swap3A_391 = arith.constant 0 : i32
        %swap3A_392 = arith.constant 0 : i32
        %swap3A_393 = tpu.memref_slice %arg7[%scan3A_126, %swap3A_391, %swap3A_392] : memref<2x64x128xf32, #tpu.memory_space<vmem>> -> memref<1x64x128xf32, #tpu.memory_space<vmem>>
        %swap3A_394 = tpu.memref_squeeze %swap3A_393 : memref<1x64x128xf32, #tpu.memory_space<vmem>> -> memref<64x128xf32, #tpu.memory_space<vmem>>
        %swap3A_395 = arith.index_cast %add3A_319 : i32 to index
        %swap3A_396 = arith.constant 80 : index
        %swap3A_397 = tpu.vector_load %swap3A_394[%swap3A_395, %swap3A_396] {strides = array<i32>} : memref<64x128xf32, #tpu.memory_space<vmem>>, vector<1x16xf32>,
        %swap3A_398 = vector.shape_cast %swap3A_397 : vector<1x16xf32> to vector<16xf32>
        %swap3A_399 = vector.shape_cast %get3A_390 : vector<16xf32> to vector<1x16xf32>
        tpu.vector_store %swap3A_394[%swap3A_395, %swap3A_396], %swap3A_399 {strides = array<i32>} : memref<64x128xf32, #tpu.memory_space<vmem>>, vector<1x16xf32>,
        %mul3A_400 = arith.constant 2 : i32
        %mul3A_401 = arith.muli %mul3A_400, %add3A_319 : i32
        %get3A_402 = arith.constant 0 : i32
        %get3A_403 = arith.constant 0 : i32
        %get3A_404 = tpu.memref_slice %arg6[%scan3A_125, %get3A_402, %get3A_403] : memref<2x128x128xf32, #tpu.memory_space<vmem>> -> memref<1x128x128xf32, #tpu.memory_space<vmem>>
        %get3A_405 = tpu.memref_squeeze %get3A_404 : memref<1x128x128xf32, #tpu.memory_space<vmem>> -> memref<128x128xf32, #tpu.memory_space<vmem>>
        %get3A_406 = arith.index_cast %mul3A_401 : i32 to index
        %get3A_407 = arith.constant 32 : index
        %get3A_408 = tpu.vector_load %get3A_405[%get3A_406, %get3A_407] {strides = array<i32>} : memref<128x128xf32, #tpu.memory_space<vmem>>, vector<1x16xf32>,
        %get3A_409 = vector.shape_cast %get3A_408 : vector<1x16xf32> to vector<16xf32>
        %swap3A_410 = arith.constant 0 : i32
        %swap3A_411 = arith.constant 0 : i32
        %swap3A_412 = tpu.memref_slice %arg7[%scan3A_126, %swap3A_410, %swap3A_411] : memref<2x64x128xf32, #tpu.memory_space<vmem>> -> memref<1x64x128xf32, #tpu.memory_space<vmem>>
        %swap3A_413 = tpu.memref_squeeze %swap3A_412 : memref<1x64x128xf32, #tpu.memory_space<vmem>> -> memref<64x128xf32, #tpu.memory_space<vmem>>
        %swap3A_414 = arith.index_cast %add3A_319 : i32 to index
        %swap3A_415 = arith.constant 32 : index
        %swap3A_416 = tpu.vector_load %swap3A_413[%swap3A_414, %swap3A_415] {strides = array<i32>} : memref<64x128xf32, #tpu.memory_space<vmem>>, vector<1x16xf32>,
        %swap3A_417 = vector.shape_cast %swap3A_416 : vector<1x16xf32> to vector<16xf32>
        %swap3A_418 = vector.shape_cast %get3A_409 : vector<16xf32> to vector<1x16xf32>
        tpu.vector_store %swap3A_413[%swap3A_414, %swap3A_415], %swap3A_418 {strides = array<i32>} : memref<64x128xf32, #tpu.memory_space<vmem>>, vector<1x16xf32>,
        %mul3A_419 = arith.constant 2 : i32
        %mul3A_420 = arith.muli %mul3A_419, %add3A_319 : i32
        %add3A_421 = arith.constant 1 : i32
        %add3A_422 = arith.addi %mul3A_420, %add3A_421 : i32
        %get3A_423 = arith.constant 0 : i32
        %get3A_424 = arith.constant 0 : i32
        %get3A_425 = tpu.memref_slice %arg6[%scan3A_125, %get3A_423, %get3A_424] : memref<2x128x128xf32, #tpu.memory_space<vmem>> -> memref<1x128x128xf32, #tpu.memory_space<vmem>>
        %get3A_426 = tpu.memref_squeeze %get3A_425 : memref<1x128x128xf32, #tpu.memory_space<vmem>> -> memref<128x128xf32, #tpu.memory_space<vmem>>
        %get3A_427 = arith.index_cast %add3A_422 : i32 to index
        %get3A_428 = arith.constant 32 : index
        %get3A_429 = tpu.vector_load %get3A_426[%get3A_427, %get3A_428] {strides = array<i32>} : memref<128x128xf32, #tpu.memory_space<vmem>>, vector<1x16xf32>,
        %get3A_430 = vector.shape_cast %get3A_429 : vector<1x16xf32> to vector<16xf32>
        %swap3A_431 = arith.constant 0 : i32
        %swap3A_432 = arith.constant 0 : i32
        %swap3A_433 = tpu.memref_slice %arg7[%scan3A_126, %swap3A_431, %swap3A_432] : memref<2x64x128xf32, #tpu.memory_space<vmem>> -> memref<1x64x128xf32, #tpu.memory_space<vmem>>
        %swap3A_434 = tpu.memref_squeeze %swap3A_433 : memref<1x64x128xf32, #tpu.memory_space<vmem>> -> memref<64x128xf32, #tpu.memory_space<vmem>>
        %swap3A_435 = arith.index_cast %add3A_319 : i32 to index
        %swap3A_436 = arith.constant 96 : index
        %swap3A_437 = tpu.vector_load %swap3A_434[%swap3A_435, %swap3A_436] {strides = array<i32>} : memref<64x128xf32, #tpu.memory_space<vmem>>, vector<1x16xf32>,
        %swap3A_438 = vector.shape_cast %swap3A_437 : vector<1x16xf32> to vector<16xf32>
        %swap3A_439 = vector.shape_cast %get3A_430 : vector<16xf32> to vector<1x16xf32>
        tpu.vector_store %swap3A_434[%swap3A_435, %swap3A_436], %swap3A_439 {strides = array<i32>} : memref<64x128xf32, #tpu.memory_space<vmem>>, vector<1x16xf32>,
        %mul3A_440 = arith.constant 2 : i32
        %mul3A_441 = arith.muli %mul3A_440, %add3A_319 : i32
        %get3A_442 = arith.constant 0 : i32
        %get3A_443 = arith.constant 0 : i32
        %get3A_444 = tpu.memref_slice %arg6[%scan3A_125, %get3A_442, %get3A_443] : memref<2x128x128xf32, #tpu.memory_space<vmem>> -> memref<1x128x128xf32, #tpu.memory_space<vmem>>
        %get3A_445 = tpu.memref_squeeze %get3A_444 : memref<1x128x128xf32, #tpu.memory_space<vmem>> -> memref<128x128xf32, #tpu.memory_space<vmem>>
        %get3A_446 = arith.index_cast %mul3A_441 : i32 to index
        %get3A_447 = arith.constant 48 : index
        %get3A_448 = tpu.vector_load %get3A_445[%get3A_446, %get3A_447] {strides = array<i32>} : memref<128x128xf32, #tpu.memory_space<vmem>>, vector<1x16xf32>,
        %get3A_449 = vector.shape_cast %get3A_448 : vector<1x16xf32> to vector<16xf32>
        %swap3A_450 = arith.constant 0 : i32
        %swap3A_451 = arith.constant 0 : i32
        %swap3A_452 = tpu.memref_slice %arg7[%scan3A_126, %swap3A_450, %swap3A_451] : memref<2x64x128xf32, #tpu.memory_space<vmem>> -> memref<1x64x128xf32, #tpu.memory_space<vmem>>
        %swap3A_453 = tpu.memref_squeeze %swap3A_452 : memref<1x64x128xf32, #tpu.memory_space<vmem>> -> memref<64x128xf32, #tpu.memory_space<vmem>>
        %swap3A_454 = arith.index_cast %add3A_319 : i32 to index
        %swap3A_455 = arith.constant 48 : index
        %swap3A_456 = tpu.vector_load %swap3A_453[%swap3A_454, %swap3A_455] {strides = array<i32>} : memref<64x128xf32, #tpu.memory_space<vmem>>, vector<1x16xf32>,
        %swap3A_457 = vector.shape_cast %swap3A_456 : vector<1x16xf32> to vector<16xf32>
        %swap3A_458 = vector.shape_cast %get3A_449 : vector<16xf32> to vector<1x16xf32>
        tpu.vector_store %swap3A_453[%swap3A_454, %swap3A_455], %swap3A_458 {strides = array<i32>} : memref<64x128xf32, #tpu.memory_space<vmem>>, vector<1x16xf32>,
        %mul3A_459 = arith.constant 2 : i32
        %mul3A_460 = arith.muli %mul3A_459, %add3A_319 : i32
        %add3A_461 = arith.constant 1 : i32
        %add3A_462 = arith.addi %mul3A_460, %add3A_461 : i32
        %get3A_463 = arith.constant 0 : i32
        %get3A_464 = arith.constant 0 : i32
        %get3A_465 = tpu.memref_slice %arg6[%scan3A_125, %get3A_463, %get3A_464] : memref<2x128x128xf32, #tpu.memory_space<vmem>> -> memref<1x128x128xf32, #tpu.memory_space<vmem>>
        %get3A_466 = tpu.memref_squeeze %get3A_465 : memref<1x128x128xf32, #tpu.memory_space<vmem>> -> memref<128x128xf32, #tpu.memory_space<vmem>>
        %get3A_467 = arith.index_cast %add3A_462 : i32 to index
        %get3A_468 = arith.constant 48 : index
        %get3A_469 = tpu.vector_load %get3A_466[%get3A_467, %get3A_468] {strides = array<i32>} : memref<128x128xf32, #tpu.memory_space<vmem>>, vector<1x16xf32>,
        %get3A_470 = vector.shape_cast %get3A_469 : vector<1x16xf32> to vector<16xf32>
        %swap3A_471 = arith.constant 0 : i32
        %swap3A_472 = arith.constant 0 : i32
        %swap3A_473 = tpu.memref_slice %arg7[%scan3A_126, %swap3A_471, %swap3A_472] : memref<2x64x128xf32, #tpu.memory_space<vmem>> -> memref<1x64x128xf32, #tpu.memory_space<vmem>>
        %swap3A_474 = tpu.memref_squeeze %swap3A_473 : memref<1x64x128xf32, #tpu.memory_space<vmem>> -> memref<64x128xf32, #tpu.memory_space<vmem>>
        %swap3A_475 = arith.index_cast %add3A_319 : i32 to index
        %swap3A_476 = arith.constant 112 : index
        %swap3A_477 = tpu.vector_load %swap3A_474[%swap3A_475, %swap3A_476] {strides = array<i32>} : memref<64x128xf32, #tpu.memory_space<vmem>>, vector<1x16xf32>,
        %swap3A_478 = vector.shape_cast %swap3A_477 : vector<1x16xf32> to vector<16xf32>
        %swap3A_479 = vector.shape_cast %get3A_470 : vector<16xf32> to vector<1x16xf32>
        tpu.vector_store %swap3A_474[%swap3A_475, %swap3A_476], %swap3A_479 {strides = array<i32>} : memref<64x128xf32, #tpu.memory_space<vmem>>, vector<1x16xf32>,
        %mul3A_480 = arith.constant 8 : i32
        %mul3A_481 = arith.muli %mul3A_480, %scan3A_153 : i32
        %add3A_482 = arith.constant 2 : i32
        %add3A_483 = arith.addi %mul3A_481, %add3A_482 : i32
        %mul3A_484 = arith.constant 2 : i32
        %mul3A_485 = arith.muli %mul3A_484, %add3A_483 : i32
        %get3A_486 = arith.constant 0 : i32
        %get3A_487 = arith.constant 0 : i32
        %get3A_488 = tpu.memref_slice %arg6[%scan3A_125, %get3A_486, %get3A_487] : memref<2x128x128xf32, #tpu.memory_space<vmem>> -> memref<1x128x128xf32, #tpu.memory_space<vmem>>
        %get3A_489 = tpu.memref_squeeze %get3A_488 : memref<1x128x128xf32, #tpu.memory_space<vmem>> -> memref<128x128xf32, #tpu.memory_space<vmem>>
        %get3A_490 = arith.index_cast %mul3A_485 : i32 to index
        %get3A_491 = arith.constant 0 : index
        %get3A_492 = tpu.vector_load %get3A_489[%get3A_490, %get3A_491] {strides = array<i32>} : memref<128x128xf32, #tpu.memory_space<vmem>>, vector<1x16xf32>,
        %get3A_493 = vector.shape_cast %get3A_492 : vector<1x16xf32> to vector<16xf32>
        %swap3A_494 = arith.constant 0 : i32
        %swap3A_495 = arith.constant 0 : i32
        %swap3A_496 = tpu.memref_slice %arg7[%scan3A_126, %swap3A_494, %swap3A_495] : memref<2x64x128xf32, #tpu.memory_space<vmem>> -> memref<1x64x128xf32, #tpu.memory_space<vmem>>
        %swap3A_497 = tpu.memref_squeeze %swap3A_496 : memref<1x64x128xf32, #tpu.memory_space<vmem>> -> memref<64x128xf32, #tpu.memory_space<vmem>>
        %swap3A_498 = arith.index_cast %add3A_483 : i32 to index
        %swap3A_499 = arith.constant 0 : index
        %swap3A_500 = tpu.vector_load %swap3A_497[%swap3A_498, %swap3A_499] {strides = array<i32>} : memref<64x128xf32, #tpu.memory_space<vmem>>, vector<1x16xf32>,
        %swap3A_501 = vector.shape_cast %swap3A_500 : vector<1x16xf32> to vector<16xf32>
        %swap3A_502 = vector.shape_cast %get3A_493 : vector<16xf32> to vector<1x16xf32>
        tpu.vector_store %swap3A_497[%swap3A_498, %swap3A_499], %swap3A_502 {strides = array<i32>} : memref<64x128xf32, #tpu.memory_space<vmem>>, vector<1x16xf32>,
        %mul3A_503 = arith.constant 2 : i32
        %mul3A_504 = arith.muli %mul3A_503, %add3A_483 : i32
        %add3A_505 = arith.constant 1 : i32
        %add3A_506 = arith.addi %mul3A_504, %add3A_505 : i32
        %get3A_507 = arith.constant 0 : i32
        %get3A_508 = arith.constant 0 : i32
        %get3A_509 = tpu.memref_slice %arg6[%scan3A_125, %get3A_507, %get3A_508] : memref<2x128x128xf32, #tpu.memory_space<vmem>> -> memref<1x128x128xf32, #tpu.memory_space<vmem>>
        %get3A_510 = tpu.memref_squeeze %get3A_509 : memref<1x128x128xf32, #tpu.memory_space<vmem>> -> memref<128x128xf32, #tpu.memory_space<vmem>>
        %get3A_511 = arith.index_cast %add3A_506 : i32 to index
        %get3A_512 = arith.constant 0 : index
        %get3A_513 = tpu.vector_load %get3A_510[%get3A_511, %get3A_512] {strides = array<i32>} : memref<128x128xf32, #tpu.memory_space<vmem>>, vector<1x16xf32>,
        %get3A_514 = vector.shape_cast %get3A_513 : vector<1x16xf32> to vector<16xf32>
        %swap3A_515 = arith.constant 0 : i32
        %swap3A_516 = arith.constant 0 : i32
        %swap3A_517 = tpu.memref_slice %arg7[%scan3A_126, %swap3A_515, %swap3A_516] : memref<2x64x128xf32, #tpu.memory_space<vmem>> -> memref<1x64x128xf32, #tpu.memory_space<vmem>>
        %swap3A_518 = tpu.memref_squeeze %swap3A_517 : memref<1x64x128xf32, #tpu.memory_space<vmem>> -> memref<64x128xf32, #tpu.memory_space<vmem>>
        %swap3A_519 = arith.index_cast %add3A_483 : i32 to index
        %swap3A_520 = arith.constant 64 : index
        %swap3A_521 = tpu.vector_load %swap3A_518[%swap3A_519, %swap3A_520] {strides = array<i32>} : memref<64x128xf32, #tpu.memory_space<vmem>>, vector<1x16xf32>,
        %swap3A_522 = vector.shape_cast %swap3A_521 : vector<1x16xf32> to vector<16xf32>
        %swap3A_523 = vector.shape_cast %get3A_514 : vector<16xf32> to vector<1x16xf32>
        tpu.vector_store %swap3A_518[%swap3A_519, %swap3A_520], %swap3A_523 {strides = array<i32>} : memref<64x128xf32, #tpu.memory_space<vmem>>, vector<1x16xf32>,
        %mul3A_524 = arith.constant 2 : i32
        %mul3A_525 = arith.muli %mul3A_524, %add3A_483 : i32
        %get3A_526 = arith.constant 0 : i32
        %get3A_527 = arith.constant 0 : i32
        %get3A_528 = tpu.memref_slice %arg6[%scan3A_125, %get3A_526, %get3A_527] : memref<2x128x128xf32, #tpu.memory_space<vmem>> -> memref<1x128x128xf32, #tpu.memory_space<vmem>>
        %get3A_529 = tpu.memref_squeeze %get3A_528 : memref<1x128x128xf32, #tpu.memory_space<vmem>> -> memref<128x128xf32, #tpu.memory_space<vmem>>
        %get3A_530 = arith.index_cast %mul3A_525 : i32 to index
        %get3A_531 = arith.constant 16 : index
        %get3A_532 = tpu.vector_load %get3A_529[%get3A_530, %get3A_531] {strides = array<i32>} : memref<128x128xf32, #tpu.memory_space<vmem>>, vector<1x16xf32>,
        %get3A_533 = vector.shape_cast %get3A_532 : vector<1x16xf32> to vector<16xf32>
        %swap3A_534 = arith.constant 0 : i32
        %swap3A_535 = arith.constant 0 : i32
        %swap3A_536 = tpu.memref_slice %arg7[%scan3A_126, %swap3A_534, %swap3A_535] : memref<2x64x128xf32, #tpu.memory_space<vmem>> -> memref<1x64x128xf32, #tpu.memory_space<vmem>>
        %swap3A_537 = tpu.memref_squeeze %swap3A_536 : memref<1x64x128xf32, #tpu.memory_space<vmem>> -> memref<64x128xf32, #tpu.memory_space<vmem>>
        %swap3A_538 = arith.index_cast %add3A_483 : i32 to index
        %swap3A_539 = arith.constant 16 : index
        %swap3A_540 = tpu.vector_load %swap3A_537[%swap3A_538, %swap3A_539] {strides = array<i32>} : memref<64x128xf32, #tpu.memory_space<vmem>>, vector<1x16xf32>,
        %swap3A_541 = vector.shape_cast %swap3A_540 : vector<1x16xf32> to vector<16xf32>
        %swap3A_542 = vector.shape_cast %get3A_533 : vector<16xf32> to vector<1x16xf32>
        tpu.vector_store %swap3A_537[%swap3A_538, %swap3A_539], %swap3A_542 {strides = array<i32>} : memref<64x128xf32, #tpu.memory_space<vmem>>, vector<1x16xf32>,
        %mul3A_543 = arith.constant 2 : i32
        %mul3A_544 = arith.muli %mul3A_543, %add3A_483 : i32
        %add3A_545 = arith.constant 1 : i32
        %add3A_546 = arith.addi %mul3A_544, %add3A_545 : i32
        %get3A_547 = arith.constant 0 : i32
        %get3A_548 = arith.constant 0 : i32
        %get3A_549 = tpu.memref_slice %arg6[%scan3A_125, %get3A_547, %get3A_548] : memref<2x128x128xf32, #tpu.memory_space<vmem>> -> memref<1x128x128xf32, #tpu.memory_space<vmem>>
        %get3A_550 = tpu.memref_squeeze %get3A_549 : memref<1x128x128xf32, #tpu.memory_space<vmem>> -> memref<128x128xf32, #tpu.memory_space<vmem>>
        %get3A_551 = arith.index_cast %add3A_546 : i32 to index
        %get3A_552 = arith.constant 16 : index
        %get3A_553 = tpu.vector_load %get3A_550[%get3A_551, %get3A_552] {strides = array<i32>} : memref<128x128xf32, #tpu.memory_space<vmem>>, vector<1x16xf32>,
        %get3A_554 = vector.shape_cast %get3A_553 : vector<1x16xf32> to vector<16xf32>
        %swap3A_555 = arith.constant 0 : i32
        %swap3A_556 = arith.constant 0 : i32
        %swap3A_557 = tpu.memref_slice %arg7[%scan3A_126, %swap3A_555, %swap3A_556] : memref<2x64x128xf32, #tpu.memory_space<vmem>> -> memref<1x64x128xf32, #tpu.memory_space<vmem>>
        %swap3A_558 = tpu.memref_squeeze %swap3A_557 : memref<1x64x128xf32, #tpu.memory_space<vmem>> -> memref<64x128xf32, #tpu.memory_space<vmem>>
        %swap3A_559 = arith.index_cast %add3A_483 : i32 to index
        %swap3A_560 = arith.constant 80 : index
        %swap3A_561 = tpu.vector_load %swap3A_558[%swap3A_559, %swap3A_560] {strides = array<i32>} : memref<64x128xf32, #tpu.memory_space<vmem>>, vector<1x16xf32>,
        %swap3A_562 = vector.shape_cast %swap3A_561 : vector<1x16xf32> to vector<16xf32>
        %swap3A_563 = vector.shape_cast %get3A_554 : vector<16xf32> to vector<1x16xf32>
        tpu.vector_store %swap3A_558[%swap3A_559, %swap3A_560], %swap3A_563 {strides = array<i32>} : memref<64x128xf32, #tpu.memory_space<vmem>>, vector<1x16xf32>,
        %mul3A_564 = arith.constant 2 : i32
        %mul3A_565 = arith.muli %mul3A_564, %add3A_483 : i32
        %get3A_566 = arith.constant 0 : i32
        %get3A_567 = arith.constant 0 : i32
        %get3A_568 = tpu.memref_slice %arg6[%scan3A_125, %get3A_566, %get3A_567] : memref<2x128x128xf32, #tpu.memory_space<vmem>> -> memref<1x128x128xf32, #tpu.memory_space<vmem>>
        %get3A_569 = tpu.memref_squeeze %get3A_568 : memref<1x128x128xf32, #tpu.memory_space<vmem>> -> memref<128x128xf32, #tpu.memory_space<vmem>>
        %get3A_570 = arith.index_cast %mul3A_565 : i32 to index
        %get3A_571 = arith.constant 32 : index
        %get3A_572 = tpu.vector_load %get3A_569[%get3A_570, %get3A_571] {strides = array<i32>} : memref<128x128xf32, #tpu.memory_space<vmem>>, vector<1x16xf32>,
        %get3A_573 = vector.shape_cast %get3A_572 : vector<1x16xf32> to vector<16xf32>
        %swap3A_574 = arith.constant 0 : i32
        %swap3A_575 = arith.constant 0 : i32
        %swap3A_576 = tpu.memref_slice %arg7[%scan3A_126, %swap3A_574, %swap3A_575] : memref<2x64x128xf32, #tpu.memory_space<vmem>> -> memref<1x64x128xf32, #tpu.memory_space<vmem>>
        %swap3A_577 = tpu.memref_squeeze %swap3A_576 : memref<1x64x128xf32, #tpu.memory_space<vmem>> -> memref<64x128xf32, #tpu.memory_space<vmem>>
        %swap3A_578 = arith.index_cast %add3A_483 : i32 to index
        %swap3A_579 = arith.constant 32 : index
        %swap3A_580 = tpu.vector_load %swap3A_577[%swap3A_578, %swap3A_579] {strides = array<i32>} : memref<64x128xf32, #tpu.memory_space<vmem>>, vector<1x16xf32>,
        %swap3A_581 = vector.shape_cast %swap3A_580 : vector<1x16xf32> to vector<16xf32>
        %swap3A_582 = vector.shape_cast %get3A_573 : vector<16xf32> to vector<1x16xf32>
        tpu.vector_store %swap3A_577[%swap3A_578, %swap3A_579], %swap3A_582 {strides = array<i32>} : memref<64x128xf32, #tpu.memory_space<vmem>>, vector<1x16xf32>,
        %mul3A_583 = arith.constant 2 : i32
        %mul3A_584 = arith.muli %mul3A_583, %add3A_483 : i32
        %add3A_585 = arith.constant 1 : i32
        %add3A_586 = arith.addi %mul3A_584, %add3A_585 : i32
        %get3A_587 = arith.constant 0 : i32
        %get3A_588 = arith.constant 0 : i32
        %get3A_589 = tpu.memref_slice %arg6[%scan3A_125, %get3A_587, %get3A_588] : memref<2x128x128xf32, #tpu.memory_space<vmem>> -> memref<1x128x128xf32, #tpu.memory_space<vmem>>
        %get3A_590 = tpu.memref_squeeze %get3A_589 : memref<1x128x128xf32, #tpu.memory_space<vmem>> -> memref<128x128xf32, #tpu.memory_space<vmem>>
        %get3A_591 = arith.index_cast %add3A_586 : i32 to index
        %get3A_592 = arith.constant 32 : index
        %get3A_593 = tpu.vector_load %get3A_590[%get3A_591, %get3A_592] {strides = array<i32>} : memref<128x128xf32, #tpu.memory_space<vmem>>, vector<1x16xf32>,
        %get3A_594 = vector.shape_cast %get3A_593 : vector<1x16xf32> to vector<16xf32>
        %swap3A_595 = arith.constant 0 : i32
        %swap3A_596 = arith.constant 0 : i32
        %swap3A_597 = tpu.memref_slice %arg7[%scan3A_126, %swap3A_595, %swap3A_596] : memref<2x64x128xf32, #tpu.memory_space<vmem>> -> memref<1x64x128xf32, #tpu.memory_space<vmem>>
        %swap3A_598 = tpu.memref_squeeze %swap3A_597 : memref<1x64x128xf32, #tpu.memory_space<vmem>> -> memref<64x128xf32, #tpu.memory_space<vmem>>
        %swap3A_599 = arith.index_cast %add3A_483 : i32 to index
        %swap3A_600 = arith.constant 96 : index
        %swap3A_601 = tpu.vector_load %swap3A_598[%swap3A_599, %swap3A_600] {strides = array<i32>} : memref<64x128xf32, #tpu.memory_space<vmem>>, vector<1x16xf32>,
        %swap3A_602 = vector.shape_cast %swap3A_601 : vector<1x16xf32> to vector<16xf32>
        %swap3A_603 = vector.shape_cast %get3A_594 : vector<16xf32> to vector<1x16xf32>
        tpu.vector_store %swap3A_598[%swap3A_599, %swap3A_600], %swap3A_603 {strides = array<i32>} : memref<64x128xf32, #tpu.memory_space<vmem>>, vector<1x16xf32>,
        %mul3A_604 = arith.constant 2 : i32
        %mul3A_605 = arith.muli %mul3A_604, %add3A_483 : i32
        %get3A_606 = arith.constant 0 : i32
        %get3A_607 = arith.constant 0 : i32
        %get3A_608 = tpu.memref_slice %arg6[%scan3A_125, %get3A_606, %get3A_607] : memref<2x128x128xf32, #tpu.memory_space<vmem>> -> memref<1x128x128xf32, #tpu.memory_space<vmem>>
        %get3A_609 = tpu.memref_squeeze %get3A_608 : memref<1x128x128xf32, #tpu.memory_space<vmem>> -> memref<128x128xf32, #tpu.memory_space<vmem>>
        %get3A_610 = arith.index_cast %mul3A_605 : i32 to index
        %get3A_611 = arith.constant 48 : index
        %get3A_612 = tpu.vector_load %get3A_609[%get3A_610, %get3A_611] {strides = array<i32>} : memref<128x128xf32, #tpu.memory_space<vmem>>, vector<1x16xf32>,
        %get3A_613 = vector.shape_cast %get3A_612 : vector<1x16xf32> to vector<16xf32>
        %swap3A_614 = arith.constant 0 : i32
        %swap3A_615 = arith.constant 0 : i32
        %swap3A_616 = tpu.memref_slice %arg7[%scan3A_126, %swap3A_614, %swap3A_615] : memref<2x64x128xf32, #tpu.memory_space<vmem>> -> memref<1x64x128xf32, #tpu.memory_space<vmem>>
        %swap3A_617 = tpu.memref_squeeze %swap3A_616 : memref<1x64x128xf32, #tpu.memory_space<vmem>> -> memref<64x128xf32, #tpu.memory_space<vmem>>
        %swap3A_618 = arith.index_cast %add3A_483 : i32 to index
        %swap3A_619 = arith.constant 48 : index
        %swap3A_620 = tpu.vector_load %swap3A_617[%swap3A_618, %swap3A_619] {strides = array<i32>} : memref<64x128xf32, #tpu.memory_space<vmem>>, vector<1x16xf32>,
        %swap3A_621 = vector.shape_cast %swap3A_620 : vector<1x16xf32> to vector<16xf32>
        %swap3A_622 = vector.shape_cast %get3A_613 : vector<16xf32> to vector<1x16xf32>
        tpu.vector_store %swap3A_617[%swap3A_618, %swap3A_619], %swap3A_622 {strides = array<i32>} : memref<64x128xf32, #tpu.memory_space<vmem>>, vector<1x16xf32>,
        %mul3A_623 = arith.constant 2 : i32
        %mul3A_624 = arith.muli %mul3A_623, %add3A_483 : i32
        %add3A_625 = arith.constant 1 : i32
        %add3A_626 = arith.addi %mul3A_624, %add3A_625 : i32
        %get3A_627 = arith.constant 0 : i32
        %get3A_628 = arith.constant 0 : i32
        %get3A_629 = tpu.memref_slice %arg6[%scan3A_125, %get3A_627, %get3A_628] : memref<2x128x128xf32, #tpu.memory_space<vmem>> -> memref<1x128x128xf32, #tpu.memory_space<vmem>>
        %get3A_630 = tpu.memref_squeeze %get3A_629 : memref<1x128x128xf32, #tpu.memory_space<vmem>> -> memref<128x128xf32, #tpu.memory_space<vmem>>
        %get3A_631 = arith.index_cast %add3A_626 : i32 to index
        %get3A_632 = arith.constant 48 : index
        %get3A_633 = tpu.vector_load %get3A_630[%get3A_631, %get3A_632] {strides = array<i32>} : memref<128x128xf32, #tpu.memory_space<vmem>>, vector<1x16xf32>,
        %get3A_634 = vector.shape_cast %get3A_633 : vector<1x16xf32> to vector<16xf32>
        %swap3A_635 = arith.constant 0 : i32
        %swap3A_636 = arith.constant 0 : i32
        %swap3A_637 = tpu.memref_slice %arg7[%scan3A_126, %swap3A_635, %swap3A_636] : memref<2x64x128xf32, #tpu.memory_space<vmem>> -> memref<1x64x128xf32, #tpu.memory_space<vmem>>
        %swap3A_638 = tpu.memref_squeeze %swap3A_637 : memref<1x64x128xf32, #tpu.memory_space<vmem>> -> memref<64x128xf32, #tpu.memory_space<vmem>>
        %swap3A_639 = arith.index_cast %add3A_483 : i32 to index
        %swap3A_640 = arith.constant 112 : index
        %swap3A_641 = tpu.vector_load %swap3A_638[%swap3A_639, %swap3A_640] {strides = array<i32>} : memref<64x128xf32, #tpu.memory_space<vmem>>, vector<1x16xf32>,
        %swap3A_642 = vector.shape_cast %swap3A_641 : vector<1x16xf32> to vector<16xf32>
        %swap3A_643 = vector.shape_cast %get3A_634 : vector<16xf32> to vector<1x16xf32>
        tpu.vector_store %swap3A_638[%swap3A_639, %swap3A_640], %swap3A_643 {strides = array<i32>} : memref<64x128xf32, #tpu.memory_space<vmem>>, vector<1x16xf32>,
        %mul3A_644 = arith.constant 8 : i32
        %mul3A_645 = arith.muli %mul3A_644, %scan3A_153 : i32
        %add3A_646 = arith.constant 3 : i32
        %add3A_647 = arith.addi %mul3A_645, %add3A_646 : i32
        %mul3A_648 = arith.constant 2 : i32
        %mul3A_649 = arith.muli %mul3A_648, %add3A_647 : i32
        %get3A_650 = arith.constant 0 : i32
        %get3A_651 = arith.constant 0 : i32
        %get3A_652 = tpu.memref_slice %arg6[%scan3A_125, %get3A_650, %get3A_651] : memref<2x128x128xf32, #tpu.memory_space<vmem>> -> memref<1x128x128xf32, #tpu.memory_space<vmem>>
        %get3A_653 = tpu.memref_squeeze %get3A_652 : memref<1x128x128xf32, #tpu.memory_space<vmem>> -> memref<128x128xf32, #tpu.memory_space<vmem>>
        %get3A_654 = arith.index_cast %mul3A_649 : i32 to index
        %get3A_655 = arith.constant 0 : index
        %get3A_656 = tpu.vector_load %get3A_653[%get3A_654, %get3A_655] {strides = array<i32>} : memref<128x128xf32, #tpu.memory_space<vmem>>, vector<1x16xf32>,
        %get3A_657 = vector.shape_cast %get3A_656 : vector<1x16xf32> to vector<16xf32>
        %swap3A_658 = arith.constant 0 : i32
        %swap3A_659 = arith.constant 0 : i32
        %swap3A_660 = tpu.memref_slice %arg7[%scan3A_126, %swap3A_658, %swap3A_659] : memref<2x64x128xf32, #tpu.memory_space<vmem>> -> memref<1x64x128xf32, #tpu.memory_space<vmem>>
        %swap3A_661 = tpu.memref_squeeze %swap3A_660 : memref<1x64x128xf32, #tpu.memory_space<vmem>> -> memref<64x128xf32, #tpu.memory_space<vmem>>
        %swap3A_662 = arith.index_cast %add3A_647 : i32 to index
        %swap3A_663 = arith.constant 0 : index
        %swap3A_664 = tpu.vector_load %swap3A_661[%swap3A_662, %swap3A_663] {strides = array<i32>} : memref<64x128xf32, #tpu.memory_space<vmem>>, vector<1x16xf32>,
        %swap3A_665 = vector.shape_cast %swap3A_664 : vector<1x16xf32> to vector<16xf32>
        %swap3A_666 = vector.shape_cast %get3A_657 : vector<16xf32> to vector<1x16xf32>
        tpu.vector_store %swap3A_661[%swap3A_662, %swap3A_663], %swap3A_666 {strides = array<i32>} : memref<64x128xf32, #tpu.memory_space<vmem>>, vector<1x16xf32>,
        %mul3A_667 = arith.constant 2 : i32
        %mul3A_668 = arith.muli %mul3A_667, %add3A_647 : i32
        %add3A_669 = arith.constant 1 : i32
        %add3A_670 = arith.addi %mul3A_668, %add3A_669 : i32
        %get3A_671 = arith.constant 0 : i32
        %get3A_672 = arith.constant 0 : i32
        %get3A_673 = tpu.memref_slice %arg6[%scan3A_125, %get3A_671, %get3A_672] : memref<2x128x128xf32, #tpu.memory_space<vmem>> -> memref<1x128x128xf32, #tpu.memory_space<vmem>>
        %get3A_674 = tpu.memref_squeeze %get3A_673 : memref<1x128x128xf32, #tpu.memory_space<vmem>> -> memref<128x128xf32, #tpu.memory_space<vmem>>
        %get3A_675 = arith.index_cast %add3A_670 : i32 to index
        %get3A_676 = arith.constant 0 : index
        %get3A_677 = tpu.vector_load %get3A_674[%get3A_675, %get3A_676] {strides = array<i32>} : memref<128x128xf32, #tpu.memory_space<vmem>>, vector<1x16xf32>,
        %get3A_678 = vector.shape_cast %get3A_677 : vector<1x16xf32> to vector<16xf32>
        %swap3A_679 = arith.constant 0 : i32
        %swap3A_680 = arith.constant 0 : i32
        %swap3A_681 = tpu.memref_slice %arg7[%scan3A_126, %swap3A_679, %swap3A_680] : memref<2x64x128xf32, #tpu.memory_space<vmem>> -> memref<1x64x128xf32, #tpu.memory_space<vmem>>
        %swap3A_682 = tpu.memref_squeeze %swap3A_681 : memref<1x64x128xf32, #tpu.memory_space<vmem>> -> memref<64x128xf32, #tpu.memory_space<vmem>>
        %swap3A_683 = arith.index_cast %add3A_647 : i32 to index
        %swap3A_684 = arith.constant 64 : index
        %swap3A_685 = tpu.vector_load %swap3A_682[%swap3A_683, %swap3A_684] {strides = array<i32>} : memref<64x128xf32, #tpu.memory_space<vmem>>, vector<1x16xf32>,
        %swap3A_686 = vector.shape_cast %swap3A_685 : vector<1x16xf32> to vector<16xf32>
        %swap3A_687 = vector.shape_cast %get3A_678 : vector<16xf32> to vector<1x16xf32>
        tpu.vector_store %swap3A_682[%swap3A_683, %swap3A_684], %swap3A_687 {strides = array<i32>} : memref<64x128xf32, #tpu.memory_space<vmem>>, vector<1x16xf32>,
        %mul3A_688 = arith.constant 2 : i32
        %mul3A_689 = arith.muli %mul3A_688, %add3A_647 : i32
        %get3A_690 = arith.constant 0 : i32
        %get3A_691 = arith.constant 0 : i32
        %get3A_692 = tpu.memref_slice %arg6[%scan3A_125, %get3A_690, %get3A_691] : memref<2x128x128xf32, #tpu.memory_space<vmem>> -> memref<1x128x128xf32, #tpu.memory_space<vmem>>
        %get3A_693 = tpu.memref_squeeze %get3A_692 : memref<1x128x128xf32, #tpu.memory_space<vmem>> -> memref<128x128xf32, #tpu.memory_space<vmem>>
        %get3A_694 = arith.index_cast %mul3A_689 : i32 to index
        %get3A_695 = arith.constant 16 : index
        %get3A_696 = tpu.vector_load %get3A_693[%get3A_694, %get3A_695] {strides = array<i32>} : memref<128x128xf32, #tpu.memory_space<vmem>>, vector<1x16xf32>,
        %get3A_697 = vector.shape_cast %get3A_696 : vector<1x16xf32> to vector<16xf32>
        %swap3A_698 = arith.constant 0 : i32
        %swap3A_699 = arith.constant 0 : i32
        %swap3A_700 = tpu.memref_slice %arg7[%scan3A_126, %swap3A_698, %swap3A_699] : memref<2x64x128xf32, #tpu.memory_space<vmem>> -> memref<1x64x128xf32, #tpu.memory_space<vmem>>
        %swap3A_701 = tpu.memref_squeeze %swap3A_700 : memref<1x64x128xf32, #tpu.memory_space<vmem>> -> memref<64x128xf32, #tpu.memory_space<vmem>>
        %swap3A_702 = arith.index_cast %add3A_647 : i32 to index
        %swap3A_703 = arith.constant 16 : index
        %swap3A_704 = tpu.vector_load %swap3A_701[%swap3A_702, %swap3A_703] {strides = array<i32>} : memref<64x128xf32, #tpu.memory_space<vmem>>, vector<1x16xf32>,
        %swap3A_705 = vector.shape_cast %swap3A_704 : vector<1x16xf32> to vector<16xf32>
        %swap3A_706 = vector.shape_cast %get3A_697 : vector<16xf32> to vector<1x16xf32>
        tpu.vector_store %swap3A_701[%swap3A_702, %swap3A_703], %swap3A_706 {strides = array<i32>} : memref<64x128xf32, #tpu.memory_space<vmem>>, vector<1x16xf32>,
        %mul3A_707 = arith.constant 2 : i32
        %mul3A_708 = arith.muli %mul3A_707, %add3A_647 : i32
        %add3A_709 = arith.constant 1 : i32
        %add3A_710 = arith.addi %mul3A_708, %add3A_709 : i32
        %get3A_711 = arith.constant 0 : i32
        %get3A_712 = arith.constant 0 : i32
        %get3A_713 = tpu.memref_slice %arg6[%scan3A_125, %get3A_711, %get3A_712] : memref<2x128x128xf32, #tpu.memory_space<vmem>> -> memref<1x128x128xf32, #tpu.memory_space<vmem>>
        %get3A_714 = tpu.memref_squeeze %get3A_713 : memref<1x128x128xf32, #tpu.memory_space<vmem>> -> memref<128x128xf32, #tpu.memory_space<vmem>>
        %get3A_715 = arith.index_cast %add3A_710 : i32 to index
        %get3A_716 = arith.constant 16 : index
        %get3A_717 = tpu.vector_load %get3A_714[%get3A_715, %get3A_716] {strides = array<i32>} : memref<128x128xf32, #tpu.memory_space<vmem>>, vector<1x16xf32>,
        %get3A_718 = vector.shape_cast %get3A_717 : vector<1x16xf32> to vector<16xf32>
        %swap3A_719 = arith.constant 0 : i32
        %swap3A_720 = arith.constant 0 : i32
        %swap3A_721 = tpu.memref_slice %arg7[%scan3A_126, %swap3A_719, %swap3A_720] : memref<2x64x128xf32, #tpu.memory_space<vmem>> -> memref<1x64x128xf32, #tpu.memory_space<vmem>>
        %swap3A_722 = tpu.memref_squeeze %swap3A_721 : memref<1x64x128xf32, #tpu.memory_space<vmem>> -> memref<64x128xf32, #tpu.memory_space<vmem>>
        %swap3A_723 = arith.index_cast %add3A_647 : i32 to index
        %swap3A_724 = arith.constant 80 : index
        %swap3A_725 = tpu.vector_load %swap3A_722[%swap3A_723, %swap3A_724] {strides = array<i32>} : memref<64x128xf32, #tpu.memory_space<vmem>>, vector<1x16xf32>,
        %swap3A_726 = vector.shape_cast %swap3A_725 : vector<1x16xf32> to vector<16xf32>
        %swap3A_727 = vector.shape_cast %get3A_718 : vector<16xf32> to vector<1x16xf32>
        tpu.vector_store %swap3A_722[%swap3A_723, %swap3A_724], %swap3A_727 {strides = array<i32>} : memref<64x128xf32, #tpu.memory_space<vmem>>, vector<1x16xf32>,
        %mul3A_728 = arith.constant 2 : i32
        %mul3A_729 = arith.muli %mul3A_728, %add3A_647 : i32
        %get3A_730 = arith.constant 0 : i32
        %get3A_731 = arith.constant 0 : i32
        %get3A_732 = tpu.memref_slice %arg6[%scan3A_125, %get3A_730, %get3A_731] : memref<2x128x128xf32, #tpu.memory_space<vmem>> -> memref<1x128x128xf32, #tpu.memory_space<vmem>>
        %get3A_733 = tpu.memref_squeeze %get3A_732 : memref<1x128x128xf32, #tpu.memory_space<vmem>> -> memref<128x128xf32, #tpu.memory_space<vmem>>
        %get3A_734 = arith.index_cast %mul3A_729 : i32 to index
        %get3A_735 = arith.constant 32 : index
        %get3A_736 = tpu.vector_load %get3A_733[%get3A_734, %get3A_735] {strides = array<i32>} : memref<128x128xf32, #tpu.memory_space<vmem>>, vector<1x16xf32>,
        %get3A_737 = vector.shape_cast %get3A_736 : vector<1x16xf32> to vector<16xf32>
        %swap3A_738 = arith.constant 0 : i32
        %swap3A_739 = arith.constant 0 : i32
        %swap3A_740 = tpu.memref_slice %arg7[%scan3A_126, %swap3A_738, %swap3A_739] : memref<2x64x128xf32, #tpu.memory_space<vmem>> -> memref<1x64x128xf32, #tpu.memory_space<vmem>>
        %swap3A_741 = tpu.memref_squeeze %swap3A_740 : memref<1x64x128xf32, #tpu.memory_space<vmem>> -> memref<64x128xf32, #tpu.memory_space<vmem>>
        %swap3A_742 = arith.index_cast %add3A_647 : i32 to index
        %swap3A_743 = arith.constant 32 : index
        %swap3A_744 = tpu.vector_load %swap3A_741[%swap3A_742, %swap3A_743] {strides = array<i32>} : memref<64x128xf32, #tpu.memory_space<vmem>>, vector<1x16xf32>,
        %swap3A_745 = vector.shape_cast %swap3A_744 : vector<1x16xf32> to vector<16xf32>
        %swap3A_746 = vector.shape_cast %get3A_737 : vector<16xf32> to vector<1x16xf32>
        tpu.vector_store %swap3A_741[%swap3A_742, %swap3A_743], %swap3A_746 {strides = array<i32>} : memref<64x128xf32, #tpu.memory_space<vmem>>, vector<1x16xf32>,
        %mul3A_747 = arith.constant 2 : i32
        %mul3A_748 = arith.muli %mul3A_747, %add3A_647 : i32
        %add3A_749 = arith.constant 1 : i32
        %add3A_750 = arith.addi %mul3A_748, %add3A_749 : i32
        %get3A_751 = arith.constant 0 : i32
        %get3A_752 = arith.constant 0 : i32
        %get3A_753 = tpu.memref_slice %arg6[%scan3A_125, %get3A_751, %get3A_752] : memref<2x128x128xf32, #tpu.memory_space<vmem>> -> memref<1x128x128xf32, #tpu.memory_space<vmem>>
        %get3A_754 = tpu.memref_squeeze %get3A_753 : memref<1x128x128xf32, #tpu.memory_space<vmem>> -> memref<128x128xf32, #tpu.memory_space<vmem>>
        %get3A_755 = arith.index_cast %add3A_750 : i32 to index
        %get3A_756 = arith.constant 32 : index
        %get3A_757 = tpu.vector_load %get3A_754[%get3A_755, %get3A_756] {strides = array<i32>} : memref<128x128xf32, #tpu.memory_space<vmem>>, vector<1x16xf32>,
        %get3A_758 = vector.shape_cast %get3A_757 : vector<1x16xf32> to vector<16xf32>
        %swap3A_759 = arith.constant 0 : i32
        %swap3A_760 = arith.constant 0 : i32
        %swap3A_761 = tpu.memref_slice %arg7[%scan3A_126, %swap3A_759, %swap3A_760] : memref<2x64x128xf32, #tpu.memory_space<vmem>> -> memref<1x64x128xf32, #tpu.memory_space<vmem>>
        %swap3A_762 = tpu.memref_squeeze %swap3A_761 : memref<1x64x128xf32, #tpu.memory_space<vmem>> -> memref<64x128xf32, #tpu.memory_space<vmem>>
        %swap3A_763 = arith.index_cast %add3A_647 : i32 to index
        %swap3A_764 = arith.constant 96 : index
        %swap3A_765 = tpu.vector_load %swap3A_762[%swap3A_763, %swap3A_764] {strides = array<i32>} : memref<64x128xf32, #tpu.memory_space<vmem>>, vector<1x16xf32>,
        %swap3A_766 = vector.shape_cast %swap3A_765 : vector<1x16xf32> to vector<16xf32>
        %swap3A_767 = vector.shape_cast %get3A_758 : vector<16xf32> to vector<1x16xf32>
        tpu.vector_store %swap3A_762[%swap3A_763, %swap3A_764], %swap3A_767 {strides = array<i32>} : memref<64x128xf32, #tpu.memory_space<vmem>>, vector<1x16xf32>,
        %mul3A_768 = arith.constant 2 : i32
        %mul3A_769 = arith.muli %mul3A_768, %add3A_647 : i32
        %get3A_770 = arith.constant 0 : i32
        %get3A_771 = arith.constant 0 : i32
        %get3A_772 = tpu.memref_slice %arg6[%scan3A_125, %get3A_770, %get3A_771] : memref<2x128x128xf32, #tpu.memory_space<vmem>> -> memref<1x128x128xf32, #tpu.memory_space<vmem>>
        %get3A_773 = tpu.memref_squeeze %get3A_772 : memref<1x128x128xf32, #tpu.memory_space<vmem>> -> memref<128x128xf32, #tpu.memory_space<vmem>>
        %get3A_774 = arith.index_cast %mul3A_769 : i32 to index
        %get3A_775 = arith.constant 48 : index
        %get3A_776 = tpu.vector_load %get3A_773[%get3A_774, %get3A_775] {strides = array<i32>} : memref<128x128xf32, #tpu.memory_space<vmem>>, vector<1x16xf32>,
        %get3A_777 = vector.shape_cast %get3A_776 : vector<1x16xf32> to vector<16xf32>
        %swap3A_778 = arith.constant 0 : i32
        %swap3A_779 = arith.constant 0 : i32
        %swap3A_780 = tpu.memref_slice %arg7[%scan3A_126, %swap3A_778, %swap3A_779] : memref<2x64x128xf32, #tpu.memory_space<vmem>> -> memref<1x64x128xf32, #tpu.memory_space<vmem>>
        %swap3A_781 = tpu.memref_squeeze %swap3A_780 : memref<1x64x128xf32, #tpu.memory_space<vmem>> -> memref<64x128xf32, #tpu.memory_space<vmem>>
        %swap3A_782 = arith.index_cast %add3A_647 : i32 to index
        %swap3A_783 = arith.constant 48 : index
        %swap3A_784 = tpu.vector_load %swap3A_781[%swap3A_782, %swap3A_783] {strides = array<i32>} : memref<64x128xf32, #tpu.memory_space<vmem>>, vector<1x16xf32>,
        %swap3A_785 = vector.shape_cast %swap3A_784 : vector<1x16xf32> to vector<16xf32>
        %swap3A_786 = vector.shape_cast %get3A_777 : vector<16xf32> to vector<1x16xf32>
        tpu.vector_store %swap3A_781[%swap3A_782, %swap3A_783], %swap3A_786 {strides = array<i32>} : memref<64x128xf32, #tpu.memory_space<vmem>>, vector<1x16xf32>,
        %mul3A_787 = arith.constant 2 : i32
        %mul3A_788 = arith.muli %mul3A_787, %add3A_647 : i32
        %add3A_789 = arith.constant 1 : i32
        %add3A_790 = arith.addi %mul3A_788, %add3A_789 : i32
        %get3A_791 = arith.constant 0 : i32
        %get3A_792 = arith.constant 0 : i32
        %get3A_793 = tpu.memref_slice %arg6[%scan3A_125, %get3A_791, %get3A_792] : memref<2x128x128xf32, #tpu.memory_space<vmem>> -> memref<1x128x128xf32, #tpu.memory_space<vmem>>
        %get3A_794 = tpu.memref_squeeze %get3A_793 : memref<1x128x128xf32, #tpu.memory_space<vmem>> -> memref<128x128xf32, #tpu.memory_space<vmem>>
        %get3A_795 = arith.index_cast %add3A_790 : i32 to index
        %get3A_796 = arith.constant 48 : index
        %get3A_797 = tpu.vector_load %get3A_794[%get3A_795, %get3A_796] {strides = array<i32>} : memref<128x128xf32, #tpu.memory_space<vmem>>, vector<1x16xf32>,
        %get3A_798 = vector.shape_cast %get3A_797 : vector<1x16xf32> to vector<16xf32>
        %swap3A_799 = arith.constant 0 : i32
        %swap3A_800 = arith.constant 0 : i32
        %swap3A_801 = tpu.memref_slice %arg7[%scan3A_126, %swap3A_799, %swap3A_800] : memref<2x64x128xf32, #tpu.memory_space<vmem>> -> memref<1x64x128xf32, #tpu.memory_space<vmem>>
        %swap3A_802 = tpu.memref_squeeze %swap3A_801 : memref<1x64x128xf32, #tpu.memory_space<vmem>> -> memref<64x128xf32, #tpu.memory_space<vmem>>
        %swap3A_803 = arith.index_cast %add3A_647 : i32 to index
        %swap3A_804 = arith.constant 112 : index
        %swap3A_805 = tpu.vector_load %swap3A_802[%swap3A_803, %swap3A_804] {strides = array<i32>} : memref<64x128xf32, #tpu.memory_space<vmem>>, vector<1x16xf32>,
        %swap3A_806 = vector.shape_cast %swap3A_805 : vector<1x16xf32> to vector<16xf32>
        %swap3A_807 = vector.shape_cast %get3A_798 : vector<16xf32> to vector<1x16xf32>
        tpu.vector_store %swap3A_802[%swap3A_803, %swap3A_804], %swap3A_807 {strides = array<i32>} : memref<64x128xf32, #tpu.memory_space<vmem>>, vector<1x16xf32>,
        %mul3A_808 = arith.constant 8 : i32
        %mul3A_809 = arith.muli %mul3A_808, %scan3A_153 : i32
        %add3A_810 = arith.constant 4 : i32
        %add3A_811 = arith.addi %mul3A_809, %add3A_810 : i32
        %mul3A_812 = arith.constant 2 : i32
        %mul3A_813 = arith.muli %mul3A_812, %add3A_811 : i32
        %get3A_814 = arith.constant 0 : i32
        %get3A_815 = arith.constant 0 : i32
        %get3A_816 = tpu.memref_slice %arg6[%scan3A_125, %get3A_814, %get3A_815] : memref<2x128x128xf32, #tpu.memory_space<vmem>> -> memref<1x128x128xf32, #tpu.memory_space<vmem>>
        %get3A_817 = tpu.memref_squeeze %get3A_816 : memref<1x128x128xf32, #tpu.memory_space<vmem>> -> memref<128x128xf32, #tpu.memory_space<vmem>>
        %get3A_818 = arith.index_cast %mul3A_813 : i32 to index
        %get3A_819 = arith.constant 0 : index
        %get3A_820 = tpu.vector_load %get3A_817[%get3A_818, %get3A_819] {strides = array<i32>} : memref<128x128xf32, #tpu.memory_space<vmem>>, vector<1x16xf32>,
        %get3A_821 = vector.shape_cast %get3A_820 : vector<1x16xf32> to vector<16xf32>
        %swap3A_822 = arith.constant 0 : i32
        %swap3A_823 = arith.constant 0 : i32
        %swap3A_824 = tpu.memref_slice %arg7[%scan3A_126, %swap3A_822, %swap3A_823] : memref<2x64x128xf32, #tpu.memory_space<vmem>> -> memref<1x64x128xf32, #tpu.memory_space<vmem>>
        %swap3A_825 = tpu.memref_squeeze %swap3A_824 : memref<1x64x128xf32, #tpu.memory_space<vmem>> -> memref<64x128xf32, #tpu.memory_space<vmem>>
        %swap3A_826 = arith.index_cast %add3A_811 : i32 to index
        %swap3A_827 = arith.constant 0 : index
        %swap3A_828 = tpu.vector_load %swap3A_825[%swap3A_826, %swap3A_827] {strides = array<i32>} : memref<64x128xf32, #tpu.memory_space<vmem>>, vector<1x16xf32>,
        %swap3A_829 = vector.shape_cast %swap3A_828 : vector<1x16xf32> to vector<16xf32>
        %swap3A_830 = vector.shape_cast %get3A_821 : vector<16xf32> to vector<1x16xf32>
        tpu.vector_store %swap3A_825[%swap3A_826, %swap3A_827], %swap3A_830 {strides = array<i32>} : memref<64x128xf32, #tpu.memory_space<vmem>>, vector<1x16xf32>,
        %mul3A_831 = arith.constant 2 : i32
        %mul3A_832 = arith.muli %mul3A_831, %add3A_811 : i32
        %add3A_833 = arith.constant 1 : i32
        %add3A_834 = arith.addi %mul3A_832, %add3A_833 : i32
        %get3A_835 = arith.constant 0 : i32
        %get3A_836 = arith.constant 0 : i32
        %get3A_837 = tpu.memref_slice %arg6[%scan3A_125, %get3A_835, %get3A_836] : memref<2x128x128xf32, #tpu.memory_space<vmem>> -> memref<1x128x128xf32, #tpu.memory_space<vmem>>
        %get3A_838 = tpu.memref_squeeze %get3A_837 : memref<1x128x128xf32, #tpu.memory_space<vmem>> -> memref<128x128xf32, #tpu.memory_space<vmem>>
        %get3A_839 = arith.index_cast %add3A_834 : i32 to index
        %get3A_840 = arith.constant 0 : index
        %get3A_841 = tpu.vector_load %get3A_838[%get3A_839, %get3A_840] {strides = array<i32>} : memref<128x128xf32, #tpu.memory_space<vmem>>, vector<1x16xf32>,
        %get3A_842 = vector.shape_cast %get3A_841 : vector<1x16xf32> to vector<16xf32>
        %swap3A_843 = arith.constant 0 : i32
        %swap3A_844 = arith.constant 0 : i32
        %swap3A_845 = tpu.memref_slice %arg7[%scan3A_126, %swap3A_843, %swap3A_844] : memref<2x64x128xf32, #tpu.memory_space<vmem>> -> memref<1x64x128xf32, #tpu.memory_space<vmem>>
        %swap3A_846 = tpu.memref_squeeze %swap3A_845 : memref<1x64x128xf32, #tpu.memory_space<vmem>> -> memref<64x128xf32, #tpu.memory_space<vmem>>
        %swap3A_847 = arith.index_cast %add3A_811 : i32 to index
        %swap3A_848 = arith.constant 64 : index
        %swap3A_849 = tpu.vector_load %swap3A_846[%swap3A_847, %swap3A_848] {strides = array<i32>} : memref<64x128xf32, #tpu.memory_space<vmem>>, vector<1x16xf32>,
        %swap3A_850 = vector.shape_cast %swap3A_849 : vector<1x16xf32> to vector<16xf32>
        %swap3A_851 = vector.shape_cast %get3A_842 : vector<16xf32> to vector<1x16xf32>
        tpu.vector_store %swap3A_846[%swap3A_847, %swap3A_848], %swap3A_851 {strides = array<i32>} : memref<64x128xf32, #tpu.memory_space<vmem>>, vector<1x16xf32>,
        %mul3A_852 = arith.constant 2 : i32
        %mul3A_853 = arith.muli %mul3A_852, %add3A_811 : i32
        %get3A_854 = arith.constant 0 : i32
        %get3A_855 = arith.constant 0 : i32
        %get3A_856 = tpu.memref_slice %arg6[%scan3A_125, %get3A_854, %get3A_855] : memref<2x128x128xf32, #tpu.memory_space<vmem>> -> memref<1x128x128xf32, #tpu.memory_space<vmem>>
        %get3A_857 = tpu.memref_squeeze %get3A_856 : memref<1x128x128xf32, #tpu.memory_space<vmem>> -> memref<128x128xf32, #tpu.memory_space<vmem>>
        %get3A_858 = arith.index_cast %mul3A_853 : i32 to index
        %get3A_859 = arith.constant 16 : index
        %get3A_860 = tpu.vector_load %get3A_857[%get3A_858, %get3A_859] {strides = array<i32>} : memref<128x128xf32, #tpu.memory_space<vmem>>, vector<1x16xf32>,
        %get3A_861 = vector.shape_cast %get3A_860 : vector<1x16xf32> to vector<16xf32>
        %swap3A_862 = arith.constant 0 : i32
        %swap3A_863 = arith.constant 0 : i32
        %swap3A_864 = tpu.memref_slice %arg7[%scan3A_126, %swap3A_862, %swap3A_863] : memref<2x64x128xf32, #tpu.memory_space<vmem>> -> memref<1x64x128xf32, #tpu.memory_space<vmem>>
        %swap3A_865 = tpu.memref_squeeze %swap3A_864 : memref<1x64x128xf32, #tpu.memory_space<vmem>> -> memref<64x128xf32, #tpu.memory_space<vmem>>
        %swap3A_866 = arith.index_cast %add3A_811 : i32 to index
        %swap3A_867 = arith.constant 16 : index
        %swap3A_868 = tpu.vector_load %swap3A_865[%swap3A_866, %swap3A_867] {strides = array<i32>} : memref<64x128xf32, #tpu.memory_space<vmem>>, vector<1x16xf32>,
        %swap3A_869 = vector.shape_cast %swap3A_868 : vector<1x16xf32> to vector<16xf32>
        %swap3A_870 = vector.shape_cast %get3A_861 : vector<16xf32> to vector<1x16xf32>
        tpu.vector_store %swap3A_865[%swap3A_866, %swap3A_867], %swap3A_870 {strides = array<i32>} : memref<64x128xf32, #tpu.memory_space<vmem>>, vector<1x16xf32>,
        %mul3A_871 = arith.constant 2 : i32
        %mul3A_872 = arith.muli %mul3A_871, %add3A_811 : i32
        %add3A_873 = arith.constant 1 : i32
        %add3A_874 = arith.addi %mul3A_872, %add3A_873 : i32
        %get3A_875 = arith.constant 0 : i32
        %get3A_876 = arith.constant 0 : i32
        %get3A_877 = tpu.memref_slice %arg6[%scan3A_125, %get3A_875, %get3A_876] : memref<2x128x128xf32, #tpu.memory_space<vmem>> -> memref<1x128x128xf32, #tpu.memory_space<vmem>>
        %get3A_878 = tpu.memref_squeeze %get3A_877 : memref<1x128x128xf32, #tpu.memory_space<vmem>> -> memref<128x128xf32, #tpu.memory_space<vmem>>
        %get3A_879 = arith.index_cast %add3A_874 : i32 to index
        %get3A_880 = arith.constant 16 : index
        %get3A_881 = tpu.vector_load %get3A_878[%get3A_879, %get3A_880] {strides = array<i32>} : memref<128x128xf32, #tpu.memory_space<vmem>>, vector<1x16xf32>,
        %get3A_882 = vector.shape_cast %get3A_881 : vector<1x16xf32> to vector<16xf32>
        %swap3A_883 = arith.constant 0 : i32
        %swap3A_884 = arith.constant 0 : i32
        %swap3A_885 = tpu.memref_slice %arg7[%scan3A_126, %swap3A_883, %swap3A_884] : memref<2x64x128xf32, #tpu.memory_space<vmem>> -> memref<1x64x128xf32, #tpu.memory_space<vmem>>
        %swap3A_886 = tpu.memref_squeeze %swap3A_885 : memref<1x64x128xf32, #tpu.memory_space<vmem>> -> memref<64x128xf32, #tpu.memory_space<vmem>>
        %swap3A_887 = arith.index_cast %add3A_811 : i32 to index
        %swap3A_888 = arith.constant 80 : index
        %swap3A_889 = tpu.vector_load %swap3A_886[%swap3A_887, %swap3A_888] {strides = array<i32>} : memref<64x128xf32, #tpu.memory_space<vmem>>, vector<1x16xf32>,
        %swap3A_890 = vector.shape_cast %swap3A_889 : vector<1x16xf32> to vector<16xf32>
        %swap3A_891 = vector.shape_cast %get3A_882 : vector<16xf32> to vector<1x16xf32>
        tpu.vector_store %swap3A_886[%swap3A_887, %swap3A_888], %swap3A_891 {strides = array<i32>} : memref<64x128xf32, #tpu.memory_space<vmem>>, vector<1x16xf32>,
        %mul3A_892 = arith.constant 2 : i32
        %mul3A_893 = arith.muli %mul3A_892, %add3A_811 : i32
        %get3A_894 = arith.constant 0 : i32
        %get3A_895 = arith.constant 0 : i32
        %get3A_896 = tpu.memref_slice %arg6[%scan3A_125, %get3A_894, %get3A_895] : memref<2x128x128xf32, #tpu.memory_space<vmem>> -> memref<1x128x128xf32, #tpu.memory_space<vmem>>
        %get3A_897 = tpu.memref_squeeze %get3A_896 : memref<1x128x128xf32, #tpu.memory_space<vmem>> -> memref<128x128xf32, #tpu.memory_space<vmem>>
        %get3A_898 = arith.index_cast %mul3A_893 : i32 to index
        %get3A_899 = arith.constant 32 : index
        %get3A_900 = tpu.vector_load %get3A_897[%get3A_898, %get3A_899] {strides = array<i32>} : memref<128x128xf32, #tpu.memory_space<vmem>>, vector<1x16xf32>,
        %get3A_901 = vector.shape_cast %get3A_900 : vector<1x16xf32> to vector<16xf32>
        %swap3A_902 = arith.constant 0 : i32
        %swap3A_903 = arith.constant 0 : i32
        %swap3A_904 = tpu.memref_slice %arg7[%scan3A_126, %swap3A_902, %swap3A_903] : memref<2x64x128xf32, #tpu.memory_space<vmem>> -> memref<1x64x128xf32, #tpu.memory_space<vmem>>
        %swap3A_905 = tpu.memref_squeeze %swap3A_904 : memref<1x64x128xf32, #tpu.memory_space<vmem>> -> memref<64x128xf32, #tpu.memory_space<vmem>>
        %swap3A_906 = arith.index_cast %add3A_811 : i32 to index
        %swap3A_907 = arith.constant 32 : index
        %swap3A_908 = tpu.vector_load %swap3A_905[%swap3A_906, %swap3A_907] {strides = array<i32>} : memref<64x128xf32, #tpu.memory_space<vmem>>, vector<1x16xf32>,
        %swap3A_909 = vector.shape_cast %swap3A_908 : vector<1x16xf32> to vector<16xf32>
        %swap3A_910 = vector.shape_cast %get3A_901 : vector<16xf32> to vector<1x16xf32>
        tpu.vector_store %swap3A_905[%swap3A_906, %swap3A_907], %swap3A_910 {strides = array<i32>} : memref<64x128xf32, #tpu.memory_space<vmem>>, vector<1x16xf32>,
        %mul3A_911 = arith.constant 2 : i32
        %mul3A_912 = arith.muli %mul3A_911, %add3A_811 : i32
        %add3A_913 = arith.constant 1 : i32
        %add3A_914 = arith.addi %mul3A_912, %add3A_913 : i32
        %get3A_915 = arith.constant 0 : i32
        %get3A_916 = arith.constant 0 : i32
        %get3A_917 = tpu.memref_slice %arg6[%scan3A_125, %get3A_915, %get3A_916] : memref<2x128x128xf32, #tpu.memory_space<vmem>> -> memref<1x128x128xf32, #tpu.memory_space<vmem>>
        %get3A_918 = tpu.memref_squeeze %get3A_917 : memref<1x128x128xf32, #tpu.memory_space<vmem>> -> memref<128x128xf32, #tpu.memory_space<vmem>>
        %get3A_919 = arith.index_cast %add3A_914 : i32 to index
        %get3A_920 = arith.constant 32 : index
        %get3A_921 = tpu.vector_load %get3A_918[%get3A_919, %get3A_920] {strides = array<i32>} : memref<128x128xf32, #tpu.memory_space<vmem>>, vector<1x16xf32>,
        %get3A_922 = vector.shape_cast %get3A_921 : vector<1x16xf32> to vector<16xf32>
        %swap3A_923 = arith.constant 0 : i32
        %swap3A_924 = arith.constant 0 : i32
        %swap3A_925 = tpu.memref_slice %arg7[%scan3A_126, %swap3A_923, %swap3A_924] : memref<2x64x128xf32, #tpu.memory_space<vmem>> -> memref<1x64x128xf32, #tpu.memory_space<vmem>>
        %swap3A_926 = tpu.memref_squeeze %swap3A_925 : memref<1x64x128xf32, #tpu.memory_space<vmem>> -> memref<64x128xf32, #tpu.memory_space<vmem>>
        %swap3A_927 = arith.index_cast %add3A_811 : i32 to index
        %swap3A_928 = arith.constant 96 : index
        %swap3A_929 = tpu.vector_load %swap3A_926[%swap3A_927, %swap3A_928] {strides = array<i32>} : memref<64x128xf32, #tpu.memory_space<vmem>>, vector<1x16xf32>,
        %swap3A_930 = vector.shape_cast %swap3A_929 : vector<1x16xf32> to vector<16xf32>
        %swap3A_931 = vector.shape_cast %get3A_922 : vector<16xf32> to vector<1x16xf32>
        tpu.vector_store %swap3A_926[%swap3A_927, %swap3A_928], %swap3A_931 {strides = array<i32>} : memref<64x128xf32, #tpu.memory_space<vmem>>, vector<1x16xf32>,
        %mul3A_932 = arith.constant 2 : i32
        %mul3A_933 = arith.muli %mul3A_932, %add3A_811 : i32
        %get3A_934 = arith.constant 0 : i32
        %get3A_935 = arith.constant 0 : i32
        %get3A_936 = tpu.memref_slice %arg6[%scan3A_125, %get3A_934, %get3A_935] : memref<2x128x128xf32, #tpu.memory_space<vmem>> -> memref<1x128x128xf32, #tpu.memory_space<vmem>>
        %get3A_937 = tpu.memref_squeeze %get3A_936 : memref<1x128x128xf32, #tpu.memory_space<vmem>> -> memref<128x128xf32, #tpu.memory_space<vmem>>
        %get3A_938 = arith.index_cast %mul3A_933 : i32 to index
        %get3A_939 = arith.constant 48 : index
        %get3A_940 = tpu.vector_load %get3A_937[%get3A_938, %get3A_939] {strides = array<i32>} : memref<128x128xf32, #tpu.memory_space<vmem>>, vector<1x16xf32>,
        %get3A_941 = vector.shape_cast %get3A_940 : vector<1x16xf32> to vector<16xf32>
        %swap3A_942 = arith.constant 0 : i32
        %swap3A_943 = arith.constant 0 : i32
        %swap3A_944 = tpu.memref_slice %arg7[%scan3A_126, %swap3A_942, %swap3A_943] : memref<2x64x128xf32, #tpu.memory_space<vmem>> -> memref<1x64x128xf32, #tpu.memory_space<vmem>>
        %swap3A_945 = tpu.memref_squeeze %swap3A_944 : memref<1x64x128xf32, #tpu.memory_space<vmem>> -> memref<64x128xf32, #tpu.memory_space<vmem>>
        %swap3A_946 = arith.index_cast %add3A_811 : i32 to index
        %swap3A_947 = arith.constant 48 : index
        %swap3A_948 = tpu.vector_load %swap3A_945[%swap3A_946, %swap3A_947] {strides = array<i32>} : memref<64x128xf32, #tpu.memory_space<vmem>>, vector<1x16xf32>,
        %swap3A_949 = vector.shape_cast %swap3A_948 : vector<1x16xf32> to vector<16xf32>
        %swap3A_950 = vector.shape_cast %get3A_941 : vector<16xf32> to vector<1x16xf32>
        tpu.vector_store %swap3A_945[%swap3A_946, %swap3A_947], %swap3A_950 {strides = array<i32>} : memref<64x128xf32, #tpu.memory_space<vmem>>, vector<1x16xf32>,
        %mul3A_951 = arith.constant 2 : i32
        %mul3A_952 = arith.muli %mul3A_951, %add3A_811 : i32
        %add3A_953 = arith.constant 1 : i32
        %add3A_954 = arith.addi %mul3A_952, %add3A_953 : i32
        %get3A_955 = arith.constant 0 : i32
        %get3A_956 = arith.constant 0 : i32
        %get3A_957 = tpu.memref_slice %arg6[%scan3A_125, %get3A_955, %get3A_956] : memref<2x128x128xf32, #tpu.memory_space<vmem>> -> memref<1x128x128xf32, #tpu.memory_space<vmem>>
        %get3A_958 = tpu.memref_squeeze %get3A_957 : memref<1x128x128xf32, #tpu.memory_space<vmem>> -> memref<128x128xf32, #tpu.memory_space<vmem>>
        %get3A_959 = arith.index_cast %add3A_954 : i32 to index
        %get3A_960 = arith.constant 48 : index
        %get3A_961 = tpu.vector_load %get3A_958[%get3A_959, %get3A_960] {strides = array<i32>} : memref<128x128xf32, #tpu.memory_space<vmem>>, vector<1x16xf32>,
        %get3A_962 = vector.shape_cast %get3A_961 : vector<1x16xf32> to vector<16xf32>
        %swap3A_963 = arith.constant 0 : i32
        %swap3A_964 = arith.constant 0 : i32
        %swap3A_965 = tpu.memref_slice %arg7[%scan3A_126, %swap3A_963, %swap3A_964] : memref<2x64x128xf32, #tpu.memory_space<vmem>> -> memref<1x64x128xf32, #tpu.memory_space<vmem>>
        %swap3A_966 = tpu.memref_squeeze %swap3A_965 : memref<1x64x128xf32, #tpu.memory_space<vmem>> -> memref<64x128xf32, #tpu.memory_space<vmem>>
        %swap3A_967 = arith.index_cast %add3A_811 : i32 to index
        %swap3A_968 = arith.constant 112 : index
        %swap3A_969 = tpu.vector_load %swap3A_966[%swap3A_967, %swap3A_968] {strides = array<i32>} : memref<64x128xf32, #tpu.memory_space<vmem>>, vector<1x16xf32>,
        %swap3A_970 = vector.shape_cast %swap3A_969 : vector<1x16xf32> to vector<16xf32>
        %swap3A_971 = vector.shape_cast %get3A_962 : vector<16xf32> to vector<1x16xf32>
        tpu.vector_store %swap3A_966[%swap3A_967, %swap3A_968], %swap3A_971 {strides = array<i32>} : memref<64x128xf32, #tpu.memory_space<vmem>>, vector<1x16xf32>,
        %mul3A_972 = arith.constant 8 : i32
        %mul3A_973 = arith.muli %mul3A_972, %scan3A_153 : i32
        %add3A_974 = arith.constant 5 : i32
        %add3A_975 = arith.addi %mul3A_973, %add3A_974 : i32
        %mul3A_976 = arith.constant 2 : i32
        %mul3A_977 = arith.muli %mul3A_976, %add3A_975 : i32
        %get3A_978 = arith.constant 0 : i32
        %get3A_979 = arith.constant 0 : i32
        %get3A_980 = tpu.memref_slice %arg6[%scan3A_125, %get3A_978, %get3A_979] : memref<2x128x128xf32, #tpu.memory_space<vmem>> -> memref<1x128x128xf32, #tpu.memory_space<vmem>>
        %get3A_981 = tpu.memref_squeeze %get3A_980 : memref<1x128x128xf32, #tpu.memory_space<vmem>> -> memref<128x128xf32, #tpu.memory_space<vmem>>
        %get3A_982 = arith.index_cast %mul3A_977 : i32 to index
        %get3A_983 = arith.constant 0 : index
        %get3A_984 = tpu.vector_load %get3A_981[%get3A_982, %get3A_983] {strides = array<i32>} : memref<128x128xf32, #tpu.memory_space<vmem>>, vector<1x16xf32>,
        %get3A_985 = vector.shape_cast %get3A_984 : vector<1x16xf32> to vector<16xf32>
        %swap3A_986 = arith.constant 0 : i32
        %swap3A_987 = arith.constant 0 : i32
        %swap3A_988 = tpu.memref_slice %arg7[%scan3A_126, %swap3A_986, %swap3A_987] : memref<2x64x128xf32, #tpu.memory_space<vmem>> -> memref<1x64x128xf32, #tpu.memory_space<vmem>>
        %swap3A_989 = tpu.memref_squeeze %swap3A_988 : memref<1x64x128xf32, #tpu.memory_space<vmem>> -> memref<64x128xf32, #tpu.memory_space<vmem>>
        %swap3A_990 = arith.index_cast %add3A_975 : i32 to index
        %swap3A_991 = arith.constant 0 : index
        %swap3A_992 = tpu.vector_load %swap3A_989[%swap3A_990, %swap3A_991] {strides = array<i32>} : memref<64x128xf32, #tpu.memory_space<vmem>>, vector<1x16xf32>,
        %swap3A_993 = vector.shape_cast %swap3A_992 : vector<1x16xf32> to vector<16xf32>
        %swap3A_994 = vector.shape_cast %get3A_985 : vector<16xf32> to vector<1x16xf32>
        tpu.vector_store %swap3A_989[%swap3A_990, %swap3A_991], %swap3A_994 {strides = array<i32>} : memref<64x128xf32, #tpu.memory_space<vmem>>, vector<1x16xf32>,
        %mul3A_995 = arith.constant 2 : i32
        %mul3A_996 = arith.muli %mul3A_995, %add3A_975 : i32
        %add3A_997 = arith.constant 1 : i32
        %add3A_998 = arith.addi %mul3A_996, %add3A_997 : i32
        %get3A_999 = arith.constant 0 : i32
        %get3A_1000 = arith.constant 0 : i32
        %get3A_1001 = tpu.memref_slice %arg6[%scan3A_125, %get3A_999, %get3A_1000] : memref<2x128x128xf32, #tpu.memory_space<vmem>> -> memref<1x128x128xf32, #tpu.memory_space<vmem>>
        %get3A_1002 = tpu.memref_squeeze %get3A_1001 : memref<1x128x128xf32, #tpu.memory_space<vmem>> -> memref<128x128xf32, #tpu.memory_space<vmem>>
        %get3A_1003 = arith.index_cast %add3A_998 : i32 to index
        %get3A_1004 = arith.constant 0 : index
        %get3A_1005 = tpu.vector_load %get3A_1002[%get3A_1003, %get3A_1004] {strides = array<i32>} : memref<128x128xf32, #tpu.memory_space<vmem>>, vector<1x16xf32>,
        %get3A_1006 = vector.shape_cast %get3A_1005 : vector<1x16xf32> to vector<16xf32>
        %swap3A_1007 = arith.constant 0 : i32
        %swap3A_1008 = arith.constant 0 : i32
        %swap3A_1009 = tpu.memref_slice %arg7[%scan3A_126, %swap3A_1007, %swap3A_1008] : memref<2x64x128xf32, #tpu.memory_space<vmem>> -> memref<1x64x128xf32, #tpu.memory_space<vmem>>
        %swap3A_1010 = tpu.memref_squeeze %swap3A_1009 : memref<1x64x128xf32, #tpu.memory_space<vmem>> -> memref<64x128xf32, #tpu.memory_space<vmem>>
        %swap3A_1011 = arith.index_cast %add3A_975 : i32 to index
        %swap3A_1012 = arith.constant 64 : index
        %swap3A_1013 = tpu.vector_load %swap3A_1010[%swap3A_1011, %swap3A_1012] {strides = array<i32>} : memref<64x128xf32, #tpu.memory_space<vmem>>, vector<1x16xf32>,
        %swap3A_1014 = vector.shape_cast %swap3A_1013 : vector<1x16xf32> to vector<16xf32>
        %swap3A_1015 = vector.shape_cast %get3A_1006 : vector<16xf32> to vector<1x16xf32>
        tpu.vector_store %swap3A_1010[%swap3A_1011, %swap3A_1012], %swap3A_1015 {strides = array<i32>} : memref<64x128xf32, #tpu.memory_space<vmem>>, vector<1x16xf32>,
        %mul3A_1016 = arith.constant 2 : i32
        %mul3A_1017 = arith.muli %mul3A_1016, %add3A_975 : i32
        %get3A_1018 = arith.constant 0 : i32
        %get3A_1019 = arith.constant 0 : i32
        %get3A_1020 = tpu.memref_slice %arg6[%scan3A_125, %get3A_1018, %get3A_1019] : memref<2x128x128xf32, #tpu.memory_space<vmem>> -> memref<1x128x128xf32, #tpu.memory_space<vmem>>
        %get3A_1021 = tpu.memref_squeeze %get3A_1020 : memref<1x128x128xf32, #tpu.memory_space<vmem>> -> memref<128x128xf32, #tpu.memory_space<vmem>>
        %get3A_1022 = arith.index_cast %mul3A_1017 : i32 to index
        %get3A_1023 = arith.constant 16 : index
        %get3A_1024 = tpu.vector_load %get3A_1021[%get3A_1022, %get3A_1023] {strides = array<i32>} : memref<128x128xf32, #tpu.memory_space<vmem>>, vector<1x16xf32>,
        %get3A_1025 = vector.shape_cast %get3A_1024 : vector<1x16xf32> to vector<16xf32>
        %swap3A_1026 = arith.constant 0 : i32
        %swap3A_1027 = arith.constant 0 : i32
        %swap3A_1028 = tpu.memref_slice %arg7[%scan3A_126, %swap3A_1026, %swap3A_1027] : memref<2x64x128xf32, #tpu.memory_space<vmem>> -> memref<1x64x128xf32, #tpu.memory_space<vmem>>
        %swap3A_1029 = tpu.memref_squeeze %swap3A_1028 : memref<1x64x128xf32, #tpu.memory_space<vmem>> -> memref<64x128xf32, #tpu.memory_space<vmem>>
        %swap3A_1030 = arith.index_cast %add3A_975 : i32 to index
        %swap3A_1031 = arith.constant 16 : index
        %swap3A_1032 = tpu.vector_load %swap3A_1029[%swap3A_1030, %swap3A_1031] {strides = array<i32>} : memref<64x128xf32, #tpu.memory_space<vmem>>, vector<1x16xf32>,
        %swap3A_1033 = vector.shape_cast %swap3A_1032 : vector<1x16xf32> to vector<16xf32>
        %swap3A_1034 = vector.shape_cast %get3A_1025 : vector<16xf32> to vector<1x16xf32>
        tpu.vector_store %swap3A_1029[%swap3A_1030, %swap3A_1031], %swap3A_1034 {strides = array<i32>} : memref<64x128xf32, #tpu.memory_space<vmem>>, vector<1x16xf32>,
        %mul3A_1035 = arith.constant 2 : i32
        %mul3A_1036 = arith.muli %mul3A_1035, %add3A_975 : i32
        %add3A_1037 = arith.constant 1 : i32
        %add3A_1038 = arith.addi %mul3A_1036, %add3A_1037 : i32
        %get3A_1039 = arith.constant 0 : i32
        %get3A_1040 = arith.constant 0 : i32
        %get3A_1041 = tpu.memref_slice %arg6[%scan3A_125, %get3A_1039, %get3A_1040] : memref<2x128x128xf32, #tpu.memory_space<vmem>> -> memref<1x128x128xf32, #tpu.memory_space<vmem>>
        %get3A_1042 = tpu.memref_squeeze %get3A_1041 : memref<1x128x128xf32, #tpu.memory_space<vmem>> -> memref<128x128xf32, #tpu.memory_space<vmem>>
        %get3A_1043 = arith.index_cast %add3A_1038 : i32 to index
        %get3A_1044 = arith.constant 16 : index
        %get3A_1045 = tpu.vector_load %get3A_1042[%get3A_1043, %get3A_1044] {strides = array<i32>} : memref<128x128xf32, #tpu.memory_space<vmem>>, vector<1x16xf32>,
        %get3A_1046 = vector.shape_cast %get3A_1045 : vector<1x16xf32> to vector<16xf32>
        %swap3A_1047 = arith.constant 0 : i32
        %swap3A_1048 = arith.constant 0 : i32
        %swap3A_1049 = tpu.memref_slice %arg7[%scan3A_126, %swap3A_1047, %swap3A_1048] : memref<2x64x128xf32, #tpu.memory_space<vmem>> -> memref<1x64x128xf32, #tpu.memory_space<vmem>>
        %swap3A_1050 = tpu.memref_squeeze %swap3A_1049 : memref<1x64x128xf32, #tpu.memory_space<vmem>> -> memref<64x128xf32, #tpu.memory_space<vmem>>
        %swap3A_1051 = arith.index_cast %add3A_975 : i32 to index
        %swap3A_1052 = arith.constant 80 : index
        %swap3A_1053 = tpu.vector_load %swap3A_1050[%swap3A_1051, %swap3A_1052] {strides = array<i32>} : memref<64x128xf32, #tpu.memory_space<vmem>>, vector<1x16xf32>,
        %swap3A_1054 = vector.shape_cast %swap3A_1053 : vector<1x16xf32> to vector<16xf32>
        %swap3A_1055 = vector.shape_cast %get3A_1046 : vector<16xf32> to vector<1x16xf32>
        tpu.vector_store %swap3A_1050[%swap3A_1051, %swap3A_1052], %swap3A_1055 {strides = array<i32>} : memref<64x128xf32, #tpu.memory_space<vmem>>, vector<1x16xf32>,
        %mul3A_1056 = arith.constant 2 : i32
        %mul3A_1057 = arith.muli %mul3A_1056, %add3A_975 : i32
        %get3A_1058 = arith.constant 0 : i32
        %get3A_1059 = arith.constant 0 : i32
        %get3A_1060 = tpu.memref_slice %arg6[%scan3A_125, %get3A_1058, %get3A_1059] : memref<2x128x128xf32, #tpu.memory_space<vmem>> -> memref<1x128x128xf32, #tpu.memory_space<vmem>>
        %get3A_1061 = tpu.memref_squeeze %get3A_1060 : memref<1x128x128xf32, #tpu.memory_space<vmem>> -> memref<128x128xf32, #tpu.memory_space<vmem>>
        %get3A_1062 = arith.index_cast %mul3A_1057 : i32 to index
        %get3A_1063 = arith.constant 32 : index
        %get3A_1064 = tpu.vector_load %get3A_1061[%get3A_1062, %get3A_1063] {strides = array<i32>} : memref<128x128xf32, #tpu.memory_space<vmem>>, vector<1x16xf32>,
        %get3A_1065 = vector.shape_cast %get3A_1064 : vector<1x16xf32> to vector<16xf32>
        %swap3A_1066 = arith.constant 0 : i32
        %swap3A_1067 = arith.constant 0 : i32
        %swap3A_1068 = tpu.memref_slice %arg7[%scan3A_126, %swap3A_1066, %swap3A_1067] : memref<2x64x128xf32, #tpu.memory_space<vmem>> -> memref<1x64x128xf32, #tpu.memory_space<vmem>>
        %swap3A_1069 = tpu.memref_squeeze %swap3A_1068 : memref<1x64x128xf32, #tpu.memory_space<vmem>> -> memref<64x128xf32, #tpu.memory_space<vmem>>
        %swap3A_1070 = arith.index_cast %add3A_975 : i32 to index
        %swap3A_1071 = arith.constant 32 : index
        %swap3A_1072 = tpu.vector_load %swap3A_1069[%swap3A_1070, %swap3A_1071] {strides = array<i32>} : memref<64x128xf32, #tpu.memory_space<vmem>>, vector<1x16xf32>,
        %swap3A_1073 = vector.shape_cast %swap3A_1072 : vector<1x16xf32> to vector<16xf32>
        %swap3A_1074 = vector.shape_cast %get3A_1065 : vector<16xf32> to vector<1x16xf32>
        tpu.vector_store %swap3A_1069[%swap3A_1070, %swap3A_1071], %swap3A_1074 {strides = array<i32>} : memref<64x128xf32, #tpu.memory_space<vmem>>, vector<1x16xf32>,
        %mul3A_1075 = arith.constant 2 : i32
        %mul3A_1076 = arith.muli %mul3A_1075, %add3A_975 : i32
        %add3A_1077 = arith.constant 1 : i32
        %add3A_1078 = arith.addi %mul3A_1076, %add3A_1077 : i32
        %get3A_1079 = arith.constant 0 : i32
        %get3A_1080 = arith.constant 0 : i32
        %get3A_1081 = tpu.memref_slice %arg6[%scan3A_125, %get3A_1079, %get3A_1080] : memref<2x128x128xf32, #tpu.memory_space<vmem>> -> memref<1x128x128xf32, #tpu.memory_space<vmem>>
        %get3A_1082 = tpu.memref_squeeze %get3A_1081 : memref<1x128x128xf32, #tpu.memory_space<vmem>> -> memref<128x128xf32, #tpu.memory_space<vmem>>
        %get3A_1083 = arith.index_cast %add3A_1078 : i32 to index
        %get3A_1084 = arith.constant 32 : index
        %get3A_1085 = tpu.vector_load %get3A_1082[%get3A_1083, %get3A_1084] {strides = array<i32>} : memref<128x128xf32, #tpu.memory_space<vmem>>, vector<1x16xf32>,
        %get3A_1086 = vector.shape_cast %get3A_1085 : vector<1x16xf32> to vector<16xf32>
        %swap3A_1087 = arith.constant 0 : i32
        %swap3A_1088 = arith.constant 0 : i32
        %swap3A_1089 = tpu.memref_slice %arg7[%scan3A_126, %swap3A_1087, %swap3A_1088] : memref<2x64x128xf32, #tpu.memory_space<vmem>> -> memref<1x64x128xf32, #tpu.memory_space<vmem>>
        %swap3A_1090 = tpu.memref_squeeze %swap3A_1089 : memref<1x64x128xf32, #tpu.memory_space<vmem>> -> memref<64x128xf32, #tpu.memory_space<vmem>>
        %swap3A_1091 = arith.index_cast %add3A_975 : i32 to index
        %swap3A_1092 = arith.constant 96 : index
        %swap3A_1093 = tpu.vector_load %swap3A_1090[%swap3A_1091, %swap3A_1092] {strides = array<i32>} : memref<64x128xf32, #tpu.memory_space<vmem>>, vector<1x16xf32>,
        %swap3A_1094 = vector.shape_cast %swap3A_1093 : vector<1x16xf32> to vector<16xf32>
        %swap3A_1095 = vector.shape_cast %get3A_1086 : vector<16xf32> to vector<1x16xf32>
        tpu.vector_store %swap3A_1090[%swap3A_1091, %swap3A_1092], %swap3A_1095 {strides = array<i32>} : memref<64x128xf32, #tpu.memory_space<vmem>>, vector<1x16xf32>,
        %mul3A_1096 = arith.constant 2 : i32
        %mul3A_1097 = arith.muli %mul3A_1096, %add3A_975 : i32
        %get3A_1098 = arith.constant 0 : i32
        %get3A_1099 = arith.constant 0 : i32
        %get3A_1100 = tpu.memref_slice %arg6[%scan3A_125, %get3A_1098, %get3A_1099] : memref<2x128x128xf32, #tpu.memory_space<vmem>> -> memref<1x128x128xf32, #tpu.memory_space<vmem>>
        %get3A_1101 = tpu.memref_squeeze %get3A_1100 : memref<1x128x128xf32, #tpu.memory_space<vmem>> -> memref<128x128xf32, #tpu.memory_space<vmem>>
        %get3A_1102 = arith.index_cast %mul3A_1097 : i32 to index
        %get3A_1103 = arith.constant 48 : index
        %get3A_1104 = tpu.vector_load %get3A_1101[%get3A_1102, %get3A_1103] {strides = array<i32>} : memref<128x128xf32, #tpu.memory_space<vmem>>, vector<1x16xf32>,
        %get3A_1105 = vector.shape_cast %get3A_1104 : vector<1x16xf32> to vector<16xf32>
        %swap3A_1106 = arith.constant 0 : i32
        %swap3A_1107 = arith.constant 0 : i32
        %swap3A_1108 = tpu.memref_slice %arg7[%scan3A_126, %swap3A_1106, %swap3A_1107] : memref<2x64x128xf32, #tpu.memory_space<vmem>> -> memref<1x64x128xf32, #tpu.memory_space<vmem>>
        %swap3A_1109 = tpu.memref_squeeze %swap3A_1108 : memref<1x64x128xf32, #tpu.memory_space<vmem>> -> memref<64x128xf32, #tpu.memory_space<vmem>>
        %swap3A_1110 = arith.index_cast %add3A_975 : i32 to index
        %swap3A_1111 = arith.constant 48 : index
        %swap3A_1112 = tpu.vector_load %swap3A_1109[%swap3A_1110, %swap3A_1111] {strides = array<i32>} : memref<64x128xf32, #tpu.memory_space<vmem>>, vector<1x16xf32>,
        %swap3A_1113 = vector.shape_cast %swap3A_1112 : vector<1x16xf32> to vector<16xf32>
        %swap3A_1114 = vector.shape_cast %get3A_1105 : vector<16xf32> to vector<1x16xf32>
        tpu.vector_store %swap3A_1109[%swap3A_1110, %swap3A_1111], %swap3A_1114 {strides = array<i32>} : memref<64x128xf32, #tpu.memory_space<vmem>>, vector<1x16xf32>,
        %mul3A_1115 = arith.constant 2 : i32
        %mul3A_1116 = arith.muli %mul3A_1115, %add3A_975 : i32
        %add3A_1117 = arith.constant 1 : i32
        %add3A_1118 = arith.addi %mul3A_1116, %add3A_1117 : i32
        %get3A_1119 = arith.constant 0 : i32
        %get3A_1120 = arith.constant 0 : i32
        %get3A_1121 = tpu.memref_slice %arg6[%scan3A_125, %get3A_1119, %get3A_1120] : memref<2x128x128xf32, #tpu.memory_space<vmem>> -> memref<1x128x128xf32, #tpu.memory_space<vmem>>
        %get3A_1122 = tpu.memref_squeeze %get3A_1121 : memref<1x128x128xf32, #tpu.memory_space<vmem>> -> memref<128x128xf32, #tpu.memory_space<vmem>>
        %get3A_1123 = arith.index_cast %add3A_1118 : i32 to index
        %get3A_1124 = arith.constant 48 : index
        %get3A_1125 = tpu.vector_load %get3A_1122[%get3A_1123, %get3A_1124] {strides = array<i32>} : memref<128x128xf32, #tpu.memory_space<vmem>>, vector<1x16xf32>,
        %get3A_1126 = vector.shape_cast %get3A_1125 : vector<1x16xf32> to vector<16xf32>
        %swap3A_1127 = arith.constant 0 : i32
        %swap3A_1128 = arith.constant 0 : i32
        %swap3A_1129 = tpu.memref_slice %arg7[%scan3A_126, %swap3A_1127, %swap3A_1128] : memref<2x64x128xf32, #tpu.memory_space<vmem>> -> memref<1x64x128xf32, #tpu.memory_space<vmem>>
        %swap3A_1130 = tpu.memref_squeeze %swap3A_1129 : memref<1x64x128xf32, #tpu.memory_space<vmem>> -> memref<64x128xf32, #tpu.memory_space<vmem>>
        %swap3A_1131 = arith.index_cast %add3A_975 : i32 to index
        %swap3A_1132 = arith.constant 112 : index
        %swap3A_1133 = tpu.vector_load %swap3A_1130[%swap3A_1131, %swap3A_1132] {strides = array<i32>} : memref<64x128xf32, #tpu.memory_space<vmem>>, vector<1x16xf32>,
        %swap3A_1134 = vector.shape_cast %swap3A_1133 : vector<1x16xf32> to vector<16xf32>
        %swap3A_1135 = vector.shape_cast %get3A_1126 : vector<16xf32> to vector<1x16xf32>
        tpu.vector_store %swap3A_1130[%swap3A_1131, %swap3A_1132], %swap3A_1135 {strides = array<i32>} : memref<64x128xf32, #tpu.memory_space<vmem>>, vector<1x16xf32>,
        %mul3A_1136 = arith.constant 8 : i32
        %mul3A_1137 = arith.muli %mul3A_1136, %scan3A_153 : i32
        %add3A_1138 = arith.constant 6 : i32
        %add3A_1139 = arith.addi %mul3A_1137, %add3A_1138 : i32
        %mul3A_1140 = arith.constant 2 : i32
        %mul3A_1141 = arith.muli %mul3A_1140, %add3A_1139 : i32
        %get3A_1142 = arith.constant 0 : i32
        %get3A_1143 = arith.constant 0 : i32
        %get3A_1144 = tpu.memref_slice %arg6[%scan3A_125, %get3A_1142, %get3A_1143] : memref<2x128x128xf32, #tpu.memory_space<vmem>> -> memref<1x128x128xf32, #tpu.memory_space<vmem>>
        %get3A_1145 = tpu.memref_squeeze %get3A_1144 : memref<1x128x128xf32, #tpu.memory_space<vmem>> -> memref<128x128xf32, #tpu.memory_space<vmem>>
        %get3A_1146 = arith.index_cast %mul3A_1141 : i32 to index
        %get3A_1147 = arith.constant 0 : index
        %get3A_1148 = tpu.vector_load %get3A_1145[%get3A_1146, %get3A_1147] {strides = array<i32>} : memref<128x128xf32, #tpu.memory_space<vmem>>, vector<1x16xf32>,
        %get3A_1149 = vector.shape_cast %get3A_1148 : vector<1x16xf32> to vector<16xf32>
        %swap3A_1150 = arith.constant 0 : i32
        %swap3A_1151 = arith.constant 0 : i32
        %swap3A_1152 = tpu.memref_slice %arg7[%scan3A_126, %swap3A_1150, %swap3A_1151] : memref<2x64x128xf32, #tpu.memory_space<vmem>> -> memref<1x64x128xf32, #tpu.memory_space<vmem>>
        %swap3A_1153 = tpu.memref_squeeze %swap3A_1152 : memref<1x64x128xf32, #tpu.memory_space<vmem>> -> memref<64x128xf32, #tpu.memory_space<vmem>>
        %swap3A_1154 = arith.index_cast %add3A_1139 : i32 to index
        %swap3A_1155 = arith.constant 0 : index
        %swap3A_1156 = tpu.vector_load %swap3A_1153[%swap3A_1154, %swap3A_1155] {strides = array<i32>} : memref<64x128xf32, #tpu.memory_space<vmem>>, vector<1x16xf32>,
        %swap3A_1157 = vector.shape_cast %swap3A_1156 : vector<1x16xf32> to vector<16xf32>
        %swap3A_1158 = vector.shape_cast %get3A_1149 : vector<16xf32> to vector<1x16xf32>
        tpu.vector_store %swap3A_1153[%swap3A_1154, %swap3A_1155], %swap3A_1158 {strides = array<i32>} : memref<64x128xf32, #tpu.memory_space<vmem>>, vector<1x16xf32>,
        %mul3A_1159 = arith.constant 2 : i32
        %mul3A_1160 = arith.muli %mul3A_1159, %add3A_1139 : i32
        %add3A_1161 = arith.constant 1 : i32
        %add3A_1162 = arith.addi %mul3A_1160, %add3A_1161 : i32
        %get3A_1163 = arith.constant 0 : i32
        %get3A_1164 = arith.constant 0 : i32
        %get3A_1165 = tpu.memref_slice %arg6[%scan3A_125, %get3A_1163, %get3A_1164] : memref<2x128x128xf32, #tpu.memory_space<vmem>> -> memref<1x128x128xf32, #tpu.memory_space<vmem>>
        %get3A_1166 = tpu.memref_squeeze %get3A_1165 : memref<1x128x128xf32, #tpu.memory_space<vmem>> -> memref<128x128xf32, #tpu.memory_space<vmem>>
        %get3A_1167 = arith.index_cast %add3A_1162 : i32 to index
        %get3A_1168 = arith.constant 0 : index
        %get3A_1169 = tpu.vector_load %get3A_1166[%get3A_1167, %get3A_1168] {strides = array<i32>} : memref<128x128xf32, #tpu.memory_space<vmem>>, vector<1x16xf32>,
        %get3A_1170 = vector.shape_cast %get3A_1169 : vector<1x16xf32> to vector<16xf32>
        %swap3A_1171 = arith.constant 0 : i32
        %swap3A_1172 = arith.constant 0 : i32
        %swap3A_1173 = tpu.memref_slice %arg7[%scan3A_126, %swap3A_1171, %swap3A_1172] : memref<2x64x128xf32, #tpu.memory_space<vmem>> -> memref<1x64x128xf32, #tpu.memory_space<vmem>>
        %swap3A_1174 = tpu.memref_squeeze %swap3A_1173 : memref<1x64x128xf32, #tpu.memory_space<vmem>> -> memref<64x128xf32, #tpu.memory_space<vmem>>
        %swap3A_1175 = arith.index_cast %add3A_1139 : i32 to index
        %swap3A_1176 = arith.constant 64 : index
        %swap3A_1177 = tpu.vector_load %swap3A_1174[%swap3A_1175, %swap3A_1176] {strides = array<i32>} : memref<64x128xf32, #tpu.memory_space<vmem>>, vector<1x16xf32>,
        %swap3A_1178 = vector.shape_cast %swap3A_1177 : vector<1x16xf32> to vector<16xf32>
        %swap3A_1179 = vector.shape_cast %get3A_1170 : vector<16xf32> to vector<1x16xf32>
        tpu.vector_store %swap3A_1174[%swap3A_1175, %swap3A_1176], %swap3A_1179 {strides = array<i32>} : memref<64x128xf32, #tpu.memory_space<vmem>>, vector<1x16xf32>,
        %mul3A_1180 = arith.constant 2 : i32
        %mul3A_1181 = arith.muli %mul3A_1180, %add3A_1139 : i32
        %get3A_1182 = arith.constant 0 : i32
        %get3A_1183 = arith.constant 0 : i32
        %get3A_1184 = tpu.memref_slice %arg6[%scan3A_125, %get3A_1182, %get3A_1183] : memref<2x128x128xf32, #tpu.memory_space<vmem>> -> memref<1x128x128xf32, #tpu.memory_space<vmem>>
        %get3A_1185 = tpu.memref_squeeze %get3A_1184 : memref<1x128x128xf32, #tpu.memory_space<vmem>> -> memref<128x128xf32, #tpu.memory_space<vmem>>
        %get3A_1186 = arith.index_cast %mul3A_1181 : i32 to index
        %get3A_1187 = arith.constant 16 : index
        %get3A_1188 = tpu.vector_load %get3A_1185[%get3A_1186, %get3A_1187] {strides = array<i32>} : memref<128x128xf32, #tpu.memory_space<vmem>>, vector<1x16xf32>,
        %get3A_1189 = vector.shape_cast %get3A_1188 : vector<1x16xf32> to vector<16xf32>
        %swap3A_1190 = arith.constant 0 : i32
        %swap3A_1191 = arith.constant 0 : i32
        %swap3A_1192 = tpu.memref_slice %arg7[%scan3A_126, %swap3A_1190, %swap3A_1191] : memref<2x64x128xf32, #tpu.memory_space<vmem>> -> memref<1x64x128xf32, #tpu.memory_space<vmem>>
        %swap3A_1193 = tpu.memref_squeeze %swap3A_1192 : memref<1x64x128xf32, #tpu.memory_space<vmem>> -> memref<64x128xf32, #tpu.memory_space<vmem>>
        %swap3A_1194 = arith.index_cast %add3A_1139 : i32 to index
        %swap3A_1195 = arith.constant 16 : index
        %swap3A_1196 = tpu.vector_load %swap3A_1193[%swap3A_1194, %swap3A_1195] {strides = array<i32>} : memref<64x128xf32, #tpu.memory_space<vmem>>, vector<1x16xf32>,
        %swap3A_1197 = vector.shape_cast %swap3A_1196 : vector<1x16xf32> to vector<16xf32>
        %swap3A_1198 = vector.shape_cast %get3A_1189 : vector<16xf32> to vector<1x16xf32>
        tpu.vector_store %swap3A_1193[%swap3A_1194, %swap3A_1195], %swap3A_1198 {strides = array<i32>} : memref<64x128xf32, #tpu.memory_space<vmem>>, vector<1x16xf32>,
        %mul3A_1199 = arith.constant 2 : i32
        %mul3A_1200 = arith.muli %mul3A_1199, %add3A_1139 : i32
        %add3A_1201 = arith.constant 1 : i32
        %add3A_1202 = arith.addi %mul3A_1200, %add3A_1201 : i32
        %get3A_1203 = arith.constant 0 : i32
        %get3A_1204 = arith.constant 0 : i32
        %get3A_1205 = tpu.memref_slice %arg6[%scan3A_125, %get3A_1203, %get3A_1204] : memref<2x128x128xf32, #tpu.memory_space<vmem>> -> memref<1x128x128xf32, #tpu.memory_space<vmem>>
        %get3A_1206 = tpu.memref_squeeze %get3A_1205 : memref<1x128x128xf32, #tpu.memory_space<vmem>> -> memref<128x128xf32, #tpu.memory_space<vmem>>
        %get3A_1207 = arith.index_cast %add3A_1202 : i32 to index
        %get3A_1208 = arith.constant 16 : index
        %get3A_1209 = tpu.vector_load %get3A_1206[%get3A_1207, %get3A_1208] {strides = array<i32>} : memref<128x128xf32, #tpu.memory_space<vmem>>, vector<1x16xf32>,
        %get3A_1210 = vector.shape_cast %get3A_1209 : vector<1x16xf32> to vector<16xf32>
        %swap3A_1211 = arith.constant 0 : i32
        %swap3A_1212 = arith.constant 0 : i32
        %swap3A_1213 = tpu.memref_slice %arg7[%scan3A_126, %swap3A_1211, %swap3A_1212] : memref<2x64x128xf32, #tpu.memory_space<vmem>> -> memref<1x64x128xf32, #tpu.memory_space<vmem>>
        %swap3A_1214 = tpu.memref_squeeze %swap3A_1213 : memref<1x64x128xf32, #tpu.memory_space<vmem>> -> memref<64x128xf32, #tpu.memory_space<vmem>>
        %swap3A_1215 = arith.index_cast %add3A_1139 : i32 to index
        %swap3A_1216 = arith.constant 80 : index
        %swap3A_1217 = tpu.vector_load %swap3A_1214[%swap3A_1215, %swap3A_1216] {strides = array<i32>} : memref<64x128xf32, #tpu.memory_space<vmem>>, vector<1x16xf32>,
        %swap3A_1218 = vector.shape_cast %swap3A_1217 : vector<1x16xf32> to vector<16xf32>
        %swap3A_1219 = vector.shape_cast %get3A_1210 : vector<16xf32> to vector<1x16xf32>
        tpu.vector_store %swap3A_1214[%swap3A_1215, %swap3A_1216], %swap3A_1219 {strides = array<i32>} : memref<64x128xf32, #tpu.memory_space<vmem>>, vector<1x16xf32>,
        %mul3A_1220 = arith.constant 2 : i32
        %mul3A_1221 = arith.muli %mul3A_1220, %add3A_1139 : i32
        %get3A_1222 = arith.constant 0 : i32
        %get3A_1223 = arith.constant 0 : i32
        %get3A_1224 = tpu.memref_slice %arg6[%scan3A_125, %get3A_1222, %get3A_1223] : memref<2x128x128xf32, #tpu.memory_space<vmem>> -> memref<1x128x128xf32, #tpu.memory_space<vmem>>
        %get3A_1225 = tpu.memref_squeeze %get3A_1224 : memref<1x128x128xf32, #tpu.memory_space<vmem>> -> memref<128x128xf32, #tpu.memory_space<vmem>>
        %get3A_1226 = arith.index_cast %mul3A_1221 : i32 to index
        %get3A_1227 = arith.constant 32 : index
        %get3A_1228 = tpu.vector_load %get3A_1225[%get3A_1226, %get3A_1227] {strides = array<i32>} : memref<128x128xf32, #tpu.memory_space<vmem>>, vector<1x16xf32>,
        %get3A_1229 = vector.shape_cast %get3A_1228 : vector<1x16xf32> to vector<16xf32>
        %swap3A_1230 = arith.constant 0 : i32
        %swap3A_1231 = arith.constant 0 : i32
        %swap3A_1232 = tpu.memref_slice %arg7[%scan3A_126, %swap3A_1230, %swap3A_1231] : memref<2x64x128xf32, #tpu.memory_space<vmem>> -> memref<1x64x128xf32, #tpu.memory_space<vmem>>
        %swap3A_1233 = tpu.memref_squeeze %swap3A_1232 : memref<1x64x128xf32, #tpu.memory_space<vmem>> -> memref<64x128xf32, #tpu.memory_space<vmem>>
        %swap3A_1234 = arith.index_cast %add3A_1139 : i32 to index
        %swap3A_1235 = arith.constant 32 : index
        %swap3A_1236 = tpu.vector_load %swap3A_1233[%swap3A_1234, %swap3A_1235] {strides = array<i32>} : memref<64x128xf32, #tpu.memory_space<vmem>>, vector<1x16xf32>,
        %swap3A_1237 = vector.shape_cast %swap3A_1236 : vector<1x16xf32> to vector<16xf32>
        %swap3A_1238 = vector.shape_cast %get3A_1229 : vector<16xf32> to vector<1x16xf32>
        tpu.vector_store %swap3A_1233[%swap3A_1234, %swap3A_1235], %swap3A_1238 {strides = array<i32>} : memref<64x128xf32, #tpu.memory_space<vmem>>, vector<1x16xf32>,
        %mul3A_1239 = arith.constant 2 : i32
        %mul3A_1240 = arith.muli %mul3A_1239, %add3A_1139 : i32
        %add3A_1241 = arith.constant 1 : i32
        %add3A_1242 = arith.addi %mul3A_1240, %add3A_1241 : i32
        %get3A_1243 = arith.constant 0 : i32
        %get3A_1244 = arith.constant 0 : i32
        %get3A_1245 = tpu.memref_slice %arg6[%scan3A_125, %get3A_1243, %get3A_1244] : memref<2x128x128xf32, #tpu.memory_space<vmem>> -> memref<1x128x128xf32, #tpu.memory_space<vmem>>
        %get3A_1246 = tpu.memref_squeeze %get3A_1245 : memref<1x128x128xf32, #tpu.memory_space<vmem>> -> memref<128x128xf32, #tpu.memory_space<vmem>>
        %get3A_1247 = arith.index_cast %add3A_1242 : i32 to index
        %get3A_1248 = arith.constant 32 : index
        %get3A_1249 = tpu.vector_load %get3A_1246[%get3A_1247, %get3A_1248] {strides = array<i32>} : memref<128x128xf32, #tpu.memory_space<vmem>>, vector<1x16xf32>,
        %get3A_1250 = vector.shape_cast %get3A_1249 : vector<1x16xf32> to vector<16xf32>
        %swap3A_1251 = arith.constant 0 : i32
        %swap3A_1252 = arith.constant 0 : i32
        %swap3A_1253 = tpu.memref_slice %arg7[%scan3A_126, %swap3A_1251, %swap3A_1252] : memref<2x64x128xf32, #tpu.memory_space<vmem>> -> memref<1x64x128xf32, #tpu.memory_space<vmem>>
        %swap3A_1254 = tpu.memref_squeeze %swap3A_1253 : memref<1x64x128xf32, #tpu.memory_space<vmem>> -> memref<64x128xf32, #tpu.memory_space<vmem>>
        %swap3A_1255 = arith.index_cast %add3A_1139 : i32 to index
        %swap3A_1256 = arith.constant 96 : index
        %swap3A_1257 = tpu.vector_load %swap3A_1254[%swap3A_1255, %swap3A_1256] {strides = array<i32>} : memref<64x128xf32, #tpu.memory_space<vmem>>, vector<1x16xf32>,
        %swap3A_1258 = vector.shape_cast %swap3A_1257 : vector<1x16xf32> to vector<16xf32>
        %swap3A_1259 = vector.shape_cast %get3A_1250 : vector<16xf32> to vector<1x16xf32>
        tpu.vector_store %swap3A_1254[%swap3A_1255, %swap3A_1256], %swap3A_1259 {strides = array<i32>} : memref<64x128xf32, #tpu.memory_space<vmem>>, vector<1x16xf32>,
        %mul3A_1260 = arith.constant 2 : i32
        %mul3A_1261 = arith.muli %mul3A_1260, %add3A_1139 : i32
        %get3A_1262 = arith.constant 0 : i32
        %get3A_1263 = arith.constant 0 : i32
        %get3A_1264 = tpu.memref_slice %arg6[%scan3A_125, %get3A_1262, %get3A_1263] : memref<2x128x128xf32, #tpu.memory_space<vmem>> -> memref<1x128x128xf32, #tpu.memory_space<vmem>>
        %get3A_1265 = tpu.memref_squeeze %get3A_1264 : memref<1x128x128xf32, #tpu.memory_space<vmem>> -> memref<128x128xf32, #tpu.memory_space<vmem>>
        %get3A_1266 = arith.index_cast %mul3A_1261 : i32 to index
        %get3A_1267 = arith.constant 48 : index
        %get3A_1268 = tpu.vector_load %get3A_1265[%get3A_1266, %get3A_1267] {strides = array<i32>} : memref<128x128xf32, #tpu.memory_space<vmem>>, vector<1x16xf32>,
        %get3A_1269 = vector.shape_cast %get3A_1268 : vector<1x16xf32> to vector<16xf32>
        %swap3A_1270 = arith.constant 0 : i32
        %swap3A_1271 = arith.constant 0 : i32
        %swap3A_1272 = tpu.memref_slice %arg7[%scan3A_126, %swap3A_1270, %swap3A_1271] : memref<2x64x128xf32, #tpu.memory_space<vmem>> -> memref<1x64x128xf32, #tpu.memory_space<vmem>>
        %swap3A_1273 = tpu.memref_squeeze %swap3A_1272 : memref<1x64x128xf32, #tpu.memory_space<vmem>> -> memref<64x128xf32, #tpu.memory_space<vmem>>
        %swap3A_1274 = arith.index_cast %add3A_1139 : i32 to index
        %swap3A_1275 = arith.constant 48 : index
        %swap3A_1276 = tpu.vector_load %swap3A_1273[%swap3A_1274, %swap3A_1275] {strides = array<i32>} : memref<64x128xf32, #tpu.memory_space<vmem>>, vector<1x16xf32>,
        %swap3A_1277 = vector.shape_cast %swap3A_1276 : vector<1x16xf32> to vector<16xf32>
        %swap3A_1278 = vector.shape_cast %get3A_1269 : vector<16xf32> to vector<1x16xf32>
        tpu.vector_store %swap3A_1273[%swap3A_1274, %swap3A_1275], %swap3A_1278 {strides = array<i32>} : memref<64x128xf32, #tpu.memory_space<vmem>>, vector<1x16xf32>,
        %mul3A_1279 = arith.constant 2 : i32
        %mul3A_1280 = arith.muli %mul3A_1279, %add3A_1139 : i32
        %add3A_1281 = arith.constant 1 : i32
        %add3A_1282 = arith.addi %mul3A_1280, %add3A_1281 : i32
        %get3A_1283 = arith.constant 0 : i32
        %get3A_1284 = arith.constant 0 : i32
        %get3A_1285 = tpu.memref_slice %arg6[%scan3A_125, %get3A_1283, %get3A_1284] : memref<2x128x128xf32, #tpu.memory_space<vmem>> -> memref<1x128x128xf32, #tpu.memory_space<vmem>>
        %get3A_1286 = tpu.memref_squeeze %get3A_1285 : memref<1x128x128xf32, #tpu.memory_space<vmem>> -> memref<128x128xf32, #tpu.memory_space<vmem>>
        %get3A_1287 = arith.index_cast %add3A_1282 : i32 to index
        %get3A_1288 = arith.constant 48 : index
        %get3A_1289 = tpu.vector_load %get3A_1286[%get3A_1287, %get3A_1288] {strides = array<i32>} : memref<128x128xf32, #tpu.memory_space<vmem>>, vector<1x16xf32>,
        %get3A_1290 = vector.shape_cast %get3A_1289 : vector<1x16xf32> to vector<16xf32>
        %swap3A_1291 = arith.constant 0 : i32
        %swap3A_1292 = arith.constant 0 : i32
        %swap3A_1293 = tpu.memref_slice %arg7[%scan3A_126, %swap3A_1291, %swap3A_1292] : memref<2x64x128xf32, #tpu.memory_space<vmem>> -> memref<1x64x128xf32, #tpu.memory_space<vmem>>
        %swap3A_1294 = tpu.memref_squeeze %swap3A_1293 : memref<1x64x128xf32, #tpu.memory_space<vmem>> -> memref<64x128xf32, #tpu.memory_space<vmem>>
        %swap3A_1295 = arith.index_cast %add3A_1139 : i32 to index
        %swap3A_1296 = arith.constant 112 : index
        %swap3A_1297 = tpu.vector_load %swap3A_1294[%swap3A_1295, %swap3A_1296] {strides = array<i32>} : memref<64x128xf32, #tpu.memory_space<vmem>>, vector<1x16xf32>,
        %swap3A_1298 = vector.shape_cast %swap3A_1297 : vector<1x16xf32> to vector<16xf32>
        %swap3A_1299 = vector.shape_cast %get3A_1290 : vector<16xf32> to vector<1x16xf32>
        tpu.vector_store %swap3A_1294[%swap3A_1295, %swap3A_1296], %swap3A_1299 {strides = array<i32>} : memref<64x128xf32, #tpu.memory_space<vmem>>, vector<1x16xf32>,
        %mul3A_1300 = arith.constant 8 : i32
        %mul3A_1301 = arith.muli %mul3A_1300, %scan3A_153 : i32
        %add3A_1302 = arith.constant 7 : i32
        %add3A_1303 = arith.addi %mul3A_1301, %add3A_1302 : i32
        %mul3A_1304 = arith.constant 2 : i32
        %mul3A_1305 = arith.muli %mul3A_1304, %add3A_1303 : i32
        %get3A_1306 = arith.constant 0 : i32
        %get3A_1307 = arith.constant 0 : i32
        %get3A_1308 = tpu.memref_slice %arg6[%scan3A_125, %get3A_1306, %get3A_1307] : memref<2x128x128xf32, #tpu.memory_space<vmem>> -> memref<1x128x128xf32, #tpu.memory_space<vmem>>
        %get3A_1309 = tpu.memref_squeeze %get3A_1308 : memref<1x128x128xf32, #tpu.memory_space<vmem>> -> memref<128x128xf32, #tpu.memory_space<vmem>>
        %get3A_1310 = arith.index_cast %mul3A_1305 : i32 to index
        %get3A_1311 = arith.constant 0 : index
        %get3A_1312 = tpu.vector_load %get3A_1309[%get3A_1310, %get3A_1311] {strides = array<i32>} : memref<128x128xf32, #tpu.memory_space<vmem>>, vector<1x16xf32>,
        %get3A_1313 = vector.shape_cast %get3A_1312 : vector<1x16xf32> to vector<16xf32>
        %swap3A_1314 = arith.constant 0 : i32
        %swap3A_1315 = arith.constant 0 : i32
        %swap3A_1316 = tpu.memref_slice %arg7[%scan3A_126, %swap3A_1314, %swap3A_1315] : memref<2x64x128xf32, #tpu.memory_space<vmem>> -> memref<1x64x128xf32, #tpu.memory_space<vmem>>
        %swap3A_1317 = tpu.memref_squeeze %swap3A_1316 : memref<1x64x128xf32, #tpu.memory_space<vmem>> -> memref<64x128xf32, #tpu.memory_space<vmem>>
        %swap3A_1318 = arith.index_cast %add3A_1303 : i32 to index
        %swap3A_1319 = arith.constant 0 : index
        %swap3A_1320 = tpu.vector_load %swap3A_1317[%swap3A_1318, %swap3A_1319] {strides = array<i32>} : memref<64x128xf32, #tpu.memory_space<vmem>>, vector<1x16xf32>,
        %swap3A_1321 = vector.shape_cast %swap3A_1320 : vector<1x16xf32> to vector<16xf32>
        %swap3A_1322 = vector.shape_cast %get3A_1313 : vector<16xf32> to vector<1x16xf32>
        tpu.vector_store %swap3A_1317[%swap3A_1318, %swap3A_1319], %swap3A_1322 {strides = array<i32>} : memref<64x128xf32, #tpu.memory_space<vmem>>, vector<1x16xf32>,
        %mul3A_1323 = arith.constant 2 : i32
        %mul3A_1324 = arith.muli %mul3A_1323, %add3A_1303 : i32
        %add3A_1325 = arith.constant 1 : i32
        %add3A_1326 = arith.addi %mul3A_1324, %add3A_1325 : i32
        %get3A_1327 = arith.constant 0 : i32
        %get3A_1328 = arith.constant 0 : i32
        %get3A_1329 = tpu.memref_slice %arg6[%scan3A_125, %get3A_1327, %get3A_1328] : memref<2x128x128xf32, #tpu.memory_space<vmem>> -> memref<1x128x128xf32, #tpu.memory_space<vmem>>
        %get3A_1330 = tpu.memref_squeeze %get3A_1329 : memref<1x128x128xf32, #tpu.memory_space<vmem>> -> memref<128x128xf32, #tpu.memory_space<vmem>>
        %get3A_1331 = arith.index_cast %add3A_1326 : i32 to index
        %get3A_1332 = arith.constant 0 : index
        %get3A_1333 = tpu.vector_load %get3A_1330[%get3A_1331, %get3A_1332] {strides = array<i32>} : memref<128x128xf32, #tpu.memory_space<vmem>>, vector<1x16xf32>,
        %get3A_1334 = vector.shape_cast %get3A_1333 : vector<1x16xf32> to vector<16xf32>
        %swap3A_1335 = arith.constant 0 : i32
        %swap3A_1336 = arith.constant 0 : i32
        %swap3A_1337 = tpu.memref_slice %arg7[%scan3A_126, %swap3A_1335, %swap3A_1336] : memref<2x64x128xf32, #tpu.memory_space<vmem>> -> memref<1x64x128xf32, #tpu.memory_space<vmem>>
        %swap3A_1338 = tpu.memref_squeeze %swap3A_1337 : memref<1x64x128xf32, #tpu.memory_space<vmem>> -> memref<64x128xf32, #tpu.memory_space<vmem>>
        %swap3A_1339 = arith.index_cast %add3A_1303 : i32 to index
        %swap3A_1340 = arith.constant 64 : index
        %swap3A_1341 = tpu.vector_load %swap3A_1338[%swap3A_1339, %swap3A_1340] {strides = array<i32>} : memref<64x128xf32, #tpu.memory_space<vmem>>, vector<1x16xf32>,
        %swap3A_1342 = vector.shape_cast %swap3A_1341 : vector<1x16xf32> to vector<16xf32>
        %swap3A_1343 = vector.shape_cast %get3A_1334 : vector<16xf32> to vector<1x16xf32>
        tpu.vector_store %swap3A_1338[%swap3A_1339, %swap3A_1340], %swap3A_1343 {strides = array<i32>} : memref<64x128xf32, #tpu.memory_space<vmem>>, vector<1x16xf32>,
        %mul3A_1344 = arith.constant 2 : i32
        %mul3A_1345 = arith.muli %mul3A_1344, %add3A_1303 : i32
        %get3A_1346 = arith.constant 0 : i32
        %get3A_1347 = arith.constant 0 : i32
        %get3A_1348 = tpu.memref_slice %arg6[%scan3A_125, %get3A_1346, %get3A_1347] : memref<2x128x128xf32, #tpu.memory_space<vmem>> -> memref<1x128x128xf32, #tpu.memory_space<vmem>>
        %get3A_1349 = tpu.memref_squeeze %get3A_1348 : memref<1x128x128xf32, #tpu.memory_space<vmem>> -> memref<128x128xf32, #tpu.memory_space<vmem>>
        %get3A_1350 = arith.index_cast %mul3A_1345 : i32 to index
        %get3A_1351 = arith.constant 16 : index
        %get3A_1352 = tpu.vector_load %get3A_1349[%get3A_1350, %get3A_1351] {strides = array<i32>} : memref<128x128xf32, #tpu.memory_space<vmem>>, vector<1x16xf32>,
        %get3A_1353 = vector.shape_cast %get3A_1352 : vector<1x16xf32> to vector<16xf32>
        %swap3A_1354 = arith.constant 0 : i32
        %swap3A_1355 = arith.constant 0 : i32
        %swap3A_1356 = tpu.memref_slice %arg7[%scan3A_126, %swap3A_1354, %swap3A_1355] : memref<2x64x128xf32, #tpu.memory_space<vmem>> -> memref<1x64x128xf32, #tpu.memory_space<vmem>>
        %swap3A_1357 = tpu.memref_squeeze %swap3A_1356 : memref<1x64x128xf32, #tpu.memory_space<vmem>> -> memref<64x128xf32, #tpu.memory_space<vmem>>
        %swap3A_1358 = arith.index_cast %add3A_1303 : i32 to index
        %swap3A_1359 = arith.constant 16 : index
        %swap3A_1360 = tpu.vector_load %swap3A_1357[%swap3A_1358, %swap3A_1359] {strides = array<i32>} : memref<64x128xf32, #tpu.memory_space<vmem>>, vector<1x16xf32>,
        %swap3A_1361 = vector.shape_cast %swap3A_1360 : vector<1x16xf32> to vector<16xf32>
        %swap3A_1362 = vector.shape_cast %get3A_1353 : vector<16xf32> to vector<1x16xf32>
        tpu.vector_store %swap3A_1357[%swap3A_1358, %swap3A_1359], %swap3A_1362 {strides = array<i32>} : memref<64x128xf32, #tpu.memory_space<vmem>>, vector<1x16xf32>,
        %mul3A_1363 = arith.constant 2 : i32
        %mul3A_1364 = arith.muli %mul3A_1363, %add3A_1303 : i32
        %add3A_1365 = arith.constant 1 : i32
        %add3A_1366 = arith.addi %mul3A_1364, %add3A_1365 : i32
        %get3A_1367 = arith.constant 0 : i32
        %get3A_1368 = arith.constant 0 : i32
        %get3A_1369 = tpu.memref_slice %arg6[%scan3A_125, %get3A_1367, %get3A_1368] : memref<2x128x128xf32, #tpu.memory_space<vmem>> -> memref<1x128x128xf32, #tpu.memory_space<vmem>>
        %get3A_1370 = tpu.memref_squeeze %get3A_1369 : memref<1x128x128xf32, #tpu.memory_space<vmem>> -> memref<128x128xf32, #tpu.memory_space<vmem>>
        %get3A_1371 = arith.index_cast %add3A_1366 : i32 to index
        %get3A_1372 = arith.constant 16 : index
        %get3A_1373 = tpu.vector_load %get3A_1370[%get3A_1371, %get3A_1372] {strides = array<i32>} : memref<128x128xf32, #tpu.memory_space<vmem>>, vector<1x16xf32>,
        %get3A_1374 = vector.shape_cast %get3A_1373 : vector<1x16xf32> to vector<16xf32>
        %swap3A_1375 = arith.constant 0 : i32
        %swap3A_1376 = arith.constant 0 : i32
        %swap3A_1377 = tpu.memref_slice %arg7[%scan3A_126, %swap3A_1375, %swap3A_1376] : memref<2x64x128xf32, #tpu.memory_space<vmem>> -> memref<1x64x128xf32, #tpu.memory_space<vmem>>
        %swap3A_1378 = tpu.memref_squeeze %swap3A_1377 : memref<1x64x128xf32, #tpu.memory_space<vmem>> -> memref<64x128xf32, #tpu.memory_space<vmem>>
        %swap3A_1379 = arith.index_cast %add3A_1303 : i32 to index
        %swap3A_1380 = arith.constant 80 : index
        %swap3A_1381 = tpu.vector_load %swap3A_1378[%swap3A_1379, %swap3A_1380] {strides = array<i32>} : memref<64x128xf32, #tpu.memory_space<vmem>>, vector<1x16xf32>,
        %swap3A_1382 = vector.shape_cast %swap3A_1381 : vector<1x16xf32> to vector<16xf32>
        %swap3A_1383 = vector.shape_cast %get3A_1374 : vector<16xf32> to vector<1x16xf32>
        tpu.vector_store %swap3A_1378[%swap3A_1379, %swap3A_1380], %swap3A_1383 {strides = array<i32>} : memref<64x128xf32, #tpu.memory_space<vmem>>, vector<1x16xf32>,
        %mul3A_1384 = arith.constant 2 : i32
        %mul3A_1385 = arith.muli %mul3A_1384, %add3A_1303 : i32
        %get3A_1386 = arith.constant 0 : i32
        %get3A_1387 = arith.constant 0 : i32
        %get3A_1388 = tpu.memref_slice %arg6[%scan3A_125, %get3A_1386, %get3A_1387] : memref<2x128x128xf32, #tpu.memory_space<vmem>> -> memref<1x128x128xf32, #tpu.memory_space<vmem>>
        %get3A_1389 = tpu.memref_squeeze %get3A_1388 : memref<1x128x128xf32, #tpu.memory_space<vmem>> -> memref<128x128xf32, #tpu.memory_space<vmem>>
        %get3A_1390 = arith.index_cast %mul3A_1385 : i32 to index
        %get3A_1391 = arith.constant 32 : index
        %get3A_1392 = tpu.vector_load %get3A_1389[%get3A_1390, %get3A_1391] {strides = array<i32>} : memref<128x128xf32, #tpu.memory_space<vmem>>, vector<1x16xf32>,
        %get3A_1393 = vector.shape_cast %get3A_1392 : vector<1x16xf32> to vector<16xf32>
        %swap3A_1394 = arith.constant 0 : i32
        %swap3A_1395 = arith.constant 0 : i32
        %swap3A_1396 = tpu.memref_slice %arg7[%scan3A_126, %swap3A_1394, %swap3A_1395] : memref<2x64x128xf32, #tpu.memory_space<vmem>> -> memref<1x64x128xf32, #tpu.memory_space<vmem>>
        %swap3A_1397 = tpu.memref_squeeze %swap3A_1396 : memref<1x64x128xf32, #tpu.memory_space<vmem>> -> memref<64x128xf32, #tpu.memory_space<vmem>>
        %swap3A_1398 = arith.index_cast %add3A_1303 : i32 to index
        %swap3A_1399 = arith.constant 32 : index
        %swap3A_1400 = tpu.vector_load %swap3A_1397[%swap3A_1398, %swap3A_1399] {strides = array<i32>} : memref<64x128xf32, #tpu.memory_space<vmem>>, vector<1x16xf32>,
        %swap3A_1401 = vector.shape_cast %swap3A_1400 : vector<1x16xf32> to vector<16xf32>
        %swap3A_1402 = vector.shape_cast %get3A_1393 : vector<16xf32> to vector<1x16xf32>
        tpu.vector_store %swap3A_1397[%swap3A_1398, %swap3A_1399], %swap3A_1402 {strides = array<i32>} : memref<64x128xf32, #tpu.memory_space<vmem>>, vector<1x16xf32>,
        %mul3A_1403 = arith.constant 2 : i32
        %mul3A_1404 = arith.muli %mul3A_1403, %add3A_1303 : i32
        %add3A_1405 = arith.constant 1 : i32
        %add3A_1406 = arith.addi %mul3A_1404, %add3A_1405 : i32
        %get3A_1407 = arith.constant 0 : i32
        %get3A_1408 = arith.constant 0 : i32
        %get3A_1409 = tpu.memref_slice %arg6[%scan3A_125, %get3A_1407, %get3A_1408] : memref<2x128x128xf32, #tpu.memory_space<vmem>> -> memref<1x128x128xf32, #tpu.memory_space<vmem>>
        %get3A_1410 = tpu.memref_squeeze %get3A_1409 : memref<1x128x128xf32, #tpu.memory_space<vmem>> -> memref<128x128xf32, #tpu.memory_space<vmem>>
        %get3A_1411 = arith.index_cast %add3A_1406 : i32 to index
        %get3A_1412 = arith.constant 32 : index
        %get3A_1413 = tpu.vector_load %get3A_1410[%get3A_1411, %get3A_1412] {strides = array<i32>} : memref<128x128xf32, #tpu.memory_space<vmem>>, vector<1x16xf32>,
        %get3A_1414 = vector.shape_cast %get3A_1413 : vector<1x16xf32> to vector<16xf32>
        %swap3A_1415 = arith.constant 0 : i32
        %swap3A_1416 = arith.constant 0 : i32
        %swap3A_1417 = tpu.memref_slice %arg7[%scan3A_126, %swap3A_1415, %swap3A_1416] : memref<2x64x128xf32, #tpu.memory_space<vmem>> -> memref<1x64x128xf32, #tpu.memory_space<vmem>>
        %swap3A_1418 = tpu.memref_squeeze %swap3A_1417 : memref<1x64x128xf32, #tpu.memory_space<vmem>> -> memref<64x128xf32, #tpu.memory_space<vmem>>
        %swap3A_1419 = arith.index_cast %add3A_1303 : i32 to index
        %swap3A_1420 = arith.constant 96 : index
        %swap3A_1421 = tpu.vector_load %swap3A_1418[%swap3A_1419, %swap3A_1420] {strides = array<i32>} : memref<64x128xf32, #tpu.memory_space<vmem>>, vector<1x16xf32>,
        %swap3A_1422 = vector.shape_cast %swap3A_1421 : vector<1x16xf32> to vector<16xf32>
        %swap3A_1423 = vector.shape_cast %get3A_1414 : vector<16xf32> to vector<1x16xf32>
        tpu.vector_store %swap3A_1418[%swap3A_1419, %swap3A_1420], %swap3A_1423 {strides = array<i32>} : memref<64x128xf32, #tpu.memory_space<vmem>>, vector<1x16xf32>,
        %mul3A_1424 = arith.constant 2 : i32
        %mul3A_1425 = arith.muli %mul3A_1424, %add3A_1303 : i32
        %get3A_1426 = arith.constant 0 : i32
        %get3A_1427 = arith.constant 0 : i32
        %get3A_1428 = tpu.memref_slice %arg6[%scan3A_125, %get3A_1426, %get3A_1427] : memref<2x128x128xf32, #tpu.memory_space<vmem>> -> memref<1x128x128xf32, #tpu.memory_space<vmem>>
        %get3A_1429 = tpu.memref_squeeze %get3A_1428 : memref<1x128x128xf32, #tpu.memory_space<vmem>> -> memref<128x128xf32, #tpu.memory_space<vmem>>
        %get3A_1430 = arith.index_cast %mul3A_1425 : i32 to index
        %get3A_1431 = arith.constant 48 : index
        %get3A_1432 = tpu.vector_load %get3A_1429[%get3A_1430, %get3A_1431] {strides = array<i32>} : memref<128x128xf32, #tpu.memory_space<vmem>>, vector<1x16xf32>,
        %get3A_1433 = vector.shape_cast %get3A_1432 : vector<1x16xf32> to vector<16xf32>
        %swap3A_1434 = arith.constant 0 : i32
        %swap3A_1435 = arith.constant 0 : i32
        %swap3A_1436 = tpu.memref_slice %arg7[%scan3A_126, %swap3A_1434, %swap3A_1435] : memref<2x64x128xf32, #tpu.memory_space<vmem>> -> memref<1x64x128xf32, #tpu.memory_space<vmem>>
        %swap3A_1437 = tpu.memref_squeeze %swap3A_1436 : memref<1x64x128xf32, #tpu.memory_space<vmem>> -> memref<64x128xf32, #tpu.memory_space<vmem>>
        %swap3A_1438 = arith.index_cast %add3A_1303 : i32 to index
        %swap3A_1439 = arith.constant 48 : index
        %swap3A_1440 = tpu.vector_load %swap3A_1437[%swap3A_1438, %swap3A_1439] {strides = array<i32>} : memref<64x128xf32, #tpu.memory_space<vmem>>, vector<1x16xf32>,
        %swap3A_1441 = vector.shape_cast %swap3A_1440 : vector<1x16xf32> to vector<16xf32>
        %swap3A_1442 = vector.shape_cast %get3A_1433 : vector<16xf32> to vector<1x16xf32>
        tpu.vector_store %swap3A_1437[%swap3A_1438, %swap3A_1439], %swap3A_1442 {strides = array<i32>} : memref<64x128xf32, #tpu.memory_space<vmem>>, vector<1x16xf32>,
        %mul3A_1443 = arith.constant 2 : i32
        %mul3A_1444 = arith.muli %mul3A_1443, %add3A_1303 : i32
        %add3A_1445 = arith.constant 1 : i32
        %add3A_1446 = arith.addi %mul3A_1444, %add3A_1445 : i32
        %get3A_1447 = arith.constant 0 : i32
        %get3A_1448 = arith.constant 0 : i32
        %get3A_1449 = tpu.memref_slice %arg6[%scan3A_125, %get3A_1447, %get3A_1448] : memref<2x128x128xf32, #tpu.memory_space<vmem>> -> memref<1x128x128xf32, #tpu.memory_space<vmem>>
        %get3A_1450 = tpu.memref_squeeze %get3A_1449 : memref<1x128x128xf32, #tpu.memory_space<vmem>> -> memref<128x128xf32, #tpu.memory_space<vmem>>
        %get3A_1451 = arith.index_cast %add3A_1446 : i32 to index
        %get3A_1452 = arith.constant 48 : index
        %get3A_1453 = tpu.vector_load %get3A_1450[%get3A_1451, %get3A_1452] {strides = array<i32>} : memref<128x128xf32, #tpu.memory_space<vmem>>, vector<1x16xf32>,
        %get3A_1454 = vector.shape_cast %get3A_1453 : vector<1x16xf32> to vector<16xf32>
        %swap3A_1455 = arith.constant 0 : i32
        %swap3A_1456 = arith.constant 0 : i32
        %swap3A_1457 = tpu.memref_slice %arg7[%scan3A_126, %swap3A_1455, %swap3A_1456] : memref<2x64x128xf32, #tpu.memory_space<vmem>> -> memref<1x64x128xf32, #tpu.memory_space<vmem>>
        %swap3A_1458 = tpu.memref_squeeze %swap3A_1457 : memref<1x64x128xf32, #tpu.memory_space<vmem>> -> memref<64x128xf32, #tpu.memory_space<vmem>>
        %swap3A_1459 = arith.index_cast %add3A_1303 : i32 to index
        %swap3A_1460 = arith.constant 112 : index
        %swap3A_1461 = tpu.vector_load %swap3A_1458[%swap3A_1459, %swap3A_1460] {strides = array<i32>} : memref<64x128xf32, #tpu.memory_space<vmem>>, vector<1x16xf32>,
        %swap3A_1462 = vector.shape_cast %swap3A_1461 : vector<1x16xf32> to vector<16xf32>
        %swap3A_1463 = vector.shape_cast %get3A_1454 : vector<16xf32> to vector<1x16xf32>
        tpu.vector_store %swap3A_1458[%swap3A_1459, %swap3A_1460], %swap3A_1463 {strides = array<i32>} : memref<64x128xf32, #tpu.memory_space<vmem>>, vector<1x16xf32>,
      }
      %scan3A_131 = arith.constant 8 : i32
      %mul3A_132 = arith.constant 64 : i32
      %mul3A_133 = arith.muli %add3A_107, %mul3A_132 : i32
      %add3A_134 = arith.addi %mul3A_4, %mul3A_133 : i32
      %dma_start3A_135 = arith.constant 1 : i32
      %dma_start3A_136 = arith.constant 0 : i32
      %dma_start3A_137 = arith.constant 0 : i32
      %dma_start3A_138 = tpu.memref_slice %arg7[%dma_start3A_135, %dma_start3A_136, %dma_start3A_137] : memref<2x64x128xf32, #tpu.memory_space<vmem>> -> memref<1x64x128xf32, #tpu.memory_space<vmem>>
      %dma_start3A_139 = tpu.memref_squeeze %dma_start3A_138 : memref<1x64x128xf32, #tpu.memory_space<vmem>> -> memref<64x128xf32, #tpu.memory_space<vmem>>
      %dma_start3A_140 = arith.constant 0 : i32
      %dma_start3A_141 = tpu.memref_slice %arg4[%add3A_134, %dma_start3A_140] : memref<53248x128xf32, #tpu.memory_space<hbm>> -> memref<64x128xf32, #tpu.memory_space<hbm>>
      %dma_start3A_142 = arith.constant 0 : i32
      %dma_start3A_143 = tpu.memref_slice %arg4[%add3A_134, %dma_start3A_142] : memref<53248x128xf32, #tpu.memory_space<hbm>> -> memref<64x128xf32, #tpu.memory_space<hbm>>
      %dma_start3A_144 = arith.constant 0 : i32
      %dma_start3A_145 = arith.constant 0 : i32
      %dma_start3A_146 = tpu.memref_slice %arg7[%dma_start3A_135, %dma_start3A_144, %dma_start3A_145] : memref<2x64x128xf32, #tpu.memory_space<vmem>> -> memref<1x64x128xf32, #tpu.memory_space<vmem>>
      %dma_start3A_147 = tpu.memref_squeeze %dma_start3A_146 : memref<1x64x128xf32, #tpu.memory_space<vmem>> -> memref<64x128xf32, #tpu.memory_space<vmem>>
      tpu.enqueue_dma source(%dma_start3A_147 : memref<64x128xf32, #tpu.memory_space<vmem>>) target(%dma_start3A_143 : memref<64x128xf32, #tpu.memory_space<hbm>>) target_semaphore(%arg11 : memref<!tpu.dma_semaphore, #tpu.memory_space<semaphore_mem>>)
      %lt3A_148 = arith.constant 12 : i32
      %lt3A_149 = arith.cmpi slt, %scan3A_58, %lt3A_148 : i32
      %convert_element_type3A_150 = arith.extui %lt3A_149 : i1 to i32
      %cond3A_151 = arith.constant 0 : i32
      %cond3A_152 = arith.cmpi ne, %convert_element_type3A_150, %cond3A_151 : i32
      scf.if %cond3A_152 {
        %add3A_153 = arith.constant 2 : i32
        %add3A_154 = arith.addi %add3A_107, %add3A_153 : i32
        %mul3A_155 = arith.constant 128 : i32
        %mul3A_156 = arith.muli %add3A_154, %mul3A_155 : i32
        %dma_start3A_157 = arith.constant 1 : i32
        %dma_start3A_158 = arith.constant 0 : i32
        %dma_start3A_159 = arith.constant 0 : i32
        %dma_start3A_160 = tpu.memref_slice %arg6[%dma_start3A_157, %dma_start3A_158, %dma_start3A_159] : memref<2x128x128xf32, #tpu.memory_space<vmem>> -> memref<1x128x128xf32, #tpu.memory_space<vmem>>
        %dma_start3A_161 = tpu.memref_squeeze %dma_start3A_160 : memref<1x128x128xf32, #tpu.memory_space<vmem>> -> memref<128x128xf32, #tpu.memory_space<vmem>>
        %dma_start3A_162 = tpu.memref_slice %arg5[%mul3A_156] : memref<3328xi32, #tpu.memory_space<vmem>> -> memref<128xi32, #tpu.memory_space<vmem>>
        %dma_start3A_163 = arith.constant 0 : i32
        %dma_start3A_164 = arith.constant 0 : i32
        %dma_start3A_165 = tpu.memref_slice %arg3[%dma_start3A_163, %dma_start3A_164] : memref<1000000x128xf32, #tpu.memory_space<hbm>> -> memref<1000000x128xf32, #tpu.memory_space<hbm>>
        tpu.enqueue_indirect_dma source(%dma_start3A_165 : memref<1000000x128xf32, #tpu.memory_space<hbm>>) target(%dma_start3A_161 : memref<128x128xf32, #tpu.memory_space<vmem>>) offsets(%dma_start3A_162 : memref<128xi32, #tpu.memory_space<vmem>>) semaphore(%arg9 : memref<!tpu.dma_semaphore, #tpu.memory_space<semaphore_mem>>)
      } else {
      }
    }
    %scan3A_28 = arith.constant 13 : i32
    %add3A_29 = arith.constant 1536 : i32
    %add3A_30 = arith.addi %mul3A_4, %add3A_29 : i32
    %dma_wait3A = arith.constant 0 : i32
    %dma_wait3A_31 = arith.constant 0 : i32
    %dma_wait3A_32 = arith.constant 0 : i32
    %dma_wait3A_33 = tpu.memref_slice %arg7[%dma_wait3A, %dma_wait3A_31, %dma_wait3A_32] : memref<2x64x128xf32, #tpu.memory_space<vmem>> -> memref<1x64x128xf32, #tpu.memory_space<vmem>>
    %dma_wait3A_34 = tpu.memref_squeeze %dma_wait3A_33 : memref<1x64x128xf32, #tpu.memory_space<vmem>> -> memref<64x128xf32, #tpu.memory_space<vmem>>
    %dma_wait3A_35 = arith.constant 0 : i32
    %dma_wait3A_36 = tpu.memref_slice %arg4[%add3A_30, %dma_wait3A_35] : memref<53248x128xf32, #tpu.memory_space<hbm>> -> memref<64x128xf32, #tpu.memory_space<hbm>>
    %dma_wait3A_37 = arith.constant 0 : i32
    %dma_wait3A_38 = tpu.memref_slice %arg4[%add3A_30, %dma_wait3A_37] : memref<53248x128xf32, #tpu.memory_space<hbm>> -> memref<64x128xf32, #tpu.memory_space<hbm>>
    %dma_wait3A_39 = arith.constant 0 : i32
    %dma_wait3A_40 = arith.constant 0 : i32
    %dma_wait3A_41 = tpu.memref_slice %arg7[%dma_wait3A, %dma_wait3A_39, %dma_wait3A_40] : memref<2x64x128xf32, #tpu.memory_space<vmem>> -> memref<1x64x128xf32, #tpu.memory_space<vmem>>
    %dma_wait3A_42 = tpu.memref_squeeze %dma_wait3A_41 : memref<1x64x128xf32, #tpu.memory_space<vmem>> -> memref<64x128xf32, #tpu.memory_space<vmem>>
    tpu.wait_dma2 semaphore(%arg10 : memref<!tpu.dma_semaphore, #tpu.memory_space<semaphore_mem>>) src(%dma_wait3A_42 : memref<64x128xf32, #tpu.memory_space<vmem>>) dst(%dma_wait3A_38 : memref<64x128xf32, #tpu.memory_space<hbm>>)
    %add3A_43 = arith.constant 1600 : i32
    %add3A_44 = arith.addi %mul3A_4, %add3A_43 : i32
    %dma_wait3A_45 = arith.constant 1 : i32
    %dma_wait3A_46 = arith.constant 0 : i32
    %dma_wait3A_47 = arith.constant 0 : i32
    %dma_wait3A_48 = tpu.memref_slice %arg7[%dma_wait3A_45, %dma_wait3A_46, %dma_wait3A_47] : memref<2x64x128xf32, #tpu.memory_space<vmem>> -> memref<1x64x128xf32, #tpu.memory_space<vmem>>
    %dma_wait3A_49 = tpu.memref_squeeze %dma_wait3A_48 : memref<1x64x128xf32, #tpu.memory_space<vmem>> -> memref<64x128xf32, #tpu.memory_space<vmem>>
    %dma_wait3A_50 = arith.constant 0 : i32
    %dma_wait3A_51 = tpu.memref_slice %arg4[%add3A_44, %dma_wait3A_50] : memref<53248x128xf32, #tpu.memory_space<hbm>> -> memref<64x128xf32, #tpu.memory_space<hbm>>
    %dma_wait3A_52 = arith.constant 0 : i32
    %dma_wait3A_53 = tpu.memref_slice %arg4[%add3A_44, %dma_wait3A_52] : memref<53248x128xf32, #tpu.memory_space<hbm>> -> memref<64x128xf32, #tpu.memory_space<hbm>>
    %dma_wait3A_54 = arith.constant 0 : i32
    %dma_wait3A_55 = arith.constant 0 : i32
    %dma_wait3A_56 = tpu.memref_slice %arg7[%dma_wait3A_45, %dma_wait3A_54, %dma_wait3A_55] : memref<2x64x128xf32, #tpu.memory_space<vmem>> -> memref<1x64x128xf32, #tpu.memory_space<vmem>>
    %dma_wait3A_57 = tpu.memref_squeeze %dma_wait3A_56 : memref<1x64x128xf32, #tpu.memory_space<vmem>> -> memref<64x128xf32, #tpu.memory_space<vmem>>
    tpu.wait_dma2 semaphore(%arg11 : memref<!tpu.dma_semaphore, #tpu.memory_space<semaphore_mem>>) src(%dma_wait3A_57 : memref<64x128xf32, #tpu.memory_space<vmem>>) dst(%dma_wait3A_53 : memref<64x128xf32, #tpu.memory_space<hbm>>)
    return
  }
}

</mosaic_0001>

<sc_bundles>
// kernel: _embed.3.cloned.1.call-start
scs
__scs_entry_jumppad:
0x0: {  	(pc) =	sbr.rel $0x88, $3  }
0x1: {  	(tag) =	ssettag $0x0;
	lr =	simm.s32 $0x1  }
0x2: {  	[smem:$0x3F9F] =	sst lr;
	_ =	strace $0xD0000000  }
0x3: {  	_ = 	snop  }
0x4: {  	_ = 	snop  }
0x5: {  	_ = 	snop  }
0x6: {  	_ = 	snop  }
0x7: {  	_ = 	snop  }
__scs_overlays_trampoline_lowered:
0x8: {  	[smem:$0x3FAE] =	sst s0  }
0x9: {  	[smem:$0x3FAF] =	sst s1  }
0xa: {  	[smem:$0x3FB0] =	sst s2  }
0xb: {  	[smem:$0x3FB1] =	sst s3  }
0xc: {  	[smem:$0x3FB2] =	sst s4  }
0xd: {  	[smem:$0x3FB3] =	sst s5  }
0xe: {  	[smem:$0x3FB4] =	sst s6  }
0xf: {  	[smem:$0x3FB5] =	sst s7  }
0x10: {  	[smem:$0x3FB6] =	sst s8  }
0x11: {  	[smem:$0x3FB7] =	sst s9;
	s0 =	simm.s32 @!p0 $0x0  }
0x12: {  	s1 =	sld [smem:$0x3F9D];
	s0 =	simm.s32 @p0 $0x1  }
0x13: {  	[smem:$0x3FB8] =	sst s0;
	s0 =	simm.s32 @!p1 $0x0  }
0x14: {  	s2 =	sld [smem:$0x3F9C];
	s0 =	simm.s32 @p1 $0x1  }
0x15: {  	[smem:$0x3FB9] =	sst s0;
	s0 =	simm.s32 @!p2 $0x0  }
0x16: {  	s3 =	sld [smem:$0x3FDB];
	s0 =	simm.s32 @p2 $0x1  }
0x17: {  	s4 =	simm.s32 $0x1BF5;
	[smem:$0x3FBB] =	sst s0  }
0x18: {  	s0 =	sld [smem:$0x3F9E];
	_ =	swait.ge [sflag:s4], $0x0  }
0x19: {  	s7 =	sld [smem:$0x3F9F]  }
0x1a: {  	s8 =	sadd.s32 $0xFFFFE003, lr  }
0x1b: {  	s9 =	sadd.s32 $0xFFFFFEF7, lr;
	s5 =	simm.s32 $0xFFFFFFFF;
	p2 =	slt.u32 s8, $0xFFFFF086  }
0x1c: {  	p1 =	slt.u32 s9, $0xF7A;
	s5 =	simm.s32 @!p2 $0x0  }
0x1d: {  	s5 =	simm.s32 @p1 $0x1;
	p0 =	seq.s32 s7, s2  }
0x1e: {  	s7 =	smul.u32 @!p0 $0xF7A, s2;
	p2 =	seq.s32 @!p0 s5, $0x0  }
0x1f: {  	s9 =	smul.u32 $0xF7A, s1;
	s8 =	simm.s32 @!p0 $0x1BF5;
	p2 =	por !p2, p0  }
0x20: {  	[sflag:s8] =	ssyncset.s32 @!p0 $0xFFFFF086;
	s6 =	sadd.s32 @!p0 s3, s7;
	s7 =	simm.s32 @!p0 $0x108  }
0x21: {  	s3 =	sadd.s32 s3, s9;
	s6 =	sadd.s32 @!p0 $0x88, s6;
	s7 =	simm.s32 @p2 $0x1082  }
0x22: {  	[simem:s7], [sflag:s8] =	dma.local @!p0 [hbm:s6], $0xF7A  }
0x23: {  	s9 =	sor.u32 $0xD0000000, s2;
	s6 =	simm.s32 $0x108;
	_ =	swait.ge @!p0 [sflag:s8], $0x0  }
0x24: {  	s3 =	sadd.s32 $0x88, s3;
	s6 =	simm.s32 @!p1 $0x1082;
	[sflag:s4] =	ssyncset.s32 $0xFFFFF086  }
0x25: {  	[simem:s6], [sflag:s4] =	dma.local [hbm:s3], $0xF7A  }
0x26: {  	[smem:$0x3F9F] =	sst s1;
	(tag) =	ssettag s2;
	_ =	strace s9  }
0x27: {  	s1 =	sld [smem:$0x3FAF]  }
0x28: {  	s2 =	sld [smem:$0x3FB0]  }
0x29: {  	s4 =	sld [smem:$0x3FB2]  }
0x2a: {  	p0 =	seq.s32 s5, $0x0;
	s5 =	sld [smem:$0x3FB3]  }
0x2b: {  	s6 =	sld [smem:$0x3FB4]  }
0x2c: {  	s7 =	sld [smem:$0x3FB5]  }
0x2d: {  	s3 =	simm.s32 $0x108;
	s8 =	sld [smem:$0x3FB6]  }
0x2e: {  	s3 =	simm.s32 @!p0 $0x1082;
	s9 =	sld [smem:$0x3FB7]  }
0x2f: {  	lr =	sadd.s32 s0, s3;
	s0 =	sld [smem:$0x3FAE]  }
0x30: {  	s3 =	sld [smem:$0x3FB1]  }
0x31: {  	[smem:$0x3FBA] =	sst s10  }
0x32: {  	s10 =	sld [smem:$0x3FB8];
	_ =	sdelay $0x3  }
0x33: {  	p0 =	seq.s32 s10, $0x1;
	s10 =	sld [smem:$0x3FBA];
	_ =	sdelay $0x3  }
0x34: {  	[smem:$0x3FBA] =	sst s10  }
0x35: {  	s10 =	sld [smem:$0x3FB9];
	_ =	sdelay $0x3  }
0x36: {  	p1 =	seq.s32 s10, $0x1;
	s10 =	sld [smem:$0x3FBA];
	_ =	sdelay $0x3  }
0x37: {  	[smem:$0x3FBA] =	sst s10  }
0x38: {  	s10 =	sld [smem:$0x3FBB]  }
0x39: {  	_ = 	snop;
	(pc) =	sbr.ind lr, $3  }
0x3a: {  	_ = 	snop  }
0x3b: {  	_ = 	snop  }
0x3c: {  	p2 =	seq.s32 s10, $0x1;
	s10 =	sld [smem:$0x3FBA]  }
0x3d: {  	_ =	shalt  }
0x3e: {  	_ =	shalt  }
0x3f: {  	_ =	shalt  }
0x40: {  	_ =	shalt  }
0x41: {  	_ =	shalt  }
0x42: {  	_ =	shalt  }
0x43: {  	_ =	shalt  }
0x44: {  	_ =	shalt  }
0x45: {  	_ =	shalt  }
0x46: {  	_ =	shalt  }
0x47: {  	_ =	shalt  }
0x48: {  	_ =	shalt  }
0x49: {  	_ =	shalt  }
0x4a: {  	_ =	shalt  }
0x4b: {  	_ =	shalt  }
0x4c: {  	_ =	shalt  }
0x4d: {  	_ =	shalt  }
0x4e: {  	_ =	shalt  }
0x4f: {  	_ =	shalt  }
0x50: {  	_ =	shalt  }
0x51: {  	_ =	shalt  }
0x52: {  	_ =	shalt  }
0x53: {  	_ =	shalt  }
0x54: {  	_ =	shalt  }
0x55: {  	_ =	shalt  }
0x56: {  	_ =	shalt  }
0x57: {  	_ =	shalt  }
0x58: {  	_ =	shalt  }
0x59: {  	_ =	shalt  }
0x5a: {  	_ =	shalt  }
0x5b: {  	_ =	shalt  }
0x5c: {  	_ =	shalt  }
0x5d: {  	_ =	shalt  }
0x5e: {  	_ =	shalt  }
0x5f: {  	_ =	shalt  }
0x60: {  	_ =	shalt  }
0x61: {  	_ =	shalt  }
0x62: {  	_ =	shalt  }
0x63: {  	_ =	shalt  }
0x64: {  	_ =	shalt  }
0x65: {  	_ =	shalt  }
0x66: {  	_ =	shalt  }
0x67: {  	_ =	shalt  }
0x68: {  	_ =	shalt  }
0x69: {  	_ =	shalt  }
0x6a: {  	_ =	shalt  }
0x6b: {  	_ =	shalt  }
0x6c: {  	_ =	shalt  }
0x6d: {  	_ =	shalt  }
0x6e: {  	_ =	shalt  }
0x6f: {  	_ =	shalt  }
0x70: {  	_ =	shalt  }
0x71: {  	_ =	shalt  }
0x72: {  	_ =	shalt  }
0x73: {  	_ =	shalt  }
0x74: {  	_ =	shalt  }
0x75: {  	_ =	shalt  }
0x76: {  	_ =	shalt  }
0x77: {  	_ =	shalt  }
0x78: {  	_ =	shalt  }
0x79: {  	_ =	shalt  }
0x7a: {  	_ =	shalt  }
0x7b: {  	_ =	shalt  }
0x7c: {  	_ =	shalt  }
0x7d: {  	_ =	shalt  }
0x7e: {  	_ =	shalt  }
0x7f: {  	_ =	shalt  }
0x80: {  	_ =	shalt  }
0x81: {  	_ =	shalt  }
0x82: {  	_ =	shalt  }
0x83: {  	_ =	shalt  }
0x84: {  	_ =	shalt  }
0x85: {  	_ =	shalt  }
0x86: {  	_ =	shalt  }
0x87: {  	_ =	shalt  }
.Lfunc_end0:
.L_simem_size_0:
called_computation_lowered:
.L_overlay_start_0:
0x88: {  	s2 =	sld [smem:$0x3FD9]  }
0x89: {  	s3 =	sld [smem:$0x3FFE];
	_ =	sdelay $0x1  }
0x8a: {  	s1 =	srdreg.scid  }
0x8b: {  	s0 =	sand.u32 $0x1, s1  }
0x8c: {  	s18 =	sshll.u32 s0, $0xA;
	s2 =	sadd.s32 s3, s2  }
0x8d: {  	s2 =	sadd.s32 s2, s18  }
0x8e: {  	[smem:$0x3FC6] =	sst s2  }
0x8f: {  	_ = 	snop  }
0x90: {  	s2 =	sld [smem:$0x3FC9]  }
0x91: {  	s19 =	sld [smem:$0x3FC8]  }
0x92: {  	s4 =	sld [smem:$0x3FD0];
	(tm) =	ssettm $0x1  }
0x93: {  	s5 =	sld [smem:$0x3FFB];
	_ =	sdelay $0x3  }
0x94: {  	_ =	strace s5  }
0x95: {  	s5 =	sld [smem:$0x3FFC];
	_ =	sdelay $0x3  }
0x96: {  	_ =	strace s5  }
0x97: {  	s5 =	sld [smem:$0x3FFD];
	_ =	sdelay $0x3  }
0x98: {  	_ =	strace s5  }
0x99: {  	_ =	strace $0x8FFFFFFF  }
0x9a: {  	s20 =	sld [smem:$0x3FDB];
	_ =	sdelay $0x1  }
0x9b: {  	s6 =	simm.s32 $_scs_section_size  }
0x9c: {  	s7 =	simm.s32 $_size__tile_overlayer_lowered;
	s8 =	simm.s32 $_tile_overlayer_lowered  }
0x9d: {  	s23 =	simm.s32 $0x1BFF;
	s22 =	sshll.u32 s8, $0x1;
	s5 =	sadd.s32 s6, s20  }
0x9e: {  	s9 =	simm.s32 $0x0;
	s21 =	sshll.u32 s7, $0x1;
	s7 =	sadd.s32 s22, s5  }
0x9f: {  	[timem:s9], [sflag:s23] =	dma.local [hbm:s7], s21  }
0xa0: {  	_ =	swait.ge [sflag:s23], s21  }
0xa1: {  	s6 =	ssub.s32 $0x0, s21;
	[sflag:s23] =	ssyncset.done $0x0  }
0xa2: {  	[sflag:s23] =	ssyncadd.s32 s6;
	_ =	sdelay $0x1  }
0xa3: {  	s24 =	simm.s32 $0x1B8B  }
0xa4: {  	_ =	swait.ge [sflag:s24], $0x1  }
0xa5: {  	[sflag:s24] =	ssyncset.done $0x0  }
0xa6: {  	s25 =	simm.s32 $0x1B8E;
	[sflag:s24] =	ssyncadd.s32 $0xFFFFFFFF  }
0xa7: {  	s26 =	simm.s32 $execute0_lowered;
	[smem:$0x3FD2] =	sst s25  }
0xa8: {  	s6 =	sshll.u32 s26, $0x1;
	_ =	strace $0x80000046;
	[dreg:$0x1] =	wrdreg $0xFFFFFFFF  }
0xa9: {  	s28 =	simm.s32 $_size_execute0_lowered;
	s5 =	sadd.s32 s5, s6;
	[dreg:$0x0] =	wrdreg $0x0  }
0xaa: {  	s6 =	sshll.u32 s28, $0x1;
	[dreg:$0x2] =	wrdreg s5  }
0xab: {  	[dreg:$0x3] =	wrdreg s6  }
0xac: {  	[dreg:$0x4] =	wrdreg $0xC0  }
0xad: {  	_ =	task [dreg:s9], $0x5FFFF  }
0xae: {  	[dreg:$0x1] =	wrdreg $0xFFFFFFFF  }
0xaf: {  	[dreg:$0x0] =	wrdreg $0x60  }
0xb0: {  	[dreg:$0x2] =	wrdreg s2  }
0xb1: {  	[dreg:$0x3] =	wrdreg s19  }
0xb2: {  	[dreg:$0x4] =	wrdreg s4  }
0xb3: {  	[dreg:$0x5] =	wrdreg $0x9  }
0xb4: {  	_ =	task.clear_ibuf [dreg:s9], $0x6FFFF;
	_ =	strace $0x90000046  }
0xb5: {  	s29 =	simm.s32 $0x9;
	_ =	strace $0x80000048  }
0xb6: {  	_ =	swait.ge [sflag:s29], $0x1  }
0xb7: {  	[sflag:s29] =	ssyncadd.s32 $0xFFFFFFFF  }
0xb8: {  	_ =	strace $0x90000048  }
0xb9: {  	_ =	sfence  }
0xba: {  	s30 =	sld [smem:$0x0];
	_ =	sdelay $0x2  }
0xbb: {  	s31 =	sshll.u32 s1, $0xD;
	s1 =	sshrl.u32 s1, $0x2  }
0xbc: {  	s3 =	sand.u32 $0x4000, s31;
	s1 =	sadd.s32 s1, s30  }
0xbd: {  	s0 =	sor.u32 s3, s0;
	s1 =	sshll.u32 s1, $0x11  }
0xbe: {  	s0 =	sor.u32 s1, s0  }
0xbf: {  	s0 =	sadd.s32 $0x8F2B, s0  }
0xc0: {  	[sflag:s0] =	ssyncadd.remote.s32 $0x1  }
0xc1: {  	_ =	sfence.sel $0xFFFF  }
0xc2: {  	[dreg:$0x0] =	wrdreg $0xFFFFFFFF;
	(pc) =	sbr.abs _section_cstart, $3  }
0xc3: {  	[dreg:$0x1] =	wrdreg $0xFFFFFFFF  }
0xc4: {  	_ =	task.clear_ibuf [dreg:s9], $0x2FFFF;
	_ =	strace $0x9FFFFFFF  }
0xc5: {  	(tm) =	ssettm $0x7FFFFFFF  }
tec
execute0_lowered:
.L_overlay_start_1:
0x0: {  	(tag) =	ssettag $0x1  }
0x1: {  	s5 =	rddreg [dreg:$0x0]  }
0x2: {  	s2 =	rddreg [dreg:$0x1]  }
0x3: {  	s1 =	srdreg.scid;
	s0 =	stileid.u32  }
0x4: {  	s3 =	rddreg [dreg:$0x2];
	s11 =	simm.s32 $0xD00;
	s12 =	simm.s32 $0x4D00  }
0x5: {  	s13 =	simm.s32 $0x1;
	s14 =	simm.s32 $0x8D00;
	s15 =	simm.s32 $0x2  }
0x6: {  	s16 =	simm.s32 $0x4;
	s6 =	sand.u32 $0x1, s1;
	s4 =	sshll.u32 s0, $0x1  }
0x7: {  	s17 =	simm.s32 $0xAD00;
	s18 =	simm.s32 $0x3;
	s7 =	sor.u32 s6, s4  }
0x8: {  	s19 =	simm.s32 $0x0;
	s1 =	rddreg [dreg:$0x3];
	s8 =	smul.u32 $0x1A0, s7  }
.Ltmp0:
0x9: {  	s4 =	simm.s32 $0x0;
	s6 =	ssub.s32 $0x2, s6;
	(pc) =	sbr.rel .LBB2_1-.Ltmp0, $4  }
0xa: {  	[smem:$0x7FF] =	sst s4;
	s9 =	sshrl.u32 s6, $0x1;
	s10 =	smul.u32 $0x6800, s7  }
0xb: {  	_ =	strace $0x80000047;
	s9 =	ssub.s32 s6, s9;
	s6 =	smul.u32 $0x34000, s7  }
0xc: {  	s5 =	sadd.s32 s5, s8;
	s7 =	smax.u32 s9, $0x1;
	s31 =	sadd.s32 s10, s3  }
0xd: {  	s9 =	simm.s32 $0x5;
	s10 =	simm.s32 $0x80;
	s8 =	sadd.s32 $0x400, s31  }
.LBB2_12:
0xe: {  	s19 =	sadd.s32 $0x1, s19  }
0xf: {  	_ =	swait.ge [sflag:s18], $0x2000;
	p0 =	sne.s32 s19, s7  }
.Ltmp1:
0x10: {  	[sflag:s18] =	ssyncset.done $0x0;
	(pc) =	sbr.rel @!p0 .LBB2_13-.Ltmp1, $4  }
0x11: {  	[sflag:s18] =	ssyncadd.s32 $0xFFFFE000  }
0x12: {  	_ =	swait.ge [sflag:s16], $0x2000  }
0x13: {  	[sflag:s16] =	ssyncset.done $0x0  }
0x14: {  	[sflag:s16] =	ssyncadd.s32 $0xFFFFE000  }
.LBB2_1:
0x15: {  	[tilespmem:s4], [sflag:$0x5] =	stream.linear.gather [hbm4b:s5+s4], $0xD00, $0x38;
	[tilespmem:$0xCD00] =	vst v63  }
0x16: {  	_ =	swait.ge [sflag:s9], $0xD00  }
0x17: {  	[sflag:s9] =	ssyncset.done $0x0  }
0x18: {  	[sflag:s9] =	ssyncadd.s32 $0xFFFFF300  }
0x19: {  	[tilespmem:s11], [sflag:$0x1] =	stream.indirect.gather [hbm4b:s2+s10], $0x80, s4, s10, $0xb8;
	[tilespmem:$0xCD00] =	vst v63  }
0x1a: {  	s20 =	simm.s32 $0x0  }
0x1b: {  	[tilespmem:s12], [sflag:$0x2] =	stream.indirect.gather [hbm4b:s2+s10], $0x80, s10, s10, $0xb8;
	[tilespmem:$0xCD00] =	vst v63  }
.LBB2_2:
0x1c: {  	_ =	swait.ge [sflag:s13], $0x4000  }
0x1d: {  	p0 =	seq.s32 s20, $0x0;
	[sflag:s13] =	ssyncset.done $0x0  }
0x1e: {  	s21 =	simm.s32 @!p0 $0x3;
	[sflag:s13] =	ssyncadd.s32 $0xFFFFC000  }
0x1f: {  	_ =	swait.ge @!p0 [sflag:s21], $0x2000  }
0x20: {  	[sflag:s21] =	ssyncset.done @!p0 $0x0  }
0x21: {  	s22 =	simm.s32 $0x0;
	[sflag:s21] =	ssyncadd.s32 @!p0 $0xFFFFE000  }
0x22: {  	v0 =	vld [tilespmem:s22+$0xD00];
	_ =	sdelay $0x3  }
0x23: {  	s21 =	simm.s32 $0x8F00  }
0x24: {  	[tilespmem:s21+$0xFFFFFE00] =	vst v0  }
0x25: {  	v0 =	vld [tilespmem:s22+$0xD80];
	_ =	sdelay $0x4  }
0x26: {  	[tilespmem:s21+$0xFFFFFE40] =	vst v0  }
0x27: {  	v0 =	vld [tilespmem:s22+$0xD10];
	_ =	sdelay $0x4  }
0x28: {  	[tilespmem:s21+$0xFFFFFE10] =	vst v0  }
0x29: {  	v0 =	vld [tilespmem:s22+$0xD90];
	_ =	sdelay $0x4  }
0x2a: {  	[tilespmem:s21+$0xFFFFFE50] =	vst v0  }
0x2b: {  	v0 =	vld [tilespmem:s22+$0xD20];
	_ =	sdelay $0x4  }
0x2c: {  	[tilespmem:s21+$0xFFFFFE20] =	vst v0  }
0x2d: {  	v0 =	vld [tilespmem:s22+$0xDA0];
	_ =	sdelay $0x4  }
0x2e: {  	[tilespmem:s21+$0xFFFFFE60] =	vst v0  }
0x2f: {  	v0 =	vld [tilespmem:s22+$0xD30];
	_ =	sdelay $0x4  }
0x30: {  	[tilespmem:s21+$0xFFFFFE30] =	vst v0  }
0x31: {  	v0 =	vld [tilespmem:s22+$0xDB0];
	_ =	sdelay $0x4  }
0x32: {  	[tilespmem:s21+$0xFFFFFE70] =	vst v0  }
0x33: {  	v0 =	vld [tilespmem:s22+$0xE00];
	_ =	sdelay $0x4  }
0x34: {  	[tilespmem:s21+$0xFFFFFE80] =	vst v0  }
0x35: {  	v0 =	vld [tilespmem:s22+$0xE80];
	_ =	sdelay $0x4  }
0x36: {  	[tilespmem:s21+$0xFFFFFEC0] =	vst v0  }
0x37: {  	v0 =	vld [tilespmem:s22+$0xE10];
	_ =	sdelay $0x4  }
0x38: {  	[tilespmem:s21+$0xFFFFFE90] =	vst v0  }
0x39: {  	v0 =	vld [tilespmem:s22+$0xE90];
	_ =	sdelay $0x4  }
0x3a: {  	[tilespmem:s21+$0xFFFFFED0] =	vst v0  }
0x3b: {  	v0 =	vld [tilespmem:s22+$0xE20];
	_ =	sdelay $0x4  }
0x3c: {  	[tilespmem:s21+$0xFFFFFEA0] =	vst v0  }
0x3d: {  	v0 =	vld [tilespmem:s22+$0xEA0];
	_ =	sdelay $0x4  }
0x3e: {  	[tilespmem:s21+$0xFFFFFEE0] =	vst v0  }
0x3f: {  	v0 =	vld [tilespmem:s22+$0xE30];
	_ =	sdelay $0x4  }
0x40: {  	[tilespmem:s21+$0xFFFFFEB0] =	vst v0  }
0x41: {  	v0 =	vld [tilespmem:s22+$0xEB0];
	_ =	sdelay $0x4  }
0x42: {  	[tilespmem:s21+$0xFFFFFEF0] =	vst v0  }
0x43: {  	v0 =	vld [tilespmem:s22+$0xF00];
	_ =	sdelay $0x4  }
0x44: {  	[tilespmem:s21+$0xFFFFFF00] =	vst v0  }
0x45: {  	v0 =	vld [tilespmem:s22+$0xF80];
	_ =	sdelay $0x4  }
0x46: {  	[tilespmem:s21+$0xFFFFFF40] =	vst v0  }
0x47: {  	v0 =	vld [tilespmem:s22+$0xF10];
	_ =	sdelay $0x4  }
0x48: {  	[tilespmem:s21+$0xFFFFFF10] =	vst v0  }
0x49: {  	v0 =	vld [tilespmem:s22+$0xF90];
	_ =	sdelay $0x4  }
0x4a: {  	[tilespmem:s21+$0xFFFFFF50] =	vst v0  }
0x4b: {  	v0 =	vld [tilespmem:s22+$0xF20];
	_ =	sdelay $0x4  }
0x4c: {  	[tilespmem:s21+$0xFFFFFF20] =	vst v0  }
0x4d: {  	v0 =	vld [tilespmem:s22+$0xFA0];
	_ =	sdelay $0x4  }
0x4e: {  	[tilespmem:s21+$0xFFFFFF60] =	vst v0  }
0x4f: {  	v0 =	vld [tilespmem:s22+$0xF30];
	_ =	sdelay $0x4  }
0x50: {  	[tilespmem:s21+$0xFFFFFF30] =	vst v0  }
0x51: {  	v0 =	vld [tilespmem:s22+$0xFB0];
	_ =	sdelay $0x4  }
0x52: {  	[tilespmem:s21+$0xFFFFFF70] =	vst v0  }
0x53: {  	v0 =	vld [tilespmem:s22+$0x1000];
	_ =	sdelay $0x4  }
0x54: {  	[tilespmem:s21+$0xFFFFFF80] =	vst v0  }
0x55: {  	v0 =	vld [tilespmem:s22+$0x1080];
	_ =	sdelay $0x4  }
0x56: {  	[tilespmem:s21+$0xFFFFFFC0] =	vst v0  }
0x57: {  	v0 =	vld [tilespmem:s22+$0x1010];
	_ =	sdelay $0x4  }
0x58: {  	[tilespmem:s21+$0xFFFFFF90] =	vst v0  }
0x59: {  	v0 =	vld [tilespmem:s22+$0x1090];
	_ =	sdelay $0x4  }
0x5a: {  	[tilespmem:s21+$0xFFFFFFD0] =	vst v0  }
0x5b: {  	v0 =	vld [tilespmem:s22+$0x1020];
	_ =	sdelay $0x4  }
0x5c: {  	[tilespmem:s21+$0xFFFFFFA0] =	vst v0  }
0x5d: {  	v0 =	vld [tilespmem:s22+$0x10A0];
	_ =	sdelay $0x4  }
0x5e: {  	[tilespmem:s21+$0xFFFFFFE0] =	vst v0  }
0x5f: {  	v0 =	vld [tilespmem:s22+$0x1030];
	_ =	sdelay $0x4  }
0x60: {  	[tilespmem:s21+$0xFFFFFFB0] =	vst v0  }
0x61: {  	v0 =	vld [tilespmem:s22+$0x10B0];
	_ =	sdelay $0x4  }
0x62: {  	[tilespmem:s21+$0xFFFFFFF0] =	vst v0  }
0x63: {  	v0 =	vld [tilespmem:s22+$0x1100];
	_ =	sdelay $0x4  }
0x64: {  	[tilespmem:s21+$0x0] =	vst v0  }
0x65: {  	v0 =	vld [tilespmem:s22+$0x1180];
	_ =	sdelay $0x4  }
0x66: {  	[tilespmem:s21+$0x40] =	vst v0  }
0x67: {  	v0 =	vld [tilespmem:s22+$0x1110];
	_ =	sdelay $0x4  }
0x68: {  	[tilespmem:s21+$0x10] =	vst v0  }
0x69: {  	v0 =	vld [tilespmem:s22+$0x1190];
	_ =	sdelay $0x4  }
0x6a: {  	[tilespmem:s21+$0x50] =	vst v0  }
0x6b: {  	v0 =	vld [tilespmem:s22+$0x1120];
	_ =	sdelay $0x4  }
0x6c: {  	[tilespmem:s21+$0x20] =	vst v0  }
0x6d: {  	v0 =	vld [tilespmem:s22+$0x11A0];
	_ =	sdelay $0x4  }
0x6e: {  	[tilespmem:s21+$0x60] =	vst v0  }
0x6f: {  	v0 =	vld [tilespmem:s22+$0x1130];
	_ =	sdelay $0x4  }
0x70: {  	[tilespmem:s21+$0x30] =	vst v0  }
0x71: {  	v0 =	vld [tilespmem:s22+$0x11B0];
	_ =	sdelay $0x4  }
0x72: {  	[tilespmem:s21+$0x70] =	vst v0  }
0x73: {  	v0 =	vld [tilespmem:s22+$0x1200];
	_ =	sdelay $0x4  }
0x74: {  	[tilespmem:s21+$0x80] =	vst v0  }
0x75: {  	v0 =	vld [tilespmem:s22+$0x1280];
	_ =	sdelay $0x4  }
0x76: {  	[tilespmem:s21+$0xC0] =	vst v0  }
0x77: {  	v0 =	vld [tilespmem:s22+$0x1210];
	_ =	sdelay $0x4  }
0x78: {  	[tilespmem:s21+$0x90] =	vst v0  }
0x79: {  	v0 =	vld [tilespmem:s22+$0x1290];
	_ =	sdelay $0x4  }
0x7a: {  	[tilespmem:s21+$0xD0] =	vst v0  }
0x7b: {  	v0 =	vld [tilespmem:s22+$0x1220];
	_ =	sdelay $0x4  }
0x7c: {  	[tilespmem:s21+$0xA0] =	vst v0  }
0x7d: {  	v0 =	vld [tilespmem:s22+$0x12A0];
	_ =	sdelay $0x4  }
0x7e: {  	[tilespmem:s21+$0xE0] =	vst v0  }
0x7f: {  	v0 =	vld [tilespmem:s22+$0x1230];
	_ =	sdelay $0x4  }
0x80: {  	[tilespmem:s21+$0xB0] =	vst v0  }
0x81: {  	v0 =	vld [tilespmem:s22+$0x12B0];
	_ =	sdelay $0x4  }
0x82: {  	[tilespmem:s21+$0xF0] =	vst v0  }
0x83: {  	v0 =	vld [tilespmem:s22+$0x1300];
	_ =	sdelay $0x4  }
0x84: {  	[tilespmem:s21+$0x100] =	vst v0  }
0x85: {  	v0 =	vld [tilespmem:s22+$0x1380];
	_ =	sdelay $0x4  }
0x86: {  	[tilespmem:s21+$0x140] =	vst v0  }
0x87: {  	v0 =	vld [tilespmem:s22+$0x1310];
	_ =	sdelay $0x4  }
0x88: {  	[tilespmem:s21+$0x110] =	vst v0  }
0x89: {  	v0 =	vld [tilespmem:s22+$0x1390];
	_ =	sdelay $0x4  }
0x8a: {  	[tilespmem:s21+$0x150] =	vst v0  }
0x8b: {  	v0 =	vld [tilespmem:s22+$0x1320];
	_ =	sdelay $0x4  }
0x8c: {  	[tilespmem:s21+$0x120] =	vst v0  }
0x8d: {  	v0 =	vld [tilespmem:s22+$0x13A0];
	_ =	sdelay $0x4  }
0x8e: {  	[tilespmem:s21+$0x160] =	vst v0  }
0x8f: {  	v0 =	vld [tilespmem:s22+$0x1330];
	_ =	sdelay $0x4  }
0x90: {  	[tilespmem:s21+$0x130] =	vst v0  }
0x91: {  	v0 =	vld [tilespmem:s22+$0x13B0];
	_ =	sdelay $0x4  }
0x92: {  	[tilespmem:s21+$0x170] =	vst v0  }
0x93: {  	v0 =	vld [tilespmem:s22+$0x1400];
	_ =	sdelay $0x4  }
0x94: {  	[tilespmem:s21+$0x180] =	vst v0  }
0x95: {  	v0 =	vld [tilespmem:s22+$0x1480];
	_ =	sdelay $0x4  }
0x96: {  	[tilespmem:s21+$0x1C0] =	vst v0  }
0x97: {  	v0 =	vld [tilespmem:s22+$0x1410];
	_ =	sdelay $0x4  }
0x98: {  	[tilespmem:s21+$0x190] =	vst v0  }
0x99: {  	v0 =	vld [tilespmem:s22+$0x1490];
	_ =	sdelay $0x4  }
0x9a: {  	[tilespmem:s21+$0x1D0] =	vst v0  }
0x9b: {  	v0 =	vld [tilespmem:s22+$0x1420];
	_ =	sdelay $0x4  }
0x9c: {  	[tilespmem:s21+$0x1A0] =	vst v0  }
0x9d: {  	v0 =	vld [tilespmem:s22+$0x14A0];
	_ =	sdelay $0x4  }
0x9e: {  	[tilespmem:s21+$0x1E0] =	vst v0  }
0x9f: {  	v0 =	vld [tilespmem:s22+$0x1430];
	_ =	sdelay $0x4  }
0xa0: {  	[tilespmem:s21+$0x1B0] =	vst v0  }
0xa1: {  	v0 =	vld [tilespmem:s22+$0x14B0];
	_ =	sdelay $0x4  }
0xa2: {  	s23 =	simm.s32 $0x4000;
	s22 =	simm.s32 $0x800;
	[tilespmem:s21+$0x1F0] =	vst v0  }
.LBB2_3:
0xa3: {  	p1 =	sne.s32 s23, $0xE000;
	v0 =	vld [tilespmem:s22+$0xD00];
	_ =	sdelay $0x3  }
0xa4: {  	s21 =	sadd.s32 $0x400, s21  }
0xa5: {  	[tilespmem:s21+$0xFFFFFE00] =	vst v0  }
0xa6: {  	v0 =	vld [tilespmem:s22+$0xD80];
	_ =	sdelay $0x4  }
0xa7: {  	[tilespmem:s21+$0xFFFFFE40] =	vst v0  }
0xa8: {  	v0 =	vld [tilespmem:s22+$0xD10];
	_ =	sdelay $0x4  }
0xa9: {  	[tilespmem:s21+$0xFFFFFE10] =	vst v0  }
0xaa: {  	v0 =	vld [tilespmem:s22+$0xD90];
	_ =	sdelay $0x4  }
0xab: {  	[tilespmem:s21+$0xFFFFFE50] =	vst v0  }
0xac: {  	v0 =	vld [tilespmem:s22+$0xD20];
	_ =	sdelay $0x4  }
0xad: {  	[tilespmem:s21+$0xFFFFFE20] =	vst v0  }
0xae: {  	v0 =	vld [tilespmem:s22+$0xDA0];
	_ =	sdelay $0x4  }
0xaf: {  	[tilespmem:s21+$0xFFFFFE60] =	vst v0  }
0xb0: {  	v0 =	vld [tilespmem:s22+$0xD30];
	_ =	sdelay $0x4  }
0xb1: {  	[tilespmem:s21+$0xFFFFFE30] =	vst v0  }
0xb2: {  	v0 =	vld [tilespmem:s22+$0xDB0];
	_ =	sdelay $0x4  }
0xb3: {  	[tilespmem:s21+$0xFFFFFE70] =	vst v0  }
0xb4: {  	v0 =	vld [tilespmem:s22+$0xE00];
	_ =	sdelay $0x4  }
0xb5: {  	[tilespmem:s21+$0xFFFFFE80] =	vst v0  }
0xb6: {  	v0 =	vld [tilespmem:s22+$0xE80];
	_ =	sdelay $0x4  }
0xb7: {  	[tilespmem:s21+$0xFFFFFEC0] =	vst v0  }
0xb8: {  	v0 =	vld [tilespmem:s22+$0xE10];
	_ =	sdelay $0x4  }
0xb9: {  	[tilespmem:s21+$0xFFFFFE90] =	vst v0  }
0xba: {  	v0 =	vld [tilespmem:s22+$0xE90];
	_ =	sdelay $0x4  }
0xbb: {  	[tilespmem:s21+$0xFFFFFED0] =	vst v0  }
0xbc: {  	v0 =	vld [tilespmem:s22+$0xE20];
	_ =	sdelay $0x4  }
0xbd: {  	[tilespmem:s21+$0xFFFFFEA0] =	vst v0  }
0xbe: {  	v0 =	vld [tilespmem:s22+$0xEA0];
	_ =	sdelay $0x4  }
0xbf: {  	[tilespmem:s21+$0xFFFFFEE0] =	vst v0  }
0xc0: {  	v0 =	vld [tilespmem:s22+$0xE30];
	_ =	sdelay $0x4  }
0xc1: {  	[tilespmem:s21+$0xFFFFFEB0] =	vst v0  }
0xc2: {  	v0 =	vld [tilespmem:s22+$0xEB0];
	_ =	sdelay $0x4  }
0xc3: {  	[tilespmem:s21+$0xFFFFFEF0] =	vst v0  }
0xc4: {  	v0 =	vld [tilespmem:s22+$0xF00];
	_ =	sdelay $0x4  }
0xc5: {  	[tilespmem:s21+$0xFFFFFF00] =	vst v0  }
0xc6: {  	v0 =	vld [tilespmem:s22+$0xF80];
	_ =	sdelay $0x4  }
0xc7: {  	[tilespmem:s21+$0xFFFFFF40] =	vst v0  }
0xc8: {  	v0 =	vld [tilespmem:s22+$0xF10];
	_ =	sdelay $0x4  }
0xc9: {  	[tilespmem:s21+$0xFFFFFF10] =	vst v0  }
0xca: {  	v0 =	vld [tilespmem:s22+$0xF90];
	_ =	sdelay $0x4  }
0xcb: {  	[tilespmem:s21+$0xFFFFFF50] =	vst v0  }
0xcc: {  	v0 =	vld [tilespmem:s22+$0xF20];
	_ =	sdelay $0x4  }
0xcd: {  	[tilespmem:s21+$0xFFFFFF20] =	vst v0  }
0xce: {  	v0 =	vld [tilespmem:s22+$0xFA0];
	_ =	sdelay $0x4  }
0xcf: {  	[tilespmem:s21+$0xFFFFFF60] =	vst v0  }
0xd0: {  	v0 =	vld [tilespmem:s22+$0xF30];
	_ =	sdelay $0x4  }
0xd1: {  	[tilespmem:s21+$0xFFFFFF30] =	vst v0  }
0xd2: {  	v0 =	vld [tilespmem:s22+$0xFB0];
	_ =	sdelay $0x4  }
0xd3: {  	[tilespmem:s21+$0xFFFFFF70] =	vst v0  }
0xd4: {  	v0 =	vld [tilespmem:s22+$0x1000];
	_ =	sdelay $0x4  }
0xd5: {  	[tilespmem:s21+$0xFFFFFF80] =	vst v0  }
0xd6: {  	v0 =	vld [tilespmem:s22+$0x1080];
	_ =	sdelay $0x4  }
0xd7: {  	[tilespmem:s21+$0xFFFFFFC0] =	vst v0  }
0xd8: {  	v0 =	vld [tilespmem:s22+$0x1010];
	_ =	sdelay $0x4  }
0xd9: {  	[tilespmem:s21+$0xFFFFFF90] =	vst v0  }
0xda: {  	v0 =	vld [tilespmem:s22+$0x1090];
	_ =	sdelay $0x4  }
0xdb: {  	[tilespmem:s21+$0xFFFFFFD0] =	vst v0  }
0xdc: {  	v0 =	vld [tilespmem:s22+$0x1020];
	_ =	sdelay $0x4  }
0xdd: {  	[tilespmem:s21+$0xFFFFFFA0] =	vst v0  }
0xde: {  	v0 =	vld [tilespmem:s22+$0x10A0];
	_ =	sdelay $0x4  }
0xdf: {  	[tilespmem:s21+$0xFFFFFFE0] =	vst v0  }
0xe0: {  	v0 =	vld [tilespmem:s22+$0x1030];
	_ =	sdelay $0x4  }
0xe1: {  	[tilespmem:s21+$0xFFFFFFB0] =	vst v0  }
0xe2: {  	v0 =	vld [tilespmem:s22+$0x10B0];
	_ =	sdelay $0x4  }
0xe3: {  	[tilespmem:s21+$0xFFFFFFF0] =	vst v0  }
0xe4: {  	v0 =	vld [tilespmem:s22+$0x1100];
	_ =	sdelay $0x4  }
0xe5: {  	[tilespmem:s21+$0x0] =	vst v0  }
0xe6: {  	v0 =	vld [tilespmem:s22+$0x1180];
	_ =	sdelay $0x4  }
0xe7: {  	[tilespmem:s21+$0x40] =	vst v0  }
0xe8: {  	v0 =	vld [tilespmem:s22+$0x1110];
	_ =	sdelay $0x4  }
0xe9: {  	[tilespmem:s21+$0x10] =	vst v0  }
0xea: {  	v0 =	vld [tilespmem:s22+$0x1190];
	_ =	sdelay $0x4  }
0xeb: {  	[tilespmem:s21+$0x50] =	vst v0  }
0xec: {  	v0 =	vld [tilespmem:s22+$0x1120];
	_ =	sdelay $0x4  }
0xed: {  	[tilespmem:s21+$0x20] =	vst v0  }
0xee: {  	v0 =	vld [tilespmem:s22+$0x11A0];
	_ =	sdelay $0x4  }
0xef: {  	[tilespmem:s21+$0x60] =	vst v0  }
0xf0: {  	v0 =	vld [tilespmem:s22+$0x1130];
	_ =	sdelay $0x4  }
0xf1: {  	[tilespmem:s21+$0x30] =	vst v0  }
0xf2: {  	v0 =	vld [tilespmem:s22+$0x11B0];
	_ =	sdelay $0x4  }
0xf3: {  	[tilespmem:s21+$0x70] =	vst v0  }
0xf4: {  	v0 =	vld [tilespmem:s22+$0x1200];
	_ =	sdelay $0x4  }
0xf5: {  	[tilespmem:s21+$0x80] =	vst v0  }
0xf6: {  	v0 =	vld [tilespmem:s22+$0x1280];
	_ =	sdelay $0x4  }
0xf7: {  	[tilespmem:s21+$0xC0] =	vst v0  }
0xf8: {  	v0 =	vld [tilespmem:s22+$0x1210];
	_ =	sdelay $0x4  }
0xf9: {  	[tilespmem:s21+$0x90] =	vst v0  }
0xfa: {  	v0 =	vld [tilespmem:s22+$0x1290];
	_ =	sdelay $0x4  }
0xfb: {  	[tilespmem:s21+$0xD0] =	vst v0  }
0xfc: {  	v0 =	vld [tilespmem:s22+$0x1220];
	_ =	sdelay $0x4  }
0xfd: {  	[tilespmem:s21+$0xA0] =	vst v0  }
0xfe: {  	v0 =	vld [tilespmem:s22+$0x12A0];
	_ =	sdelay $0x4  }
0xff: {  	[tilespmem:s21+$0xE0] =	vst v0  }
0x100: {  	v0 =	vld [tilespmem:s22+$0x1230];
	_ =	sdelay $0x4  }
0x101: {  	[tilespmem:s21+$0xB0] =	vst v0  }
0x102: {  	v0 =	vld [tilespmem:s22+$0x12B0];
	_ =	sdelay $0x4  }
0x103: {  	[tilespmem:s21+$0xF0] =	vst v0  }
0x104: {  	v0 =	vld [tilespmem:s22+$0x1300];
	_ =	sdelay $0x4  }
0x105: {  	[tilespmem:s21+$0x100] =	vst v0  }
0x106: {  	v0 =	vld [tilespmem:s22+$0x1380];
	_ =	sdelay $0x4  }
0x107: {  	[tilespmem:s21+$0x140] =	vst v0  }
0x108: {  	v0 =	vld [tilespmem:s22+$0x1310];
	_ =	sdelay $0x4  }
0x109: {  	[tilespmem:s21+$0x110] =	vst v0  }
0x10a: {  	v0 =	vld [tilespmem:s22+$0x1390];
	_ =	sdelay $0x4  }
0x10b: {  	[tilespmem:s21+$0x150] =	vst v0  }
0x10c: {  	v0 =	vld [tilespmem:s22+$0x1320];
	_ =	sdelay $0x4  }
0x10d: {  	[tilespmem:s21+$0x120] =	vst v0  }
0x10e: {  	v0 =	vld [tilespmem:s22+$0x13A0];
	_ =	sdelay $0x4  }
0x10f: {  	[tilespmem:s21+$0x160] =	vst v0  }
0x110: {  	v0 =	vld [tilespmem:s22+$0x1330];
	_ =	sdelay $0x4  }
0x111: {  	[tilespmem:s21+$0x130] =	vst v0  }
0x112: {  	v0 =	vld [tilespmem:s22+$0x13B0];
	_ =	sdelay $0x4  }
0x113: {  	[tilespmem:s21+$0x170] =	vst v0  }
0x114: {  	v0 =	vld [tilespmem:s22+$0x1400];
	_ =	sdelay $0x4  }
0x115: {  	[tilespmem:s21+$0x180] =	vst v0  }
0x116: {  	v0 =	vld [tilespmem:s22+$0x1480];
	_ =	sdelay $0x4  }
0x117: {  	[tilespmem:s21+$0x1C0] =	vst v0  }
0x118: {  	v0 =	vld [tilespmem:s22+$0x1410];
	_ =	sdelay $0x4  }
0x119: {  	[tilespmem:s21+$0x190] =	vst v0  }
0x11a: {  	v0 =	vld [tilespmem:s22+$0x1490];
	_ =	sdelay $0x4  }
0x11b: {  	[tilespmem:s21+$0x1D0] =	vst v0  }
0x11c: {  	v0 =	vld [tilespmem:s22+$0x1420];
	_ =	sdelay $0x4  }
0x11d: {  	[tilespmem:s21+$0x1A0] =	vst v0  }
0x11e: {  	v0 =	vld [tilespmem:s22+$0x14A0];
	_ =	sdelay $0x4  }
0x11f: {  	[tilespmem:s21+$0x1E0] =	vst v0  }
0x120: {  	v0 =	vld [tilespmem:s22+$0x1430];
	_ =	sdelay $0x4  }
0x121: {  	[tilespmem:s21+$0x1B0] =	vst v0  }
0x122: {  	v0 =	vld [tilespmem:s22+$0x14B0]  }
.Ltmp2:
0x123: {  	(pc) =	sbr.rel @p1 .LBB2_3-.Ltmp2, $2  }
0x124: {  	_ =	sdelay $0x2  }
0x125: {  	s22 =	sshra.s32 s23, $0x2;
	s23 =	sadd.s32 $0x2000, s23;
	[tilespmem:s21+$0x1F0] =	vst v0  }
0x126: {  	v0 =	vld [tilespmem:s22+$0xD00];
	_ =	sdelay $0x3  }
0x127: {  	s21 =	sadd.s32 $0x400, s21  }
0x128: {  	[tilespmem:s21+$0xFFFFFE00] =	vst v0  }
0x129: {  	v0 =	vld [tilespmem:s22+$0xD80];
	_ =	sdelay $0x4  }
0x12a: {  	[tilespmem:s21+$0xFFFFFE40] =	vst v0  }
0x12b: {  	v0 =	vld [tilespmem:s22+$0xD10];
	_ =	sdelay $0x4  }
0x12c: {  	[tilespmem:s21+$0xFFFFFE10] =	vst v0  }
0x12d: {  	v0 =	vld [tilespmem:s22+$0xD90];
	_ =	sdelay $0x4  }
0x12e: {  	[tilespmem:s21+$0xFFFFFE50] =	vst v0  }
0x12f: {  	v0 =	vld [tilespmem:s22+$0xD20];
	_ =	sdelay $0x4  }
0x130: {  	[tilespmem:s21+$0xFFFFFE20] =	vst v0  }
0x131: {  	v0 =	vld [tilespmem:s22+$0xDA0];
	_ =	sdelay $0x4  }
0x132: {  	[tilespmem:s21+$0xFFFFFE60] =	vst v0  }
0x133: {  	v0 =	vld [tilespmem:s22+$0xD30];
	_ =	sdelay $0x4  }
0x134: {  	[tilespmem:s21+$0xFFFFFE30] =	vst v0  }
0x135: {  	v0 =	vld [tilespmem:s22+$0xDB0];
	_ =	sdelay $0x4  }
0x136: {  	[tilespmem:s21+$0xFFFFFE70] =	vst v0  }
0x137: {  	v0 =	vld [tilespmem:s22+$0xE00];
	_ =	sdelay $0x4  }
0x138: {  	[tilespmem:s21+$0xFFFFFE80] =	vst v0  }
0x139: {  	v0 =	vld [tilespmem:s22+$0xE80];
	_ =	sdelay $0x4  }
0x13a: {  	[tilespmem:s21+$0xFFFFFEC0] =	vst v0  }
0x13b: {  	v0 =	vld [tilespmem:s22+$0xE10];
	_ =	sdelay $0x4  }
0x13c: {  	[tilespmem:s21+$0xFFFFFE90] =	vst v0  }
0x13d: {  	v0 =	vld [tilespmem:s22+$0xE90];
	_ =	sdelay $0x4  }
0x13e: {  	[tilespmem:s21+$0xFFFFFED0] =	vst v0  }
0x13f: {  	v0 =	vld [tilespmem:s22+$0xE20];
	_ =	sdelay $0x4  }
0x140: {  	[tilespmem:s21+$0xFFFFFEA0] =	vst v0  }
0x141: {  	v0 =	vld [tilespmem:s22+$0xEA0];
	_ =	sdelay $0x4  }
0x142: {  	[tilespmem:s21+$0xFFFFFEE0] =	vst v0  }
0x143: {  	v0 =	vld [tilespmem:s22+$0xE30];
	_ =	sdelay $0x4  }
0x144: {  	[tilespmem:s21+$0xFFFFFEB0] =	vst v0  }
0x145: {  	v0 =	vld [tilespmem:s22+$0xEB0];
	_ =	sdelay $0x4  }
0x146: {  	[tilespmem:s21+$0xFFFFFEF0] =	vst v0  }
0x147: {  	v0 =	vld [tilespmem:s22+$0xF00];
	_ =	sdelay $0x4  }
0x148: {  	[tilespmem:s21+$0xFFFFFF00] =	vst v0  }
0x149: {  	v0 =	vld [tilespmem:s22+$0xF80];
	_ =	sdelay $0x4  }
0x14a: {  	[tilespmem:s21+$0xFFFFFF40] =	vst v0  }
0x14b: {  	v0 =	vld [tilespmem:s22+$0xF10];
	_ =	sdelay $0x4  }
0x14c: {  	[tilespmem:s21+$0xFFFFFF10] =	vst v0  }
0x14d: {  	v0 =	vld [tilespmem:s22+$0xF90];
	_ =	sdelay $0x4  }
0x14e: {  	[tilespmem:s21+$0xFFFFFF50] =	vst v0  }
0x14f: {  	v0 =	vld [tilespmem:s22+$0xF20];
	_ =	sdelay $0x4  }
0x150: {  	[tilespmem:s21+$0xFFFFFF20] =	vst v0  }
0x151: {  	v0 =	vld [tilespmem:s22+$0xFA0];
	_ =	sdelay $0x4  }
0x152: {  	[tilespmem:s21+$0xFFFFFF60] =	vst v0  }
0x153: {  	v0 =	vld [tilespmem:s22+$0xF30];
	_ =	sdelay $0x4  }
0x154: {  	[tilespmem:s21+$0xFFFFFF30] =	vst v0  }
0x155: {  	v0 =	vld [tilespmem:s22+$0xFB0];
	_ =	sdelay $0x4  }
0x156: {  	[tilespmem:s21+$0xFFFFFF70] =	vst v0  }
0x157: {  	v0 =	vld [tilespmem:s22+$0x1000];
	_ =	sdelay $0x4  }
0x158: {  	[tilespmem:s21+$0xFFFFFF80] =	vst v0  }
0x159: {  	v0 =	vld [tilespmem:s22+$0x1080];
	_ =	sdelay $0x4  }
0x15a: {  	[tilespmem:s21+$0xFFFFFFC0] =	vst v0  }
0x15b: {  	v0 =	vld [tilespmem:s22+$0x1010];
	_ =	sdelay $0x4  }
0x15c: {  	[tilespmem:s21+$0xFFFFFF90] =	vst v0  }
0x15d: {  	v0 =	vld [tilespmem:s22+$0x1090];
	_ =	sdelay $0x4  }
0x15e: {  	[tilespmem:s21+$0xFFFFFFD0] =	vst v0  }
0x15f: {  	v0 =	vld [tilespmem:s22+$0x1020];
	_ =	sdelay $0x4  }
0x160: {  	[tilespmem:s21+$0xFFFFFFA0] =	vst v0  }
0x161: {  	v0 =	vld [tilespmem:s22+$0x10A0];
	_ =	sdelay $0x4  }
0x162: {  	[tilespmem:s21+$0xFFFFFFE0] =	vst v0  }
0x163: {  	v0 =	vld [tilespmem:s22+$0x1030];
	_ =	sdelay $0x4  }
0x164: {  	[tilespmem:s21+$0xFFFFFFB0] =	vst v0  }
0x165: {  	v0 =	vld [tilespmem:s22+$0x10B0];
	_ =	sdelay $0x4  }
0x166: {  	[tilespmem:s21+$0xFFFFFFF0] =	vst v0  }
0x167: {  	v0 =	vld [tilespmem:s22+$0x1100];
	_ =	sdelay $0x4  }
0x168: {  	[tilespmem:s21+$0x0] =	vst v0  }
0x169: {  	v0 =	vld [tilespmem:s22+$0x1180];
	_ =	sdelay $0x4  }
0x16a: {  	[tilespmem:s21+$0x40] =	vst v0  }
0x16b: {  	v0 =	vld [tilespmem:s22+$0x1110];
	_ =	sdelay $0x4  }
0x16c: {  	[tilespmem:s21+$0x10] =	vst v0  }
0x16d: {  	v0 =	vld [tilespmem:s22+$0x1190];
	_ =	sdelay $0x4  }
0x16e: {  	[tilespmem:s21+$0x50] =	vst v0  }
0x16f: {  	v0 =	vld [tilespmem:s22+$0x1120];
	_ =	sdelay $0x4  }
0x170: {  	[tilespmem:s21+$0x20] =	vst v0  }
0x171: {  	v0 =	vld [tilespmem:s22+$0x11A0];
	_ =	sdelay $0x4  }
0x172: {  	[tilespmem:s21+$0x60] =	vst v0  }
0x173: {  	v0 =	vld [tilespmem:s22+$0x1130];
	_ =	sdelay $0x4  }
0x174: {  	[tilespmem:s21+$0x30] =	vst v0  }
0x175: {  	v0 =	vld [tilespmem:s22+$0x11B0];
	_ =	sdelay $0x4  }
0x176: {  	[tilespmem:s21+$0x70] =	vst v0  }
0x177: {  	v0 =	vld [tilespmem:s22+$0x1200];
	_ =	sdelay $0x4  }
0x178: {  	[tilespmem:s21+$0x80] =	vst v0  }
0x179: {  	v0 =	vld [tilespmem:s22+$0x1280];
	_ =	sdelay $0x4  }
0x17a: {  	[tilespmem:s21+$0xC0] =	vst v0  }
0x17b: {  	v0 =	vld [tilespmem:s22+$0x1210];
	_ =	sdelay $0x4  }
0x17c: {  	[tilespmem:s21+$0x90] =	vst v0  }
0x17d: {  	v0 =	vld [tilespmem:s22+$0x1290];
	_ =	sdelay $0x4  }
0x17e: {  	[tilespmem:s21+$0xD0] =	vst v0  }
0x17f: {  	v0 =	vld [tilespmem:s22+$0x1220];
	_ =	sdelay $0x4  }
0x180: {  	[tilespmem:s21+$0xA0] =	vst v0  }
0x181: {  	v0 =	vld [tilespmem:s22+$0x12A0];
	_ =	sdelay $0x4  }
0x182: {  	[tilespmem:s21+$0xE0] =	vst v0  }
0x183: {  	v0 =	vld [tilespmem:s22+$0x1230];
	_ =	sdelay $0x4  }
0x184: {  	[tilespmem:s21+$0xB0] =	vst v0  }
0x185: {  	v0 =	vld [tilespmem:s22+$0x12B0];
	_ =	sdelay $0x4  }
0x186: {  	[tilespmem:s21+$0xF0] =	vst v0  }
0x187: {  	v0 =	vld [tilespmem:s22+$0x1300];
	_ =	sdelay $0x4  }
0x188: {  	[tilespmem:s21+$0x100] =	vst v0  }
0x189: {  	v0 =	vld [tilespmem:s22+$0x1380];
	_ =	sdelay $0x4  }
0x18a: {  	[tilespmem:s21+$0x140] =	vst v0  }
0x18b: {  	v0 =	vld [tilespmem:s22+$0x1310];
	_ =	sdelay $0x4  }
0x18c: {  	[tilespmem:s21+$0x110] =	vst v0  }
0x18d: {  	v0 =	vld [tilespmem:s22+$0x1390];
	_ =	sdelay $0x4  }
0x18e: {  	[tilespmem:s21+$0x150] =	vst v0  }
0x18f: {  	v0 =	vld [tilespmem:s22+$0x1320];
	_ =	sdelay $0x4  }
0x190: {  	[tilespmem:s21+$0x120] =	vst v0  }
0x191: {  	v0 =	vld [tilespmem:s22+$0x13A0];
	_ =	sdelay $0x4  }
0x192: {  	[tilespmem:s21+$0x160] =	vst v0  }
0x193: {  	v0 =	vld [tilespmem:s22+$0x1330];
	_ =	sdelay $0x4  }
0x194: {  	[tilespmem:s21+$0x130] =	vst v0  }
0x195: {  	v0 =	vld [tilespmem:s22+$0x13B0];
	_ =	sdelay $0x4  }
0x196: {  	[tilespmem:s21+$0x170] =	vst v0  }
0x197: {  	v0 =	vld [tilespmem:s22+$0x1400];
	_ =	sdelay $0x4  }
0x198: {  	[tilespmem:s21+$0x180] =	vst v0  }
0x199: {  	v0 =	vld [tilespmem:s22+$0x1480];
	_ =	sdelay $0x4  }
0x19a: {  	[tilespmem:s21+$0x1C0] =	vst v0  }
0x19b: {  	v0 =	vld [tilespmem:s22+$0x1410];
	_ =	sdelay $0x4  }
0x19c: {  	[tilespmem:s21+$0x190] =	vst v0  }
0x19d: {  	v0 =	vld [tilespmem:s22+$0x1490];
	_ =	sdelay $0x4  }
0x19e: {  	[tilespmem:s21+$0x1D0] =	vst v0  }
0x19f: {  	v0 =	vld [tilespmem:s22+$0x1420];
	_ =	sdelay $0x4  }
0x1a0: {  	[tilespmem:s21+$0x1A0] =	vst v0  }
0x1a1: {  	v0 =	vld [tilespmem:s22+$0x14A0];
	_ =	sdelay $0x4  }
0x1a2: {  	[tilespmem:s21+$0x1E0] =	vst v0  }
0x1a3: {  	v0 =	vld [tilespmem:s22+$0x1430];
	_ =	sdelay $0x4  }
0x1a4: {  	[tilespmem:s21+$0x1B0] =	vst v0  }
0x1a5: {  	v0 =	vld [tilespmem:s22+$0x14B0]  }
0x1a6: {  	p1 =	sne.s32 s20, $0xC  }
.Ltmp3:
0x1a7: {  	s30 =	sshll.u32 s20, $0xE;
	(pc) =	sbr.rel @p1 .LBB2_6-.Ltmp3, $4  }
0x1a8: {  	s22 =	sadd.s32 s6, s30  }
0x1a9: {  	s22 =	sshrl.u32 s22, $0x3  }
0x1aa: {  	s31 =	sadd.s32 s3, s22;
	[tilespmem:s21+$0x1F0] =	vst v0  }
0x1ab: {  	[hbm4b:s31+s4] =	stream.linear.scatter [tilespmem:s14], [sflag:$0x3], $0x2000, $0x38;
	[tilespmem:$0xCD00] =	vst v63  }
.Ltmp4:
0x1ac: {  	(pc) =	sbr.rel .LBB2_7-.Ltmp4, $4  }
0x1ad: {  	_ = 	snop  }
0x1ae: {  	_ =	swait.ge [sflag:s15], $0x4000  }
0x1af: {  	[sflag:s15] =	ssyncset.done $0x0  }
0x1b0: {  	[sflag:s15] =	ssyncadd.s32 $0xFFFFC000  }
.LBB2_6:
0x1b1: {  	s21 =	sshll.u32 s20, $0x8  }
0x1b2: {  	s21 =	sand.u32 $0x3FFFFF00, s21  }
.Ltmp5:
0x1b3: {  	s21 =	sadd.s32 $0x100, s21;
	(pc) =	sbr.rel @p0 .LBB2_8-.Ltmp5, $4  }
0x1b4: {  	[tilespmem:s11], [sflag:$0x1] =	stream.indirect.gather [hbm4b:s2+s10], $0x80, s21, s10, $0xb8;
	[tilespmem:$0xCD00] =	vst v63  }
0x1b5: {  	_ =	swait.ge [sflag:s15], $0x4000  }
0x1b6: {  	[sflag:s15] =	ssyncset.done $0x0  }
0x1b7: {  	[sflag:s15] =	ssyncadd.s32 $0xFFFFC000  }
.LBB2_7:
0x1b8: {  	_ =	swait.ge [sflag:s16], $0x2000  }
0x1b9: {  	[sflag:s16] =	ssyncset.done $0x0  }
0x1ba: {  	[sflag:s16] =	ssyncadd.s32 $0xFFFFE000  }
.LBB2_8:
0x1bb: {  	s22 =	simm.s32 $0x0  }
0x1bc: {  	v0 =	vld [tilespmem:s22+$0x4D00];
	_ =	sdelay $0x3  }
0x1bd: {  	s21 =	simm.s32 $0xB0F0  }
0x1be: {  	[tilespmem:s21+$0xFFFFFC10] =	vst v0  }
0x1bf: {  	v0 =	vld [tilespmem:s22+$0x4D80];
	_ =	sdelay $0x4  }
0x1c0: {  	[tilespmem:s21+$0xFFFFFC50] =	vst v0  }
0x1c1: {  	v0 =	vld [tilespmem:s22+$0x4D10];
	_ =	sdelay $0x4  }
0x1c2: {  	[tilespmem:s21+$0xFFFFFC20] =	vst v0  }
0x1c3: {  	v0 =	vld [tilespmem:s22+$0x4D90];
	_ =	sdelay $0x4  }
0x1c4: {  	[tilespmem:s21+$0xFFFFFC60] =	vst v0  }
0x1c5: {  	v0 =	vld [tilespmem:s22+$0x4D20];
	_ =	sdelay $0x4  }
0x1c6: {  	[tilespmem:s21+$0xFFFFFC30] =	vst v0  }
0x1c7: {  	v0 =	vld [tilespmem:s22+$0x4DA0];
	_ =	sdelay $0x4  }
0x1c8: {  	[tilespmem:s21+$0xFFFFFC70] =	vst v0  }
0x1c9: {  	v0 =	vld [tilespmem:s22+$0x4D30];
	_ =	sdelay $0x4  }
0x1ca: {  	[tilespmem:s21+$0xFFFFFC40] =	vst v0  }
0x1cb: {  	v0 =	vld [tilespmem:s22+$0x4DB0];
	_ =	sdelay $0x4  }
0x1cc: {  	[tilespmem:s21+$0xFFFFFC80] =	vst v0  }
0x1cd: {  	v0 =	vld [tilespmem:s22+$0x4E00];
	_ =	sdelay $0x4  }
0x1ce: {  	[tilespmem:s21+$0xFFFFFC90] =	vst v0  }
0x1cf: {  	v0 =	vld [tilespmem:s22+$0x4E80];
	_ =	sdelay $0x4  }
0x1d0: {  	[tilespmem:s21+$0xFFFFFCD0] =	vst v0  }
0x1d1: {  	v0 =	vld [tilespmem:s22+$0x4E10];
	_ =	sdelay $0x4  }
0x1d2: {  	[tilespmem:s21+$0xFFFFFCA0] =	vst v0  }
0x1d3: {  	v0 =	vld [tilespmem:s22+$0x4E90];
	_ =	sdelay $0x4  }
0x1d4: {  	[tilespmem:s21+$0xFFFFFCE0] =	vst v0  }
0x1d5: {  	v0 =	vld [tilespmem:s22+$0x4E20];
	_ =	sdelay $0x4  }
0x1d6: {  	[tilespmem:s21+$0xFFFFFCB0] =	vst v0  }
0x1d7: {  	v0 =	vld [tilespmem:s22+$0x4EA0];
	_ =	sdelay $0x4  }
0x1d8: {  	[tilespmem:s21+$0xFFFFFCF0] =	vst v0  }
0x1d9: {  	v0 =	vld [tilespmem:s22+$0x4E30];
	_ =	sdelay $0x4  }
0x1da: {  	[tilespmem:s21+$0xFFFFFCC0] =	vst v0  }
0x1db: {  	v0 =	vld [tilespmem:s22+$0x4EB0];
	_ =	sdelay $0x4  }
0x1dc: {  	[tilespmem:s21+$0xFFFFFD00] =	vst v0  }
0x1dd: {  	v0 =	vld [tilespmem:s22+$0x4F00];
	_ =	sdelay $0x4  }
0x1de: {  	[tilespmem:s21+$0xFFFFFD10] =	vst v0  }
0x1df: {  	v0 =	vld [tilespmem:s22+$0x4F80];
	_ =	sdelay $0x4  }
0x1e0: {  	[tilespmem:s21+$0xFFFFFD50] =	vst v0  }
0x1e1: {  	v0 =	vld [tilespmem:s22+$0x4F10];
	_ =	sdelay $0x4  }
0x1e2: {  	[tilespmem:s21+$0xFFFFFD20] =	vst v0  }
0x1e3: {  	v0 =	vld [tilespmem:s22+$0x4F90];
	_ =	sdelay $0x4  }
0x1e4: {  	[tilespmem:s21+$0xFFFFFD60] =	vst v0  }
0x1e5: {  	v0 =	vld [tilespmem:s22+$0x4F20];
	_ =	sdelay $0x4  }
0x1e6: {  	[tilespmem:s21+$0xFFFFFD30] =	vst v0  }
0x1e7: {  	v0 =	vld [tilespmem:s22+$0x4FA0];
	_ =	sdelay $0x4  }
0x1e8: {  	[tilespmem:s21+$0xFFFFFD70] =	vst v0  }
0x1e9: {  	v0 =	vld [tilespmem:s22+$0x4F30];
	_ =	sdelay $0x4  }
0x1ea: {  	[tilespmem:s21+$0xFFFFFD40] =	vst v0  }
0x1eb: {  	v0 =	vld [tilespmem:s22+$0x4FB0];
	_ =	sdelay $0x4  }
0x1ec: {  	[tilespmem:s21+$0xFFFFFD80] =	vst v0  }
0x1ed: {  	v0 =	vld [tilespmem:s22+$0x5000];
	_ =	sdelay $0x4  }
0x1ee: {  	[tilespmem:s21+$0xFFFFFD90] =	vst v0  }
0x1ef: {  	v0 =	vld [tilespmem:s22+$0x5080];
	_ =	sdelay $0x4  }
0x1f0: {  	[tilespmem:s21+$0xFFFFFDD0] =	vst v0  }
0x1f1: {  	v0 =	vld [tilespmem:s22+$0x5010];
	_ =	sdelay $0x4  }
0x1f2: {  	[tilespmem:s21+$0xFFFFFDA0] =	vst v0  }
0x1f3: {  	v0 =	vld [tilespmem:s22+$0x5090];
	_ =	sdelay $0x4  }
0x1f4: {  	[tilespmem:s21+$0xFFFFFDE0] =	vst v0  }
0x1f5: {  	v0 =	vld [tilespmem:s22+$0x5020];
	_ =	sdelay $0x4  }
0x1f6: {  	[tilespmem:s21+$0xFFFFFDB0] =	vst v0  }
0x1f7: {  	v0 =	vld [tilespmem:s22+$0x50A0];
	_ =	sdelay $0x4  }
0x1f8: {  	[tilespmem:s21+$0xFFFFFDF0] =	vst v0  }
0x1f9: {  	v0 =	vld [tilespmem:s22+$0x5030];
	_ =	sdelay $0x4  }
0x1fa: {  	[tilespmem:s21+$0xFFFFFDC0] =	vst v0  }
0x1fb: {  	v0 =	vld [tilespmem:s22+$0x50B0];
	_ =	sdelay $0x4  }
0x1fc: {  	[tilespmem:s21+$0xFFFFFE00] =	vst v0  }
0x1fd: {  	v0 =	vld [tilespmem:s22+$0x5100];
	_ =	sdelay $0x4  }
0x1fe: {  	[tilespmem:s21+$0xFFFFFE10] =	vst v0  }
0x1ff: {  	v0 =	vld [tilespmem:s22+$0x5180];
	_ =	sdelay $0x4  }
0x200: {  	[tilespmem:s21+$0xFFFFFE50] =	vst v0  }
0x201: {  	v0 =	vld [tilespmem:s22+$0x5110];
	_ =	sdelay $0x4  }
0x202: {  	[tilespmem:s21+$0xFFFFFE20] =	vst v0  }
0x203: {  	v0 =	vld [tilespmem:s22+$0x5190];
	_ =	sdelay $0x4  }
0x204: {  	[tilespmem:s21+$0xFFFFFE60] =	vst v0  }
0x205: {  	v0 =	vld [tilespmem:s22+$0x5120];
	_ =	sdelay $0x4  }
0x206: {  	[tilespmem:s21+$0xFFFFFE30] =	vst v0  }
0x207: {  	v0 =	vld [tilespmem:s22+$0x51A0];
	_ =	sdelay $0x4  }
0x208: {  	[tilespmem:s21+$0xFFFFFE70] =	vst v0  }
0x209: {  	v0 =	vld [tilespmem:s22+$0x5130];
	_ =	sdelay $0x4  }
0x20a: {  	[tilespmem:s21+$0xFFFFFE40] =	vst v0  }
0x20b: {  	v0 =	vld [tilespmem:s22+$0x51B0];
	_ =	sdelay $0x4  }
0x20c: {  	[tilespmem:s21+$0xFFFFFE80] =	vst v0  }
0x20d: {  	v0 =	vld [tilespmem:s22+$0x5200];
	_ =	sdelay $0x4  }
0x20e: {  	[tilespmem:s21+$0xFFFFFE90] =	vst v0  }
0x20f: {  	v0 =	vld [tilespmem:s22+$0x5280];
	_ =	sdelay $0x4  }
0x210: {  	[tilespmem:s21+$0xFFFFFED0] =	vst v0  }
0x211: {  	v0 =	vld [tilespmem:s22+$0x5210];
	_ =	sdelay $0x4  }
0x212: {  	[tilespmem:s21+$0xFFFFFEA0] =	vst v0  }
0x213: {  	v0 =	vld [tilespmem:s22+$0x5290];
	_ =	sdelay $0x4  }
0x214: {  	[tilespmem:s21+$0xFFFFFEE0] =	vst v0  }
0x215: {  	v0 =	vld [tilespmem:s22+$0x5220];
	_ =	sdelay $0x4  }
0x216: {  	[tilespmem:s21+$0xFFFFFEB0] =	vst v0  }
0x217: {  	v0 =	vld [tilespmem:s22+$0x52A0];
	_ =	sdelay $0x4  }
0x218: {  	[tilespmem:s21+$0xFFFFFEF0] =	vst v0  }
0x219: {  	v0 =	vld [tilespmem:s22+$0x5230];
	_ =	sdelay $0x4  }
0x21a: {  	[tilespmem:s21+$0xFFFFFEC0] =	vst v0  }
0x21b: {  	v0 =	vld [tilespmem:s22+$0x52B0];
	_ =	sdelay $0x4  }
0x21c: {  	[tilespmem:s21+$0xFFFFFF00] =	vst v0  }
0x21d: {  	v0 =	vld [tilespmem:s22+$0x5300];
	_ =	sdelay $0x4  }
0x21e: {  	[tilespmem:s21+$0xFFFFFF10] =	vst v0  }
0x21f: {  	v0 =	vld [tilespmem:s22+$0x5380];
	_ =	sdelay $0x4  }
0x220: {  	[tilespmem:s21+$0xFFFFFF50] =	vst v0  }
0x221: {  	v0 =	vld [tilespmem:s22+$0x5310];
	_ =	sdelay $0x4  }
0x222: {  	[tilespmem:s21+$0xFFFFFF20] =	vst v0  }
0x223: {  	v0 =	vld [tilespmem:s22+$0x5390];
	_ =	sdelay $0x4  }
0x224: {  	[tilespmem:s21+$0xFFFFFF60] =	vst v0  }
0x225: {  	v0 =	vld [tilespmem:s22+$0x5320];
	_ =	sdelay $0x4  }
0x226: {  	[tilespmem:s21+$0xFFFFFF30] =	vst v0  }
0x227: {  	v0 =	vld [tilespmem:s22+$0x53A0];
	_ =	sdelay $0x4  }
0x228: {  	[tilespmem:s21+$0xFFFFFF70] =	vst v0  }
0x229: {  	v0 =	vld [tilespmem:s22+$0x5330];
	_ =	sdelay $0x4  }
0x22a: {  	[tilespmem:s21+$0xFFFFFF40] =	vst v0  }
0x22b: {  	v0 =	vld [tilespmem:s22+$0x53B0];
	_ =	sdelay $0x4  }
0x22c: {  	[tilespmem:s21+$0xFFFFFF80] =	vst v0  }
0x22d: {  	v0 =	vld [tilespmem:s22+$0x5400];
	_ =	sdelay $0x4  }
0x22e: {  	[tilespmem:s21+$0xFFFFFF90] =	vst v0  }
0x22f: {  	v0 =	vld [tilespmem:s22+$0x5480];
	_ =	sdelay $0x4  }
0x230: {  	[tilespmem:s21+$0xFFFFFFD0] =	vst v0  }
0x231: {  	v0 =	vld [tilespmem:s22+$0x5410];
	_ =	sdelay $0x4  }
0x232: {  	[tilespmem:s21+$0xFFFFFFA0] =	vst v0  }
0x233: {  	v0 =	vld [tilespmem:s22+$0x5490];
	_ =	sdelay $0x4  }
0x234: {  	[tilespmem:s21+$0xFFFFFFE0] =	vst v0  }
0x235: {  	v0 =	vld [tilespmem:s22+$0x5420];
	_ =	sdelay $0x4  }
0x236: {  	[tilespmem:s21+$0xFFFFFFB0] =	vst v0  }
0x237: {  	v0 =	vld [tilespmem:s22+$0x54A0];
	_ =	sdelay $0x4  }
0x238: {  	[tilespmem:s21+$0xFFFFFFF0] =	vst v0  }
0x239: {  	v0 =	vld [tilespmem:s22+$0x5430];
	_ =	sdelay $0x4  }
0x23a: {  	[tilespmem:s21+$0xFFFFFFC0] =	vst v0  }
0x23b: {  	v0 =	vld [tilespmem:s22+$0x54B0];
	_ =	sdelay $0x4  }
0x23c: {  	s23 =	simm.s32 $0x4000;
	s22 =	simm.s32 $0x800;
	[tilespmem:s21+$0x0] =	vst v0  }
.LBB2_9:
0x23d: {  	p0 =	sne.s32 s23, $0xE000;
	v0 =	vld [tilespmem:s22+$0x4D00];
	_ =	sdelay $0x3  }
0x23e: {  	s21 =	sadd.s32 $0x400, s21  }
0x23f: {  	[tilespmem:s21+$0xFFFFFC10] =	vst v0  }
0x240: {  	v0 =	vld [tilespmem:s22+$0x4D80];
	_ =	sdelay $0x4  }
0x241: {  	[tilespmem:s21+$0xFFFFFC50] =	vst v0  }
0x242: {  	v0 =	vld [tilespmem:s22+$0x4D10];
	_ =	sdelay $0x4  }
0x243: {  	[tilespmem:s21+$0xFFFFFC20] =	vst v0  }
0x244: {  	v0 =	vld [tilespmem:s22+$0x4D90];
	_ =	sdelay $0x4  }
0x245: {  	[tilespmem:s21+$0xFFFFFC60] =	vst v0  }
0x246: {  	v0 =	vld [tilespmem:s22+$0x4D20];
	_ =	sdelay $0x4  }
0x247: {  	[tilespmem:s21+$0xFFFFFC30] =	vst v0  }
0x248: {  	v0 =	vld [tilespmem:s22+$0x4DA0];
	_ =	sdelay $0x4  }
0x249: {  	[tilespmem:s21+$0xFFFFFC70] =	vst v0  }
0x24a: {  	v0 =	vld [tilespmem:s22+$0x4D30];
	_ =	sdelay $0x4  }
0x24b: {  	[tilespmem:s21+$0xFFFFFC40] =	vst v0  }
0x24c: {  	v0 =	vld [tilespmem:s22+$0x4DB0];
	_ =	sdelay $0x4  }
0x24d: {  	[tilespmem:s21+$0xFFFFFC80] =	vst v0  }
0x24e: {  	v0 =	vld [tilespmem:s22+$0x4E00];
	_ =	sdelay $0x4  }
0x24f: {  	[tilespmem:s21+$0xFFFFFC90] =	vst v0  }
0x250: {  	v0 =	vld [tilespmem:s22+$0x4E80];
	_ =	sdelay $0x4  }
0x251: {  	[tilespmem:s21+$0xFFFFFCD0] =	vst v0  }
0x252: {  	v0 =	vld [tilespmem:s22+$0x4E10];
	_ =	sdelay $0x4  }
0x253: {  	[tilespmem:s21+$0xFFFFFCA0] =	vst v0  }
0x254: {  	v0 =	vld [tilespmem:s22+$0x4E90];
	_ =	sdelay $0x4  }
0x255: {  	[tilespmem:s21+$0xFFFFFCE0] =	vst v0  }
0x256: {  	v0 =	vld [tilespmem:s22+$0x4E20];
	_ =	sdelay $0x4  }
0x257: {  	[tilespmem:s21+$0xFFFFFCB0] =	vst v0  }
0x258: {  	v0 =	vld [tilespmem:s22+$0x4EA0];
	_ =	sdelay $0x4  }
0x259: {  	[tilespmem:s21+$0xFFFFFCF0] =	vst v0  }
0x25a: {  	v0 =	vld [tilespmem:s22+$0x4E30];
	_ =	sdelay $0x4  }
0x25b: {  	[tilespmem:s21+$0xFFFFFCC0] =	vst v0  }
0x25c: {  	v0 =	vld [tilespmem:s22+$0x4EB0];
	_ =	sdelay $0x4  }
0x25d: {  	[tilespmem:s21+$0xFFFFFD00] =	vst v0  }
0x25e: {  	v0 =	vld [tilespmem:s22+$0x4F00];
	_ =	sdelay $0x4  }
0x25f: {  	[tilespmem:s21+$0xFFFFFD10] =	vst v0  }
0x260: {  	v0 =	vld [tilespmem:s22+$0x4F80];
	_ =	sdelay $0x4  }
0x261: {  	[tilespmem:s21+$0xFFFFFD50] =	vst v0  }
0x262: {  	v0 =	vld [tilespmem:s22+$0x4F10];
	_ =	sdelay $0x4  }
0x263: {  	[tilespmem:s21+$0xFFFFFD20] =	vst v0  }
0x264: {  	v0 =	vld [tilespmem:s22+$0x4F90];
	_ =	sdelay $0x4  }
0x265: {  	[tilespmem:s21+$0xFFFFFD60] =	vst v0  }
0x266: {  	v0 =	vld [tilespmem:s22+$0x4F20];
	_ =	sdelay $0x4  }
0x267: {  	[tilespmem:s21+$0xFFFFFD30] =	vst v0  }
0x268: {  	v0 =	vld [tilespmem:s22+$0x4FA0];
	_ =	sdelay $0x4  }
0x269: {  	[tilespmem:s21+$0xFFFFFD70] =	vst v0  }
0x26a: {  	v0 =	vld [tilespmem:s22+$0x4F30];
	_ =	sdelay $0x4  }
0x26b: {  	[tilespmem:s21+$0xFFFFFD40] =	vst v0  }
0x26c: {  	v0 =	vld [tilespmem:s22+$0x4FB0];
	_ =	sdelay $0x4  }
0x26d: {  	[tilespmem:s21+$0xFFFFFD80] =	vst v0  }
0x26e: {  	v0 =	vld [tilespmem:s22+$0x5000];
	_ =	sdelay $0x4  }
0x26f: {  	[tilespmem:s21+$0xFFFFFD90] =	vst v0  }
0x270: {  	v0 =	vld [tilespmem:s22+$0x5080];
	_ =	sdelay $0x4  }
0x271: {  	[tilespmem:s21+$0xFFFFFDD0] =	vst v0  }
0x272: {  	v0 =	vld [tilespmem:s22+$0x5010];
	_ =	sdelay $0x4  }
0x273: {  	[tilespmem:s21+$0xFFFFFDA0] =	vst v0  }
0x274: {  	v0 =	vld [tilespmem:s22+$0x5090];
	_ =	sdelay $0x4  }
0x275: {  	[tilespmem:s21+$0xFFFFFDE0] =	vst v0  }
0x276: {  	v0 =	vld [tilespmem:s22+$0x5020];
	_ =	sdelay $0x4  }
0x277: {  	[tilespmem:s21+$0xFFFFFDB0] =	vst v0  }
0x278: {  	v0 =	vld [tilespmem:s22+$0x50A0];
	_ =	sdelay $0x4  }
0x279: {  	[tilespmem:s21+$0xFFFFFDF0] =	vst v0  }
0x27a: {  	v0 =	vld [tilespmem:s22+$0x5030];
	_ =	sdelay $0x4  }
0x27b: {  	[tilespmem:s21+$0xFFFFFDC0] =	vst v0  }
0x27c: {  	v0 =	vld [tilespmem:s22+$0x50B0];
	_ =	sdelay $0x4  }
0x27d: {  	[tilespmem:s21+$0xFFFFFE00] =	vst v0  }
0x27e: {  	v0 =	vld [tilespmem:s22+$0x5100];
	_ =	sdelay $0x4  }
0x27f: {  	[tilespmem:s21+$0xFFFFFE10] =	vst v0  }
0x280: {  	v0 =	vld [tilespmem:s22+$0x5180];
	_ =	sdelay $0x4  }
0x281: {  	[tilespmem:s21+$0xFFFFFE50] =	vst v0  }
0x282: {  	v0 =	vld [tilespmem:s22+$0x5110];
	_ =	sdelay $0x4  }
0x283: {  	[tilespmem:s21+$0xFFFFFE20] =	vst v0  }
0x284: {  	v0 =	vld [tilespmem:s22+$0x5190];
	_ =	sdelay $0x4  }
0x285: {  	[tilespmem:s21+$0xFFFFFE60] =	vst v0  }
0x286: {  	v0 =	vld [tilespmem:s22+$0x5120];
	_ =	sdelay $0x4  }
0x287: {  	[tilespmem:s21+$0xFFFFFE30] =	vst v0  }
0x288: {  	v0 =	vld [tilespmem:s22+$0x51A0];
	_ =	sdelay $0x4  }
0x289: {  	[tilespmem:s21+$0xFFFFFE70] =	vst v0  }
0x28a: {  	v0 =	vld [tilespmem:s22+$0x5130];
	_ =	sdelay $0x4  }
0x28b: {  	[tilespmem:s21+$0xFFFFFE40] =	vst v0  }
0x28c: {  	v0 =	vld [tilespmem:s22+$0x51B0];
	_ =	sdelay $0x4  }
0x28d: {  	[tilespmem:s21+$0xFFFFFE80] =	vst v0  }
0x28e: {  	v0 =	vld [tilespmem:s22+$0x5200];
	_ =	sdelay $0x4  }
0x28f: {  	[tilespmem:s21+$0xFFFFFE90] =	vst v0  }
0x290: {  	v0 =	vld [tilespmem:s22+$0x5280];
	_ =	sdelay $0x4  }
0x291: {  	[tilespmem:s21+$0xFFFFFED0] =	vst v0  }
0x292: {  	v0 =	vld [tilespmem:s22+$0x5210];
	_ =	sdelay $0x4  }
0x293: {  	[tilespmem:s21+$0xFFFFFEA0] =	vst v0  }
0x294: {  	v0 =	vld [tilespmem:s22+$0x5290];
	_ =	sdelay $0x4  }
0x295: {  	[tilespmem:s21+$0xFFFFFEE0] =	vst v0  }
0x296: {  	v0 =	vld [tilespmem:s22+$0x5220];
	_ =	sdelay $0x4  }
0x297: {  	[tilespmem:s21+$0xFFFFFEB0] =	vst v0  }
0x298: {  	v0 =	vld [tilespmem:s22+$0x52A0];
	_ =	sdelay $0x4  }
0x299: {  	[tilespmem:s21+$0xFFFFFEF0] =	vst v0  }
0x29a: {  	v0 =	vld [tilespmem:s22+$0x5230];
	_ =	sdelay $0x4  }
0x29b: {  	[tilespmem:s21+$0xFFFFFEC0] =	vst v0  }
0x29c: {  	v0 =	vld [tilespmem:s22+$0x52B0];
	_ =	sdelay $0x4  }
0x29d: {  	[tilespmem:s21+$0xFFFFFF00] =	vst v0  }
0x29e: {  	v0 =	vld [tilespmem:s22+$0x5300];
	_ =	sdelay $0x4  }
0x29f: {  	[tilespmem:s21+$0xFFFFFF10] =	vst v0  }
0x2a0: {  	v0 =	vld [tilespmem:s22+$0x5380];
	_ =	sdelay $0x4  }
0x2a1: {  	[tilespmem:s21+$0xFFFFFF50] =	vst v0  }
0x2a2: {  	v0 =	vld [tilespmem:s22+$0x5310];
	_ =	sdelay $0x4  }
0x2a3: {  	[tilespmem:s21+$0xFFFFFF20] =	vst v0  }
0x2a4: {  	v0 =	vld [tilespmem:s22+$0x5390];
	_ =	sdelay $0x4  }
0x2a5: {  	[tilespmem:s21+$0xFFFFFF60] =	vst v0  }
0x2a6: {  	v0 =	vld [tilespmem:s22+$0x5320];
	_ =	sdelay $0x4  }
0x2a7: {  	[tilespmem:s21+$0xFFFFFF30] =	vst v0  }
0x2a8: {  	v0 =	vld [tilespmem:s22+$0x53A0];
	_ =	sdelay $0x4  }
0x2a9: {  	[tilespmem:s21+$0xFFFFFF70] =	vst v0  }
0x2aa: {  	v0 =	vld [tilespmem:s22+$0x5330];
	_ =	sdelay $0x4  }
0x2ab: {  	[tilespmem:s21+$0xFFFFFF40] =	vst v0  }
0x2ac: {  	v0 =	vld [tilespmem:s22+$0x53B0];
	_ =	sdelay $0x4  }
0x2ad: {  	[tilespmem:s21+$0xFFFFFF80] =	vst v0  }
0x2ae: {  	v0 =	vld [tilespmem:s22+$0x5400];
	_ =	sdelay $0x4  }
0x2af: {  	[tilespmem:s21+$0xFFFFFF90] =	vst v0  }
0x2b0: {  	v0 =	vld [tilespmem:s22+$0x5480];
	_ =	sdelay $0x4  }
0x2b1: {  	[tilespmem:s21+$0xFFFFFFD0] =	vst v0  }
0x2b2: {  	v0 =	vld [tilespmem:s22+$0x5410];
	_ =	sdelay $0x4  }
0x2b3: {  	[tilespmem:s21+$0xFFFFFFA0] =	vst v0  }
0x2b4: {  	v0 =	vld [tilespmem:s22+$0x5490];
	_ =	sdelay $0x4  }
0x2b5: {  	[tilespmem:s21+$0xFFFFFFE0] =	vst v0  }
0x2b6: {  	v0 =	vld [tilespmem:s22+$0x5420];
	_ =	sdelay $0x4  }
0x2b7: {  	[tilespmem:s21+$0xFFFFFFB0] =	vst v0  }
0x2b8: {  	v0 =	vld [tilespmem:s22+$0x54A0];
	_ =	sdelay $0x4  }
0x2b9: {  	[tilespmem:s21+$0xFFFFFFF0] =	vst v0  }
0x2ba: {  	v0 =	vld [tilespmem:s22+$0x5430];
	_ =	sdelay $0x4  }
0x2bb: {  	[tilespmem:s21+$0xFFFFFFC0] =	vst v0  }
0x2bc: {  	v0 =	vld [tilespmem:s22+$0x54B0]  }
.Ltmp6:
0x2bd: {  	(pc) =	sbr.rel @p0 .LBB2_9-.Ltmp6, $2  }
0x2be: {  	_ =	sdelay $0x2  }
0x2bf: {  	s22 =	sshra.s32 s23, $0x2;
	s23 =	sadd.s32 $0x2000, s23;
	[tilespmem:s21+$0x0] =	vst v0  }
0x2c0: {  	v0 =	vld [tilespmem:s22+$0x4D00];
	_ =	sdelay $0x3  }
0x2c1: {  	s21 =	sadd.s32 $0x400, s21  }
0x2c2: {  	[tilespmem:s21+$0xFFFFFC10] =	vst v0  }
0x2c3: {  	v0 =	vld [tilespmem:s22+$0x4D80];
	_ =	sdelay $0x4  }
0x2c4: {  	[tilespmem:s21+$0xFFFFFC50] =	vst v0  }
0x2c5: {  	v0 =	vld [tilespmem:s22+$0x4D10];
	_ =	sdelay $0x4  }
0x2c6: {  	[tilespmem:s21+$0xFFFFFC20] =	vst v0  }
0x2c7: {  	v0 =	vld [tilespmem:s22+$0x4D90];
	_ =	sdelay $0x4  }
0x2c8: {  	[tilespmem:s21+$0xFFFFFC60] =	vst v0  }
0x2c9: {  	v0 =	vld [tilespmem:s22+$0x4D20];
	_ =	sdelay $0x4  }
0x2ca: {  	[tilespmem:s21+$0xFFFFFC30] =	vst v0  }
0x2cb: {  	v0 =	vld [tilespmem:s22+$0x4DA0];
	_ =	sdelay $0x4  }
0x2cc: {  	[tilespmem:s21+$0xFFFFFC70] =	vst v0  }
0x2cd: {  	v0 =	vld [tilespmem:s22+$0x4D30];
	_ =	sdelay $0x4  }
0x2ce: {  	[tilespmem:s21+$0xFFFFFC40] =	vst v0  }
0x2cf: {  	v0 =	vld [tilespmem:s22+$0x4DB0];
	_ =	sdelay $0x4  }
0x2d0: {  	[tilespmem:s21+$0xFFFFFC80] =	vst v0  }
0x2d1: {  	v0 =	vld [tilespmem:s22+$0x4E00];
	_ =	sdelay $0x4  }
0x2d2: {  	[tilespmem:s21+$0xFFFFFC90] =	vst v0  }
0x2d3: {  	v0 =	vld [tilespmem:s22+$0x4E80];
	_ =	sdelay $0x4  }
0x2d4: {  	[tilespmem:s21+$0xFFFFFCD0] =	vst v0  }
0x2d5: {  	v0 =	vld [tilespmem:s22+$0x4E10];
	_ =	sdelay $0x4  }
0x2d6: {  	[tilespmem:s21+$0xFFFFFCA0] =	vst v0  }
0x2d7: {  	v0 =	vld [tilespmem:s22+$0x4E90];
	_ =	sdelay $0x4  }
0x2d8: {  	[tilespmem:s21+$0xFFFFFCE0] =	vst v0  }
0x2d9: {  	v0 =	vld [tilespmem:s22+$0x4E20];
	_ =	sdelay $0x4  }
0x2da: {  	[tilespmem:s21+$0xFFFFFCB0] =	vst v0  }
0x2db: {  	v0 =	vld [tilespmem:s22+$0x4EA0];
	_ =	sdelay $0x4  }
0x2dc: {  	[tilespmem:s21+$0xFFFFFCF0] =	vst v0  }
0x2dd: {  	v0 =	vld [tilespmem:s22+$0x4E30];
	_ =	sdelay $0x4  }
0x2de: {  	[tilespmem:s21+$0xFFFFFCC0] =	vst v0  }
0x2df: {  	v0 =	vld [tilespmem:s22+$0x4EB0];
	_ =	sdelay $0x4  }
0x2e0: {  	[tilespmem:s21+$0xFFFFFD00] =	vst v0  }
0x2e1: {  	v0 =	vld [tilespmem:s22+$0x4F00];
	_ =	sdelay $0x4  }
0x2e2: {  	[tilespmem:s21+$0xFFFFFD10] =	vst v0  }
0x2e3: {  	v0 =	vld [tilespmem:s22+$0x4F80];
	_ =	sdelay $0x4  }
0x2e4: {  	[tilespmem:s21+$0xFFFFFD50] =	vst v0  }
0x2e5: {  	v0 =	vld [tilespmem:s22+$0x4F10];
	_ =	sdelay $0x4  }
0x2e6: {  	[tilespmem:s21+$0xFFFFFD20] =	vst v0  }
0x2e7: {  	v0 =	vld [tilespmem:s22+$0x4F90];
	_ =	sdelay $0x4  }
0x2e8: {  	[tilespmem:s21+$0xFFFFFD60] =	vst v0  }
0x2e9: {  	v0 =	vld [tilespmem:s22+$0x4F20];
	_ =	sdelay $0x4  }
0x2ea: {  	[tilespmem:s21+$0xFFFFFD30] =	vst v0  }
0x2eb: {  	v0 =	vld [tilespmem:s22+$0x4FA0];
	_ =	sdelay $0x4  }
0x2ec: {  	[tilespmem:s21+$0xFFFFFD70] =	vst v0  }
0x2ed: {  	v0 =	vld [tilespmem:s22+$0x4F30];
	_ =	sdelay $0x4  }
0x2ee: {  	[tilespmem:s21+$0xFFFFFD40] =	vst v0  }
0x2ef: {  	v0 =	vld [tilespmem:s22+$0x4FB0];
	_ =	sdelay $0x4  }
0x2f0: {  	[tilespmem:s21+$0xFFFFFD80] =	vst v0  }
0x2f1: {  	v0 =	vld [tilespmem:s22+$0x5000];
	_ =	sdelay $0x4  }
0x2f2: {  	[tilespmem:s21+$0xFFFFFD90] =	vst v0  }
0x2f3: {  	v0 =	vld [tilespmem:s22+$0x5080];
	_ =	sdelay $0x4  }
0x2f4: {  	[tilespmem:s21+$0xFFFFFDD0] =	vst v0  }
0x2f5: {  	v0 =	vld [tilespmem:s22+$0x5010];
	_ =	sdelay $0x4  }
0x2f6: {  	[tilespmem:s21+$0xFFFFFDA0] =	vst v0  }
0x2f7: {  	v0 =	vld [tilespmem:s22+$0x5090];
	_ =	sdelay $0x4  }
0x2f8: {  	[tilespmem:s21+$0xFFFFFDE0] =	vst v0  }
0x2f9: {  	v0 =	vld [tilespmem:s22+$0x5020];
	_ =	sdelay $0x4  }
0x2fa: {  	[tilespmem:s21+$0xFFFFFDB0] =	vst v0  }
0x2fb: {  	v0 =	vld [tilespmem:s22+$0x50A0];
	_ =	sdelay $0x4  }
0x2fc: {  	[tilespmem:s21+$0xFFFFFDF0] =	vst v0  }
0x2fd: {  	v0 =	vld [tilespmem:s22+$0x5030];
	_ =	sdelay $0x4  }
0x2fe: {  	[tilespmem:s21+$0xFFFFFDC0] =	vst v0  }
0x2ff: {  	v0 =	vld [tilespmem:s22+$0x50B0];
	_ =	sdelay $0x4  }
0x300: {  	[tilespmem:s21+$0xFFFFFE00] =	vst v0  }
0x301: {  	v0 =	vld [tilespmem:s22+$0x5100];
	_ =	sdelay $0x4  }
0x302: {  	[tilespmem:s21+$0xFFFFFE10] =	vst v0  }
0x303: {  	v0 =	vld [tilespmem:s22+$0x5180];
	_ =	sdelay $0x4  }
0x304: {  	[tilespmem:s21+$0xFFFFFE50] =	vst v0  }
0x305: {  	v0 =	vld [tilespmem:s22+$0x5110];
	_ =	sdelay $0x4  }
0x306: {  	[tilespmem:s21+$0xFFFFFE20] =	vst v0  }
0x307: {  	v0 =	vld [tilespmem:s22+$0x5190];
	_ =	sdelay $0x4  }
0x308: {  	[tilespmem:s21+$0xFFFFFE60] =	vst v0  }
0x309: {  	v0 =	vld [tilespmem:s22+$0x5120];
	_ =	sdelay $0x4  }
0x30a: {  	[tilespmem:s21+$0xFFFFFE30] =	vst v0  }
0x30b: {  	v0 =	vld [tilespmem:s22+$0x51A0];
	_ =	sdelay $0x4  }
0x30c: {  	[tilespmem:s21+$0xFFFFFE70] =	vst v0  }
0x30d: {  	v0 =	vld [tilespmem:s22+$0x5130];
	_ =	sdelay $0x4  }
0x30e: {  	[tilespmem:s21+$0xFFFFFE40] =	vst v0  }
0x30f: {  	v0 =	vld [tilespmem:s22+$0x51B0];
	_ =	sdelay $0x4  }
0x310: {  	[tilespmem:s21+$0xFFFFFE80] =	vst v0  }
0x311: {  	v0 =	vld [tilespmem:s22+$0x5200];
	_ =	sdelay $0x4  }
0x312: {  	[tilespmem:s21+$0xFFFFFE90] =	vst v0  }
0x313: {  	v0 =	vld [tilespmem:s22+$0x5280];
	_ =	sdelay $0x4  }
0x314: {  	[tilespmem:s21+$0xFFFFFED0] =	vst v0  }
0x315: {  	v0 =	vld [tilespmem:s22+$0x5210];
	_ =	sdelay $0x4  }
0x316: {  	[tilespmem:s21+$0xFFFFFEA0] =	vst v0  }
0x317: {  	v0 =	vld [tilespmem:s22+$0x5290];
	_ =	sdelay $0x4  }
0x318: {  	[tilespmem:s21+$0xFFFFFEE0] =	vst v0  }
0x319: {  	v0 =	vld [tilespmem:s22+$0x5220];
	_ =	sdelay $0x4  }
0x31a: {  	[tilespmem:s21+$0xFFFFFEB0] =	vst v0  }
0x31b: {  	v0 =	vld [tilespmem:s22+$0x52A0];
	_ =	sdelay $0x4  }
0x31c: {  	[tilespmem:s21+$0xFFFFFEF0] =	vst v0  }
0x31d: {  	v0 =	vld [tilespmem:s22+$0x5230];
	_ =	sdelay $0x4  }
0x31e: {  	[tilespmem:s21+$0xFFFFFEC0] =	vst v0  }
0x31f: {  	v0 =	vld [tilespmem:s22+$0x52B0];
	_ =	sdelay $0x4  }
0x320: {  	[tilespmem:s21+$0xFFFFFF00] =	vst v0  }
0x321: {  	v0 =	vld [tilespmem:s22+$0x5300];
	_ =	sdelay $0x4  }
0x322: {  	[tilespmem:s21+$0xFFFFFF10] =	vst v0  }
0x323: {  	v0 =	vld [tilespmem:s22+$0x5380];
	_ =	sdelay $0x4  }
0x324: {  	[tilespmem:s21+$0xFFFFFF50] =	vst v0  }
0x325: {  	v0 =	vld [tilespmem:s22+$0x5310];
	_ =	sdelay $0x4  }
0x326: {  	[tilespmem:s21+$0xFFFFFF20] =	vst v0  }
0x327: {  	v0 =	vld [tilespmem:s22+$0x5390];
	_ =	sdelay $0x4  }
0x328: {  	[tilespmem:s21+$0xFFFFFF60] =	vst v0  }
0x329: {  	v0 =	vld [tilespmem:s22+$0x5320];
	_ =	sdelay $0x4  }
0x32a: {  	[tilespmem:s21+$0xFFFFFF30] =	vst v0  }
0x32b: {  	v0 =	vld [tilespmem:s22+$0x53A0];
	_ =	sdelay $0x4  }
0x32c: {  	[tilespmem:s21+$0xFFFFFF70] =	vst v0  }
0x32d: {  	v0 =	vld [tilespmem:s22+$0x5330];
	_ =	sdelay $0x4  }
0x32e: {  	[tilespmem:s21+$0xFFFFFF40] =	vst v0  }
0x32f: {  	v0 =	vld [tilespmem:s22+$0x53B0];
	_ =	sdelay $0x4  }
0x330: {  	[tilespmem:s21+$0xFFFFFF80] =	vst v0  }
0x331: {  	v0 =	vld [tilespmem:s22+$0x5400];
	_ =	sdelay $0x4  }
0x332: {  	[tilespmem:s21+$0xFFFFFF90] =	vst v0  }
0x333: {  	v0 =	vld [tilespmem:s22+$0x5480];
	_ =	sdelay $0x4  }
0x334: {  	[tilespmem:s21+$0xFFFFFFD0] =	vst v0  }
0x335: {  	v0 =	vld [tilespmem:s22+$0x5410];
	_ =	sdelay $0x4  }
0x336: {  	[tilespmem:s21+$0xFFFFFFA0] =	vst v0  }
0x337: {  	v0 =	vld [tilespmem:s22+$0x5490];
	_ =	sdelay $0x4  }
0x338: {  	[tilespmem:s21+$0xFFFFFFE0] =	vst v0  }
0x339: {  	v0 =	vld [tilespmem:s22+$0x5420];
	_ =	sdelay $0x4  }
0x33a: {  	[tilespmem:s21+$0xFFFFFFB0] =	vst v0  }
0x33b: {  	v0 =	vld [tilespmem:s22+$0x54A0];
	_ =	sdelay $0x4  }
0x33c: {  	[tilespmem:s21+$0xFFFFFFF0] =	vst v0  }
0x33d: {  	v0 =	vld [tilespmem:s22+$0x5430];
	_ =	sdelay $0x4  }
0x33e: {  	[tilespmem:s21+$0xFFFFFFC0] =	vst v0  }
0x33f: {  	v0 =	vld [tilespmem:s22+$0x54B0]  }
0x340: {  	p0 =	seq.s32 s20, $0xC  }
.Ltmp7:
0x341: {  	_ = 	snop;
	(pc) =	sbr.rel @p0 .LBB2_12-.Ltmp7, $4  }
0x342: {  	_ = 	snop  }
0x343: {  	s30 =	sshll.u32 s20, $0xB  }
0x344: {  	s31 =	sadd.s32 s8, s30;
	[tilespmem:s21+$0x0] =	vst v0  }
0x345: {  	[hbm4b:s31+s4] =	stream.linear.scatter [tilespmem:s17], [sflag:$0x4], $0x2000, $0x38;
	[tilespmem:$0xCD00] =	vst v63  }
.Ltmp8:
0x346: {  	(pc) =	sbr.rel .LBB2_2-.Ltmp8, $4  }
0x347: {  	s21 =	sshll.u32 s20, $0x8  }
0x348: {  	s21 =	sand.u32 $0x3FFFFF00, s21  }
0x349: {  	s20 =	sadd.s32 $0x1, s20;
	s21 =	sadd.s32 $0x180, s21  }
0x34a: {  	[tilespmem:s12], [sflag:$0x2] =	stream.indirect.gather [hbm4b:s2+s10], $0x80, s21, s10, $0xb8;
	[tilespmem:$0xCD00] =	vst v63  }
.LBB2_13:
0x34b: {  	_ =	sfence.sel $0x180000  }
0x34c: {  	[bflag:$0x0] =	sbarrier.arrive $0xFFFF  }
0x34d: {  	p0 =	sne.s32 s0, $0x0;
	_ =	strace $0x90000047  }
0x34e: {  	s0 =	sadd.s32 @!p0 $0x100000, s1;
	[bflag:$0x2] =	sbarrier.arrive $0xFFFF  }
0x34f: {  	[sflag:s0] =	ssyncadd.tile.s32 @!p0 $0x1;
	_ =	shalt  }
.Lfunc_end2:
_tile_overlayer_lowered:
.L_overlay_start_2:
0x350: {  	(tag) =	ssettag $0x2  }
0x351: {  	s0 =	rddreg [dreg:$0x0];
	s2 =	stileid.u32  }
0x352: {  	s1 =	rddreg [dreg:$0x1];
	p0 =	sne.s32 s2, $0x0  }
0x353: {  	s3 =	rddreg [dreg:$0x2];
	[bflag:$0x3] =	sbarrier.arrive $0xFFFF;
	s2 =	simm.s32 @!p0 $0x1C05  }
0x354: {  	[timem:s3], [sflag:s2] =	dma.local @!p0 [hbm:s0], s1  }
0x355: {  	s0 =	simm.s32 @!p0 $0x5  }
0x356: {  	_ =	swait.ge @!p0 [sflag:s0], s1  }
0x357: {  	s1 =	ssub.s32 @!p0 $0x0, s1;
	[sflag:s0] =	ssyncset.done @!p0 $0x0  }
0x358: {  	[sflag:s0] =	ssyncadd.s32 @!p0 s1  }
0x359: {  	[bflag:$0x3] =	sbarrier.arrive $0xFFFF  }
0x35a: {  	_ =	shalt  }

</sc_bundles>
